<compile_context>
chip_gen: v7x
topology: tpu7x:2x2x1
jax: 0.10.2.dev20260603
libtpu: 0.0.44.dev20260713+nightly
codegen_flags: <defaults>
</compile_context>

<pallas_src>
import functools

import jax
import jax.numpy as jnp
from jax import lax
from jax.experimental import pallas as pl
from jax.experimental.pallas import tpu as pltpu
from jax.experimental.pallas import tpu_sc as plsc

NC = 2
NS = 16
NW = NC * NS
EB = 128


def _make_sc_segsum(n_chunks, n_nodes, nblk):
    acc_rows = ((n_nodes + EB) + (NS * 128) - 1) // (NS * 128) * (NS * 128)
    zpt = acc_rows // NS // EB
    opt = acc_rows // NS
    mesh = plsc.VectorSubcoreMesh(core_axis_name="c", subcore_axis_name="s")
    out_t = [jax.ShapeDtypeStruct((NC, n_chunks, acc_rows, 128), jnp.float32)] * 2
    scratch = [
        pltpu.VMEM((nblk, EB), jnp.int32),
        pltpu.VMEM((nblk, EB), jnp.int32),
        pltpu.VMEM((EB, 128), jnp.float32),
        pltpu.VMEM((EB, 128), jnp.float32),
        pltpu.VMEM_SHARED((acc_rows, 128), jnp.float32),
        pltpu.SemaphoreType.DMA,
        pltpu.SemaphoreType.DMA,
    ]

    @functools.partial(pl.kernel, out_type=out_t, mesh=mesh,
                       scratch_types=scratch)
    def k(pos_src, pos_dst, neg_src, neg_dst, zeros_h, *rest):
        xs = rest[:n_chunks]
        pos_out, neg_out = rest[n_chunks], rest[n_chunks + 1]
        src_v, dst_v, rows0, rows1, acc, sem0, sem1 = rest[n_chunks + 2:]
        c = lax.axis_index("c")
        s = lax.axis_index("s")
        gw = c * NS + s
        rows = (rows0, rows1)
        sems = (sem0, sem1)
        for src_h, dst_h, out_h in ((pos_src, pos_dst, pos_out),
                                    (neg_src, neg_dst, neg_out)):
            pltpu.sync_copy(src_h.at[pl.ds(gw * nblk, nblk)], src_v)
            pltpu.sync_copy(dst_h.at[pl.ds(gw * nblk, nblk)], dst_v)
            for ci in range(n_chunks):
                x_h = xs[ci]
                pltpu.sync_copy(zeros_h, rows0)
                for z in range(zpt):
                    pltpu.sync_copy(rows0, acc.at[pl.ds((s * zpt + z) * EB, EB)])
                plsc.subcore_barrier()

                pltpu.async_copy(x_h.at[src_v.at[0]], rows0, sem0)

                def blk(j2, _, x_h=x_h):
                    for b in range(2):
                        j = j2 * 2 + b
                        nb = 1 - b

                        @pl.when(j + 1 < nblk)
                        def _():
                            pltpu.async_copy(x_h.at[src_v.at[j + 1]],
                                             rows[nb], sems[nb])

                        pltpu.make_async_copy(x_h.at[src_v.at[j]],
                                              rows[b], sems[b]).wait()
                        pltpu.sync_copy(rows[b], acc.at[dst_v.at[j]], add=True)
                    return 0

                lax.fori_loop(0, nblk // 2, blk, 0)
                plsc.subcore_barrier()
                pltpu.sync_copy(acc.at[pl.ds(s * opt, opt)],
                                out_h.at[c, ci, pl.ds(s * opt, opt)])
                plsc.subcore_barrier()

    return k


def _tc_layer(pos_part, neg_part, xchunks, wp, wn):
    n_ch = len(xchunks)
    n = xchunks[0].shape[0]
    h = 128 * n_ch
    rb = 1000
    grid = (n // rb,)

    def body(pp, npart, *refs):
        xs = refs[:n_ch]
        wpr, wnr = refs[n_ch], refs[n_ch + 1]
        outs = refs[n_ch + 2:]
        x = jnp.concatenate([r[...] for r in xs], axis=-1)
        for part, wref, obase in ((pp, wpr, 0), (npart, wnr, 2)):
            agg = jnp.concatenate([part[0, ci] + part[1, ci]
                                   for ci in range(n_ch)], axis=-1)
            w = wref[...]
            y = jnp.dot(agg, w[:h], preferred_element_type=jnp.float32,
                        precision=lax.Precision.HIGHEST)
            y = y + jnp.dot(x, w[h:], preferred_element_type=jnp.float32,
                            precision=lax.Precision.HIGHEST)
            y = jnp.maximum(y, 0.0)
            outs[obase][...] = y[:, :128]
            outs[obase + 1][...] = y[:, 128:]

    part_spec = pl.BlockSpec((NC, n_ch, rb, 128), lambda i: (0, 0, i, 0))
    x_spec = pl.BlockSpec((rb, 128), lambda i: (i, 0))
    w_spec = pl.BlockSpec((2 * h, 256), lambda i: (0, 0))
    o_spec = pl.BlockSpec((rb, 128), lambda i: (i, 0))
    return pl.pallas_call(
        body,
        grid=grid,
        in_specs=[part_spec, part_spec] + [x_spec] * n_ch + [w_spec, w_spec],
        out_specs=[o_spec] * 4,
        out_shape=[jax.ShapeDtypeStruct((n, 128), jnp.float32)] * 4,
    )(pos_part, neg_part, *xchunks, wp, wn)


def _prep_edges(ei, n_nodes, per_tile):
    src = ei[0].astype(jnp.int32)
    dst = ei[1].astype(jnp.int32)
    e = src.shape[0]
    total = NW * per_tile
    src = jnp.concatenate([src, jnp.zeros((total - e,), jnp.int32)])
    dst = jnp.concatenate([dst, jnp.full((total - e,), n_nodes, jnp.int32)])
    return src.reshape(total // EB, EB), dst.reshape(total // EB, EB)


def kernel(pos_edge_index, neg_edge_index, emb, pos_w0, neg_w0, pos_w1, neg_w1):
    n_nodes, hidden = emb.shape
    e = pos_edge_index.shape[1]
    per_tile = (e + NW * EB - 1) // (NW * EB) * EB
    nblk = per_tile // EB

    ps, pd = _prep_edges(pos_edge_index, n_nodes, per_tile)
    ns_, nd = _prep_edges(neg_edge_index, n_nodes, per_tile)
    zeros64 = jnp.zeros((EB, 128), jnp.float32)

    sc2 = _make_sc_segsum(2, n_nodes, nblk)
    sc4 = _make_sc_segsum(4, n_nodes, nblk)

    xc0 = [emb[:, :128], emb[:, 128:]]
    pos_p, neg_p = sc2(ps, pd, ns_, nd, zeros64, *xc0)
    p0, p1, n0, n1 = _tc_layer(pos_p, neg_p, xc0, pos_w0, neg_w0)

    xc1 = [p0, p1, n0, n1]
    pos_p1, neg_p1 = sc4(ps, pd, ns_, nd, zeros64, *xc1)
    q0, q1, m0, m1 = _tc_layer(pos_p1, neg_p1, xc1, pos_w1, neg_w1)

    return jnp.concatenate([q0, q1, m0, m1], axis=-1)

# --- scband reference (transcript-rebuilt; emitter-appended) ---
"""Pipeline reference for scband-sgcn-80711025426725 (READ-ONLY COPY).

The authoritative reference and input builder live on the scoring server;
editing this copy changes nothing except your own understanding.
"""

import jax, jax.numpy as jnp
import numpy as np

N_NODES = 10000
HIDDEN = 256
N_EDGES = 160000


def setup_inputs(seed: int = 0) -> dict:
    key = jax.random.key(seed)
    k1, k2, k3, k4, k5, k6, k7 = jax.random.split(key, 7)
    pos_edge_index = jax.random.randint(k1, (2, N_EDGES), 0, N_NODES, dtype=jnp.int64 if jax.config.jax_enable_x64 else jnp.int32)
    neg_edge_index = jax.random.randint(k2, (2, N_EDGES), 0, N_NODES, dtype=jnp.int64 if jax.config.jax_enable_x64 else jnp.int32)
    emb = jax.random.normal(k3, (N_NODES, HIDDEN), dtype=jnp.float32)
    # layer 0: in_channels = HIDDEN -> weight (2*HIDDEN, HIDDEN)
    # layer 1: in_channels = 2*HIDDEN -> weight (4*HIDDEN, HIDDEN)
    def xavier(k, shape):
        fan_in, fan_out = shape
        limit = float(np.sqrt(6.0 / (fan_in + fan_out)))
        return jax.random.uniform(k, shape, dtype=jnp.float32, minval=-limit, maxval=limit)
    pos_w0 = xavier(k4, (2 * HIDDEN, HIDDEN))
    neg_w0 = xavier(k5, (2 * HIDDEN, HIDDEN))
    pos_w1 = xavier(k6, (4 * HIDDEN, HIDDEN))
    neg_w1 = xavier(k7, (4 * HIDDEN, HIDDEN))
    return {
        "pos_edge_index": pos_edge_index,
        "neg_edge_index": neg_edge_index,
        "emb": emb,
        "pos_w0": pos_w0,
        "neg_w0": neg_w0,
        "pos_w1": pos_w1,
        "neg_w1": neg_w1,
    }


def _sgcn_layer(x, pos_edge_index, neg_edge_index, pos_w, neg_w, n_nodes):
    # MessagePassing(aggr='add'), default flow source_to_target:
    # messages are x[src] = x[edge_index[0]], aggregated at dst = edge_index[1]
    pos_agg = jax.ops.segment_sum(x[pos_edge_index[0]], pos_edge_index[1], num_segments=n_nodes)
    pos_out = jax.nn.relu(jnp.concatenate([pos_agg, x], axis=-1) @ pos_w)
    neg_agg = jax.ops.segment_sum(x[neg_edge_index[0]], neg_edge_index[1], num_segments=n_nodes)
    neg_out = jax.nn.relu(jnp.concatenate([neg_agg, x], axis=-1) @ neg_w)
    return jnp.concatenate([pos_out, neg_out], axis=-1)


def reference(pos_edge_index, neg_edge_index, emb, pos_w0, neg_w0, pos_w1, neg_w1):
    n_nodes = emb.shape[0]
    x = _sgcn_layer(emb, pos_edge_index, neg_edge_index, pos_w0, neg_w0, n_nodes)
    x = _sgcn_layer(x, pos_edge_index, neg_edge_index, pos_w1, neg_w1, n_nodes)
    return x

if __name__ == "__main__":
    import jax
    _d = setup_inputs()
    print(jax.jit(kernel)(*tuple(_d.values())))

</pallas_src>

<mosaic_0001>
#map = affine_map<(d0, d1) -> (0, 0)>
#map1 = affine_map<(d0, d1) -> (0, 0, 0, 0)>
module attributes {stable_mosaic.version = 14 : i64} {
  func.func @k(%arg0: i32, %arg1: i32, %arg2: memref<1280x128xi32, #tpu.memory_space<hbm>>, %arg3: memref<1280x128xi32, #tpu.memory_space<hbm>>, %arg4: memref<1280x128xi32, #tpu.memory_space<hbm>>, %arg5: memref<1280x128xi32, #tpu.memory_space<hbm>>, %arg6: memref<128x128xf32, #tpu.memory_space<hbm>>, %arg7: memref<10000x128xf32, #tpu.memory_space<hbm>>, %arg8: memref<10000x128xf32, #tpu.memory_space<hbm>>, %arg9: memref<10000x128xf32, #tpu.memory_space<hbm>>, %arg10: memref<10000x128xf32, #tpu.memory_space<hbm>>, %arg11: memref<2x4x10240x128xf32, #tpu.memory_space<hbm>>, %arg12: memref<2x4x10240x128xf32, #tpu.memory_space<hbm>>, %arg13: memref<40x128xi32, #tpu.memory_space<vmem>>, %arg14: memref<40x128xi32, #tpu.memory_space<vmem>>, %arg15: memref<128x128xf32, #tpu.memory_space<vmem>>, %arg16: memref<128x128xf32, #tpu.memory_space<vmem>>, %arg17: memref<10240x128xf32, #tpu.memory_space<vmem_shared>>, %arg18: memref<!tpu.dma_semaphore, #tpu.memory_space<semaphore_mem>>, %arg19: memref<!tpu.dma_semaphore, #tpu.memory_space<semaphore_mem>>) attributes {dimension_semantics = [#tpu.dimension_semantics<core_parallel>, #tpu.dimension_semantics<subcore_parallel>], iteration_bounds = array<i64: 2, 16>, scalar_prefetch = 0 : i64, scratch_operands = 7 : i64, tpu.core_type = #tpu.core_type<sc_vector_subcore>, window_params = [{transform_indices = #map}, {transform_indices = #map}, {transform_indices = #map}, {transform_indices = #map}, {transform_indices = #map}, {transform_indices = #map}, {transform_indices = #map}, {transform_indices = #map}, {transform_indices = #map}, {transform_indices = #map1}, {transform_indices = #map1}]} {
    %mul3A = arith.constant 16 : i32
    %mul3A_0 = arith.muli %arg0, %mul3A : i32
    %add3A = arith.addi %mul3A_0, %arg1 : i32
    %mul3A_1 = arith.constant 40 : i32
    %mul3A_2 = arith.muli %add3A, %mul3A_1 : i32
    "tpu.region"() ({
      %run_scoped3A_421 = tpu.sem_alloc : memref<!tpu.dma_semaphore, #tpu.memory_space<semaphore_mem>>
      %dma_start3A_422 = arith.constant 0 : i32
      %dma_start3A_423 = tpu.memref_slice %arg2[%mul3A_2, %dma_start3A_422] : memref<1280x128xi32, #tpu.memory_space<hbm>> -> memref<40x128xi32, #tpu.memory_space<hbm>>
      %dma_start3A_424 = arith.constant 0 : i32
      %dma_start3A_425 = tpu.memref_slice %arg2[%mul3A_2, %dma_start3A_424] : memref<1280x128xi32, #tpu.memory_space<hbm>> -> memref<40x128xi32, #tpu.memory_space<hbm>>
      tpu.enqueue_dma source(%dma_start3A_425 : memref<40x128xi32, #tpu.memory_space<hbm>>) target(%arg13 : memref<40x128xi32, #tpu.memory_space<vmem>>) target_semaphore(%run_scoped3A_421 : memref<!tpu.dma_semaphore, #tpu.memory_space<semaphore_mem>>)
      %dma_wait3A = arith.constant 0 : i32
      %dma_wait3A_426 = tpu.memref_slice %arg2[%mul3A_2, %dma_wait3A] : memref<1280x128xi32, #tpu.memory_space<hbm>> -> memref<40x128xi32, #tpu.memory_space<hbm>>
      %dma_wait3A_427 = arith.constant 0 : i32
      %dma_wait3A_428 = tpu.memref_slice %arg2[%mul3A_2, %dma_wait3A_427] : memref<1280x128xi32, #tpu.memory_space<hbm>> -> memref<40x128xi32, #tpu.memory_space<hbm>>
      tpu.wait_dma2 semaphore(%run_scoped3A_421 : memref<!tpu.dma_semaphore, #tpu.memory_space<semaphore_mem>>) src(%dma_wait3A_428 : memref<40x128xi32, #tpu.memory_space<hbm>>) dst(%arg13 : memref<40x128xi32, #tpu.memory_space<vmem>>)
      tpu.yield
    }) : () -> ()
    %mul3A_3 = arith.constant 40 : i32
    %mul3A_4 = arith.muli %add3A, %mul3A_3 : i32
    "tpu.region"() ({
      %run_scoped3A_421 = tpu.sem_alloc : memref<!tpu.dma_semaphore, #tpu.memory_space<semaphore_mem>>
      %dma_start3A_422 = arith.constant 0 : i32
      %dma_start3A_423 = tpu.memref_slice %arg3[%mul3A_4, %dma_start3A_422] : memref<1280x128xi32, #tpu.memory_space<hbm>> -> memref<40x128xi32, #tpu.memory_space<hbm>>
      %dma_start3A_424 = arith.constant 0 : i32
      %dma_start3A_425 = tpu.memref_slice %arg3[%mul3A_4, %dma_start3A_424] : memref<1280x128xi32, #tpu.memory_space<hbm>> -> memref<40x128xi32, #tpu.memory_space<hbm>>
      tpu.enqueue_dma source(%dma_start3A_425 : memref<40x128xi32, #tpu.memory_space<hbm>>) target(%arg14 : memref<40x128xi32, #tpu.memory_space<vmem>>) target_semaphore(%run_scoped3A_421 : memref<!tpu.dma_semaphore, #tpu.memory_space<semaphore_mem>>)
      %dma_wait3A = arith.constant 0 : i32
      %dma_wait3A_426 = tpu.memref_slice %arg3[%mul3A_4, %dma_wait3A] : memref<1280x128xi32, #tpu.memory_space<hbm>> -> memref<40x128xi32, #tpu.memory_space<hbm>>
      %dma_wait3A_427 = arith.constant 0 : i32
      %dma_wait3A_428 = tpu.memref_slice %arg3[%mul3A_4, %dma_wait3A_427] : memref<1280x128xi32, #tpu.memory_space<hbm>> -> memref<40x128xi32, #tpu.memory_space<hbm>>
      tpu.wait_dma2 semaphore(%run_scoped3A_421 : memref<!tpu.dma_semaphore, #tpu.memory_space<semaphore_mem>>) src(%dma_wait3A_428 : memref<40x128xi32, #tpu.memory_space<hbm>>) dst(%arg14 : memref<40x128xi32, #tpu.memory_space<vmem>>)
      tpu.yield
    }) : () -> ()
    "tpu.region"() ({
      %run_scoped3A_421 = tpu.sem_alloc : memref<!tpu.dma_semaphore, #tpu.memory_space<semaphore_mem>>
      tpu.enqueue_dma source(%arg6 : memref<128x128xf32, #tpu.memory_space<hbm>>) target(%arg15 : memref<128x128xf32, #tpu.memory_space<vmem>>) target_semaphore(%run_scoped3A_421 : memref<!tpu.dma_semaphore, #tpu.memory_space<semaphore_mem>>)
      tpu.wait_dma2 semaphore(%run_scoped3A_421 : memref<!tpu.dma_semaphore, #tpu.memory_space<semaphore_mem>>) src(%arg6 : memref<128x128xf32, #tpu.memory_space<hbm>>) dst(%arg15 : memref<128x128xf32, #tpu.memory_space<vmem>>)
      tpu.yield
    }) : () -> ()
    %mul3A_5 = arith.constant 5 : i32
    %mul3A_6 = arith.muli %arg1, %mul3A_5 : i32
    %add3A_7 = arith.constant 0 : i32
    %add3A_8 = arith.addi %mul3A_6, %add3A_7 : i32
    %mul3A_9 = arith.constant 128 : i32
    %mul3A_10 = arith.muli %add3A_8, %mul3A_9 : i32
    "tpu.region"() ({
      %run_scoped3A_421 = tpu.sem_alloc : memref<!tpu.dma_semaphore, #tpu.memory_space<semaphore_mem>>
      %dma_start3A_422 = arith.constant 0 : i32
      %dma_start3A_423 = tpu.memref_slice %arg17[%mul3A_10, %dma_start3A_422] : memref<10240x128xf32, #tpu.memory_space<vmem_shared>> -> memref<128x128xf32, #tpu.memory_space<vmem_shared>>
      %dma_start3A_424 = arith.constant 0 : i32
      %dma_start3A_425 = tpu.memref_slice %arg17[%mul3A_10, %dma_start3A_424] : memref<10240x128xf32, #tpu.memory_space<vmem_shared>> -> memref<128x128xf32, #tpu.memory_space<vmem_shared>>
      tpu.enqueue_dma source(%arg15 : memref<128x128xf32, #tpu.memory_space<vmem>>) target(%dma_start3A_425 : memref<128x128xf32, #tpu.memory_space<vmem_shared>>) target_semaphore(%run_scoped3A_421 : memref<!tpu.dma_semaphore, #tpu.memory_space<semaphore_mem>>)
      %dma_wait3A = arith.constant 0 : i32
      %dma_wait3A_426 = tpu.memref_slice %arg17[%mul3A_10, %dma_wait3A] : memref<10240x128xf32, #tpu.memory_space<vmem_shared>> -> memref<128x128xf32, #tpu.memory_space<vmem_shared>>
      %dma_wait3A_427 = arith.constant 0 : i32
      %dma_wait3A_428 = tpu.memref_slice %arg17[%mul3A_10, %dma_wait3A_427] : memref<10240x128xf32, #tpu.memory_space<vmem_shared>> -> memref<128x128xf32, #tpu.memory_space<vmem_shared>>
      tpu.wait_dma2 semaphore(%run_scoped3A_421 : memref<!tpu.dma_semaphore, #tpu.memory_space<semaphore_mem>>) src(%arg15 : memref<128x128xf32, #tpu.memory_space<vmem>>) dst(%dma_wait3A_428 : memref<128x128xf32, #tpu.memory_space<vmem_shared>>)
      tpu.yield
    }) : () -> ()
    %mul3A_11 = arith.constant 5 : i32
    %mul3A_12 = arith.muli %arg1, %mul3A_11 : i32
    %add3A_13 = arith.constant 1 : i32
    %add3A_14 = arith.addi %mul3A_12, %add3A_13 : i32
    %mul3A_15 = arith.constant 128 : i32
    %mul3A_16 = arith.muli %add3A_14, %mul3A_15 : i32
    "tpu.region"() ({
      %run_scoped3A_421 = tpu.sem_alloc : memref<!tpu.dma_semaphore, #tpu.memory_space<semaphore_mem>>
      %dma_start3A_422 = arith.constant 0 : i32
      %dma_start3A_423 = tpu.memref_slice %arg17[%mul3A_16, %dma_start3A_422] : memref<10240x128xf32, #tpu.memory_space<vmem_shared>> -> memref<128x128xf32, #tpu.memory_space<vmem_shared>>
      %dma_start3A_424 = arith.constant 0 : i32
      %dma_start3A_425 = tpu.memref_slice %arg17[%mul3A_16, %dma_start3A_424] : memref<10240x128xf32, #tpu.memory_space<vmem_shared>> -> memref<128x128xf32, #tpu.memory_space<vmem_shared>>
      tpu.enqueue_dma source(%arg15 : memref<128x128xf32, #tpu.memory_space<vmem>>) target(%dma_start3A_425 : memref<128x128xf32, #tpu.memory_space<vmem_shared>>) target_semaphore(%run_scoped3A_421 : memref<!tpu.dma_semaphore, #tpu.memory_space<semaphore_mem>>)
      %dma_wait3A = arith.constant 0 : i32
      %dma_wait3A_426 = tpu.memref_slice %arg17[%mul3A_16, %dma_wait3A] : memref<10240x128xf32, #tpu.memory_space<vmem_shared>> -> memref<128x128xf32, #tpu.memory_space<vmem_shared>>
      %dma_wait3A_427 = arith.constant 0 : i32
      %dma_wait3A_428 = tpu.memref_slice %arg17[%mul3A_16, %dma_wait3A_427] : memref<10240x128xf32, #tpu.memory_space<vmem_shared>> -> memref<128x128xf32, #tpu.memory_space<vmem_shared>>
      tpu.wait_dma2 semaphore(%run_scoped3A_421 : memref<!tpu.dma_semaphore, #tpu.memory_space<semaphore_mem>>) src(%arg15 : memref<128x128xf32, #tpu.memory_space<vmem>>) dst(%dma_wait3A_428 : memref<128x128xf32, #tpu.memory_space<vmem_shared>>)
      tpu.yield
    }) : () -> ()
    %mul3A_17 = arith.constant 5 : i32
    %mul3A_18 = arith.muli %arg1, %mul3A_17 : i32
    %add3A_19 = arith.constant 2 : i32
    %add3A_20 = arith.addi %mul3A_18, %add3A_19 : i32
    %mul3A_21 = arith.constant 128 : i32
    %mul3A_22 = arith.muli %add3A_20, %mul3A_21 : i32
    "tpu.region"() ({
      %run_scoped3A_421 = tpu.sem_alloc : memref<!tpu.dma_semaphore, #tpu.memory_space<semaphore_mem>>
      %dma_start3A_422 = arith.constant 0 : i32
      %dma_start3A_423 = tpu.memref_slice %arg17[%mul3A_22, %dma_start3A_422] : memref<10240x128xf32, #tpu.memory_space<vmem_shared>> -> memref<128x128xf32, #tpu.memory_space<vmem_shared>>
      %dma_start3A_424 = arith.constant 0 : i32
      %dma_start3A_425 = tpu.memref_slice %arg17[%mul3A_22, %dma_start3A_424] : memref<10240x128xf32, #tpu.memory_space<vmem_shared>> -> memref<128x128xf32, #tpu.memory_space<vmem_shared>>
      tpu.enqueue_dma source(%arg15 : memref<128x128xf32, #tpu.memory_space<vmem>>) target(%dma_start3A_425 : memref<128x128xf32, #tpu.memory_space<vmem_shared>>) target_semaphore(%run_scoped3A_421 : memref<!tpu.dma_semaphore, #tpu.memory_space<semaphore_mem>>)
      %dma_wait3A = arith.constant 0 : i32
      %dma_wait3A_426 = tpu.memref_slice %arg17[%mul3A_22, %dma_wait3A] : memref<10240x128xf32, #tpu.memory_space<vmem_shared>> -> memref<128x128xf32, #tpu.memory_space<vmem_shared>>
      %dma_wait3A_427 = arith.constant 0 : i32
      %dma_wait3A_428 = tpu.memref_slice %arg17[%mul3A_22, %dma_wait3A_427] : memref<10240x128xf32, #tpu.memory_space<vmem_shared>> -> memref<128x128xf32, #tpu.memory_space<vmem_shared>>
      tpu.wait_dma2 semaphore(%run_scoped3A_421 : memref<!tpu.dma_semaphore, #tpu.memory_space<semaphore_mem>>) src(%arg15 : memref<128x128xf32, #tpu.memory_space<vmem>>) dst(%dma_wait3A_428 : memref<128x128xf32, #tpu.memory_space<vmem_shared>>)
      tpu.yield
    }) : () -> ()
    %mul3A_23 = arith.constant 5 : i32
    %mul3A_24 = arith.muli %arg1, %mul3A_23 : i32
    %add3A_25 = arith.constant 3 : i32
    %add3A_26 = arith.addi %mul3A_24, %add3A_25 : i32
    %mul3A_27 = arith.constant 128 : i32
    %mul3A_28 = arith.muli %add3A_26, %mul3A_27 : i32
    "tpu.region"() ({
      %run_scoped3A_421 = tpu.sem_alloc : memref<!tpu.dma_semaphore, #tpu.memory_space<semaphore_mem>>
      %dma_start3A_422 = arith.constant 0 : i32
      %dma_start3A_423 = tpu.memref_slice %arg17[%mul3A_28, %dma_start3A_422] : memref<10240x128xf32, #tpu.memory_space<vmem_shared>> -> memref<128x128xf32, #tpu.memory_space<vmem_shared>>
      %dma_start3A_424 = arith.constant 0 : i32
      %dma_start3A_425 = tpu.memref_slice %arg17[%mul3A_28, %dma_start3A_424] : memref<10240x128xf32, #tpu.memory_space<vmem_shared>> -> memref<128x128xf32, #tpu.memory_space<vmem_shared>>
      tpu.enqueue_dma source(%arg15 : memref<128x128xf32, #tpu.memory_space<vmem>>) target(%dma_start3A_425 : memref<128x128xf32, #tpu.memory_space<vmem_shared>>) target_semaphore(%run_scoped3A_421 : memref<!tpu.dma_semaphore, #tpu.memory_space<semaphore_mem>>)
      %dma_wait3A = arith.constant 0 : i32
      %dma_wait3A_426 = tpu.memref_slice %arg17[%mul3A_28, %dma_wait3A] : memref<10240x128xf32, #tpu.memory_space<vmem_shared>> -> memref<128x128xf32, #tpu.memory_space<vmem_shared>>
      %dma_wait3A_427 = arith.constant 0 : i32
      %dma_wait3A_428 = tpu.memref_slice %arg17[%mul3A_28, %dma_wait3A_427] : memref<10240x128xf32, #tpu.memory_space<vmem_shared>> -> memref<128x128xf32, #tpu.memory_space<vmem_shared>>
      tpu.wait_dma2 semaphore(%run_scoped3A_421 : memref<!tpu.dma_semaphore, #tpu.memory_space<semaphore_mem>>) src(%arg15 : memref<128x128xf32, #tpu.memory_space<vmem>>) dst(%dma_wait3A_428 : memref<128x128xf32, #tpu.memory_space<vmem_shared>>)
      tpu.yield
    }) : () -> ()
    %mul3A_29 = arith.constant 5 : i32
    %mul3A_30 = arith.muli %arg1, %mul3A_29 : i32
    %add3A_31 = arith.constant 4 : i32
    %add3A_32 = arith.addi %mul3A_30, %add3A_31 : i32
    %mul3A_33 = arith.constant 128 : i32
    %mul3A_34 = arith.muli %add3A_32, %mul3A_33 : i32
    "tpu.region"() ({
      %run_scoped3A_421 = tpu.sem_alloc : memref<!tpu.dma_semaphore, #tpu.memory_space<semaphore_mem>>
      %dma_start3A_422 = arith.constant 0 : i32
      %dma_start3A_423 = tpu.memref_slice %arg17[%mul3A_34, %dma_start3A_422] : memref<10240x128xf32, #tpu.memory_space<vmem_shared>> -> memref<128x128xf32, #tpu.memory_space<vmem_shared>>
      %dma_start3A_424 = arith.constant 0 : i32
      %dma_start3A_425 = tpu.memref_slice %arg17[%mul3A_34, %dma_start3A_424] : memref<10240x128xf32, #tpu.memory_space<vmem_shared>> -> memref<128x128xf32, #tpu.memory_space<vmem_shared>>
      tpu.enqueue_dma source(%arg15 : memref<128x128xf32, #tpu.memory_space<vmem>>) target(%dma_start3A_425 : memref<128x128xf32, #tpu.memory_space<vmem_shared>>) target_semaphore(%run_scoped3A_421 : memref<!tpu.dma_semaphore, #tpu.memory_space<semaphore_mem>>)
      %dma_wait3A = arith.constant 0 : i32
      %dma_wait3A_426 = tpu.memref_slice %arg17[%mul3A_34, %dma_wait3A] : memref<10240x128xf32, #tpu.memory_space<vmem_shared>> -> memref<128x128xf32, #tpu.memory_space<vmem_shared>>
      %dma_wait3A_427 = arith.constant 0 : i32
      %dma_wait3A_428 = tpu.memref_slice %arg17[%mul3A_34, %dma_wait3A_427] : memref<10240x128xf32, #tpu.memory_space<vmem_shared>> -> memref<128x128xf32, #tpu.memory_space<vmem_shared>>
      tpu.wait_dma2 semaphore(%run_scoped3A_421 : memref<!tpu.dma_semaphore, #tpu.memory_space<semaphore_mem>>) src(%arg15 : memref<128x128xf32, #tpu.memory_space<vmem>>) dst(%dma_wait3A_428 : memref<128x128xf32, #tpu.memory_space<vmem_shared>>)
      tpu.yield
    }) : () -> ()
    %barrier3A = arith.constant 0 : index
    tpu.barrier barrier_id(%barrier3A)
    %dma_start3A = arith.constant 0 : i32
    %dma_start3A_35 = arith.constant 0 : i32
    %dma_start3A_36 = tpu.memref_slice %arg13[%dma_start3A, %dma_start3A_35] : memref<40x128xi32, #tpu.memory_space<vmem>> -> memref<1x128xi32, #tpu.memory_space<vmem>>
    %dma_start3A_37 = tpu.memref_squeeze %dma_start3A_36 : memref<1x128xi32, #tpu.memory_space<vmem>> -> memref<128xi32, #tpu.memory_space<vmem>>
    %dma_start3A_38 = arith.constant 0 : i32
    %dma_start3A_39 = arith.constant 0 : i32
    %dma_start3A_40 = tpu.memref_slice %arg7[%dma_start3A_38, %dma_start3A_39] : memref<10000x128xf32, #tpu.memory_space<hbm>> -> memref<10000x128xf32, #tpu.memory_space<hbm>>
    tpu.enqueue_indirect_dma source(%dma_start3A_40 : memref<10000x128xf32, #tpu.memory_space<hbm>>) target(%arg15 : memref<128x128xf32, #tpu.memory_space<vmem>>) offsets(%dma_start3A_37 : memref<128xi32, #tpu.memory_space<vmem>>) semaphore(%arg18 : memref<!tpu.dma_semaphore, #tpu.memory_space<semaphore_mem>>)
    %scan3A = arith.constant 0 : i32
    %scan3A_41 = arith.constant 0 : i32
    %scan3A_42 = arith.constant 20 : i32
    %scan3A_43 = arith.addi %scan3A_41, %scan3A_42 : i32
    %scan3A_44 = arith.constant 1 : i32
    %scan3A_45 = scf.for %scan3A_421 = %scan3A_41 to %scan3A_43 step %scan3A_44 iter_args(%scan3A_422 = %scan3A) -> (i32)  : i32 {
      %mul3A_423 = arith.constant 2 : i32
      %mul3A_424 = arith.muli %scan3A_421, %mul3A_423 : i32
      %add3A_425 = arith.constant 0 : i32
      %add3A_426 = arith.addi %mul3A_424, %add3A_425 : i32
      %add3A_427 = arith.constant 1 : i32
      %add3A_428 = arith.addi %add3A_426, %add3A_427 : i32
      %lt3A = arith.constant 40 : i32
      %lt3A_429 = arith.cmpi slt, %add3A_428, %lt3A : i32
      %convert_element_type3A = arith.extui %lt3A_429 : i1 to i32
      %cond3A = arith.constant 0 : i32
      %cond3A_430 = arith.cmpi ne, %convert_element_type3A, %cond3A : i32
      scf.if %cond3A_430 {
        %add3A_454 = arith.constant 1 : i32
        %add3A_455 = arith.addi %add3A_426, %add3A_454 : i32
        %dma_start3A_456 = arith.constant 0 : i32
        %dma_start3A_457 = tpu.memref_slice %arg13[%add3A_455, %dma_start3A_456] : memref<40x128xi32, #tpu.memory_space<vmem>> -> memref<1x128xi32, #tpu.memory_space<vmem>>
        %dma_start3A_458 = tpu.memref_squeeze %dma_start3A_457 : memref<1x128xi32, #tpu.memory_space<vmem>> -> memref<128xi32, #tpu.memory_space<vmem>>
        %dma_start3A_459 = arith.constant 0 : i32
        %dma_start3A_460 = arith.constant 0 : i32
        %dma_start3A_461 = tpu.memref_slice %arg7[%dma_start3A_459, %dma_start3A_460] : memref<10000x128xf32, #tpu.memory_space<hbm>> -> memref<10000x128xf32, #tpu.memory_space<hbm>>
        tpu.enqueue_indirect_dma source(%dma_start3A_461 : memref<10000x128xf32, #tpu.memory_space<hbm>>) target(%arg16 : memref<128x128xf32, #tpu.memory_space<vmem>>) offsets(%dma_start3A_458 : memref<128xi32, #tpu.memory_space<vmem>>) semaphore(%arg19 : memref<!tpu.dma_semaphore, #tpu.memory_space<semaphore_mem>>)
      } else {
      }
      %dma_wait3A = arith.constant 0 : i32
      %dma_wait3A_431 = tpu.memref_slice %arg13[%add3A_426, %dma_wait3A] : memref<40x128xi32, #tpu.memory_space<vmem>> -> memref<1x128xi32, #tpu.memory_space<vmem>>
      %dma_wait3A_432 = tpu.memref_squeeze %dma_wait3A_431 : memref<1x128xi32, #tpu.memory_space<vmem>> -> memref<128xi32, #tpu.memory_space<vmem>>
      %dma_wait3A_433 = arith.constant 0 : i32
      %dma_wait3A_434 = arith.constant 0 : i32
      %dma_wait3A_435 = tpu.memref_slice %arg7[%dma_wait3A_433, %dma_wait3A_434] : memref<10000x128xf32, #tpu.memory_space<hbm>> -> memref<10000x128xf32, #tpu.memory_space<hbm>>
      tpu.wait_indirect_dma semaphore(%arg18 : memref<!tpu.dma_semaphore, #tpu.memory_space<semaphore_mem>>) src(%dma_wait3A_435 : memref<10000x128xf32, #tpu.memory_space<hbm>>) dst(%arg15 : memref<128x128xf32, #tpu.memory_space<vmem>>)
      "tpu.region"() ({
        %run_scoped3A_454 = tpu.sem_alloc : memref<!tpu.dma_semaphore, #tpu.memory_space<semaphore_mem>>
        %dma_start3A_455 = arith.constant 0 : i32
        %dma_start3A_456 = tpu.memref_slice %arg14[%add3A_426, %dma_start3A_455] : memref<40x128xi32, #tpu.memory_space<vmem>> -> memref<1x128xi32, #tpu.memory_space<vmem>>
        %dma_start3A_457 = tpu.memref_squeeze %dma_start3A_456 : memref<1x128xi32, #tpu.memory_space<vmem>> -> memref<128xi32, #tpu.memory_space<vmem>>
        %dma_start3A_458 = arith.constant 0 : i32
        %dma_start3A_459 = arith.constant 0 : i32
        %dma_start3A_460 = tpu.memref_slice %arg17[%dma_start3A_458, %dma_start3A_459] : memref<10240x128xf32, #tpu.memory_space<vmem_shared>> -> memref<10240x128xf32, #tpu.memory_space<vmem_shared>>
        tpu.enqueue_indirect_dma source(%arg15 : memref<128x128xf32, #tpu.memory_space<vmem>>) target(%dma_start3A_460 : memref<10240x128xf32, #tpu.memory_space<vmem_shared>>) offsets(%dma_start3A_457 : memref<128xi32, #tpu.memory_space<vmem>>) semaphore(%run_scoped3A_454 : memref<!tpu.dma_semaphore, #tpu.memory_space<semaphore_mem>>) {add = true}
        %dma_wait3A_461 = arith.constant 0 : i32
        %dma_wait3A_462 = tpu.memref_slice %arg14[%add3A_426, %dma_wait3A_461] : memref<40x128xi32, #tpu.memory_space<vmem>> -> memref<1x128xi32, #tpu.memory_space<vmem>>
        %dma_wait3A_463 = tpu.memref_squeeze %dma_wait3A_462 : memref<1x128xi32, #tpu.memory_space<vmem>> -> memref<128xi32, #tpu.memory_space<vmem>>
        %dma_wait3A_464 = arith.constant 0 : i32
        %dma_wait3A_465 = arith.constant 0 : i32
        %dma_wait3A_466 = tpu.memref_slice %arg17[%dma_wait3A_464, %dma_wait3A_465] : memref<10240x128xf32, #tpu.memory_space<vmem_shared>> -> memref<10240x128xf32, #tpu.memory_space<vmem_shared>>
        tpu.wait_indirect_dma semaphore(%run_scoped3A_454 : memref<!tpu.dma_semaphore, #tpu.memory_space<semaphore_mem>>) src(%arg15 : memref<128x128xf32, #tpu.memory_space<vmem>>) dst(%dma_wait3A_466 : memref<10240x128xf32, #tpu.memory_space<vmem_shared>>)
        tpu.yield
      }) : () -> ()
      %mul3A_436 = arith.constant 2 : i32
      %mul3A_437 = arith.muli %scan3A_421, %mul3A_436 : i32
      %add3A_438 = arith.constant 1 : i32
      %add3A_439 = arith.addi %mul3A_437, %add3A_438 : i32
      %add3A_440 = arith.constant 1 : i32
      %add3A_441 = arith.addi %add3A_439, %add3A_440 : i32
      %lt3A_442 = arith.constant 40 : i32
      %lt3A_443 = arith.cmpi slt, %add3A_441, %lt3A_442 : i32
      %convert_element_type3A_444 = arith.extui %lt3A_443 : i1 to i32
      %cond3A_445 = arith.constant 0 : i32
      %cond3A_446 = arith.cmpi ne, %convert_element_type3A_444, %cond3A_445 : i32
      scf.if %cond3A_446 {
        %add3A_454 = arith.constant 1 : i32
        %add3A_455 = arith.addi %add3A_439, %add3A_454 : i32
        %dma_start3A_456 = arith.constant 0 : i32
        %dma_start3A_457 = tpu.memref_slice %arg13[%add3A_455, %dma_start3A_456] : memref<40x128xi32, #tpu.memory_space<vmem>> -> memref<1x128xi32, #tpu.memory_space<vmem>>
        %dma_start3A_458 = tpu.memref_squeeze %dma_start3A_457 : memref<1x128xi32, #tpu.memory_space<vmem>> -> memref<128xi32, #tpu.memory_space<vmem>>
        %dma_start3A_459 = arith.constant 0 : i32
        %dma_start3A_460 = arith.constant 0 : i32
        %dma_start3A_461 = tpu.memref_slice %arg7[%dma_start3A_459, %dma_start3A_460] : memref<10000x128xf32, #tpu.memory_space<hbm>> -> memref<10000x128xf32, #tpu.memory_space<hbm>>
        tpu.enqueue_indirect_dma source(%dma_start3A_461 : memref<10000x128xf32, #tpu.memory_space<hbm>>) target(%arg15 : memref<128x128xf32, #tpu.memory_space<vmem>>) offsets(%dma_start3A_458 : memref<128xi32, #tpu.memory_space<vmem>>) semaphore(%arg18 : memref<!tpu.dma_semaphore, #tpu.memory_space<semaphore_mem>>)
      } else {
      }
      %dma_wait3A_447 = arith.constant 0 : i32
      %dma_wait3A_448 = tpu.memref_slice %arg13[%add3A_439, %dma_wait3A_447] : memref<40x128xi32, #tpu.memory_space<vmem>> -> memref<1x128xi32, #tpu.memory_space<vmem>>
      %dma_wait3A_449 = tpu.memref_squeeze %dma_wait3A_448 : memref<1x128xi32, #tpu.memory_space<vmem>> -> memref<128xi32, #tpu.memory_space<vmem>>
      %dma_wait3A_450 = arith.constant 0 : i32
      %dma_wait3A_451 = arith.constant 0 : i32
      %dma_wait3A_452 = tpu.memref_slice %arg7[%dma_wait3A_450, %dma_wait3A_451] : memref<10000x128xf32, #tpu.memory_space<hbm>> -> memref<10000x128xf32, #tpu.memory_space<hbm>>
      tpu.wait_indirect_dma semaphore(%arg19 : memref<!tpu.dma_semaphore, #tpu.memory_space<semaphore_mem>>) src(%dma_wait3A_452 : memref<10000x128xf32, #tpu.memory_space<hbm>>) dst(%arg16 : memref<128x128xf32, #tpu.memory_space<vmem>>)
      "tpu.region"() ({
        %run_scoped3A_454 = tpu.sem_alloc : memref<!tpu.dma_semaphore, #tpu.memory_space<semaphore_mem>>
        %dma_start3A_455 = arith.constant 0 : i32
        %dma_start3A_456 = tpu.memref_slice %arg14[%add3A_439, %dma_start3A_455] : memref<40x128xi32, #tpu.memory_space<vmem>> -> memref<1x128xi32, #tpu.memory_space<vmem>>
        %dma_start3A_457 = tpu.memref_squeeze %dma_start3A_456 : memref<1x128xi32, #tpu.memory_space<vmem>> -> memref<128xi32, #tpu.memory_space<vmem>>
        %dma_start3A_458 = arith.constant 0 : i32
        %dma_start3A_459 = arith.constant 0 : i32
        %dma_start3A_460 = tpu.memref_slice %arg17[%dma_start3A_458, %dma_start3A_459] : memref<10240x128xf32, #tpu.memory_space<vmem_shared>> -> memref<10240x128xf32, #tpu.memory_space<vmem_shared>>
        tpu.enqueue_indirect_dma source(%arg16 : memref<128x128xf32, #tpu.memory_space<vmem>>) target(%dma_start3A_460 : memref<10240x128xf32, #tpu.memory_space<vmem_shared>>) offsets(%dma_start3A_457 : memref<128xi32, #tpu.memory_space<vmem>>) semaphore(%run_scoped3A_454 : memref<!tpu.dma_semaphore, #tpu.memory_space<semaphore_mem>>) {add = true}
        %dma_wait3A_461 = arith.constant 0 : i32
        %dma_wait3A_462 = tpu.memref_slice %arg14[%add3A_439, %dma_wait3A_461] : memref<40x128xi32, #tpu.memory_space<vmem>> -> memref<1x128xi32, #tpu.memory_space<vmem>>
        %dma_wait3A_463 = tpu.memref_squeeze %dma_wait3A_462 : memref<1x128xi32, #tpu.memory_space<vmem>> -> memref<128xi32, #tpu.memory_space<vmem>>
        %dma_wait3A_464 = arith.constant 0 : i32
        %dma_wait3A_465 = arith.constant 0 : i32
        %dma_wait3A_466 = tpu.memref_slice %arg17[%dma_wait3A_464, %dma_wait3A_465] : memref<10240x128xf32, #tpu.memory_space<vmem_shared>> -> memref<10240x128xf32, #tpu.memory_space<vmem_shared>>
        tpu.wait_indirect_dma semaphore(%run_scoped3A_454 : memref<!tpu.dma_semaphore, #tpu.memory_space<semaphore_mem>>) src(%arg16 : memref<128x128xf32, #tpu.memory_space<vmem>>) dst(%dma_wait3A_466 : memref<10240x128xf32, #tpu.memory_space<vmem_shared>>)
        tpu.yield
      }) : () -> ()
      %scan3A_453 = arith.constant 0 : i32
      scf.yield %scan3A_453 : i32
    }
    %scan3A_46 = arith.constant 20 : i32
    %barrier3A_47 = arith.constant 0 : index
    tpu.barrier barrier_id(%barrier3A_47)
    %mul3A_48 = arith.constant 640 : i32
    %mul3A_49 = arith.muli %arg1, %mul3A_48 : i32
    %mul3A_50 = arith.constant 640 : i32
    %mul3A_51 = arith.muli %arg1, %mul3A_50 : i32
    %run_scoped3A = arith.constant 0 : i32
    "tpu.region"() ({
      %run_scoped3A_421 = tpu.sem_alloc : memref<!tpu.dma_semaphore, #tpu.memory_space<semaphore_mem>>
      %dma_start3A_422 = arith.constant 0 : i32
      %dma_start3A_423 = tpu.memref_slice %arg11[%arg0, %run_scoped3A, %mul3A_51, %dma_start3A_422] : memref<2x4x10240x128xf32, #tpu.memory_space<hbm>> -> memref<1x1x640x128xf32, #tpu.memory_space<hbm>>
      %dma_start3A_424 = tpu.memref_squeeze %dma_start3A_423 : memref<1x1x640x128xf32, #tpu.memory_space<hbm>> -> memref<640x128xf32, #tpu.memory_space<hbm>>
      %dma_start3A_425 = arith.constant 0 : i32
      %dma_start3A_426 = tpu.memref_slice %arg17[%mul3A_49, %dma_start3A_425] : memref<10240x128xf32, #tpu.memory_space<vmem_shared>> -> memref<640x128xf32, #tpu.memory_space<vmem_shared>>
      tpu.enqueue_dma source(%dma_start3A_426 : memref<640x128xf32, #tpu.memory_space<vmem_shared>>) target(%dma_start3A_424 : memref<640x128xf32, #tpu.memory_space<hbm>>) target_semaphore(%run_scoped3A_421 : memref<!tpu.dma_semaphore, #tpu.memory_space<semaphore_mem>>)
      %dma_wait3A = arith.constant 0 : i32
      %dma_wait3A_427 = tpu.memref_slice %arg11[%arg0, %run_scoped3A, %mul3A_51, %dma_wait3A] : memref<2x4x10240x128xf32, #tpu.memory_space<hbm>> -> memref<1x1x640x128xf32, #tpu.memory_space<hbm>>
      %dma_wait3A_428 = tpu.memref_squeeze %dma_wait3A_427 : memref<1x1x640x128xf32, #tpu.memory_space<hbm>> -> memref<640x128xf32, #tpu.memory_space<hbm>>
      %dma_wait3A_429 = arith.constant 0 : i32
      %dma_wait3A_430 = tpu.memref_slice %arg17[%mul3A_49, %dma_wait3A_429] : memref<10240x128xf32, #tpu.memory_space<vmem_shared>> -> memref<640x128xf32, #tpu.memory_space<vmem_shared>>
      tpu.wait_dma2 semaphore(%run_scoped3A_421 : memref<!tpu.dma_semaphore, #tpu.memory_space<semaphore_mem>>) src(%dma_wait3A_430 : memref<640x128xf32, #tpu.memory_space<vmem_shared>>) dst(%dma_wait3A_428 : memref<640x128xf32, #tpu.memory_space<hbm>>)
      tpu.yield
    }) : () -> ()
    %barrier3A_52 = arith.constant 0 : index
    tpu.barrier barrier_id(%barrier3A_52)
    "tpu.region"() ({
      %run_scoped3A_421 = tpu.sem_alloc : memref<!tpu.dma_semaphore, #tpu.memory_space<semaphore_mem>>
      tpu.enqueue_dma source(%arg6 : memref<128x128xf32, #tpu.memory_space<hbm>>) target(%arg15 : memref<128x128xf32, #tpu.memory_space<vmem>>) target_semaphore(%run_scoped3A_421 : memref<!tpu.dma_semaphore, #tpu.memory_space<semaphore_mem>>)
      tpu.wait_dma2 semaphore(%run_scoped3A_421 : memref<!tpu.dma_semaphore, #tpu.memory_space<semaphore_mem>>) src(%arg6 : memref<128x128xf32, #tpu.memory_space<hbm>>) dst(%arg15 : memref<128x128xf32, #tpu.memory_space<vmem>>)
      tpu.yield
    }) : () -> ()
    %mul3A_53 = arith.constant 5 : i32
    %mul3A_54 = arith.muli %arg1, %mul3A_53 : i32
    %add3A_55 = arith.constant 0 : i32
    %add3A_56 = arith.addi %mul3A_54, %add3A_55 : i32
    %mul3A_57 = arith.constant 128 : i32
    %mul3A_58 = arith.muli %add3A_56, %mul3A_57 : i32
    "tpu.region"() ({
      %run_scoped3A_421 = tpu.sem_alloc : memref<!tpu.dma_semaphore, #tpu.memory_space<semaphore_mem>>
      %dma_start3A_422 = arith.constant 0 : i32
      %dma_start3A_423 = tpu.memref_slice %arg17[%mul3A_58, %dma_start3A_422] : memref<10240x128xf32, #tpu.memory_space<vmem_shared>> -> memref<128x128xf32, #tpu.memory_space<vmem_shared>>
      %dma_start3A_424 = arith.constant 0 : i32
      %dma_start3A_425 = tpu.memref_slice %arg17[%mul3A_58, %dma_start3A_424] : memref<10240x128xf32, #tpu.memory_space<vmem_shared>> -> memref<128x128xf32, #tpu.memory_space<vmem_shared>>
      tpu.enqueue_dma source(%arg15 : memref<128x128xf32, #tpu.memory_space<vmem>>) target(%dma_start3A_425 : memref<128x128xf32, #tpu.memory_space<vmem_shared>>) target_semaphore(%run_scoped3A_421 : memref<!tpu.dma_semaphore, #tpu.memory_space<semaphore_mem>>)
      %dma_wait3A = arith.constant 0 : i32
      %dma_wait3A_426 = tpu.memref_slice %arg17[%mul3A_58, %dma_wait3A] : memref<10240x128xf32, #tpu.memory_space<vmem_shared>> -> memref<128x128xf32, #tpu.memory_space<vmem_shared>>
      %dma_wait3A_427 = arith.constant 0 : i32
      %dma_wait3A_428 = tpu.memref_slice %arg17[%mul3A_58, %dma_wait3A_427] : memref<10240x128xf32, #tpu.memory_space<vmem_shared>> -> memref<128x128xf32, #tpu.memory_space<vmem_shared>>
      tpu.wait_dma2 semaphore(%run_scoped3A_421 : memref<!tpu.dma_semaphore, #tpu.memory_space<semaphore_mem>>) src(%arg15 : memref<128x128xf32, #tpu.memory_space<vmem>>) dst(%dma_wait3A_428 : memref<128x128xf32, #tpu.memory_space<vmem_shared>>)
      tpu.yield
    }) : () -> ()
    %mul3A_59 = arith.constant 5 : i32
    %mul3A_60 = arith.muli %arg1, %mul3A_59 : i32
    %add3A_61 = arith.constant 1 : i32
    %add3A_62 = arith.addi %mul3A_60, %add3A_61 : i32
    %mul3A_63 = arith.constant 128 : i32
    %mul3A_64 = arith.muli %add3A_62, %mul3A_63 : i32
    "tpu.region"() ({
      %run_scoped3A_421 = tpu.sem_alloc : memref<!tpu.dma_semaphore, #tpu.memory_space<semaphore_mem>>
      %dma_start3A_422 = arith.constant 0 : i32
      %dma_start3A_423 = tpu.memref_slice %arg17[%mul3A_64, %dma_start3A_422] : memref<10240x128xf32, #tpu.memory_space<vmem_shared>> -> memref<128x128xf32, #tpu.memory_space<vmem_shared>>
      %dma_start3A_424 = arith.constant 0 : i32
      %dma_start3A_425 = tpu.memref_slice %arg17[%mul3A_64, %dma_start3A_424] : memref<10240x128xf32, #tpu.memory_space<vmem_shared>> -> memref<128x128xf32, #tpu.memory_space<vmem_shared>>
      tpu.enqueue_dma source(%arg15 : memref<128x128xf32, #tpu.memory_space<vmem>>) target(%dma_start3A_425 : memref<128x128xf32, #tpu.memory_space<vmem_shared>>) target_semaphore(%run_scoped3A_421 : memref<!tpu.dma_semaphore, #tpu.memory_space<semaphore_mem>>)
      %dma_wait3A = arith.constant 0 : i32
      %dma_wait3A_426 = tpu.memref_slice %arg17[%mul3A_64, %dma_wait3A] : memref<10240x128xf32, #tpu.memory_space<vmem_shared>> -> memref<128x128xf32, #tpu.memory_space<vmem_shared>>
      %dma_wait3A_427 = arith.constant 0 : i32
      %dma_wait3A_428 = tpu.memref_slice %arg17[%mul3A_64, %dma_wait3A_427] : memref<10240x128xf32, #tpu.memory_space<vmem_shared>> -> memref<128x128xf32, #tpu.memory_space<vmem_shared>>
      tpu.wait_dma2 semaphore(%run_scoped3A_421 : memref<!tpu.dma_semaphore, #tpu.memory_space<semaphore_mem>>) src(%arg15 : memref<128x128xf32, #tpu.memory_space<vmem>>) dst(%dma_wait3A_428 : memref<128x128xf32, #tpu.memory_space<vmem_shared>>)
      tpu.yield
    }) : () -> ()
    %mul3A_65 = arith.constant 5 : i32
    %mul3A_66 = arith.muli %arg1, %mul3A_65 : i32
    %add3A_67 = arith.constant 2 : i32
    %add3A_68 = arith.addi %mul3A_66, %add3A_67 : i32
    %mul3A_69 = arith.constant 128 : i32
    %mul3A_70 = arith.muli %add3A_68, %mul3A_69 : i32
    "tpu.region"() ({
      %run_scoped3A_421 = tpu.sem_alloc : memref<!tpu.dma_semaphore, #tpu.memory_space<semaphore_mem>>
      %dma_start3A_422 = arith.constant 0 : i32
      %dma_start3A_423 = tpu.memref_slice %arg17[%mul3A_70, %dma_start3A_422] : memref<10240x128xf32, #tpu.memory_space<vmem_shared>> -> memref<128x128xf32, #tpu.memory_space<vmem_shared>>
      %dma_start3A_424 = arith.constant 0 : i32
      %dma_start3A_425 = tpu.memref_slice %arg17[%mul3A_70, %dma_start3A_424] : memref<10240x128xf32, #tpu.memory_space<vmem_shared>> -> memref<128x128xf32, #tpu.memory_space<vmem_shared>>
      tpu.enqueue_dma source(%arg15 : memref<128x128xf32, #tpu.memory_space<vmem>>) target(%dma_start3A_425 : memref<128x128xf32, #tpu.memory_space<vmem_shared>>) target_semaphore(%run_scoped3A_421 : memref<!tpu.dma_semaphore, #tpu.memory_space<semaphore_mem>>)
      %dma_wait3A = arith.constant 0 : i32
      %dma_wait3A_426 = tpu.memref_slice %arg17[%mul3A_70, %dma_wait3A] : memref<10240x128xf32, #tpu.memory_space<vmem_shared>> -> memref<128x128xf32, #tpu.memory_space<vmem_shared>>
      %dma_wait3A_427 = arith.constant 0 : i32
      %dma_wait3A_428 = tpu.memref_slice %arg17[%mul3A_70, %dma_wait3A_427] : memref<10240x128xf32, #tpu.memory_space<vmem_shared>> -> memref<128x128xf32, #tpu.memory_space<vmem_shared>>
      tpu.wait_dma2 semaphore(%run_scoped3A_421 : memref<!tpu.dma_semaphore, #tpu.memory_space<semaphore_mem>>) src(%arg15 : memref<128x128xf32, #tpu.memory_space<vmem>>) dst(%dma_wait3A_428 : memref<128x128xf32, #tpu.memory_space<vmem_shared>>)
      tpu.yield
    }) : () -> ()
    %mul3A_71 = arith.constant 5 : i32
    %mul3A_72 = arith.muli %arg1, %mul3A_71 : i32
    %add3A_73 = arith.constant 3 : i32
    %add3A_74 = arith.addi %mul3A_72, %add3A_73 : i32
    %mul3A_75 = arith.constant 128 : i32
    %mul3A_76 = arith.muli %add3A_74, %mul3A_75 : i32
    "tpu.region"() ({
      %run_scoped3A_421 = tpu.sem_alloc : memref<!tpu.dma_semaphore, #tpu.memory_space<semaphore_mem>>
      %dma_start3A_422 = arith.constant 0 : i32
      %dma_start3A_423 = tpu.memref_slice %arg17[%mul3A_76, %dma_start3A_422] : memref<10240x128xf32, #tpu.memory_space<vmem_shared>> -> memref<128x128xf32, #tpu.memory_space<vmem_shared>>
      %dma_start3A_424 = arith.constant 0 : i32
      %dma_start3A_425 = tpu.memref_slice %arg17[%mul3A_76, %dma_start3A_424] : memref<10240x128xf32, #tpu.memory_space<vmem_shared>> -> memref<128x128xf32, #tpu.memory_space<vmem_shared>>
      tpu.enqueue_dma source(%arg15 : memref<128x128xf32, #tpu.memory_space<vmem>>) target(%dma_start3A_425 : memref<128x128xf32, #tpu.memory_space<vmem_shared>>) target_semaphore(%run_scoped3A_421 : memref<!tpu.dma_semaphore, #tpu.memory_space<semaphore_mem>>)
      %dma_wait3A = arith.constant 0 : i32
      %dma_wait3A_426 = tpu.memref_slice %arg17[%mul3A_76, %dma_wait3A] : memref<10240x128xf32, #tpu.memory_space<vmem_shared>> -> memref<128x128xf32, #tpu.memory_space<vmem_shared>>
      %dma_wait3A_427 = arith.constant 0 : i32
      %dma_wait3A_428 = tpu.memref_slice %arg17[%mul3A_76, %dma_wait3A_427] : memref<10240x128xf32, #tpu.memory_space<vmem_shared>> -> memref<128x128xf32, #tpu.memory_space<vmem_shared>>
      tpu.wait_dma2 semaphore(%run_scoped3A_421 : memref<!tpu.dma_semaphore, #tpu.memory_space<semaphore_mem>>) src(%arg15 : memref<128x128xf32, #tpu.memory_space<vmem>>) dst(%dma_wait3A_428 : memref<128x128xf32, #tpu.memory_space<vmem_shared>>)
      tpu.yield
    }) : () -> ()
    %mul3A_77 = arith.constant 5 : i32
    %mul3A_78 = arith.muli %arg1, %mul3A_77 : i32
    %add3A_79 = arith.constant 4 : i32
    %add3A_80 = arith.addi %mul3A_78, %add3A_79 : i32
    %mul3A_81 = arith.constant 128 : i32
    %mul3A_82 = arith.muli %add3A_80, %mul3A_81 : i32
    "tpu.region"() ({
      %run_scoped3A_421 = tpu.sem_alloc : memref<!tpu.dma_semaphore, #tpu.memory_space<semaphore_mem>>
      %dma_start3A_422 = arith.constant 0 : i32
      %dma_start3A_423 = tpu.memref_slice %arg17[%mul3A_82, %dma_start3A_422] : memref<10240x128xf32, #tpu.memory_space<vmem_shared>> -> memref<128x128xf32, #tpu.memory_space<vmem_shared>>
      %dma_start3A_424 = arith.constant 0 : i32
      %dma_start3A_425 = tpu.memref_slice %arg17[%mul3A_82, %dma_start3A_424] : memref<10240x128xf32, #tpu.memory_space<vmem_shared>> -> memref<128x128xf32, #tpu.memory_space<vmem_shared>>
      tpu.enqueue_dma source(%arg15 : memref<128x128xf32, #tpu.memory_space<vmem>>) target(%dma_start3A_425 : memref<128x128xf32, #tpu.memory_space<vmem_shared>>) target_semaphore(%run_scoped3A_421 : memref<!tpu.dma_semaphore, #tpu.memory_space<semaphore_mem>>)
      %dma_wait3A = arith.constant 0 : i32
      %dma_wait3A_426 = tpu.memref_slice %arg17[%mul3A_82, %dma_wait3A] : memref<10240x128xf32, #tpu.memory_space<vmem_shared>> -> memref<128x128xf32, #tpu.memory_space<vmem_shared>>
      %dma_wait3A_427 = arith.constant 0 : i32
      %dma_wait3A_428 = tpu.memref_slice %arg17[%mul3A_82, %dma_wait3A_427] : memref<10240x128xf32, #tpu.memory_space<vmem_shared>> -> memref<128x128xf32, #tpu.memory_space<vmem_shared>>
      tpu.wait_dma2 semaphore(%run_scoped3A_421 : memref<!tpu.dma_semaphore, #tpu.memory_space<semaphore_mem>>) src(%arg15 : memref<128x128xf32, #tpu.memory_space<vmem>>) dst(%dma_wait3A_428 : memref<128x128xf32, #tpu.memory_space<vmem_shared>>)
      tpu.yield
    }) : () -> ()
    %barrier3A_83 = arith.constant 0 : index
    tpu.barrier barrier_id(%barrier3A_83)
    %dma_start3A_84 = arith.constant 0 : i32
    %dma_start3A_85 = arith.constant 0 : i32
    %dma_start3A_86 = tpu.memref_slice %arg13[%dma_start3A_84, %dma_start3A_85] : memref<40x128xi32, #tpu.memory_space<vmem>> -> memref<1x128xi32, #tpu.memory_space<vmem>>
    %dma_start3A_87 = tpu.memref_squeeze %dma_start3A_86 : memref<1x128xi32, #tpu.memory_space<vmem>> -> memref<128xi32, #tpu.memory_space<vmem>>
    %dma_start3A_88 = arith.constant 0 : i32
    %dma_start3A_89 = arith.constant 0 : i32
    %dma_start3A_90 = tpu.memref_slice %arg8[%dma_start3A_88, %dma_start3A_89] : memref<10000x128xf32, #tpu.memory_space<hbm>> -> memref<10000x128xf32, #tpu.memory_space<hbm>>
    tpu.enqueue_indirect_dma source(%dma_start3A_90 : memref<10000x128xf32, #tpu.memory_space<hbm>>) target(%arg15 : memref<128x128xf32, #tpu.memory_space<vmem>>) offsets(%dma_start3A_87 : memref<128xi32, #tpu.memory_space<vmem>>) semaphore(%arg18 : memref<!tpu.dma_semaphore, #tpu.memory_space<semaphore_mem>>)
    %scan3A_91 = arith.constant 0 : i32
    %scan3A_92 = arith.constant 0 : i32
    %scan3A_93 = arith.constant 20 : i32
    %scan3A_94 = arith.addi %scan3A_92, %scan3A_93 : i32
    %scan3A_95 = arith.constant 1 : i32
    %scan3A_96 = scf.for %scan3A_421 = %scan3A_92 to %scan3A_94 step %scan3A_95 iter_args(%scan3A_422 = %scan3A_91) -> (i32)  : i32 {
      %mul3A_423 = arith.constant 2 : i32
      %mul3A_424 = arith.muli %scan3A_421, %mul3A_423 : i32
      %add3A_425 = arith.constant 0 : i32
      %add3A_426 = arith.addi %mul3A_424, %add3A_425 : i32
      %add3A_427 = arith.constant 1 : i32
      %add3A_428 = arith.addi %add3A_426, %add3A_427 : i32
      %lt3A = arith.constant 40 : i32
      %lt3A_429 = arith.cmpi slt, %add3A_428, %lt3A : i32
      %convert_element_type3A = arith.extui %lt3A_429 : i1 to i32
      %cond3A = arith.constant 0 : i32
      %cond3A_430 = arith.cmpi ne, %convert_element_type3A, %cond3A : i32
      scf.if %cond3A_430 {
        %add3A_454 = arith.constant 1 : i32
        %add3A_455 = arith.addi %add3A_426, %add3A_454 : i32
        %dma_start3A_456 = arith.constant 0 : i32
        %dma_start3A_457 = tpu.memref_slice %arg13[%add3A_455, %dma_start3A_456] : memref<40x128xi32, #tpu.memory_space<vmem>> -> memref<1x128xi32, #tpu.memory_space<vmem>>
        %dma_start3A_458 = tpu.memref_squeeze %dma_start3A_457 : memref<1x128xi32, #tpu.memory_space<vmem>> -> memref<128xi32, #tpu.memory_space<vmem>>
        %dma_start3A_459 = arith.constant 0 : i32
        %dma_start3A_460 = arith.constant 0 : i32
        %dma_start3A_461 = tpu.memref_slice %arg8[%dma_start3A_459, %dma_start3A_460] : memref<10000x128xf32, #tpu.memory_space<hbm>> -> memref<10000x128xf32, #tpu.memory_space<hbm>>
        tpu.enqueue_indirect_dma source(%dma_start3A_461 : memref<10000x128xf32, #tpu.memory_space<hbm>>) target(%arg16 : memref<128x128xf32, #tpu.memory_space<vmem>>) offsets(%dma_start3A_458 : memref<128xi32, #tpu.memory_space<vmem>>) semaphore(%arg19 : memref<!tpu.dma_semaphore, #tpu.memory_space<semaphore_mem>>)
      } else {
      }
      %dma_wait3A = arith.constant 0 : i32
      %dma_wait3A_431 = tpu.memref_slice %arg13[%add3A_426, %dma_wait3A] : memref<40x128xi32, #tpu.memory_space<vmem>> -> memref<1x128xi32, #tpu.memory_space<vmem>>
      %dma_wait3A_432 = tpu.memref_squeeze %dma_wait3A_431 : memref<1x128xi32, #tpu.memory_space<vmem>> -> memref<128xi32, #tpu.memory_space<vmem>>
      %dma_wait3A_433 = arith.constant 0 : i32
      %dma_wait3A_434 = arith.constant 0 : i32
      %dma_wait3A_435 = tpu.memref_slice %arg8[%dma_wait3A_433, %dma_wait3A_434] : memref<10000x128xf32, #tpu.memory_space<hbm>> -> memref<10000x128xf32, #tpu.memory_space<hbm>>
      tpu.wait_indirect_dma semaphore(%arg18 : memref<!tpu.dma_semaphore, #tpu.memory_space<semaphore_mem>>) src(%dma_wait3A_435 : memref<10000x128xf32, #tpu.memory_space<hbm>>) dst(%arg15 : memref<128x128xf32, #tpu.memory_space<vmem>>)
      "tpu.region"() ({
        %run_scoped3A_454 = tpu.sem_alloc : memref<!tpu.dma_semaphore, #tpu.memory_space<semaphore_mem>>
        %dma_start3A_455 = arith.constant 0 : i32
        %dma_start3A_456 = tpu.memref_slice %arg14[%add3A_426, %dma_start3A_455] : memref<40x128xi32, #tpu.memory_space<vmem>> -> memref<1x128xi32, #tpu.memory_space<vmem>>
        %dma_start3A_457 = tpu.memref_squeeze %dma_start3A_456 : memref<1x128xi32, #tpu.memory_space<vmem>> -> memref<128xi32, #tpu.memory_space<vmem>>
        %dma_start3A_458 = arith.constant 0 : i32
        %dma_start3A_459 = arith.constant 0 : i32
        %dma_start3A_460 = tpu.memref_slice %arg17[%dma_start3A_458, %dma_start3A_459] : memref<10240x128xf32, #tpu.memory_space<vmem_shared>> -> memref<10240x128xf32, #tpu.memory_space<vmem_shared>>
        tpu.enqueue_indirect_dma source(%arg15 : memref<128x128xf32, #tpu.memory_space<vmem>>) target(%dma_start3A_460 : memref<10240x128xf32, #tpu.memory_space<vmem_shared>>) offsets(%dma_start3A_457 : memref<128xi32, #tpu.memory_space<vmem>>) semaphore(%run_scoped3A_454 : memref<!tpu.dma_semaphore, #tpu.memory_space<semaphore_mem>>) {add = true}
        %dma_wait3A_461 = arith.constant 0 : i32
        %dma_wait3A_462 = tpu.memref_slice %arg14[%add3A_426, %dma_wait3A_461] : memref<40x128xi32, #tpu.memory_space<vmem>> -> memref<1x128xi32, #tpu.memory_space<vmem>>
        %dma_wait3A_463 = tpu.memref_squeeze %dma_wait3A_462 : memref<1x128xi32, #tpu.memory_space<vmem>> -> memref<128xi32, #tpu.memory_space<vmem>>
        %dma_wait3A_464 = arith.constant 0 : i32
        %dma_wait3A_465 = arith.constant 0 : i32
        %dma_wait3A_466 = tpu.memref_slice %arg17[%dma_wait3A_464, %dma_wait3A_465] : memref<10240x128xf32, #tpu.memory_space<vmem_shared>> -> memref<10240x128xf32, #tpu.memory_space<vmem_shared>>
        tpu.wait_indirect_dma semaphore(%run_scoped3A_454 : memref<!tpu.dma_semaphore, #tpu.memory_space<semaphore_mem>>) src(%arg15 : memref<128x128xf32, #tpu.memory_space<vmem>>) dst(%dma_wait3A_466 : memref<10240x128xf32, #tpu.memory_space<vmem_shared>>)
        tpu.yield
      }) : () -> ()
      %mul3A_436 = arith.constant 2 : i32
      %mul3A_437 = arith.muli %scan3A_421, %mul3A_436 : i32
      %add3A_438 = arith.constant 1 : i32
      %add3A_439 = arith.addi %mul3A_437, %add3A_438 : i32
      %add3A_440 = arith.constant 1 : i32
      %add3A_441 = arith.addi %add3A_439, %add3A_440 : i32
      %lt3A_442 = arith.constant 40 : i32
      %lt3A_443 = arith.cmpi slt, %add3A_441, %lt3A_442 : i32
      %convert_element_type3A_444 = arith.extui %lt3A_443 : i1 to i32
      %cond3A_445 = arith.constant 0 : i32
      %cond3A_446 = arith.cmpi ne, %convert_element_type3A_444, %cond3A_445 : i32
      scf.if %cond3A_446 {
        %add3A_454 = arith.constant 1 : i32
        %add3A_455 = arith.addi %add3A_439, %add3A_454 : i32
        %dma_start3A_456 = arith.constant 0 : i32
        %dma_start3A_457 = tpu.memref_slice %arg13[%add3A_455, %dma_start3A_456] : memref<40x128xi32, #tpu.memory_space<vmem>> -> memref<1x128xi32, #tpu.memory_space<vmem>>
        %dma_start3A_458 = tpu.memref_squeeze %dma_start3A_457 : memref<1x128xi32, #tpu.memory_space<vmem>> -> memref<128xi32, #tpu.memory_space<vmem>>
        %dma_start3A_459 = arith.constant 0 : i32
        %dma_start3A_460 = arith.constant 0 : i32
        %dma_start3A_461 = tpu.memref_slice %arg8[%dma_start3A_459, %dma_start3A_460] : memref<10000x128xf32, #tpu.memory_space<hbm>> -> memref<10000x128xf32, #tpu.memory_space<hbm>>
        tpu.enqueue_indirect_dma source(%dma_start3A_461 : memref<10000x128xf32, #tpu.memory_space<hbm>>) target(%arg15 : memref<128x128xf32, #tpu.memory_space<vmem>>) offsets(%dma_start3A_458 : memref<128xi32, #tpu.memory_space<vmem>>) semaphore(%arg18 : memref<!tpu.dma_semaphore, #tpu.memory_space<semaphore_mem>>)
      } else {
      }
      %dma_wait3A_447 = arith.constant 0 : i32
      %dma_wait3A_448 = tpu.memref_slice %arg13[%add3A_439, %dma_wait3A_447] : memref<40x128xi32, #tpu.memory_space<vmem>> -> memref<1x128xi32, #tpu.memory_space<vmem>>
      %dma_wait3A_449 = tpu.memref_squeeze %dma_wait3A_448 : memref<1x128xi32, #tpu.memory_space<vmem>> -> memref<128xi32, #tpu.memory_space<vmem>>
      %dma_wait3A_450 = arith.constant 0 : i32
      %dma_wait3A_451 = arith.constant 0 : i32
      %dma_wait3A_452 = tpu.memref_slice %arg8[%dma_wait3A_450, %dma_wait3A_451] : memref<10000x128xf32, #tpu.memory_space<hbm>> -> memref<10000x128xf32, #tpu.memory_space<hbm>>
      tpu.wait_indirect_dma semaphore(%arg19 : memref<!tpu.dma_semaphore, #tpu.memory_space<semaphore_mem>>) src(%dma_wait3A_452 : memref<10000x128xf32, #tpu.memory_space<hbm>>) dst(%arg16 : memref<128x128xf32, #tpu.memory_space<vmem>>)
      "tpu.region"() ({
        %run_scoped3A_454 = tpu.sem_alloc : memref<!tpu.dma_semaphore, #tpu.memory_space<semaphore_mem>>
        %dma_start3A_455 = arith.constant 0 : i32
        %dma_start3A_456 = tpu.memref_slice %arg14[%add3A_439, %dma_start3A_455] : memref<40x128xi32, #tpu.memory_space<vmem>> -> memref<1x128xi32, #tpu.memory_space<vmem>>
        %dma_start3A_457 = tpu.memref_squeeze %dma_start3A_456 : memref<1x128xi32, #tpu.memory_space<vmem>> -> memref<128xi32, #tpu.memory_space<vmem>>
        %dma_start3A_458 = arith.constant 0 : i32
        %dma_start3A_459 = arith.constant 0 : i32
        %dma_start3A_460 = tpu.memref_slice %arg17[%dma_start3A_458, %dma_start3A_459] : memref<10240x128xf32, #tpu.memory_space<vmem_shared>> -> memref<10240x128xf32, #tpu.memory_space<vmem_shared>>
        tpu.enqueue_indirect_dma source(%arg16 : memref<128x128xf32, #tpu.memory_space<vmem>>) target(%dma_start3A_460 : memref<10240x128xf32, #tpu.memory_space<vmem_shared>>) offsets(%dma_start3A_457 : memref<128xi32, #tpu.memory_space<vmem>>) semaphore(%run_scoped3A_454 : memref<!tpu.dma_semaphore, #tpu.memory_space<semaphore_mem>>) {add = true}
        %dma_wait3A_461 = arith.constant 0 : i32
        %dma_wait3A_462 = tpu.memref_slice %arg14[%add3A_439, %dma_wait3A_461] : memref<40x128xi32, #tpu.memory_space<vmem>> -> memref<1x128xi32, #tpu.memory_space<vmem>>
        %dma_wait3A_463 = tpu.memref_squeeze %dma_wait3A_462 : memref<1x128xi32, #tpu.memory_space<vmem>> -> memref<128xi32, #tpu.memory_space<vmem>>
        %dma_wait3A_464 = arith.constant 0 : i32
        %dma_wait3A_465 = arith.constant 0 : i32
        %dma_wait3A_466 = tpu.memref_slice %arg17[%dma_wait3A_464, %dma_wait3A_465] : memref<10240x128xf32, #tpu.memory_space<vmem_shared>> -> memref<10240x128xf32, #tpu.memory_space<vmem_shared>>
        tpu.wait_indirect_dma semaphore(%run_scoped3A_454 : memref<!tpu.dma_semaphore, #tpu.memory_space<semaphore_mem>>) src(%arg16 : memref<128x128xf32, #tpu.memory_space<vmem>>) dst(%dma_wait3A_466 : memref<10240x128xf32, #tpu.memory_space<vmem_shared>>)
        tpu.yield
      }) : () -> ()
      %scan3A_453 = arith.constant 0 : i32
      scf.yield %scan3A_453 : i32
    }
    %scan3A_97 = arith.constant 20 : i32
    %barrier3A_98 = arith.constant 0 : index
    tpu.barrier barrier_id(%barrier3A_98)
    %mul3A_99 = arith.constant 640 : i32
    %mul3A_100 = arith.muli %arg1, %mul3A_99 : i32
    %mul3A_101 = arith.constant 640 : i32
    %mul3A_102 = arith.muli %arg1, %mul3A_101 : i32
    %run_scoped3A_103 = arith.constant 1 : i32
    "tpu.region"() ({
      %run_scoped3A_421 = tpu.sem_alloc : memref<!tpu.dma_semaphore, #tpu.memory_space<semaphore_mem>>
      %dma_start3A_422 = arith.constant 0 : i32
      %dma_start3A_423 = tpu.memref_slice %arg11[%arg0, %run_scoped3A_103, %mul3A_102, %dma_start3A_422] : memref<2x4x10240x128xf32, #tpu.memory_space<hbm>> -> memref<1x1x640x128xf32, #tpu.memory_space<hbm>>
      %dma_start3A_424 = tpu.memref_squeeze %dma_start3A_423 : memref<1x1x640x128xf32, #tpu.memory_space<hbm>> -> memref<640x128xf32, #tpu.memory_space<hbm>>
      %dma_start3A_425 = arith.constant 0 : i32
      %dma_start3A_426 = tpu.memref_slice %arg17[%mul3A_100, %dma_start3A_425] : memref<10240x128xf32, #tpu.memory_space<vmem_shared>> -> memref<640x128xf32, #tpu.memory_space<vmem_shared>>
      tpu.enqueue_dma source(%dma_start3A_426 : memref<640x128xf32, #tpu.memory_space<vmem_shared>>) target(%dma_start3A_424 : memref<640x128xf32, #tpu.memory_space<hbm>>) target_semaphore(%run_scoped3A_421 : memref<!tpu.dma_semaphore, #tpu.memory_space<semaphore_mem>>)
      %dma_wait3A = arith.constant 0 : i32
      %dma_wait3A_427 = tpu.memref_slice %arg11[%arg0, %run_scoped3A_103, %mul3A_102, %dma_wait3A] : memref<2x4x10240x128xf32, #tpu.memory_space<hbm>> -> memref<1x1x640x128xf32, #tpu.memory_space<hbm>>
      %dma_wait3A_428 = tpu.memref_squeeze %dma_wait3A_427 : memref<1x1x640x128xf32, #tpu.memory_space<hbm>> -> memref<640x128xf32, #tpu.memory_space<hbm>>
      %dma_wait3A_429 = arith.constant 0 : i32
      %dma_wait3A_430 = tpu.memref_slice %arg17[%mul3A_100, %dma_wait3A_429] : memref<10240x128xf32, #tpu.memory_space<vmem_shared>> -> memref<640x128xf32, #tpu.memory_space<vmem_shared>>
      tpu.wait_dma2 semaphore(%run_scoped3A_421 : memref<!tpu.dma_semaphore, #tpu.memory_space<semaphore_mem>>) src(%dma_wait3A_430 : memref<640x128xf32, #tpu.memory_space<vmem_shared>>) dst(%dma_wait3A_428 : memref<640x128xf32, #tpu.memory_space<hbm>>)
      tpu.yield
    }) : () -> ()
    %barrier3A_104 = arith.constant 0 : index
    tpu.barrier barrier_id(%barrier3A_104)
    "tpu.region"() ({
      %run_scoped3A_421 = tpu.sem_alloc : memref<!tpu.dma_semaphore, #tpu.memory_space<semaphore_mem>>
      tpu.enqueue_dma source(%arg6 : memref<128x128xf32, #tpu.memory_space<hbm>>) target(%arg15 : memref<128x128xf32, #tpu.memory_space<vmem>>) target_semaphore(%run_scoped3A_421 : memref<!tpu.dma_semaphore, #tpu.memory_space<semaphore_mem>>)
      tpu.wait_dma2 semaphore(%run_scoped3A_421 : memref<!tpu.dma_semaphore, #tpu.memory_space<semaphore_mem>>) src(%arg6 : memref<128x128xf32, #tpu.memory_space<hbm>>) dst(%arg15 : memref<128x128xf32, #tpu.memory_space<vmem>>)
      tpu.yield
    }) : () -> ()
    %mul3A_105 = arith.constant 5 : i32
    %mul3A_106 = arith.muli %arg1, %mul3A_105 : i32
    %add3A_107 = arith.constant 0 : i32
    %add3A_108 = arith.addi %mul3A_106, %add3A_107 : i32
    %mul3A_109 = arith.constant 128 : i32
    %mul3A_110 = arith.muli %add3A_108, %mul3A_109 : i32
    "tpu.region"() ({
      %run_scoped3A_421 = tpu.sem_alloc : memref<!tpu.dma_semaphore, #tpu.memory_space<semaphore_mem>>
      %dma_start3A_422 = arith.constant 0 : i32
      %dma_start3A_423 = tpu.memref_slice %arg17[%mul3A_110, %dma_start3A_422] : memref<10240x128xf32, #tpu.memory_space<vmem_shared>> -> memref<128x128xf32, #tpu.memory_space<vmem_shared>>
      %dma_start3A_424 = arith.constant 0 : i32
      %dma_start3A_425 = tpu.memref_slice %arg17[%mul3A_110, %dma_start3A_424] : memref<10240x128xf32, #tpu.memory_space<vmem_shared>> -> memref<128x128xf32, #tpu.memory_space<vmem_shared>>
      tpu.enqueue_dma source(%arg15 : memref<128x128xf32, #tpu.memory_space<vmem>>) target(%dma_start3A_425 : memref<128x128xf32, #tpu.memory_space<vmem_shared>>) target_semaphore(%run_scoped3A_421 : memref<!tpu.dma_semaphore, #tpu.memory_space<semaphore_mem>>)
      %dma_wait3A = arith.constant 0 : i32
      %dma_wait3A_426 = tpu.memref_slice %arg17[%mul3A_110, %dma_wait3A] : memref<10240x128xf32, #tpu.memory_space<vmem_shared>> -> memref<128x128xf32, #tpu.memory_space<vmem_shared>>
      %dma_wait3A_427 = arith.constant 0 : i32
      %dma_wait3A_428 = tpu.memref_slice %arg17[%mul3A_110, %dma_wait3A_427] : memref<10240x128xf32, #tpu.memory_space<vmem_shared>> -> memref<128x128xf32, #tpu.memory_space<vmem_shared>>
      tpu.wait_dma2 semaphore(%run_scoped3A_421 : memref<!tpu.dma_semaphore, #tpu.memory_space<semaphore_mem>>) src(%arg15 : memref<128x128xf32, #tpu.memory_space<vmem>>) dst(%dma_wait3A_428 : memref<128x128xf32, #tpu.memory_space<vmem_shared>>)
      tpu.yield
    }) : () -> ()
    %mul3A_111 = arith.constant 5 : i32
    %mul3A_112 = arith.muli %arg1, %mul3A_111 : i32
    %add3A_113 = arith.constant 1 : i32
    %add3A_114 = arith.addi %mul3A_112, %add3A_113 : i32
    %mul3A_115 = arith.constant 128 : i32
    %mul3A_116 = arith.muli %add3A_114, %mul3A_115 : i32
    "tpu.region"() ({
      %run_scoped3A_421 = tpu.sem_alloc : memref<!tpu.dma_semaphore, #tpu.memory_space<semaphore_mem>>
      %dma_start3A_422 = arith.constant 0 : i32
      %dma_start3A_423 = tpu.memref_slice %arg17[%mul3A_116, %dma_start3A_422] : memref<10240x128xf32, #tpu.memory_space<vmem_shared>> -> memref<128x128xf32, #tpu.memory_space<vmem_shared>>
      %dma_start3A_424 = arith.constant 0 : i32
      %dma_start3A_425 = tpu.memref_slice %arg17[%mul3A_116, %dma_start3A_424] : memref<10240x128xf32, #tpu.memory_space<vmem_shared>> -> memref<128x128xf32, #tpu.memory_space<vmem_shared>>
      tpu.enqueue_dma source(%arg15 : memref<128x128xf32, #tpu.memory_space<vmem>>) target(%dma_start3A_425 : memref<128x128xf32, #tpu.memory_space<vmem_shared>>) target_semaphore(%run_scoped3A_421 : memref<!tpu.dma_semaphore, #tpu.memory_space<semaphore_mem>>)
      %dma_wait3A = arith.constant 0 : i32
      %dma_wait3A_426 = tpu.memref_slice %arg17[%mul3A_116, %dma_wait3A] : memref<10240x128xf32, #tpu.memory_space<vmem_shared>> -> memref<128x128xf32, #tpu.memory_space<vmem_shared>>
      %dma_wait3A_427 = arith.constant 0 : i32
      %dma_wait3A_428 = tpu.memref_slice %arg17[%mul3A_116, %dma_wait3A_427] : memref<10240x128xf32, #tpu.memory_space<vmem_shared>> -> memref<128x128xf32, #tpu.memory_space<vmem_shared>>
      tpu.wait_dma2 semaphore(%run_scoped3A_421 : memref<!tpu.dma_semaphore, #tpu.memory_space<semaphore_mem>>) src(%arg15 : memref<128x128xf32, #tpu.memory_space<vmem>>) dst(%dma_wait3A_428 : memref<128x128xf32, #tpu.memory_space<vmem_shared>>)
      tpu.yield
    }) : () -> ()
    %mul3A_117 = arith.constant 5 : i32
    %mul3A_118 = arith.muli %arg1, %mul3A_117 : i32
    %add3A_119 = arith.constant 2 : i32
    %add3A_120 = arith.addi %mul3A_118, %add3A_119 : i32
    %mul3A_121 = arith.constant 128 : i32
    %mul3A_122 = arith.muli %add3A_120, %mul3A_121 : i32
    "tpu.region"() ({
      %run_scoped3A_421 = tpu.sem_alloc : memref<!tpu.dma_semaphore, #tpu.memory_space<semaphore_mem>>
      %dma_start3A_422 = arith.constant 0 : i32
      %dma_start3A_423 = tpu.memref_slice %arg17[%mul3A_122, %dma_start3A_422] : memref<10240x128xf32, #tpu.memory_space<vmem_shared>> -> memref<128x128xf32, #tpu.memory_space<vmem_shared>>
      %dma_start3A_424 = arith.constant 0 : i32
      %dma_start3A_425 = tpu.memref_slice %arg17[%mul3A_122, %dma_start3A_424] : memref<10240x128xf32, #tpu.memory_space<vmem_shared>> -> memref<128x128xf32, #tpu.memory_space<vmem_shared>>
      tpu.enqueue_dma source(%arg15 : memref<128x128xf32, #tpu.memory_space<vmem>>) target(%dma_start3A_425 : memref<128x128xf32, #tpu.memory_space<vmem_shared>>) target_semaphore(%run_scoped3A_421 : memref<!tpu.dma_semaphore, #tpu.memory_space<semaphore_mem>>)
      %dma_wait3A = arith.constant 0 : i32
      %dma_wait3A_426 = tpu.memref_slice %arg17[%mul3A_122, %dma_wait3A] : memref<10240x128xf32, #tpu.memory_space<vmem_shared>> -> memref<128x128xf32, #tpu.memory_space<vmem_shared>>
      %dma_wait3A_427 = arith.constant 0 : i32
      %dma_wait3A_428 = tpu.memref_slice %arg17[%mul3A_122, %dma_wait3A_427] : memref<10240x128xf32, #tpu.memory_space<vmem_shared>> -> memref<128x128xf32, #tpu.memory_space<vmem_shared>>
      tpu.wait_dma2 semaphore(%run_scoped3A_421 : memref<!tpu.dma_semaphore, #tpu.memory_space<semaphore_mem>>) src(%arg15 : memref<128x128xf32, #tpu.memory_space<vmem>>) dst(%dma_wait3A_428 : memref<128x128xf32, #tpu.memory_space<vmem_shared>>)
      tpu.yield
    }) : () -> ()
    %mul3A_123 = arith.constant 5 : i32
    %mul3A_124 = arith.muli %arg1, %mul3A_123 : i32
    %add3A_125 = arith.constant 3 : i32
    %add3A_126 = arith.addi %mul3A_124, %add3A_125 : i32
    %mul3A_127 = arith.constant 128 : i32
    %mul3A_128 = arith.muli %add3A_126, %mul3A_127 : i32
    "tpu.region"() ({
      %run_scoped3A_421 = tpu.sem_alloc : memref<!tpu.dma_semaphore, #tpu.memory_space<semaphore_mem>>
      %dma_start3A_422 = arith.constant 0 : i32
      %dma_start3A_423 = tpu.memref_slice %arg17[%mul3A_128, %dma_start3A_422] : memref<10240x128xf32, #tpu.memory_space<vmem_shared>> -> memref<128x128xf32, #tpu.memory_space<vmem_shared>>
      %dma_start3A_424 = arith.constant 0 : i32
      %dma_start3A_425 = tpu.memref_slice %arg17[%mul3A_128, %dma_start3A_424] : memref<10240x128xf32, #tpu.memory_space<vmem_shared>> -> memref<128x128xf32, #tpu.memory_space<vmem_shared>>
      tpu.enqueue_dma source(%arg15 : memref<128x128xf32, #tpu.memory_space<vmem>>) target(%dma_start3A_425 : memref<128x128xf32, #tpu.memory_space<vmem_shared>>) target_semaphore(%run_scoped3A_421 : memref<!tpu.dma_semaphore, #tpu.memory_space<semaphore_mem>>)
      %dma_wait3A = arith.constant 0 : i32
      %dma_wait3A_426 = tpu.memref_slice %arg17[%mul3A_128, %dma_wait3A] : memref<10240x128xf32, #tpu.memory_space<vmem_shared>> -> memref<128x128xf32, #tpu.memory_space<vmem_shared>>
      %dma_wait3A_427 = arith.constant 0 : i32
      %dma_wait3A_428 = tpu.memref_slice %arg17[%mul3A_128, %dma_wait3A_427] : memref<10240x128xf32, #tpu.memory_space<vmem_shared>> -> memref<128x128xf32, #tpu.memory_space<vmem_shared>>
      tpu.wait_dma2 semaphore(%run_scoped3A_421 : memref<!tpu.dma_semaphore, #tpu.memory_space<semaphore_mem>>) src(%arg15 : memref<128x128xf32, #tpu.memory_space<vmem>>) dst(%dma_wait3A_428 : memref<128x128xf32, #tpu.memory_space<vmem_shared>>)
      tpu.yield
    }) : () -> ()
    %mul3A_129 = arith.constant 5 : i32
    %mul3A_130 = arith.muli %arg1, %mul3A_129 : i32
    %add3A_131 = arith.constant 4 : i32
    %add3A_132 = arith.addi %mul3A_130, %add3A_131 : i32
    %mul3A_133 = arith.constant 128 : i32
    %mul3A_134 = arith.muli %add3A_132, %mul3A_133 : i32
    "tpu.region"() ({
      %run_scoped3A_421 = tpu.sem_alloc : memref<!tpu.dma_semaphore, #tpu.memory_space<semaphore_mem>>
      %dma_start3A_422 = arith.constant 0 : i32
      %dma_start3A_423 = tpu.memref_slice %arg17[%mul3A_134, %dma_start3A_422] : memref<10240x128xf32, #tpu.memory_space<vmem_shared>> -> memref<128x128xf32, #tpu.memory_space<vmem_shared>>
      %dma_start3A_424 = arith.constant 0 : i32
      %dma_start3A_425 = tpu.memref_slice %arg17[%mul3A_134, %dma_start3A_424] : memref<10240x128xf32, #tpu.memory_space<vmem_shared>> -> memref<128x128xf32, #tpu.memory_space<vmem_shared>>
      tpu.enqueue_dma source(%arg15 : memref<128x128xf32, #tpu.memory_space<vmem>>) target(%dma_start3A_425 : memref<128x128xf32, #tpu.memory_space<vmem_shared>>) target_semaphore(%run_scoped3A_421 : memref<!tpu.dma_semaphore, #tpu.memory_space<semaphore_mem>>)
      %dma_wait3A = arith.constant 0 : i32
      %dma_wait3A_426 = tpu.memref_slice %arg17[%mul3A_134, %dma_wait3A] : memref<10240x128xf32, #tpu.memory_space<vmem_shared>> -> memref<128x128xf32, #tpu.memory_space<vmem_shared>>
      %dma_wait3A_427 = arith.constant 0 : i32
      %dma_wait3A_428 = tpu.memref_slice %arg17[%mul3A_134, %dma_wait3A_427] : memref<10240x128xf32, #tpu.memory_space<vmem_shared>> -> memref<128x128xf32, #tpu.memory_space<vmem_shared>>
      tpu.wait_dma2 semaphore(%run_scoped3A_421 : memref<!tpu.dma_semaphore, #tpu.memory_space<semaphore_mem>>) src(%arg15 : memref<128x128xf32, #tpu.memory_space<vmem>>) dst(%dma_wait3A_428 : memref<128x128xf32, #tpu.memory_space<vmem_shared>>)
      tpu.yield
    }) : () -> ()
    %barrier3A_135 = arith.constant 0 : index
    tpu.barrier barrier_id(%barrier3A_135)
    %dma_start3A_136 = arith.constant 0 : i32
    %dma_start3A_137 = arith.constant 0 : i32
    %dma_start3A_138 = tpu.memref_slice %arg13[%dma_start3A_136, %dma_start3A_137] : memref<40x128xi32, #tpu.memory_space<vmem>> -> memref<1x128xi32, #tpu.memory_space<vmem>>
    %dma_start3A_139 = tpu.memref_squeeze %dma_start3A_138 : memref<1x128xi32, #tpu.memory_space<vmem>> -> memref<128xi32, #tpu.memory_space<vmem>>
    %dma_start3A_140 = arith.constant 0 : i32
    %dma_start3A_141 = arith.constant 0 : i32
    %dma_start3A_142 = tpu.memref_slice %arg9[%dma_start3A_140, %dma_start3A_141] : memref<10000x128xf32, #tpu.memory_space<hbm>> -> memref<10000x128xf32, #tpu.memory_space<hbm>>
    tpu.enqueue_indirect_dma source(%dma_start3A_142 : memref<10000x128xf32, #tpu.memory_space<hbm>>) target(%arg15 : memref<128x128xf32, #tpu.memory_space<vmem>>) offsets(%dma_start3A_139 : memref<128xi32, #tpu.memory_space<vmem>>) semaphore(%arg18 : memref<!tpu.dma_semaphore, #tpu.memory_space<semaphore_mem>>)
    %scan3A_143 = arith.constant 0 : i32
    %scan3A_144 = arith.constant 0 : i32
    %scan3A_145 = arith.constant 20 : i32
    %scan3A_146 = arith.addi %scan3A_144, %scan3A_145 : i32
    %scan3A_147 = arith.constant 1 : i32
    %scan3A_148 = scf.for %scan3A_421 = %scan3A_144 to %scan3A_146 step %scan3A_147 iter_args(%scan3A_422 = %scan3A_143) -> (i32)  : i32 {
      %mul3A_423 = arith.constant 2 : i32
      %mul3A_424 = arith.muli %scan3A_421, %mul3A_423 : i32
      %add3A_425 = arith.constant 0 : i32
      %add3A_426 = arith.addi %mul3A_424, %add3A_425 : i32
      %add3A_427 = arith.constant 1 : i32
      %add3A_428 = arith.addi %add3A_426, %add3A_427 : i32
      %lt3A = arith.constant 40 : i32
      %lt3A_429 = arith.cmpi slt, %add3A_428, %lt3A : i32
      %convert_element_type3A = arith.extui %lt3A_429 : i1 to i32
      %cond3A = arith.constant 0 : i32
      %cond3A_430 = arith.cmpi ne, %convert_element_type3A, %cond3A : i32
      scf.if %cond3A_430 {
        %add3A_454 = arith.constant 1 : i32
        %add3A_455 = arith.addi %add3A_426, %add3A_454 : i32
        %dma_start3A_456 = arith.constant 0 : i32
        %dma_start3A_457 = tpu.memref_slice %arg13[%add3A_455, %dma_start3A_456] : memref<40x128xi32, #tpu.memory_space<vmem>> -> memref<1x128xi32, #tpu.memory_space<vmem>>
        %dma_start3A_458 = tpu.memref_squeeze %dma_start3A_457 : memref<1x128xi32, #tpu.memory_space<vmem>> -> memref<128xi32, #tpu.memory_space<vmem>>
        %dma_start3A_459 = arith.constant 0 : i32
        %dma_start3A_460 = arith.constant 0 : i32
        %dma_start3A_461 = tpu.memref_slice %arg9[%dma_start3A_459, %dma_start3A_460] : memref<10000x128xf32, #tpu.memory_space<hbm>> -> memref<10000x128xf32, #tpu.memory_space<hbm>>
        tpu.enqueue_indirect_dma source(%dma_start3A_461 : memref<10000x128xf32, #tpu.memory_space<hbm>>) target(%arg16 : memref<128x128xf32, #tpu.memory_space<vmem>>) offsets(%dma_start3A_458 : memref<128xi32, #tpu.memory_space<vmem>>) semaphore(%arg19 : memref<!tpu.dma_semaphore, #tpu.memory_space<semaphore_mem>>)
      } else {
      }
      %dma_wait3A = arith.constant 0 : i32
      %dma_wait3A_431 = tpu.memref_slice %arg13[%add3A_426, %dma_wait3A] : memref<40x128xi32, #tpu.memory_space<vmem>> -> memref<1x128xi32, #tpu.memory_space<vmem>>
      %dma_wait3A_432 = tpu.memref_squeeze %dma_wait3A_431 : memref<1x128xi32, #tpu.memory_space<vmem>> -> memref<128xi32, #tpu.memory_space<vmem>>
      %dma_wait3A_433 = arith.constant 0 : i32
      %dma_wait3A_434 = arith.constant 0 : i32
      %dma_wait3A_435 = tpu.memref_slice %arg9[%dma_wait3A_433, %dma_wait3A_434] : memref<10000x128xf32, #tpu.memory_space<hbm>> -> memref<10000x128xf32, #tpu.memory_space<hbm>>
      tpu.wait_indirect_dma semaphore(%arg18 : memref<!tpu.dma_semaphore, #tpu.memory_space<semaphore_mem>>) src(%dma_wait3A_435 : memref<10000x128xf32, #tpu.memory_space<hbm>>) dst(%arg15 : memref<128x128xf32, #tpu.memory_space<vmem>>)
      "tpu.region"() ({
        %run_scoped3A_454 = tpu.sem_alloc : memref<!tpu.dma_semaphore, #tpu.memory_space<semaphore_mem>>
        %dma_start3A_455 = arith.constant 0 : i32
        %dma_start3A_456 = tpu.memref_slice %arg14[%add3A_426, %dma_start3A_455] : memref<40x128xi32, #tpu.memory_space<vmem>> -> memref<1x128xi32, #tpu.memory_space<vmem>>
        %dma_start3A_457 = tpu.memref_squeeze %dma_start3A_456 : memref<1x128xi32, #tpu.memory_space<vmem>> -> memref<128xi32, #tpu.memory_space<vmem>>
        %dma_start3A_458 = arith.constant 0 : i32
        %dma_start3A_459 = arith.constant 0 : i32
        %dma_start3A_460 = tpu.memref_slice %arg17[%dma_start3A_458, %dma_start3A_459] : memref<10240x128xf32, #tpu.memory_space<vmem_shared>> -> memref<10240x128xf32, #tpu.memory_space<vmem_shared>>
        tpu.enqueue_indirect_dma source(%arg15 : memref<128x128xf32, #tpu.memory_space<vmem>>) target(%dma_start3A_460 : memref<10240x128xf32, #tpu.memory_space<vmem_shared>>) offsets(%dma_start3A_457 : memref<128xi32, #tpu.memory_space<vmem>>) semaphore(%run_scoped3A_454 : memref<!tpu.dma_semaphore, #tpu.memory_space<semaphore_mem>>) {add = true}
        %dma_wait3A_461 = arith.constant 0 : i32
        %dma_wait3A_462 = tpu.memref_slice %arg14[%add3A_426, %dma_wait3A_461] : memref<40x128xi32, #tpu.memory_space<vmem>> -> memref<1x128xi32, #tpu.memory_space<vmem>>
        %dma_wait3A_463 = tpu.memref_squeeze %dma_wait3A_462 : memref<1x128xi32, #tpu.memory_space<vmem>> -> memref<128xi32, #tpu.memory_space<vmem>>
        %dma_wait3A_464 = arith.constant 0 : i32
        %dma_wait3A_465 = arith.constant 0 : i32
        %dma_wait3A_466 = tpu.memref_slice %arg17[%dma_wait3A_464, %dma_wait3A_465] : memref<10240x128xf32, #tpu.memory_space<vmem_shared>> -> memref<10240x128xf32, #tpu.memory_space<vmem_shared>>
        tpu.wait_indirect_dma semaphore(%run_scoped3A_454 : memref<!tpu.dma_semaphore, #tpu.memory_space<semaphore_mem>>) src(%arg15 : memref<128x128xf32, #tpu.memory_space<vmem>>) dst(%dma_wait3A_466 : memref<10240x128xf32, #tpu.memory_space<vmem_shared>>)
        tpu.yield
      }) : () -> ()
      %mul3A_436 = arith.constant 2 : i32
      %mul3A_437 = arith.muli %scan3A_421, %mul3A_436 : i32
      %add3A_438 = arith.constant 1 : i32
      %add3A_439 = arith.addi %mul3A_437, %add3A_438 : i32
      %add3A_440 = arith.constant 1 : i32
      %add3A_441 = arith.addi %add3A_439, %add3A_440 : i32
      %lt3A_442 = arith.constant 40 : i32
      %lt3A_443 = arith.cmpi slt, %add3A_441, %lt3A_442 : i32
      %convert_element_type3A_444 = arith.extui %lt3A_443 : i1 to i32
      %cond3A_445 = arith.constant 0 : i32
      %cond3A_446 = arith.cmpi ne, %convert_element_type3A_444, %cond3A_445 : i32
      scf.if %cond3A_446 {
        %add3A_454 = arith.constant 1 : i32
        %add3A_455 = arith.addi %add3A_439, %add3A_454 : i32
        %dma_start3A_456 = arith.constant 0 : i32
        %dma_start3A_457 = tpu.memref_slice %arg13[%add3A_455, %dma_start3A_456] : memref<40x128xi32, #tpu.memory_space<vmem>> -> memref<1x128xi32, #tpu.memory_space<vmem>>
        %dma_start3A_458 = tpu.memref_squeeze %dma_start3A_457 : memref<1x128xi32, #tpu.memory_space<vmem>> -> memref<128xi32, #tpu.memory_space<vmem>>
        %dma_start3A_459 = arith.constant 0 : i32
        %dma_start3A_460 = arith.constant 0 : i32
        %dma_start3A_461 = tpu.memref_slice %arg9[%dma_start3A_459, %dma_start3A_460] : memref<10000x128xf32, #tpu.memory_space<hbm>> -> memref<10000x128xf32, #tpu.memory_space<hbm>>
        tpu.enqueue_indirect_dma source(%dma_start3A_461 : memref<10000x128xf32, #tpu.memory_space<hbm>>) target(%arg15 : memref<128x128xf32, #tpu.memory_space<vmem>>) offsets(%dma_start3A_458 : memref<128xi32, #tpu.memory_space<vmem>>) semaphore(%arg18 : memref<!tpu.dma_semaphore, #tpu.memory_space<semaphore_mem>>)
      } else {
      }
      %dma_wait3A_447 = arith.constant 0 : i32
      %dma_wait3A_448 = tpu.memref_slice %arg13[%add3A_439, %dma_wait3A_447] : memref<40x128xi32, #tpu.memory_space<vmem>> -> memref<1x128xi32, #tpu.memory_space<vmem>>
      %dma_wait3A_449 = tpu.memref_squeeze %dma_wait3A_448 : memref<1x128xi32, #tpu.memory_space<vmem>> -> memref<128xi32, #tpu.memory_space<vmem>>
      %dma_wait3A_450 = arith.constant 0 : i32
      %dma_wait3A_451 = arith.constant 0 : i32
      %dma_wait3A_452 = tpu.memref_slice %arg9[%dma_wait3A_450, %dma_wait3A_451] : memref<10000x128xf32, #tpu.memory_space<hbm>> -> memref<10000x128xf32, #tpu.memory_space<hbm>>
      tpu.wait_indirect_dma semaphore(%arg19 : memref<!tpu.dma_semaphore, #tpu.memory_space<semaphore_mem>>) src(%dma_wait3A_452 : memref<10000x128xf32, #tpu.memory_space<hbm>>) dst(%arg16 : memref<128x128xf32, #tpu.memory_space<vmem>>)
      "tpu.region"() ({
        %run_scoped3A_454 = tpu.sem_alloc : memref<!tpu.dma_semaphore, #tpu.memory_space<semaphore_mem>>
        %dma_start3A_455 = arith.constant 0 : i32
        %dma_start3A_456 = tpu.memref_slice %arg14[%add3A_439, %dma_start3A_455] : memref<40x128xi32, #tpu.memory_space<vmem>> -> memref<1x128xi32, #tpu.memory_space<vmem>>
        %dma_start3A_457 = tpu.memref_squeeze %dma_start3A_456 : memref<1x128xi32, #tpu.memory_space<vmem>> -> memref<128xi32, #tpu.memory_space<vmem>>
        %dma_start3A_458 = arith.constant 0 : i32
        %dma_start3A_459 = arith.constant 0 : i32
        %dma_start3A_460 = tpu.memref_slice %arg17[%dma_start3A_458, %dma_start3A_459] : memref<10240x128xf32, #tpu.memory_space<vmem_shared>> -> memref<10240x128xf32, #tpu.memory_space<vmem_shared>>
        tpu.enqueue_indirect_dma source(%arg16 : memref<128x128xf32, #tpu.memory_space<vmem>>) target(%dma_start3A_460 : memref<10240x128xf32, #tpu.memory_space<vmem_shared>>) offsets(%dma_start3A_457 : memref<128xi32, #tpu.memory_space<vmem>>) semaphore(%run_scoped3A_454 : memref<!tpu.dma_semaphore, #tpu.memory_space<semaphore_mem>>) {add = true}
        %dma_wait3A_461 = arith.constant 0 : i32
        %dma_wait3A_462 = tpu.memref_slice %arg14[%add3A_439, %dma_wait3A_461] : memref<40x128xi32, #tpu.memory_space<vmem>> -> memref<1x128xi32, #tpu.memory_space<vmem>>
        %dma_wait3A_463 = tpu.memref_squeeze %dma_wait3A_462 : memref<1x128xi32, #tpu.memory_space<vmem>> -> memref<128xi32, #tpu.memory_space<vmem>>
        %dma_wait3A_464 = arith.constant 0 : i32
        %dma_wait3A_465 = arith.constant 0 : i32
        %dma_wait3A_466 = tpu.memref_slice %arg17[%dma_wait3A_464, %dma_wait3A_465] : memref<10240x128xf32, #tpu.memory_space<vmem_shared>> -> memref<10240x128xf32, #tpu.memory_space<vmem_shared>>
        tpu.wait_indirect_dma semaphore(%run_scoped3A_454 : memref<!tpu.dma_semaphore, #tpu.memory_space<semaphore_mem>>) src(%arg16 : memref<128x128xf32, #tpu.memory_space<vmem>>) dst(%dma_wait3A_466 : memref<10240x128xf32, #tpu.memory_space<vmem_shared>>)
        tpu.yield
      }) : () -> ()
      %scan3A_453 = arith.constant 0 : i32
      scf.yield %scan3A_453 : i32
    }
    %scan3A_149 = arith.constant 20 : i32
    %barrier3A_150 = arith.constant 0 : index
    tpu.barrier barrier_id(%barrier3A_150)
    %mul3A_151 = arith.constant 640 : i32
    %mul3A_152 = arith.muli %arg1, %mul3A_151 : i32
    %mul3A_153 = arith.constant 640 : i32
    %mul3A_154 = arith.muli %arg1, %mul3A_153 : i32
    %run_scoped3A_155 = arith.constant 2 : i32
    "tpu.region"() ({
      %run_scoped3A_421 = tpu.sem_alloc : memref<!tpu.dma_semaphore, #tpu.memory_space<semaphore_mem>>
      %dma_start3A_422 = arith.constant 0 : i32
      %dma_start3A_423 = tpu.memref_slice %arg11[%arg0, %run_scoped3A_155, %mul3A_154, %dma_start3A_422] : memref<2x4x10240x128xf32, #tpu.memory_space<hbm>> -> memref<1x1x640x128xf32, #tpu.memory_space<hbm>>
      %dma_start3A_424 = tpu.memref_squeeze %dma_start3A_423 : memref<1x1x640x128xf32, #tpu.memory_space<hbm>> -> memref<640x128xf32, #tpu.memory_space<hbm>>
      %dma_start3A_425 = arith.constant 0 : i32
      %dma_start3A_426 = tpu.memref_slice %arg17[%mul3A_152, %dma_start3A_425] : memref<10240x128xf32, #tpu.memory_space<vmem_shared>> -> memref<640x128xf32, #tpu.memory_space<vmem_shared>>
      tpu.enqueue_dma source(%dma_start3A_426 : memref<640x128xf32, #tpu.memory_space<vmem_shared>>) target(%dma_start3A_424 : memref<640x128xf32, #tpu.memory_space<hbm>>) target_semaphore(%run_scoped3A_421 : memref<!tpu.dma_semaphore, #tpu.memory_space<semaphore_mem>>)
      %dma_wait3A = arith.constant 0 : i32
      %dma_wait3A_427 = tpu.memref_slice %arg11[%arg0, %run_scoped3A_155, %mul3A_154, %dma_wait3A] : memref<2x4x10240x128xf32, #tpu.memory_space<hbm>> -> memref<1x1x640x128xf32, #tpu.memory_space<hbm>>
      %dma_wait3A_428 = tpu.memref_squeeze %dma_wait3A_427 : memref<1x1x640x128xf32, #tpu.memory_space<hbm>> -> memref<640x128xf32, #tpu.memory_space<hbm>>
      %dma_wait3A_429 = arith.constant 0 : i32
      %dma_wait3A_430 = tpu.memref_slice %arg17[%mul3A_152, %dma_wait3A_429] : memref<10240x128xf32, #tpu.memory_space<vmem_shared>> -> memref<640x128xf32, #tpu.memory_space<vmem_shared>>
      tpu.wait_dma2 semaphore(%run_scoped3A_421 : memref<!tpu.dma_semaphore, #tpu.memory_space<semaphore_mem>>) src(%dma_wait3A_430 : memref<640x128xf32, #tpu.memory_space<vmem_shared>>) dst(%dma_wait3A_428 : memref<640x128xf32, #tpu.memory_space<hbm>>)
      tpu.yield
    }) : () -> ()
    %barrier3A_156 = arith.constant 0 : index
    tpu.barrier barrier_id(%barrier3A_156)
    "tpu.region"() ({
      %run_scoped3A_421 = tpu.sem_alloc : memref<!tpu.dma_semaphore, #tpu.memory_space<semaphore_mem>>
      tpu.enqueue_dma source(%arg6 : memref<128x128xf32, #tpu.memory_space<hbm>>) target(%arg15 : memref<128x128xf32, #tpu.memory_space<vmem>>) target_semaphore(%run_scoped3A_421 : memref<!tpu.dma_semaphore, #tpu.memory_space<semaphore_mem>>)
      tpu.wait_dma2 semaphore(%run_scoped3A_421 : memref<!tpu.dma_semaphore, #tpu.memory_space<semaphore_mem>>) src(%arg6 : memref<128x128xf32, #tpu.memory_space<hbm>>) dst(%arg15 : memref<128x128xf32, #tpu.memory_space<vmem>>)
      tpu.yield
    }) : () -> ()
    %mul3A_157 = arith.constant 5 : i32
    %mul3A_158 = arith.muli %arg1, %mul3A_157 : i32
    %add3A_159 = arith.constant 0 : i32
    %add3A_160 = arith.addi %mul3A_158, %add3A_159 : i32
    %mul3A_161 = arith.constant 128 : i32
    %mul3A_162 = arith.muli %add3A_160, %mul3A_161 : i32
    "tpu.region"() ({
      %run_scoped3A_421 = tpu.sem_alloc : memref<!tpu.dma_semaphore, #tpu.memory_space<semaphore_mem>>
      %dma_start3A_422 = arith.constant 0 : i32
      %dma_start3A_423 = tpu.memref_slice %arg17[%mul3A_162, %dma_start3A_422] : memref<10240x128xf32, #tpu.memory_space<vmem_shared>> -> memref<128x128xf32, #tpu.memory_space<vmem_shared>>
      %dma_start3A_424 = arith.constant 0 : i32
      %dma_start3A_425 = tpu.memref_slice %arg17[%mul3A_162, %dma_start3A_424] : memref<10240x128xf32, #tpu.memory_space<vmem_shared>> -> memref<128x128xf32, #tpu.memory_space<vmem_shared>>
      tpu.enqueue_dma source(%arg15 : memref<128x128xf32, #tpu.memory_space<vmem>>) target(%dma_start3A_425 : memref<128x128xf32, #tpu.memory_space<vmem_shared>>) target_semaphore(%run_scoped3A_421 : memref<!tpu.dma_semaphore, #tpu.memory_space<semaphore_mem>>)
      %dma_wait3A = arith.constant 0 : i32
      %dma_wait3A_426 = tpu.memref_slice %arg17[%mul3A_162, %dma_wait3A] : memref<10240x128xf32, #tpu.memory_space<vmem_shared>> -> memref<128x128xf32, #tpu.memory_space<vmem_shared>>
      %dma_wait3A_427 = arith.constant 0 : i32
      %dma_wait3A_428 = tpu.memref_slice %arg17[%mul3A_162, %dma_wait3A_427] : memref<10240x128xf32, #tpu.memory_space<vmem_shared>> -> memref<128x128xf32, #tpu.memory_space<vmem_shared>>
      tpu.wait_dma2 semaphore(%run_scoped3A_421 : memref<!tpu.dma_semaphore, #tpu.memory_space<semaphore_mem>>) src(%arg15 : memref<128x128xf32, #tpu.memory_space<vmem>>) dst(%dma_wait3A_428 : memref<128x128xf32, #tpu.memory_space<vmem_shared>>)
      tpu.yield
    }) : () -> ()
    %mul3A_163 = arith.constant 5 : i32
    %mul3A_164 = arith.muli %arg1, %mul3A_163 : i32
    %add3A_165 = arith.constant 1 : i32
    %add3A_166 = arith.addi %mul3A_164, %add3A_165 : i32
    %mul3A_167 = arith.constant 128 : i32
    %mul3A_168 = arith.muli %add3A_166, %mul3A_167 : i32
    "tpu.region"() ({
      %run_scoped3A_421 = tpu.sem_alloc : memref<!tpu.dma_semaphore, #tpu.memory_space<semaphore_mem>>
      %dma_start3A_422 = arith.constant 0 : i32
      %dma_start3A_423 = tpu.memref_slice %arg17[%mul3A_168, %dma_start3A_422] : memref<10240x128xf32, #tpu.memory_space<vmem_shared>> -> memref<128x128xf32, #tpu.memory_space<vmem_shared>>
      %dma_start3A_424 = arith.constant 0 : i32
      %dma_start3A_425 = tpu.memref_slice %arg17[%mul3A_168, %dma_start3A_424] : memref<10240x128xf32, #tpu.memory_space<vmem_shared>> -> memref<128x128xf32, #tpu.memory_space<vmem_shared>>
      tpu.enqueue_dma source(%arg15 : memref<128x128xf32, #tpu.memory_space<vmem>>) target(%dma_start3A_425 : memref<128x128xf32, #tpu.memory_space<vmem_shared>>) target_semaphore(%run_scoped3A_421 : memref<!tpu.dma_semaphore, #tpu.memory_space<semaphore_mem>>)
      %dma_wait3A = arith.constant 0 : i32
      %dma_wait3A_426 = tpu.memref_slice %arg17[%mul3A_168, %dma_wait3A] : memref<10240x128xf32, #tpu.memory_space<vmem_shared>> -> memref<128x128xf32, #tpu.memory_space<vmem_shared>>
      %dma_wait3A_427 = arith.constant 0 : i32
      %dma_wait3A_428 = tpu.memref_slice %arg17[%mul3A_168, %dma_wait3A_427] : memref<10240x128xf32, #tpu.memory_space<vmem_shared>> -> memref<128x128xf32, #tpu.memory_space<vmem_shared>>
      tpu.wait_dma2 semaphore(%run_scoped3A_421 : memref<!tpu.dma_semaphore, #tpu.memory_space<semaphore_mem>>) src(%arg15 : memref<128x128xf32, #tpu.memory_space<vmem>>) dst(%dma_wait3A_428 : memref<128x128xf32, #tpu.memory_space<vmem_shared>>)
      tpu.yield
    }) : () -> ()
    %mul3A_169 = arith.constant 5 : i32
    %mul3A_170 = arith.muli %arg1, %mul3A_169 : i32
    %add3A_171 = arith.constant 2 : i32
    %add3A_172 = arith.addi %mul3A_170, %add3A_171 : i32
    %mul3A_173 = arith.constant 128 : i32
    %mul3A_174 = arith.muli %add3A_172, %mul3A_173 : i32
    "tpu.region"() ({
      %run_scoped3A_421 = tpu.sem_alloc : memref<!tpu.dma_semaphore, #tpu.memory_space<semaphore_mem>>
      %dma_start3A_422 = arith.constant 0 : i32
      %dma_start3A_423 = tpu.memref_slice %arg17[%mul3A_174, %dma_start3A_422] : memref<10240x128xf32, #tpu.memory_space<vmem_shared>> -> memref<128x128xf32, #tpu.memory_space<vmem_shared>>
      %dma_start3A_424 = arith.constant 0 : i32
      %dma_start3A_425 = tpu.memref_slice %arg17[%mul3A_174, %dma_start3A_424] : memref<10240x128xf32, #tpu.memory_space<vmem_shared>> -> memref<128x128xf32, #tpu.memory_space<vmem_shared>>
      tpu.enqueue_dma source(%arg15 : memref<128x128xf32, #tpu.memory_space<vmem>>) target(%dma_start3A_425 : memref<128x128xf32, #tpu.memory_space<vmem_shared>>) target_semaphore(%run_scoped3A_421 : memref<!tpu.dma_semaphore, #tpu.memory_space<semaphore_mem>>)
      %dma_wait3A = arith.constant 0 : i32
      %dma_wait3A_426 = tpu.memref_slice %arg17[%mul3A_174, %dma_wait3A] : memref<10240x128xf32, #tpu.memory_space<vmem_shared>> -> memref<128x128xf32, #tpu.memory_space<vmem_shared>>
      %dma_wait3A_427 = arith.constant 0 : i32
      %dma_wait3A_428 = tpu.memref_slice %arg17[%mul3A_174, %dma_wait3A_427] : memref<10240x128xf32, #tpu.memory_space<vmem_shared>> -> memref<128x128xf32, #tpu.memory_space<vmem_shared>>
      tpu.wait_dma2 semaphore(%run_scoped3A_421 : memref<!tpu.dma_semaphore, #tpu.memory_space<semaphore_mem>>) src(%arg15 : memref<128x128xf32, #tpu.memory_space<vmem>>) dst(%dma_wait3A_428 : memref<128x128xf32, #tpu.memory_space<vmem_shared>>)
      tpu.yield
    }) : () -> ()
    %mul3A_175 = arith.constant 5 : i32
    %mul3A_176 = arith.muli %arg1, %mul3A_175 : i32
    %add3A_177 = arith.constant 3 : i32
    %add3A_178 = arith.addi %mul3A_176, %add3A_177 : i32
    %mul3A_179 = arith.constant 128 : i32
    %mul3A_180 = arith.muli %add3A_178, %mul3A_179 : i32
    "tpu.region"() ({
      %run_scoped3A_421 = tpu.sem_alloc : memref<!tpu.dma_semaphore, #tpu.memory_space<semaphore_mem>>
      %dma_start3A_422 = arith.constant 0 : i32
      %dma_start3A_423 = tpu.memref_slice %arg17[%mul3A_180, %dma_start3A_422] : memref<10240x128xf32, #tpu.memory_space<vmem_shared>> -> memref<128x128xf32, #tpu.memory_space<vmem_shared>>
      %dma_start3A_424 = arith.constant 0 : i32
      %dma_start3A_425 = tpu.memref_slice %arg17[%mul3A_180, %dma_start3A_424] : memref<10240x128xf32, #tpu.memory_space<vmem_shared>> -> memref<128x128xf32, #tpu.memory_space<vmem_shared>>
      tpu.enqueue_dma source(%arg15 : memref<128x128xf32, #tpu.memory_space<vmem>>) target(%dma_start3A_425 : memref<128x128xf32, #tpu.memory_space<vmem_shared>>) target_semaphore(%run_scoped3A_421 : memref<!tpu.dma_semaphore, #tpu.memory_space<semaphore_mem>>)
      %dma_wait3A = arith.constant 0 : i32
      %dma_wait3A_426 = tpu.memref_slice %arg17[%mul3A_180, %dma_wait3A] : memref<10240x128xf32, #tpu.memory_space<vmem_shared>> -> memref<128x128xf32, #tpu.memory_space<vmem_shared>>
      %dma_wait3A_427 = arith.constant 0 : i32
      %dma_wait3A_428 = tpu.memref_slice %arg17[%mul3A_180, %dma_wait3A_427] : memref<10240x128xf32, #tpu.memory_space<vmem_shared>> -> memref<128x128xf32, #tpu.memory_space<vmem_shared>>
      tpu.wait_dma2 semaphore(%run_scoped3A_421 : memref<!tpu.dma_semaphore, #tpu.memory_space<semaphore_mem>>) src(%arg15 : memref<128x128xf32, #tpu.memory_space<vmem>>) dst(%dma_wait3A_428 : memref<128x128xf32, #tpu.memory_space<vmem_shared>>)
      tpu.yield
    }) : () -> ()
    %mul3A_181 = arith.constant 5 : i32
    %mul3A_182 = arith.muli %arg1, %mul3A_181 : i32
    %add3A_183 = arith.constant 4 : i32
    %add3A_184 = arith.addi %mul3A_182, %add3A_183 : i32
    %mul3A_185 = arith.constant 128 : i32
    %mul3A_186 = arith.muli %add3A_184, %mul3A_185 : i32
    "tpu.region"() ({
      %run_scoped3A_421 = tpu.sem_alloc : memref<!tpu.dma_semaphore, #tpu.memory_space<semaphore_mem>>
      %dma_start3A_422 = arith.constant 0 : i32
      %dma_start3A_423 = tpu.memref_slice %arg17[%mul3A_186, %dma_start3A_422] : memref<10240x128xf32, #tpu.memory_space<vmem_shared>> -> memref<128x128xf32, #tpu.memory_space<vmem_shared>>
      %dma_start3A_424 = arith.constant 0 : i32
      %dma_start3A_425 = tpu.memref_slice %arg17[%mul3A_186, %dma_start3A_424] : memref<10240x128xf32, #tpu.memory_space<vmem_shared>> -> memref<128x128xf32, #tpu.memory_space<vmem_shared>>
      tpu.enqueue_dma source(%arg15 : memref<128x128xf32, #tpu.memory_space<vmem>>) target(%dma_start3A_425 : memref<128x128xf32, #tpu.memory_space<vmem_shared>>) target_semaphore(%run_scoped3A_421 : memref<!tpu.dma_semaphore, #tpu.memory_space<semaphore_mem>>)
      %dma_wait3A = arith.constant 0 : i32
      %dma_wait3A_426 = tpu.memref_slice %arg17[%mul3A_186, %dma_wait3A] : memref<10240x128xf32, #tpu.memory_space<vmem_shared>> -> memref<128x128xf32, #tpu.memory_space<vmem_shared>>
      %dma_wait3A_427 = arith.constant 0 : i32
      %dma_wait3A_428 = tpu.memref_slice %arg17[%mul3A_186, %dma_wait3A_427] : memref<10240x128xf32, #tpu.memory_space<vmem_shared>> -> memref<128x128xf32, #tpu.memory_space<vmem_shared>>
      tpu.wait_dma2 semaphore(%run_scoped3A_421 : memref<!tpu.dma_semaphore, #tpu.memory_space<semaphore_mem>>) src(%arg15 : memref<128x128xf32, #tpu.memory_space<vmem>>) dst(%dma_wait3A_428 : memref<128x128xf32, #tpu.memory_space<vmem_shared>>)
      tpu.yield
    }) : () -> ()
    %barrier3A_187 = arith.constant 0 : index
    tpu.barrier barrier_id(%barrier3A_187)
    %dma_start3A_188 = arith.constant 0 : i32
    %dma_start3A_189 = arith.constant 0 : i32
    %dma_start3A_190 = tpu.memref_slice %arg13[%dma_start3A_188, %dma_start3A_189] : memref<40x128xi32, #tpu.memory_space<vmem>> -> memref<1x128xi32, #tpu.memory_space<vmem>>
    %dma_start3A_191 = tpu.memref_squeeze %dma_start3A_190 : memref<1x128xi32, #tpu.memory_space<vmem>> -> memref<128xi32, #tpu.memory_space<vmem>>
    %dma_start3A_192 = arith.constant 0 : i32
    %dma_start3A_193 = arith.constant 0 : i32
    %dma_start3A_194 = tpu.memref_slice %arg10[%dma_start3A_192, %dma_start3A_193] : memref<10000x128xf32, #tpu.memory_space<hbm>> -> memref<10000x128xf32, #tpu.memory_space<hbm>>
    tpu.enqueue_indirect_dma source(%dma_start3A_194 : memref<10000x128xf32, #tpu.memory_space<hbm>>) target(%arg15 : memref<128x128xf32, #tpu.memory_space<vmem>>) offsets(%dma_start3A_191 : memref<128xi32, #tpu.memory_space<vmem>>) semaphore(%arg18 : memref<!tpu.dma_semaphore, #tpu.memory_space<semaphore_mem>>)
    %scan3A_195 = arith.constant 0 : i32
    %scan3A_196 = arith.constant 0 : i32
    %scan3A_197 = arith.constant 20 : i32
    %scan3A_198 = arith.addi %scan3A_196, %scan3A_197 : i32
    %scan3A_199 = arith.constant 1 : i32
    %scan3A_200 = scf.for %scan3A_421 = %scan3A_196 to %scan3A_198 step %scan3A_199 iter_args(%scan3A_422 = %scan3A_195) -> (i32)  : i32 {
      %mul3A_423 = arith.constant 2 : i32
      %mul3A_424 = arith.muli %scan3A_421, %mul3A_423 : i32
      %add3A_425 = arith.constant 0 : i32
      %add3A_426 = arith.addi %mul3A_424, %add3A_425 : i32
      %add3A_427 = arith.constant 1 : i32
      %add3A_428 = arith.addi %add3A_426, %add3A_427 : i32
      %lt3A = arith.constant 40 : i32
      %lt3A_429 = arith.cmpi slt, %add3A_428, %lt3A : i32
      %convert_element_type3A = arith.extui %lt3A_429 : i1 to i32
      %cond3A = arith.constant 0 : i32
      %cond3A_430 = arith.cmpi ne, %convert_element_type3A, %cond3A : i32
      scf.if %cond3A_430 {
        %add3A_454 = arith.constant 1 : i32
        %add3A_455 = arith.addi %add3A_426, %add3A_454 : i32
        %dma_start3A_456 = arith.constant 0 : i32
        %dma_start3A_457 = tpu.memref_slice %arg13[%add3A_455, %dma_start3A_456] : memref<40x128xi32, #tpu.memory_space<vmem>> -> memref<1x128xi32, #tpu.memory_space<vmem>>
        %dma_start3A_458 = tpu.memref_squeeze %dma_start3A_457 : memref<1x128xi32, #tpu.memory_space<vmem>> -> memref<128xi32, #tpu.memory_space<vmem>>
        %dma_start3A_459 = arith.constant 0 : i32
        %dma_start3A_460 = arith.constant 0 : i32
        %dma_start3A_461 = tpu.memref_slice %arg10[%dma_start3A_459, %dma_start3A_460] : memref<10000x128xf32, #tpu.memory_space<hbm>> -> memref<10000x128xf32, #tpu.memory_space<hbm>>
        tpu.enqueue_indirect_dma source(%dma_start3A_461 : memref<10000x128xf32, #tpu.memory_space<hbm>>) target(%arg16 : memref<128x128xf32, #tpu.memory_space<vmem>>) offsets(%dma_start3A_458 : memref<128xi32, #tpu.memory_space<vmem>>) semaphore(%arg19 : memref<!tpu.dma_semaphore, #tpu.memory_space<semaphore_mem>>)
      } else {
      }
      %dma_wait3A = arith.constant 0 : i32
      %dma_wait3A_431 = tpu.memref_slice %arg13[%add3A_426, %dma_wait3A] : memref<40x128xi32, #tpu.memory_space<vmem>> -> memref<1x128xi32, #tpu.memory_space<vmem>>
      %dma_wait3A_432 = tpu.memref_squeeze %dma_wait3A_431 : memref<1x128xi32, #tpu.memory_space<vmem>> -> memref<128xi32, #tpu.memory_space<vmem>>
      %dma_wait3A_433 = arith.constant 0 : i32
      %dma_wait3A_434 = arith.constant 0 : i32
      %dma_wait3A_435 = tpu.memref_slice %arg10[%dma_wait3A_433, %dma_wait3A_434] : memref<10000x128xf32, #tpu.memory_space<hbm>> -> memref<10000x128xf32, #tpu.memory_space<hbm>>
      tpu.wait_indirect_dma semaphore(%arg18 : memref<!tpu.dma_semaphore, #tpu.memory_space<semaphore_mem>>) src(%dma_wait3A_435 : memref<10000x128xf32, #tpu.memory_space<hbm>>) dst(%arg15 : memref<128x128xf32, #tpu.memory_space<vmem>>)
      "tpu.region"() ({
        %run_scoped3A_454 = tpu.sem_alloc : memref<!tpu.dma_semaphore, #tpu.memory_space<semaphore_mem>>
        %dma_start3A_455 = arith.constant 0 : i32
        %dma_start3A_456 = tpu.memref_slice %arg14[%add3A_426, %dma_start3A_455] : memref<40x128xi32, #tpu.memory_space<vmem>> -> memref<1x128xi32, #tpu.memory_space<vmem>>
        %dma_start3A_457 = tpu.memref_squeeze %dma_start3A_456 : memref<1x128xi32, #tpu.memory_space<vmem>> -> memref<128xi32, #tpu.memory_space<vmem>>
        %dma_start3A_458 = arith.constant 0 : i32
        %dma_start3A_459 = arith.constant 0 : i32
        %dma_start3A_460 = tpu.memref_slice %arg17[%dma_start3A_458, %dma_start3A_459] : memref<10240x128xf32, #tpu.memory_space<vmem_shared>> -> memref<10240x128xf32, #tpu.memory_space<vmem_shared>>
        tpu.enqueue_indirect_dma source(%arg15 : memref<128x128xf32, #tpu.memory_space<vmem>>) target(%dma_start3A_460 : memref<10240x128xf32, #tpu.memory_space<vmem_shared>>) offsets(%dma_start3A_457 : memref<128xi32, #tpu.memory_space<vmem>>) semaphore(%run_scoped3A_454 : memref<!tpu.dma_semaphore, #tpu.memory_space<semaphore_mem>>) {add = true}
        %dma_wait3A_461 = arith.constant 0 : i32
        %dma_wait3A_462 = tpu.memref_slice %arg14[%add3A_426, %dma_wait3A_461] : memref<40x128xi32, #tpu.memory_space<vmem>> -> memref<1x128xi32, #tpu.memory_space<vmem>>
        %dma_wait3A_463 = tpu.memref_squeeze %dma_wait3A_462 : memref<1x128xi32, #tpu.memory_space<vmem>> -> memref<128xi32, #tpu.memory_space<vmem>>
        %dma_wait3A_464 = arith.constant 0 : i32
        %dma_wait3A_465 = arith.constant 0 : i32
        %dma_wait3A_466 = tpu.memref_slice %arg17[%dma_wait3A_464, %dma_wait3A_465] : memref<10240x128xf32, #tpu.memory_space<vmem_shared>> -> memref<10240x128xf32, #tpu.memory_space<vmem_shared>>
        tpu.wait_indirect_dma semaphore(%run_scoped3A_454 : memref<!tpu.dma_semaphore, #tpu.memory_space<semaphore_mem>>) src(%arg15 : memref<128x128xf32, #tpu.memory_space<vmem>>) dst(%dma_wait3A_466 : memref<10240x128xf32, #tpu.memory_space<vmem_shared>>)
        tpu.yield
      }) : () -> ()
      %mul3A_436 = arith.constant 2 : i32
      %mul3A_437 = arith.muli %scan3A_421, %mul3A_436 : i32
      %add3A_438 = arith.constant 1 : i32
      %add3A_439 = arith.addi %mul3A_437, %add3A_438 : i32
      %add3A_440 = arith.constant 1 : i32
      %add3A_441 = arith.addi %add3A_439, %add3A_440 : i32
      %lt3A_442 = arith.constant 40 : i32
      %lt3A_443 = arith.cmpi slt, %add3A_441, %lt3A_442 : i32
      %convert_element_type3A_444 = arith.extui %lt3A_443 : i1 to i32
      %cond3A_445 = arith.constant 0 : i32
      %cond3A_446 = arith.cmpi ne, %convert_element_type3A_444, %cond3A_445 : i32
      scf.if %cond3A_446 {
        %add3A_454 = arith.constant 1 : i32
        %add3A_455 = arith.addi %add3A_439, %add3A_454 : i32
        %dma_start3A_456 = arith.constant 0 : i32
        %dma_start3A_457 = tpu.memref_slice %arg13[%add3A_455, %dma_start3A_456] : memref<40x128xi32, #tpu.memory_space<vmem>> -> memref<1x128xi32, #tpu.memory_space<vmem>>
        %dma_start3A_458 = tpu.memref_squeeze %dma_start3A_457 : memref<1x128xi32, #tpu.memory_space<vmem>> -> memref<128xi32, #tpu.memory_space<vmem>>
        %dma_start3A_459 = arith.constant 0 : i32
        %dma_start3A_460 = arith.constant 0 : i32
        %dma_start3A_461 = tpu.memref_slice %arg10[%dma_start3A_459, %dma_start3A_460] : memref<10000x128xf32, #tpu.memory_space<hbm>> -> memref<10000x128xf32, #tpu.memory_space<hbm>>
        tpu.enqueue_indirect_dma source(%dma_start3A_461 : memref<10000x128xf32, #tpu.memory_space<hbm>>) target(%arg15 : memref<128x128xf32, #tpu.memory_space<vmem>>) offsets(%dma_start3A_458 : memref<128xi32, #tpu.memory_space<vmem>>) semaphore(%arg18 : memref<!tpu.dma_semaphore, #tpu.memory_space<semaphore_mem>>)
      } else {
      }
      %dma_wait3A_447 = arith.constant 0 : i32
      %dma_wait3A_448 = tpu.memref_slice %arg13[%add3A_439, %dma_wait3A_447] : memref<40x128xi32, #tpu.memory_space<vmem>> -> memref<1x128xi32, #tpu.memory_space<vmem>>
      %dma_wait3A_449 = tpu.memref_squeeze %dma_wait3A_448 : memref<1x128xi32, #tpu.memory_space<vmem>> -> memref<128xi32, #tpu.memory_space<vmem>>
      %dma_wait3A_450 = arith.constant 0 : i32
      %dma_wait3A_451 = arith.constant 0 : i32
      %dma_wait3A_452 = tpu.memref_slice %arg10[%dma_wait3A_450, %dma_wait3A_451] : memref<10000x128xf32, #tpu.memory_space<hbm>> -> memref<10000x128xf32, #tpu.memory_space<hbm>>
      tpu.wait_indirect_dma semaphore(%arg19 : memref<!tpu.dma_semaphore, #tpu.memory_space<semaphore_mem>>) src(%dma_wait3A_452 : memref<10000x128xf32, #tpu.memory_space<hbm>>) dst(%arg16 : memref<128x128xf32, #tpu.memory_space<vmem>>)
      "tpu.region"() ({
        %run_scoped3A_454 = tpu.sem_alloc : memref<!tpu.dma_semaphore, #tpu.memory_space<semaphore_mem>>
        %dma_start3A_455 = arith.constant 0 : i32
        %dma_start3A_456 = tpu.memref_slice %arg14[%add3A_439, %dma_start3A_455] : memref<40x128xi32, #tpu.memory_space<vmem>> -> memref<1x128xi32, #tpu.memory_space<vmem>>
        %dma_start3A_457 = tpu.memref_squeeze %dma_start3A_456 : memref<1x128xi32, #tpu.memory_space<vmem>> -> memref<128xi32, #tpu.memory_space<vmem>>
        %dma_start3A_458 = arith.constant 0 : i32
        %dma_start3A_459 = arith.constant 0 : i32
        %dma_start3A_460 = tpu.memref_slice %arg17[%dma_start3A_458, %dma_start3A_459] : memref<10240x128xf32, #tpu.memory_space<vmem_shared>> -> memref<10240x128xf32, #tpu.memory_space<vmem_shared>>
        tpu.enqueue_indirect_dma source(%arg16 : memref<128x128xf32, #tpu.memory_space<vmem>>) target(%dma_start3A_460 : memref<10240x128xf32, #tpu.memory_space<vmem_shared>>) offsets(%dma_start3A_457 : memref<128xi32, #tpu.memory_space<vmem>>) semaphore(%run_scoped3A_454 : memref<!tpu.dma_semaphore, #tpu.memory_space<semaphore_mem>>) {add = true}
        %dma_wait3A_461 = arith.constant 0 : i32
        %dma_wait3A_462 = tpu.memref_slice %arg14[%add3A_439, %dma_wait3A_461] : memref<40x128xi32, #tpu.memory_space<vmem>> -> memref<1x128xi32, #tpu.memory_space<vmem>>
        %dma_wait3A_463 = tpu.memref_squeeze %dma_wait3A_462 : memref<1x128xi32, #tpu.memory_space<vmem>> -> memref<128xi32, #tpu.memory_space<vmem>>
        %dma_wait3A_464 = arith.constant 0 : i32
        %dma_wait3A_465 = arith.constant 0 : i32
        %dma_wait3A_466 = tpu.memref_slice %arg17[%dma_wait3A_464, %dma_wait3A_465] : memref<10240x128xf32, #tpu.memory_space<vmem_shared>> -> memref<10240x128xf32, #tpu.memory_space<vmem_shared>>
        tpu.wait_indirect_dma semaphore(%run_scoped3A_454 : memref<!tpu.dma_semaphore, #tpu.memory_space<semaphore_mem>>) src(%arg16 : memref<128x128xf32, #tpu.memory_space<vmem>>) dst(%dma_wait3A_466 : memref<10240x128xf32, #tpu.memory_space<vmem_shared>>)
        tpu.yield
      }) : () -> ()
      %scan3A_453 = arith.constant 0 : i32
      scf.yield %scan3A_453 : i32
    }
    %scan3A_201 = arith.constant 20 : i32
    %barrier3A_202 = arith.constant 0 : index
    tpu.barrier barrier_id(%barrier3A_202)
    %mul3A_203 = arith.constant 640 : i32
    %mul3A_204 = arith.muli %arg1, %mul3A_203 : i32
    %mul3A_205 = arith.constant 640 : i32
    %mul3A_206 = arith.muli %arg1, %mul3A_205 : i32
    %run_scoped3A_207 = arith.constant 3 : i32
    "tpu.region"() ({
      %run_scoped3A_421 = tpu.sem_alloc : memref<!tpu.dma_semaphore, #tpu.memory_space<semaphore_mem>>
      %dma_start3A_422 = arith.constant 0 : i32
      %dma_start3A_423 = tpu.memref_slice %arg11[%arg0, %run_scoped3A_207, %mul3A_206, %dma_start3A_422] : memref<2x4x10240x128xf32, #tpu.memory_space<hbm>> -> memref<1x1x640x128xf32, #tpu.memory_space<hbm>>
      %dma_start3A_424 = tpu.memref_squeeze %dma_start3A_423 : memref<1x1x640x128xf32, #tpu.memory_space<hbm>> -> memref<640x128xf32, #tpu.memory_space<hbm>>
      %dma_start3A_425 = arith.constant 0 : i32
      %dma_start3A_426 = tpu.memref_slice %arg17[%mul3A_204, %dma_start3A_425] : memref<10240x128xf32, #tpu.memory_space<vmem_shared>> -> memref<640x128xf32, #tpu.memory_space<vmem_shared>>
      tpu.enqueue_dma source(%dma_start3A_426 : memref<640x128xf32, #tpu.memory_space<vmem_shared>>) target(%dma_start3A_424 : memref<640x128xf32, #tpu.memory_space<hbm>>) target_semaphore(%run_scoped3A_421 : memref<!tpu.dma_semaphore, #tpu.memory_space<semaphore_mem>>)
      %dma_wait3A = arith.constant 0 : i32
      %dma_wait3A_427 = tpu.memref_slice %arg11[%arg0, %run_scoped3A_207, %mul3A_206, %dma_wait3A] : memref<2x4x10240x128xf32, #tpu.memory_space<hbm>> -> memref<1x1x640x128xf32, #tpu.memory_space<hbm>>
      %dma_wait3A_428 = tpu.memref_squeeze %dma_wait3A_427 : memref<1x1x640x128xf32, #tpu.memory_space<hbm>> -> memref<640x128xf32, #tpu.memory_space<hbm>>
      %dma_wait3A_429 = arith.constant 0 : i32
      %dma_wait3A_430 = tpu.memref_slice %arg17[%mul3A_204, %dma_wait3A_429] : memref<10240x128xf32, #tpu.memory_space<vmem_shared>> -> memref<640x128xf32, #tpu.memory_space<vmem_shared>>
      tpu.wait_dma2 semaphore(%run_scoped3A_421 : memref<!tpu.dma_semaphore, #tpu.memory_space<semaphore_mem>>) src(%dma_wait3A_430 : memref<640x128xf32, #tpu.memory_space<vmem_shared>>) dst(%dma_wait3A_428 : memref<640x128xf32, #tpu.memory_space<hbm>>)
      tpu.yield
    }) : () -> ()
    %barrier3A_208 = arith.constant 0 : index
    tpu.barrier barrier_id(%barrier3A_208)
    %mul3A_209 = arith.constant 40 : i32
    %mul3A_210 = arith.muli %add3A, %mul3A_209 : i32
    "tpu.region"() ({
      %run_scoped3A_421 = tpu.sem_alloc : memref<!tpu.dma_semaphore, #tpu.memory_space<semaphore_mem>>
      %dma_start3A_422 = arith.constant 0 : i32
      %dma_start3A_423 = tpu.memref_slice %arg4[%mul3A_210, %dma_start3A_422] : memref<1280x128xi32, #tpu.memory_space<hbm>> -> memref<40x128xi32, #tpu.memory_space<hbm>>
      %dma_start3A_424 = arith.constant 0 : i32
      %dma_start3A_425 = tpu.memref_slice %arg4[%mul3A_210, %dma_start3A_424] : memref<1280x128xi32, #tpu.memory_space<hbm>> -> memref<40x128xi32, #tpu.memory_space<hbm>>
      tpu.enqueue_dma source(%dma_start3A_425 : memref<40x128xi32, #tpu.memory_space<hbm>>) target(%arg13 : memref<40x128xi32, #tpu.memory_space<vmem>>) target_semaphore(%run_scoped3A_421 : memref<!tpu.dma_semaphore, #tpu.memory_space<semaphore_mem>>)
      %dma_wait3A = arith.constant 0 : i32
      %dma_wait3A_426 = tpu.memref_slice %arg4[%mul3A_210, %dma_wait3A] : memref<1280x128xi32, #tpu.memory_space<hbm>> -> memref<40x128xi32, #tpu.memory_space<hbm>>
      %dma_wait3A_427 = arith.constant 0 : i32
      %dma_wait3A_428 = tpu.memref_slice %arg4[%mul3A_210, %dma_wait3A_427] : memref<1280x128xi32, #tpu.memory_space<hbm>> -> memref<40x128xi32, #tpu.memory_space<hbm>>
      tpu.wait_dma2 semaphore(%run_scoped3A_421 : memref<!tpu.dma_semaphore, #tpu.memory_space<semaphore_mem>>) src(%dma_wait3A_428 : memref<40x128xi32, #tpu.memory_space<hbm>>) dst(%arg13 : memref<40x128xi32, #tpu.memory_space<vmem>>)
      tpu.yield
    }) : () -> ()
    %mul3A_211 = arith.constant 40 : i32
    %mul3A_212 = arith.muli %add3A, %mul3A_211 : i32
    "tpu.region"() ({
      %run_scoped3A_421 = tpu.sem_alloc : memref<!tpu.dma_semaphore, #tpu.memory_space<semaphore_mem>>
      %dma_start3A_422 = arith.constant 0 : i32
      %dma_start3A_423 = tpu.memref_slice %arg5[%mul3A_212, %dma_start3A_422] : memref<1280x128xi32, #tpu.memory_space<hbm>> -> memref<40x128xi32, #tpu.memory_space<hbm>>
      %dma_start3A_424 = arith.constant 0 : i32
      %dma_start3A_425 = tpu.memref_slice %arg5[%mul3A_212, %dma_start3A_424] : memref<1280x128xi32, #tpu.memory_space<hbm>> -> memref<40x128xi32, #tpu.memory_space<hbm>>
      tpu.enqueue_dma source(%dma_start3A_425 : memref<40x128xi32, #tpu.memory_space<hbm>>) target(%arg14 : memref<40x128xi32, #tpu.memory_space<vmem>>) target_semaphore(%run_scoped3A_421 : memref<!tpu.dma_semaphore, #tpu.memory_space<semaphore_mem>>)
      %dma_wait3A = arith.constant 0 : i32
      %dma_wait3A_426 = tpu.memref_slice %arg5[%mul3A_212, %dma_wait3A] : memref<1280x128xi32, #tpu.memory_space<hbm>> -> memref<40x128xi32, #tpu.memory_space<hbm>>
      %dma_wait3A_427 = arith.constant 0 : i32
      %dma_wait3A_428 = tpu.memref_slice %arg5[%mul3A_212, %dma_wait3A_427] : memref<1280x128xi32, #tpu.memory_space<hbm>> -> memref<40x128xi32, #tpu.memory_space<hbm>>
      tpu.wait_dma2 semaphore(%run_scoped3A_421 : memref<!tpu.dma_semaphore, #tpu.memory_space<semaphore_mem>>) src(%dma_wait3A_428 : memref<40x128xi32, #tpu.memory_space<hbm>>) dst(%arg14 : memref<40x128xi32, #tpu.memory_space<vmem>>)
      tpu.yield
    }) : () -> ()
    "tpu.region"() ({
      %run_scoped3A_421 = tpu.sem_alloc : memref<!tpu.dma_semaphore, #tpu.memory_space<semaphore_mem>>
      tpu.enqueue_dma source(%arg6 : memref<128x128xf32, #tpu.memory_space<hbm>>) target(%arg15 : memref<128x128xf32, #tpu.memory_space<vmem>>) target_semaphore(%run_scoped3A_421 : memref<!tpu.dma_semaphore, #tpu.memory_space<semaphore_mem>>)
      tpu.wait_dma2 semaphore(%run_scoped3A_421 : memref<!tpu.dma_semaphore, #tpu.memory_space<semaphore_mem>>) src(%arg6 : memref<128x128xf32, #tpu.memory_space<hbm>>) dst(%arg15 : memref<128x128xf32, #tpu.memory_space<vmem>>)
      tpu.yield
    }) : () -> ()
    %mul3A_213 = arith.constant 5 : i32
    %mul3A_214 = arith.muli %arg1, %mul3A_213 : i32
    %add3A_215 = arith.constant 0 : i32
    %add3A_216 = arith.addi %mul3A_214, %add3A_215 : i32
    %mul3A_217 = arith.constant 128 : i32
    %mul3A_218 = arith.muli %add3A_216, %mul3A_217 : i32
    "tpu.region"() ({
      %run_scoped3A_421 = tpu.sem_alloc : memref<!tpu.dma_semaphore, #tpu.memory_space<semaphore_mem>>
      %dma_start3A_422 = arith.constant 0 : i32
      %dma_start3A_423 = tpu.memref_slice %arg17[%mul3A_218, %dma_start3A_422] : memref<10240x128xf32, #tpu.memory_space<vmem_shared>> -> memref<128x128xf32, #tpu.memory_space<vmem_shared>>
      %dma_start3A_424 = arith.constant 0 : i32
      %dma_start3A_425 = tpu.memref_slice %arg17[%mul3A_218, %dma_start3A_424] : memref<10240x128xf32, #tpu.memory_space<vmem_shared>> -> memref<128x128xf32, #tpu.memory_space<vmem_shared>>
      tpu.enqueue_dma source(%arg15 : memref<128x128xf32, #tpu.memory_space<vmem>>) target(%dma_start3A_425 : memref<128x128xf32, #tpu.memory_space<vmem_shared>>) target_semaphore(%run_scoped3A_421 : memref<!tpu.dma_semaphore, #tpu.memory_space<semaphore_mem>>)
      %dma_wait3A = arith.constant 0 : i32
      %dma_wait3A_426 = tpu.memref_slice %arg17[%mul3A_218, %dma_wait3A] : memref<10240x128xf32, #tpu.memory_space<vmem_shared>> -> memref<128x128xf32, #tpu.memory_space<vmem_shared>>
      %dma_wait3A_427 = arith.constant 0 : i32
      %dma_wait3A_428 = tpu.memref_slice %arg17[%mul3A_218, %dma_wait3A_427] : memref<10240x128xf32, #tpu.memory_space<vmem_shared>> -> memref<128x128xf32, #tpu.memory_space<vmem_shared>>
      tpu.wait_dma2 semaphore(%run_scoped3A_421 : memref<!tpu.dma_semaphore, #tpu.memory_space<semaphore_mem>>) src(%arg15 : memref<128x128xf32, #tpu.memory_space<vmem>>) dst(%dma_wait3A_428 : memref<128x128xf32, #tpu.memory_space<vmem_shared>>)
      tpu.yield
    }) : () -> ()
    %mul3A_219 = arith.constant 5 : i32
    %mul3A_220 = arith.muli %arg1, %mul3A_219 : i32
    %add3A_221 = arith.constant 1 : i32
    %add3A_222 = arith.addi %mul3A_220, %add3A_221 : i32
    %mul3A_223 = arith.constant 128 : i32
    %mul3A_224 = arith.muli %add3A_222, %mul3A_223 : i32
    "tpu.region"() ({
      %run_scoped3A_421 = tpu.sem_alloc : memref<!tpu.dma_semaphore, #tpu.memory_space<semaphore_mem>>
      %dma_start3A_422 = arith.constant 0 : i32
      %dma_start3A_423 = tpu.memref_slice %arg17[%mul3A_224, %dma_start3A_422] : memref<10240x128xf32, #tpu.memory_space<vmem_shared>> -> memref<128x128xf32, #tpu.memory_space<vmem_shared>>
      %dma_start3A_424 = arith.constant 0 : i32
      %dma_start3A_425 = tpu.memref_slice %arg17[%mul3A_224, %dma_start3A_424] : memref<10240x128xf32, #tpu.memory_space<vmem_shared>> -> memref<128x128xf32, #tpu.memory_space<vmem_shared>>
      tpu.enqueue_dma source(%arg15 : memref<128x128xf32, #tpu.memory_space<vmem>>) target(%dma_start3A_425 : memref<128x128xf32, #tpu.memory_space<vmem_shared>>) target_semaphore(%run_scoped3A_421 : memref<!tpu.dma_semaphore, #tpu.memory_space<semaphore_mem>>)
      %dma_wait3A = arith.constant 0 : i32
      %dma_wait3A_426 = tpu.memref_slice %arg17[%mul3A_224, %dma_wait3A] : memref<10240x128xf32, #tpu.memory_space<vmem_shared>> -> memref<128x128xf32, #tpu.memory_space<vmem_shared>>
      %dma_wait3A_427 = arith.constant 0 : i32
      %dma_wait3A_428 = tpu.memref_slice %arg17[%mul3A_224, %dma_wait3A_427] : memref<10240x128xf32, #tpu.memory_space<vmem_shared>> -> memref<128x128xf32, #tpu.memory_space<vmem_shared>>
      tpu.wait_dma2 semaphore(%run_scoped3A_421 : memref<!tpu.dma_semaphore, #tpu.memory_space<semaphore_mem>>) src(%arg15 : memref<128x128xf32, #tpu.memory_space<vmem>>) dst(%dma_wait3A_428 : memref<128x128xf32, #tpu.memory_space<vmem_shared>>)
      tpu.yield
    }) : () -> ()
    %mul3A_225 = arith.constant 5 : i32
    %mul3A_226 = arith.muli %arg1, %mul3A_225 : i32
    %add3A_227 = arith.constant 2 : i32
    %add3A_228 = arith.addi %mul3A_226, %add3A_227 : i32
    %mul3A_229 = arith.constant 128 : i32
    %mul3A_230 = arith.muli %add3A_228, %mul3A_229 : i32
    "tpu.region"() ({
      %run_scoped3A_421 = tpu.sem_alloc : memref<!tpu.dma_semaphore, #tpu.memory_space<semaphore_mem>>
      %dma_start3A_422 = arith.constant 0 : i32
      %dma_start3A_423 = tpu.memref_slice %arg17[%mul3A_230, %dma_start3A_422] : memref<10240x128xf32, #tpu.memory_space<vmem_shared>> -> memref<128x128xf32, #tpu.memory_space<vmem_shared>>
      %dma_start3A_424 = arith.constant 0 : i32
      %dma_start3A_425 = tpu.memref_slice %arg17[%mul3A_230, %dma_start3A_424] : memref<10240x128xf32, #tpu.memory_space<vmem_shared>> -> memref<128x128xf32, #tpu.memory_space<vmem_shared>>
      tpu.enqueue_dma source(%arg15 : memref<128x128xf32, #tpu.memory_space<vmem>>) target(%dma_start3A_425 : memref<128x128xf32, #tpu.memory_space<vmem_shared>>) target_semaphore(%run_scoped3A_421 : memref<!tpu.dma_semaphore, #tpu.memory_space<semaphore_mem>>)
      %dma_wait3A = arith.constant 0 : i32
      %dma_wait3A_426 = tpu.memref_slice %arg17[%mul3A_230, %dma_wait3A] : memref<10240x128xf32, #tpu.memory_space<vmem_shared>> -> memref<128x128xf32, #tpu.memory_space<vmem_shared>>
      %dma_wait3A_427 = arith.constant 0 : i32
      %dma_wait3A_428 = tpu.memref_slice %arg17[%mul3A_230, %dma_wait3A_427] : memref<10240x128xf32, #tpu.memory_space<vmem_shared>> -> memref<128x128xf32, #tpu.memory_space<vmem_shared>>
      tpu.wait_dma2 semaphore(%run_scoped3A_421 : memref<!tpu.dma_semaphore, #tpu.memory_space<semaphore_mem>>) src(%arg15 : memref<128x128xf32, #tpu.memory_space<vmem>>) dst(%dma_wait3A_428 : memref<128x128xf32, #tpu.memory_space<vmem_shared>>)
      tpu.yield
    }) : () -> ()
    %mul3A_231 = arith.constant 5 : i32
    %mul3A_232 = arith.muli %arg1, %mul3A_231 : i32
    %add3A_233 = arith.constant 3 : i32
    %add3A_234 = arith.addi %mul3A_232, %add3A_233 : i32
    %mul3A_235 = arith.constant 128 : i32
    %mul3A_236 = arith.muli %add3A_234, %mul3A_235 : i32
    "tpu.region"() ({
      %run_scoped3A_421 = tpu.sem_alloc : memref<!tpu.dma_semaphore, #tpu.memory_space<semaphore_mem>>
      %dma_start3A_422 = arith.constant 0 : i32
      %dma_start3A_423 = tpu.memref_slice %arg17[%mul3A_236, %dma_start3A_422] : memref<10240x128xf32, #tpu.memory_space<vmem_shared>> -> memref<128x128xf32, #tpu.memory_space<vmem_shared>>
      %dma_start3A_424 = arith.constant 0 : i32
      %dma_start3A_425 = tpu.memref_slice %arg17[%mul3A_236, %dma_start3A_424] : memref<10240x128xf32, #tpu.memory_space<vmem_shared>> -> memref<128x128xf32, #tpu.memory_space<vmem_shared>>
      tpu.enqueue_dma source(%arg15 : memref<128x128xf32, #tpu.memory_space<vmem>>) target(%dma_start3A_425 : memref<128x128xf32, #tpu.memory_space<vmem_shared>>) target_semaphore(%run_scoped3A_421 : memref<!tpu.dma_semaphore, #tpu.memory_space<semaphore_mem>>)
      %dma_wait3A = arith.constant 0 : i32
      %dma_wait3A_426 = tpu.memref_slice %arg17[%mul3A_236, %dma_wait3A] : memref<10240x128xf32, #tpu.memory_space<vmem_shared>> -> memref<128x128xf32, #tpu.memory_space<vmem_shared>>
      %dma_wait3A_427 = arith.constant 0 : i32
      %dma_wait3A_428 = tpu.memref_slice %arg17[%mul3A_236, %dma_wait3A_427] : memref<10240x128xf32, #tpu.memory_space<vmem_shared>> -> memref<128x128xf32, #tpu.memory_space<vmem_shared>>
      tpu.wait_dma2 semaphore(%run_scoped3A_421 : memref<!tpu.dma_semaphore, #tpu.memory_space<semaphore_mem>>) src(%arg15 : memref<128x128xf32, #tpu.memory_space<vmem>>) dst(%dma_wait3A_428 : memref<128x128xf32, #tpu.memory_space<vmem_shared>>)
      tpu.yield
    }) : () -> ()
    %mul3A_237 = arith.constant 5 : i32
    %mul3A_238 = arith.muli %arg1, %mul3A_237 : i32
    %add3A_239 = arith.constant 4 : i32
    %add3A_240 = arith.addi %mul3A_238, %add3A_239 : i32
    %mul3A_241 = arith.constant 128 : i32
    %mul3A_242 = arith.muli %add3A_240, %mul3A_241 : i32
    "tpu.region"() ({
      %run_scoped3A_421 = tpu.sem_alloc : memref<!tpu.dma_semaphore, #tpu.memory_space<semaphore_mem>>
      %dma_start3A_422 = arith.constant 0 : i32
      %dma_start3A_423 = tpu.memref_slice %arg17[%mul3A_242, %dma_start3A_422] : memref<10240x128xf32, #tpu.memory_space<vmem_shared>> -> memref<128x128xf32, #tpu.memory_space<vmem_shared>>
      %dma_start3A_424 = arith.constant 0 : i32
      %dma_start3A_425 = tpu.memref_slice %arg17[%mul3A_242, %dma_start3A_424] : memref<10240x128xf32, #tpu.memory_space<vmem_shared>> -> memref<128x128xf32, #tpu.memory_space<vmem_shared>>
      tpu.enqueue_dma source(%arg15 : memref<128x128xf32, #tpu.memory_space<vmem>>) target(%dma_start3A_425 : memref<128x128xf32, #tpu.memory_space<vmem_shared>>) target_semaphore(%run_scoped3A_421 : memref<!tpu.dma_semaphore, #tpu.memory_space<semaphore_mem>>)
      %dma_wait3A = arith.constant 0 : i32
      %dma_wait3A_426 = tpu.memref_slice %arg17[%mul3A_242, %dma_wait3A] : memref<10240x128xf32, #tpu.memory_space<vmem_shared>> -> memref<128x128xf32, #tpu.memory_space<vmem_shared>>
      %dma_wait3A_427 = arith.constant 0 : i32
      %dma_wait3A_428 = tpu.memref_slice %arg17[%mul3A_242, %dma_wait3A_427] : memref<10240x128xf32, #tpu.memory_space<vmem_shared>> -> memref<128x128xf32, #tpu.memory_space<vmem_shared>>
      tpu.wait_dma2 semaphore(%run_scoped3A_421 : memref<!tpu.dma_semaphore, #tpu.memory_space<semaphore_mem>>) src(%arg15 : memref<128x128xf32, #tpu.memory_space<vmem>>) dst(%dma_wait3A_428 : memref<128x128xf32, #tpu.memory_space<vmem_shared>>)
      tpu.yield
    }) : () -> ()
    %barrier3A_243 = arith.constant 0 : index
    tpu.barrier barrier_id(%barrier3A_243)
    %dma_start3A_244 = arith.constant 0 : i32
    %dma_start3A_245 = arith.constant 0 : i32
    %dma_start3A_246 = tpu.memref_slice %arg13[%dma_start3A_244, %dma_start3A_245] : memref<40x128xi32, #tpu.memory_space<vmem>> -> memref<1x128xi32, #tpu.memory_space<vmem>>
    %dma_start3A_247 = tpu.memref_squeeze %dma_start3A_246 : memref<1x128xi32, #tpu.memory_space<vmem>> -> memref<128xi32, #tpu.memory_space<vmem>>
    %dma_start3A_248 = arith.constant 0 : i32
    %dma_start3A_249 = arith.constant 0 : i32
    %dma_start3A_250 = tpu.memref_slice %arg7[%dma_start3A_248, %dma_start3A_249] : memref<10000x128xf32, #tpu.memory_space<hbm>> -> memref<10000x128xf32, #tpu.memory_space<hbm>>
    tpu.enqueue_indirect_dma source(%dma_start3A_250 : memref<10000x128xf32, #tpu.memory_space<hbm>>) target(%arg15 : memref<128x128xf32, #tpu.memory_space<vmem>>) offsets(%dma_start3A_247 : memref<128xi32, #tpu.memory_space<vmem>>) semaphore(%arg18 : memref<!tpu.dma_semaphore, #tpu.memory_space<semaphore_mem>>)
    %scan3A_251 = arith.constant 0 : i32
    %scan3A_252 = arith.constant 0 : i32
    %scan3A_253 = arith.constant 20 : i32
    %scan3A_254 = arith.addi %scan3A_252, %scan3A_253 : i32
    %scan3A_255 = arith.constant 1 : i32
    %scan3A_256 = scf.for %scan3A_421 = %scan3A_252 to %scan3A_254 step %scan3A_255 iter_args(%scan3A_422 = %scan3A_251) -> (i32)  : i32 {
      %mul3A_423 = arith.constant 2 : i32
      %mul3A_424 = arith.muli %scan3A_421, %mul3A_423 : i32
      %add3A_425 = arith.constant 0 : i32
      %add3A_426 = arith.addi %mul3A_424, %add3A_425 : i32
      %add3A_427 = arith.constant 1 : i32
      %add3A_428 = arith.addi %add3A_426, %add3A_427 : i32
      %lt3A = arith.constant 40 : i32
      %lt3A_429 = arith.cmpi slt, %add3A_428, %lt3A : i32
      %convert_element_type3A = arith.extui %lt3A_429 : i1 to i32
      %cond3A = arith.constant 0 : i32
      %cond3A_430 = arith.cmpi ne, %convert_element_type3A, %cond3A : i32
      scf.if %cond3A_430 {
        %add3A_454 = arith.constant 1 : i32
        %add3A_455 = arith.addi %add3A_426, %add3A_454 : i32
        %dma_start3A_456 = arith.constant 0 : i32
        %dma_start3A_457 = tpu.memref_slice %arg13[%add3A_455, %dma_start3A_456] : memref<40x128xi32, #tpu.memory_space<vmem>> -> memref<1x128xi32, #tpu.memory_space<vmem>>
        %dma_start3A_458 = tpu.memref_squeeze %dma_start3A_457 : memref<1x128xi32, #tpu.memory_space<vmem>> -> memref<128xi32, #tpu.memory_space<vmem>>
        %dma_start3A_459 = arith.constant 0 : i32
        %dma_start3A_460 = arith.constant 0 : i32
        %dma_start3A_461 = tpu.memref_slice %arg7[%dma_start3A_459, %dma_start3A_460] : memref<10000x128xf32, #tpu.memory_space<hbm>> -> memref<10000x128xf32, #tpu.memory_space<hbm>>
        tpu.enqueue_indirect_dma source(%dma_start3A_461 : memref<10000x128xf32, #tpu.memory_space<hbm>>) target(%arg16 : memref<128x128xf32, #tpu.memory_space<vmem>>) offsets(%dma_start3A_458 : memref<128xi32, #tpu.memory_space<vmem>>) semaphore(%arg19 : memref<!tpu.dma_semaphore, #tpu.memory_space<semaphore_mem>>)
      } else {
      }
      %dma_wait3A = arith.constant 0 : i32
      %dma_wait3A_431 = tpu.memref_slice %arg13[%add3A_426, %dma_wait3A] : memref<40x128xi32, #tpu.memory_space<vmem>> -> memref<1x128xi32, #tpu.memory_space<vmem>>
      %dma_wait3A_432 = tpu.memref_squeeze %dma_wait3A_431 : memref<1x128xi32, #tpu.memory_space<vmem>> -> memref<128xi32, #tpu.memory_space<vmem>>
      %dma_wait3A_433 = arith.constant 0 : i32
      %dma_wait3A_434 = arith.constant 0 : i32
      %dma_wait3A_435 = tpu.memref_slice %arg7[%dma_wait3A_433, %dma_wait3A_434] : memref<10000x128xf32, #tpu.memory_space<hbm>> -> memref<10000x128xf32, #tpu.memory_space<hbm>>
      tpu.wait_indirect_dma semaphore(%arg18 : memref<!tpu.dma_semaphore, #tpu.memory_space<semaphore_mem>>) src(%dma_wait3A_435 : memref<10000x128xf32, #tpu.memory_space<hbm>>) dst(%arg15 : memref<128x128xf32, #tpu.memory_space<vmem>>)
      "tpu.region"() ({
        %run_scoped3A_454 = tpu.sem_alloc : memref<!tpu.dma_semaphore, #tpu.memory_space<semaphore_mem>>
        %dma_start3A_455 = arith.constant 0 : i32
        %dma_start3A_456 = tpu.memref_slice %arg14[%add3A_426, %dma_start3A_455] : memref<40x128xi32, #tpu.memory_space<vmem>> -> memref<1x128xi32, #tpu.memory_space<vmem>>
        %dma_start3A_457 = tpu.memref_squeeze %dma_start3A_456 : memref<1x128xi32, #tpu.memory_space<vmem>> -> memref<128xi32, #tpu.memory_space<vmem>>
        %dma_start3A_458 = arith.constant 0 : i32
        %dma_start3A_459 = arith.constant 0 : i32
        %dma_start3A_460 = tpu.memref_slice %arg17[%dma_start3A_458, %dma_start3A_459] : memref<10240x128xf32, #tpu.memory_space<vmem_shared>> -> memref<10240x128xf32, #tpu.memory_space<vmem_shared>>
        tpu.enqueue_indirect_dma source(%arg15 : memref<128x128xf32, #tpu.memory_space<vmem>>) target(%dma_start3A_460 : memref<10240x128xf32, #tpu.memory_space<vmem_shared>>) offsets(%dma_start3A_457 : memref<128xi32, #tpu.memory_space<vmem>>) semaphore(%run_scoped3A_454 : memref<!tpu.dma_semaphore, #tpu.memory_space<semaphore_mem>>) {add = true}
        %dma_wait3A_461 = arith.constant 0 : i32
        %dma_wait3A_462 = tpu.memref_slice %arg14[%add3A_426, %dma_wait3A_461] : memref<40x128xi32, #tpu.memory_space<vmem>> -> memref<1x128xi32, #tpu.memory_space<vmem>>
        %dma_wait3A_463 = tpu.memref_squeeze %dma_wait3A_462 : memref<1x128xi32, #tpu.memory_space<vmem>> -> memref<128xi32, #tpu.memory_space<vmem>>
        %dma_wait3A_464 = arith.constant 0 : i32
        %dma_wait3A_465 = arith.constant 0 : i32
        %dma_wait3A_466 = tpu.memref_slice %arg17[%dma_wait3A_464, %dma_wait3A_465] : memref<10240x128xf32, #tpu.memory_space<vmem_shared>> -> memref<10240x128xf32, #tpu.memory_space<vmem_shared>>
        tpu.wait_indirect_dma semaphore(%run_scoped3A_454 : memref<!tpu.dma_semaphore, #tpu.memory_space<semaphore_mem>>) src(%arg15 : memref<128x128xf32, #tpu.memory_space<vmem>>) dst(%dma_wait3A_466 : memref<10240x128xf32, #tpu.memory_space<vmem_shared>>)
        tpu.yield
      }) : () -> ()
      %mul3A_436 = arith.constant 2 : i32
      %mul3A_437 = arith.muli %scan3A_421, %mul3A_436 : i32
      %add3A_438 = arith.constant 1 : i32
      %add3A_439 = arith.addi %mul3A_437, %add3A_438 : i32
      %add3A_440 = arith.constant 1 : i32
      %add3A_441 = arith.addi %add3A_439, %add3A_440 : i32
      %lt3A_442 = arith.constant 40 : i32
      %lt3A_443 = arith.cmpi slt, %add3A_441, %lt3A_442 : i32
      %convert_element_type3A_444 = arith.extui %lt3A_443 : i1 to i32
      %cond3A_445 = arith.constant 0 : i32
      %cond3A_446 = arith.cmpi ne, %convert_element_type3A_444, %cond3A_445 : i32
      scf.if %cond3A_446 {
        %add3A_454 = arith.constant 1 : i32
        %add3A_455 = arith.addi %add3A_439, %add3A_454 : i32
        %dma_start3A_456 = arith.constant 0 : i32
        %dma_start3A_457 = tpu.memref_slice %arg13[%add3A_455, %dma_start3A_456] : memref<40x128xi32, #tpu.memory_space<vmem>> -> memref<1x128xi32, #tpu.memory_space<vmem>>
        %dma_start3A_458 = tpu.memref_squeeze %dma_start3A_457 : memref<1x128xi32, #tpu.memory_space<vmem>> -> memref<128xi32, #tpu.memory_space<vmem>>
        %dma_start3A_459 = arith.constant 0 : i32
        %dma_start3A_460 = arith.constant 0 : i32
        %dma_start3A_461 = tpu.memref_slice %arg7[%dma_start3A_459, %dma_start3A_460] : memref<10000x128xf32, #tpu.memory_space<hbm>> -> memref<10000x128xf32, #tpu.memory_space<hbm>>
        tpu.enqueue_indirect_dma source(%dma_start3A_461 : memref<10000x128xf32, #tpu.memory_space<hbm>>) target(%arg15 : memref<128x128xf32, #tpu.memory_space<vmem>>) offsets(%dma_start3A_458 : memref<128xi32, #tpu.memory_space<vmem>>) semaphore(%arg18 : memref<!tpu.dma_semaphore, #tpu.memory_space<semaphore_mem>>)
      } else {
      }
      %dma_wait3A_447 = arith.constant 0 : i32
      %dma_wait3A_448 = tpu.memref_slice %arg13[%add3A_439, %dma_wait3A_447] : memref<40x128xi32, #tpu.memory_space<vmem>> -> memref<1x128xi32, #tpu.memory_space<vmem>>
      %dma_wait3A_449 = tpu.memref_squeeze %dma_wait3A_448 : memref<1x128xi32, #tpu.memory_space<vmem>> -> memref<128xi32, #tpu.memory_space<vmem>>
      %dma_wait3A_450 = arith.constant 0 : i32
      %dma_wait3A_451 = arith.constant 0 : i32
      %dma_wait3A_452 = tpu.memref_slice %arg7[%dma_wait3A_450, %dma_wait3A_451] : memref<10000x128xf32, #tpu.memory_space<hbm>> -> memref<10000x128xf32, #tpu.memory_space<hbm>>
      tpu.wait_indirect_dma semaphore(%arg19 : memref<!tpu.dma_semaphore, #tpu.memory_space<semaphore_mem>>) src(%dma_wait3A_452 : memref<10000x128xf32, #tpu.memory_space<hbm>>) dst(%arg16 : memref<128x128xf32, #tpu.memory_space<vmem>>)
      "tpu.region"() ({
        %run_scoped3A_454 = tpu.sem_alloc : memref<!tpu.dma_semaphore, #tpu.memory_space<semaphore_mem>>
        %dma_start3A_455 = arith.constant 0 : i32
        %dma_start3A_456 = tpu.memref_slice %arg14[%add3A_439, %dma_start3A_455] : memref<40x128xi32, #tpu.memory_space<vmem>> -> memref<1x128xi32, #tpu.memory_space<vmem>>
        %dma_start3A_457 = tpu.memref_squeeze %dma_start3A_456 : memref<1x128xi32, #tpu.memory_space<vmem>> -> memref<128xi32, #tpu.memory_space<vmem>>
        %dma_start3A_458 = arith.constant 0 : i32
        %dma_start3A_459 = arith.constant 0 : i32
        %dma_start3A_460 = tpu.memref_slice %arg17[%dma_start3A_458, %dma_start3A_459] : memref<10240x128xf32, #tpu.memory_space<vmem_shared>> -> memref<10240x128xf32, #tpu.memory_space<vmem_shared>>
        tpu.enqueue_indirect_dma source(%arg16 : memref<128x128xf32, #tpu.memory_space<vmem>>) target(%dma_start3A_460 : memref<10240x128xf32, #tpu.memory_space<vmem_shared>>) offsets(%dma_start3A_457 : memref<128xi32, #tpu.memory_space<vmem>>) semaphore(%run_scoped3A_454 : memref<!tpu.dma_semaphore, #tpu.memory_space<semaphore_mem>>) {add = true}
        %dma_wait3A_461 = arith.constant 0 : i32
        %dma_wait3A_462 = tpu.memref_slice %arg14[%add3A_439, %dma_wait3A_461] : memref<40x128xi32, #tpu.memory_space<vmem>> -> memref<1x128xi32, #tpu.memory_space<vmem>>
        %dma_wait3A_463 = tpu.memref_squeeze %dma_wait3A_462 : memref<1x128xi32, #tpu.memory_space<vmem>> -> memref<128xi32, #tpu.memory_space<vmem>>
        %dma_wait3A_464 = arith.constant 0 : i32
        %dma_wait3A_465 = arith.constant 0 : i32
        %dma_wait3A_466 = tpu.memref_slice %arg17[%dma_wait3A_464, %dma_wait3A_465] : memref<10240x128xf32, #tpu.memory_space<vmem_shared>> -> memref<10240x128xf32, #tpu.memory_space<vmem_shared>>
        tpu.wait_indirect_dma semaphore(%run_scoped3A_454 : memref<!tpu.dma_semaphore, #tpu.memory_space<semaphore_mem>>) src(%arg16 : memref<128x128xf32, #tpu.memory_space<vmem>>) dst(%dma_wait3A_466 : memref<10240x128xf32, #tpu.memory_space<vmem_shared>>)
        tpu.yield
      }) : () -> ()
      %scan3A_453 = arith.constant 0 : i32
      scf.yield %scan3A_453 : i32
    }
    %scan3A_257 = arith.constant 20 : i32
    %barrier3A_258 = arith.constant 0 : index
    tpu.barrier barrier_id(%barrier3A_258)
    %mul3A_259 = arith.constant 640 : i32
    %mul3A_260 = arith.muli %arg1, %mul3A_259 : i32
    %mul3A_261 = arith.constant 640 : i32
    %mul3A_262 = arith.muli %arg1, %mul3A_261 : i32
    %run_scoped3A_263 = arith.constant 0 : i32
    "tpu.region"() ({
      %run_scoped3A_421 = tpu.sem_alloc : memref<!tpu.dma_semaphore, #tpu.memory_space<semaphore_mem>>
      %dma_start3A_422 = arith.constant 0 : i32
      %dma_start3A_423 = tpu.memref_slice %arg12[%arg0, %run_scoped3A_263, %mul3A_262, %dma_start3A_422] : memref<2x4x10240x128xf32, #tpu.memory_space<hbm>> -> memref<1x1x640x128xf32, #tpu.memory_space<hbm>>
      %dma_start3A_424 = tpu.memref_squeeze %dma_start3A_423 : memref<1x1x640x128xf32, #tpu.memory_space<hbm>> -> memref<640x128xf32, #tpu.memory_space<hbm>>
      %dma_start3A_425 = arith.constant 0 : i32
      %dma_start3A_426 = tpu.memref_slice %arg17[%mul3A_260, %dma_start3A_425] : memref<10240x128xf32, #tpu.memory_space<vmem_shared>> -> memref<640x128xf32, #tpu.memory_space<vmem_shared>>
      tpu.enqueue_dma source(%dma_start3A_426 : memref<640x128xf32, #tpu.memory_space<vmem_shared>>) target(%dma_start3A_424 : memref<640x128xf32, #tpu.memory_space<hbm>>) target_semaphore(%run_scoped3A_421 : memref<!tpu.dma_semaphore, #tpu.memory_space<semaphore_mem>>)
      %dma_wait3A = arith.constant 0 : i32
      %dma_wait3A_427 = tpu.memref_slice %arg12[%arg0, %run_scoped3A_263, %mul3A_262, %dma_wait3A] : memref<2x4x10240x128xf32, #tpu.memory_space<hbm>> -> memref<1x1x640x128xf32, #tpu.memory_space<hbm>>
      %dma_wait3A_428 = tpu.memref_squeeze %dma_wait3A_427 : memref<1x1x640x128xf32, #tpu.memory_space<hbm>> -> memref<640x128xf32, #tpu.memory_space<hbm>>
      %dma_wait3A_429 = arith.constant 0 : i32
      %dma_wait3A_430 = tpu.memref_slice %arg17[%mul3A_260, %dma_wait3A_429] : memref<10240x128xf32, #tpu.memory_space<vmem_shared>> -> memref<640x128xf32, #tpu.memory_space<vmem_shared>>
      tpu.wait_dma2 semaphore(%run_scoped3A_421 : memref<!tpu.dma_semaphore, #tpu.memory_space<semaphore_mem>>) src(%dma_wait3A_430 : memref<640x128xf32, #tpu.memory_space<vmem_shared>>) dst(%dma_wait3A_428 : memref<640x128xf32, #tpu.memory_space<hbm>>)
      tpu.yield
    }) : () -> ()
    %barrier3A_264 = arith.constant 0 : index
    tpu.barrier barrier_id(%barrier3A_264)
    "tpu.region"() ({
      %run_scoped3A_421 = tpu.sem_alloc : memref<!tpu.dma_semaphore, #tpu.memory_space<semaphore_mem>>
      tpu.enqueue_dma source(%arg6 : memref<128x128xf32, #tpu.memory_space<hbm>>) target(%arg15 : memref<128x128xf32, #tpu.memory_space<vmem>>) target_semaphore(%run_scoped3A_421 : memref<!tpu.dma_semaphore, #tpu.memory_space<semaphore_mem>>)
      tpu.wait_dma2 semaphore(%run_scoped3A_421 : memref<!tpu.dma_semaphore, #tpu.memory_space<semaphore_mem>>) src(%arg6 : memref<128x128xf32, #tpu.memory_space<hbm>>) dst(%arg15 : memref<128x128xf32, #tpu.memory_space<vmem>>)
      tpu.yield
    }) : () -> ()
    %mul3A_265 = arith.constant 5 : i32
    %mul3A_266 = arith.muli %arg1, %mul3A_265 : i32
    %add3A_267 = arith.constant 0 : i32
    %add3A_268 = arith.addi %mul3A_266, %add3A_267 : i32
    %mul3A_269 = arith.constant 128 : i32
    %mul3A_270 = arith.muli %add3A_268, %mul3A_269 : i32
    "tpu.region"() ({
      %run_scoped3A_421 = tpu.sem_alloc : memref<!tpu.dma_semaphore, #tpu.memory_space<semaphore_mem>>
      %dma_start3A_422 = arith.constant 0 : i32
      %dma_start3A_423 = tpu.memref_slice %arg17[%mul3A_270, %dma_start3A_422] : memref<10240x128xf32, #tpu.memory_space<vmem_shared>> -> memref<128x128xf32, #tpu.memory_space<vmem_shared>>
      %dma_start3A_424 = arith.constant 0 : i32
      %dma_start3A_425 = tpu.memref_slice %arg17[%mul3A_270, %dma_start3A_424] : memref<10240x128xf32, #tpu.memory_space<vmem_shared>> -> memref<128x128xf32, #tpu.memory_space<vmem_shared>>
      tpu.enqueue_dma source(%arg15 : memref<128x128xf32, #tpu.memory_space<vmem>>) target(%dma_start3A_425 : memref<128x128xf32, #tpu.memory_space<vmem_shared>>) target_semaphore(%run_scoped3A_421 : memref<!tpu.dma_semaphore, #tpu.memory_space<semaphore_mem>>)
      %dma_wait3A = arith.constant 0 : i32
      %dma_wait3A_426 = tpu.memref_slice %arg17[%mul3A_270, %dma_wait3A] : memref<10240x128xf32, #tpu.memory_space<vmem_shared>> -> memref<128x128xf32, #tpu.memory_space<vmem_shared>>
      %dma_wait3A_427 = arith.constant 0 : i32
      %dma_wait3A_428 = tpu.memref_slice %arg17[%mul3A_270, %dma_wait3A_427] : memref<10240x128xf32, #tpu.memory_space<vmem_shared>> -> memref<128x128xf32, #tpu.memory_space<vmem_shared>>
      tpu.wait_dma2 semaphore(%run_scoped3A_421 : memref<!tpu.dma_semaphore, #tpu.memory_space<semaphore_mem>>) src(%arg15 : memref<128x128xf32, #tpu.memory_space<vmem>>) dst(%dma_wait3A_428 : memref<128x128xf32, #tpu.memory_space<vmem_shared>>)
      tpu.yield
    }) : () -> ()
    %mul3A_271 = arith.constant 5 : i32
    %mul3A_272 = arith.muli %arg1, %mul3A_271 : i32
    %add3A_273 = arith.constant 1 : i32
    %add3A_274 = arith.addi %mul3A_272, %add3A_273 : i32
    %mul3A_275 = arith.constant 128 : i32
    %mul3A_276 = arith.muli %add3A_274, %mul3A_275 : i32
    "tpu.region"() ({
      %run_scoped3A_421 = tpu.sem_alloc : memref<!tpu.dma_semaphore, #tpu.memory_space<semaphore_mem>>
      %dma_start3A_422 = arith.constant 0 : i32
      %dma_start3A_423 = tpu.memref_slice %arg17[%mul3A_276, %dma_start3A_422] : memref<10240x128xf32, #tpu.memory_space<vmem_shared>> -> memref<128x128xf32, #tpu.memory_space<vmem_shared>>
      %dma_start3A_424 = arith.constant 0 : i32
      %dma_start3A_425 = tpu.memref_slice %arg17[%mul3A_276, %dma_start3A_424] : memref<10240x128xf32, #tpu.memory_space<vmem_shared>> -> memref<128x128xf32, #tpu.memory_space<vmem_shared>>
      tpu.enqueue_dma source(%arg15 : memref<128x128xf32, #tpu.memory_space<vmem>>) target(%dma_start3A_425 : memref<128x128xf32, #tpu.memory_space<vmem_shared>>) target_semaphore(%run_scoped3A_421 : memref<!tpu.dma_semaphore, #tpu.memory_space<semaphore_mem>>)
      %dma_wait3A = arith.constant 0 : i32
      %dma_wait3A_426 = tpu.memref_slice %arg17[%mul3A_276, %dma_wait3A] : memref<10240x128xf32, #tpu.memory_space<vmem_shared>> -> memref<128x128xf32, #tpu.memory_space<vmem_shared>>
      %dma_wait3A_427 = arith.constant 0 : i32
      %dma_wait3A_428 = tpu.memref_slice %arg17[%mul3A_276, %dma_wait3A_427] : memref<10240x128xf32, #tpu.memory_space<vmem_shared>> -> memref<128x128xf32, #tpu.memory_space<vmem_shared>>
      tpu.wait_dma2 semaphore(%run_scoped3A_421 : memref<!tpu.dma_semaphore, #tpu.memory_space<semaphore_mem>>) src(%arg15 : memref<128x128xf32, #tpu.memory_space<vmem>>) dst(%dma_wait3A_428 : memref<128x128xf32, #tpu.memory_space<vmem_shared>>)
      tpu.yield
    }) : () -> ()
    %mul3A_277 = arith.constant 5 : i32
    %mul3A_278 = arith.muli %arg1, %mul3A_277 : i32
    %add3A_279 = arith.constant 2 : i32
    %add3A_280 = arith.addi %mul3A_278, %add3A_279 : i32
    %mul3A_281 = arith.constant 128 : i32
    %mul3A_282 = arith.muli %add3A_280, %mul3A_281 : i32
    "tpu.region"() ({
      %run_scoped3A_421 = tpu.sem_alloc : memref<!tpu.dma_semaphore, #tpu.memory_space<semaphore_mem>>
      %dma_start3A_422 = arith.constant 0 : i32
      %dma_start3A_423 = tpu.memref_slice %arg17[%mul3A_282, %dma_start3A_422] : memref<10240x128xf32, #tpu.memory_space<vmem_shared>> -> memref<128x128xf32, #tpu.memory_space<vmem_shared>>
      %dma_start3A_424 = arith.constant 0 : i32
      %dma_start3A_425 = tpu.memref_slice %arg17[%mul3A_282, %dma_start3A_424] : memref<10240x128xf32, #tpu.memory_space<vmem_shared>> -> memref<128x128xf32, #tpu.memory_space<vmem_shared>>
      tpu.enqueue_dma source(%arg15 : memref<128x128xf32, #tpu.memory_space<vmem>>) target(%dma_start3A_425 : memref<128x128xf32, #tpu.memory_space<vmem_shared>>) target_semaphore(%run_scoped3A_421 : memref<!tpu.dma_semaphore, #tpu.memory_space<semaphore_mem>>)
      %dma_wait3A = arith.constant 0 : i32
      %dma_wait3A_426 = tpu.memref_slice %arg17[%mul3A_282, %dma_wait3A] : memref<10240x128xf32, #tpu.memory_space<vmem_shared>> -> memref<128x128xf32, #tpu.memory_space<vmem_shared>>
      %dma_wait3A_427 = arith.constant 0 : i32
      %dma_wait3A_428 = tpu.memref_slice %arg17[%mul3A_282, %dma_wait3A_427] : memref<10240x128xf32, #tpu.memory_space<vmem_shared>> -> memref<128x128xf32, #tpu.memory_space<vmem_shared>>
      tpu.wait_dma2 semaphore(%run_scoped3A_421 : memref<!tpu.dma_semaphore, #tpu.memory_space<semaphore_mem>>) src(%arg15 : memref<128x128xf32, #tpu.memory_space<vmem>>) dst(%dma_wait3A_428 : memref<128x128xf32, #tpu.memory_space<vmem_shared>>)
      tpu.yield
    }) : () -> ()
    %mul3A_283 = arith.constant 5 : i32
    %mul3A_284 = arith.muli %arg1, %mul3A_283 : i32
    %add3A_285 = arith.constant 3 : i32
    %add3A_286 = arith.addi %mul3A_284, %add3A_285 : i32
    %mul3A_287 = arith.constant 128 : i32
    %mul3A_288 = arith.muli %add3A_286, %mul3A_287 : i32
    "tpu.region"() ({
      %run_scoped3A_421 = tpu.sem_alloc : memref<!tpu.dma_semaphore, #tpu.memory_space<semaphore_mem>>
      %dma_start3A_422 = arith.constant 0 : i32
      %dma_start3A_423 = tpu.memref_slice %arg17[%mul3A_288, %dma_start3A_422] : memref<10240x128xf32, #tpu.memory_space<vmem_shared>> -> memref<128x128xf32, #tpu.memory_space<vmem_shared>>
      %dma_start3A_424 = arith.constant 0 : i32
      %dma_start3A_425 = tpu.memref_slice %arg17[%mul3A_288, %dma_start3A_424] : memref<10240x128xf32, #tpu.memory_space<vmem_shared>> -> memref<128x128xf32, #tpu.memory_space<vmem_shared>>
      tpu.enqueue_dma source(%arg15 : memref<128x128xf32, #tpu.memory_space<vmem>>) target(%dma_start3A_425 : memref<128x128xf32, #tpu.memory_space<vmem_shared>>) target_semaphore(%run_scoped3A_421 : memref<!tpu.dma_semaphore, #tpu.memory_space<semaphore_mem>>)
      %dma_wait3A = arith.constant 0 : i32
      %dma_wait3A_426 = tpu.memref_slice %arg17[%mul3A_288, %dma_wait3A] : memref<10240x128xf32, #tpu.memory_space<vmem_shared>> -> memref<128x128xf32, #tpu.memory_space<vmem_shared>>
      %dma_wait3A_427 = arith.constant 0 : i32
      %dma_wait3A_428 = tpu.memref_slice %arg17[%mul3A_288, %dma_wait3A_427] : memref<10240x128xf32, #tpu.memory_space<vmem_shared>> -> memref<128x128xf32, #tpu.memory_space<vmem_shared>>
      tpu.wait_dma2 semaphore(%run_scoped3A_421 : memref<!tpu.dma_semaphore, #tpu.memory_space<semaphore_mem>>) src(%arg15 : memref<128x128xf32, #tpu.memory_space<vmem>>) dst(%dma_wait3A_428 : memref<128x128xf32, #tpu.memory_space<vmem_shared>>)
      tpu.yield
    }) : () -> ()
    %mul3A_289 = arith.constant 5 : i32
    %mul3A_290 = arith.muli %arg1, %mul3A_289 : i32
    %add3A_291 = arith.constant 4 : i32
    %add3A_292 = arith.addi %mul3A_290, %add3A_291 : i32
    %mul3A_293 = arith.constant 128 : i32
    %mul3A_294 = arith.muli %add3A_292, %mul3A_293 : i32
    "tpu.region"() ({
      %run_scoped3A_421 = tpu.sem_alloc : memref<!tpu.dma_semaphore, #tpu.memory_space<semaphore_mem>>
      %dma_start3A_422 = arith.constant 0 : i32
      %dma_start3A_423 = tpu.memref_slice %arg17[%mul3A_294, %dma_start3A_422] : memref<10240x128xf32, #tpu.memory_space<vmem_shared>> -> memref<128x128xf32, #tpu.memory_space<vmem_shared>>
      %dma_start3A_424 = arith.constant 0 : i32
      %dma_start3A_425 = tpu.memref_slice %arg17[%mul3A_294, %dma_start3A_424] : memref<10240x128xf32, #tpu.memory_space<vmem_shared>> -> memref<128x128xf32, #tpu.memory_space<vmem_shared>>
      tpu.enqueue_dma source(%arg15 : memref<128x128xf32, #tpu.memory_space<vmem>>) target(%dma_start3A_425 : memref<128x128xf32, #tpu.memory_space<vmem_shared>>) target_semaphore(%run_scoped3A_421 : memref<!tpu.dma_semaphore, #tpu.memory_space<semaphore_mem>>)
      %dma_wait3A = arith.constant 0 : i32
      %dma_wait3A_426 = tpu.memref_slice %arg17[%mul3A_294, %dma_wait3A] : memref<10240x128xf32, #tpu.memory_space<vmem_shared>> -> memref<128x128xf32, #tpu.memory_space<vmem_shared>>
      %dma_wait3A_427 = arith.constant 0 : i32
      %dma_wait3A_428 = tpu.memref_slice %arg17[%mul3A_294, %dma_wait3A_427] : memref<10240x128xf32, #tpu.memory_space<vmem_shared>> -> memref<128x128xf32, #tpu.memory_space<vmem_shared>>
      tpu.wait_dma2 semaphore(%run_scoped3A_421 : memref<!tpu.dma_semaphore, #tpu.memory_space<semaphore_mem>>) src(%arg15 : memref<128x128xf32, #tpu.memory_space<vmem>>) dst(%dma_wait3A_428 : memref<128x128xf32, #tpu.memory_space<vmem_shared>>)
      tpu.yield
    }) : () -> ()
    %barrier3A_295 = arith.constant 0 : index
    tpu.barrier barrier_id(%barrier3A_295)
    %dma_start3A_296 = arith.constant 0 : i32
    %dma_start3A_297 = arith.constant 0 : i32
    %dma_start3A_298 = tpu.memref_slice %arg13[%dma_start3A_296, %dma_start3A_297] : memref<40x128xi32, #tpu.memory_space<vmem>> -> memref<1x128xi32, #tpu.memory_space<vmem>>
    %dma_start3A_299 = tpu.memref_squeeze %dma_start3A_298 : memref<1x128xi32, #tpu.memory_space<vmem>> -> memref<128xi32, #tpu.memory_space<vmem>>
    %dma_start3A_300 = arith.constant 0 : i32
    %dma_start3A_301 = arith.constant 0 : i32
    %dma_start3A_302 = tpu.memref_slice %arg8[%dma_start3A_300, %dma_start3A_301] : memref<10000x128xf32, #tpu.memory_space<hbm>> -> memref<10000x128xf32, #tpu.memory_space<hbm>>
    tpu.enqueue_indirect_dma source(%dma_start3A_302 : memref<10000x128xf32, #tpu.memory_space<hbm>>) target(%arg15 : memref<128x128xf32, #tpu.memory_space<vmem>>) offsets(%dma_start3A_299 : memref<128xi32, #tpu.memory_space<vmem>>) semaphore(%arg18 : memref<!tpu.dma_semaphore, #tpu.memory_space<semaphore_mem>>)
    %scan3A_303 = arith.constant 0 : i32
    %scan3A_304 = arith.constant 0 : i32
    %scan3A_305 = arith.constant 20 : i32
    %scan3A_306 = arith.addi %scan3A_304, %scan3A_305 : i32
    %scan3A_307 = arith.constant 1 : i32
    %scan3A_308 = scf.for %scan3A_421 = %scan3A_304 to %scan3A_306 step %scan3A_307 iter_args(%scan3A_422 = %scan3A_303) -> (i32)  : i32 {
      %mul3A_423 = arith.constant 2 : i32
      %mul3A_424 = arith.muli %scan3A_421, %mul3A_423 : i32
      %add3A_425 = arith.constant 0 : i32
      %add3A_426 = arith.addi %mul3A_424, %add3A_425 : i32
      %add3A_427 = arith.constant 1 : i32
      %add3A_428 = arith.addi %add3A_426, %add3A_427 : i32
      %lt3A = arith.constant 40 : i32
      %lt3A_429 = arith.cmpi slt, %add3A_428, %lt3A : i32
      %convert_element_type3A = arith.extui %lt3A_429 : i1 to i32
      %cond3A = arith.constant 0 : i32
      %cond3A_430 = arith.cmpi ne, %convert_element_type3A, %cond3A : i32
      scf.if %cond3A_430 {
        %add3A_454 = arith.constant 1 : i32
        %add3A_455 = arith.addi %add3A_426, %add3A_454 : i32
        %dma_start3A_456 = arith.constant 0 : i32
        %dma_start3A_457 = tpu.memref_slice %arg13[%add3A_455, %dma_start3A_456] : memref<40x128xi32, #tpu.memory_space<vmem>> -> memref<1x128xi32, #tpu.memory_space<vmem>>
        %dma_start3A_458 = tpu.memref_squeeze %dma_start3A_457 : memref<1x128xi32, #tpu.memory_space<vmem>> -> memref<128xi32, #tpu.memory_space<vmem>>
        %dma_start3A_459 = arith.constant 0 : i32
        %dma_start3A_460 = arith.constant 0 : i32
        %dma_start3A_461 = tpu.memref_slice %arg8[%dma_start3A_459, %dma_start3A_460] : memref<10000x128xf32, #tpu.memory_space<hbm>> -> memref<10000x128xf32, #tpu.memory_space<hbm>>
        tpu.enqueue_indirect_dma source(%dma_start3A_461 : memref<10000x128xf32, #tpu.memory_space<hbm>>) target(%arg16 : memref<128x128xf32, #tpu.memory_space<vmem>>) offsets(%dma_start3A_458 : memref<128xi32, #tpu.memory_space<vmem>>) semaphore(%arg19 : memref<!tpu.dma_semaphore, #tpu.memory_space<semaphore_mem>>)
      } else {
      }
      %dma_wait3A = arith.constant 0 : i32
      %dma_wait3A_431 = tpu.memref_slice %arg13[%add3A_426, %dma_wait3A] : memref<40x128xi32, #tpu.memory_space<vmem>> -> memref<1x128xi32, #tpu.memory_space<vmem>>
      %dma_wait3A_432 = tpu.memref_squeeze %dma_wait3A_431 : memref<1x128xi32, #tpu.memory_space<vmem>> -> memref<128xi32, #tpu.memory_space<vmem>>
      %dma_wait3A_433 = arith.constant 0 : i32
      %dma_wait3A_434 = arith.constant 0 : i32
      %dma_wait3A_435 = tpu.memref_slice %arg8[%dma_wait3A_433, %dma_wait3A_434] : memref<10000x128xf32, #tpu.memory_space<hbm>> -> memref<10000x128xf32, #tpu.memory_space<hbm>>
      tpu.wait_indirect_dma semaphore(%arg18 : memref<!tpu.dma_semaphore, #tpu.memory_space<semaphore_mem>>) src(%dma_wait3A_435 : memref<10000x128xf32, #tpu.memory_space<hbm>>) dst(%arg15 : memref<128x128xf32, #tpu.memory_space<vmem>>)
      "tpu.region"() ({
        %run_scoped3A_454 = tpu.sem_alloc : memref<!tpu.dma_semaphore, #tpu.memory_space<semaphore_mem>>
        %dma_start3A_455 = arith.constant 0 : i32
        %dma_start3A_456 = tpu.memref_slice %arg14[%add3A_426, %dma_start3A_455] : memref<40x128xi32, #tpu.memory_space<vmem>> -> memref<1x128xi32, #tpu.memory_space<vmem>>
        %dma_start3A_457 = tpu.memref_squeeze %dma_start3A_456 : memref<1x128xi32, #tpu.memory_space<vmem>> -> memref<128xi32, #tpu.memory_space<vmem>>
        %dma_start3A_458 = arith.constant 0 : i32
        %dma_start3A_459 = arith.constant 0 : i32
        %dma_start3A_460 = tpu.memref_slice %arg17[%dma_start3A_458, %dma_start3A_459] : memref<10240x128xf32, #tpu.memory_space<vmem_shared>> -> memref<10240x128xf32, #tpu.memory_space<vmem_shared>>
        tpu.enqueue_indirect_dma source(%arg15 : memref<128x128xf32, #tpu.memory_space<vmem>>) target(%dma_start3A_460 : memref<10240x128xf32, #tpu.memory_space<vmem_shared>>) offsets(%dma_start3A_457 : memref<128xi32, #tpu.memory_space<vmem>>) semaphore(%run_scoped3A_454 : memref<!tpu.dma_semaphore, #tpu.memory_space<semaphore_mem>>) {add = true}
        %dma_wait3A_461 = arith.constant 0 : i32
        %dma_wait3A_462 = tpu.memref_slice %arg14[%add3A_426, %dma_wait3A_461] : memref<40x128xi32, #tpu.memory_space<vmem>> -> memref<1x128xi32, #tpu.memory_space<vmem>>
        %dma_wait3A_463 = tpu.memref_squeeze %dma_wait3A_462 : memref<1x128xi32, #tpu.memory_space<vmem>> -> memref<128xi32, #tpu.memory_space<vmem>>
        %dma_wait3A_464 = arith.constant 0 : i32
        %dma_wait3A_465 = arith.constant 0 : i32
        %dma_wait3A_466 = tpu.memref_slice %arg17[%dma_wait3A_464, %dma_wait3A_465] : memref<10240x128xf32, #tpu.memory_space<vmem_shared>> -> memref<10240x128xf32, #tpu.memory_space<vmem_shared>>
        tpu.wait_indirect_dma semaphore(%run_scoped3A_454 : memref<!tpu.dma_semaphore, #tpu.memory_space<semaphore_mem>>) src(%arg15 : memref<128x128xf32, #tpu.memory_space<vmem>>) dst(%dma_wait3A_466 : memref<10240x128xf32, #tpu.memory_space<vmem_shared>>)
        tpu.yield
      }) : () -> ()
      %mul3A_436 = arith.constant 2 : i32
      %mul3A_437 = arith.muli %scan3A_421, %mul3A_436 : i32
      %add3A_438 = arith.constant 1 : i32
      %add3A_439 = arith.addi %mul3A_437, %add3A_438 : i32
      %add3A_440 = arith.constant 1 : i32
      %add3A_441 = arith.addi %add3A_439, %add3A_440 : i32
      %lt3A_442 = arith.constant 40 : i32
      %lt3A_443 = arith.cmpi slt, %add3A_441, %lt3A_442 : i32
      %convert_element_type3A_444 = arith.extui %lt3A_443 : i1 to i32
      %cond3A_445 = arith.constant 0 : i32
      %cond3A_446 = arith.cmpi ne, %convert_element_type3A_444, %cond3A_445 : i32
      scf.if %cond3A_446 {
        %add3A_454 = arith.constant 1 : i32
        %add3A_455 = arith.addi %add3A_439, %add3A_454 : i32
        %dma_start3A_456 = arith.constant 0 : i32
        %dma_start3A_457 = tpu.memref_slice %arg13[%add3A_455, %dma_start3A_456] : memref<40x128xi32, #tpu.memory_space<vmem>> -> memref<1x128xi32, #tpu.memory_space<vmem>>
        %dma_start3A_458 = tpu.memref_squeeze %dma_start3A_457 : memref<1x128xi32, #tpu.memory_space<vmem>> -> memref<128xi32, #tpu.memory_space<vmem>>
        %dma_start3A_459 = arith.constant 0 : i32
        %dma_start3A_460 = arith.constant 0 : i32
        %dma_start3A_461 = tpu.memref_slice %arg8[%dma_start3A_459, %dma_start3A_460] : memref<10000x128xf32, #tpu.memory_space<hbm>> -> memref<10000x128xf32, #tpu.memory_space<hbm>>
        tpu.enqueue_indirect_dma source(%dma_start3A_461 : memref<10000x128xf32, #tpu.memory_space<hbm>>) target(%arg15 : memref<128x128xf32, #tpu.memory_space<vmem>>) offsets(%dma_start3A_458 : memref<128xi32, #tpu.memory_space<vmem>>) semaphore(%arg18 : memref<!tpu.dma_semaphore, #tpu.memory_space<semaphore_mem>>)
      } else {
      }
      %dma_wait3A_447 = arith.constant 0 : i32
      %dma_wait3A_448 = tpu.memref_slice %arg13[%add3A_439, %dma_wait3A_447] : memref<40x128xi32, #tpu.memory_space<vmem>> -> memref<1x128xi32, #tpu.memory_space<vmem>>
      %dma_wait3A_449 = tpu.memref_squeeze %dma_wait3A_448 : memref<1x128xi32, #tpu.memory_space<vmem>> -> memref<128xi32, #tpu.memory_space<vmem>>
      %dma_wait3A_450 = arith.constant 0 : i32
      %dma_wait3A_451 = arith.constant 0 : i32
      %dma_wait3A_452 = tpu.memref_slice %arg8[%dma_wait3A_450, %dma_wait3A_451] : memref<10000x128xf32, #tpu.memory_space<hbm>> -> memref<10000x128xf32, #tpu.memory_space<hbm>>
      tpu.wait_indirect_dma semaphore(%arg19 : memref<!tpu.dma_semaphore, #tpu.memory_space<semaphore_mem>>) src(%dma_wait3A_452 : memref<10000x128xf32, #tpu.memory_space<hbm>>) dst(%arg16 : memref<128x128xf32, #tpu.memory_space<vmem>>)
      "tpu.region"() ({
        %run_scoped3A_454 = tpu.sem_alloc : memref<!tpu.dma_semaphore, #tpu.memory_space<semaphore_mem>>
        %dma_start3A_455 = arith.constant 0 : i32
        %dma_start3A_456 = tpu.memref_slice %arg14[%add3A_439, %dma_start3A_455] : memref<40x128xi32, #tpu.memory_space<vmem>> -> memref<1x128xi32, #tpu.memory_space<vmem>>
        %dma_start3A_457 = tpu.memref_squeeze %dma_start3A_456 : memref<1x128xi32, #tpu.memory_space<vmem>> -> memref<128xi32, #tpu.memory_space<vmem>>
        %dma_start3A_458 = arith.constant 0 : i32
        %dma_start3A_459 = arith.constant 0 : i32
        %dma_start3A_460 = tpu.memref_slice %arg17[%dma_start3A_458, %dma_start3A_459] : memref<10240x128xf32, #tpu.memory_space<vmem_shared>> -> memref<10240x128xf32, #tpu.memory_space<vmem_shared>>
        tpu.enqueue_indirect_dma source(%arg16 : memref<128x128xf32, #tpu.memory_space<vmem>>) target(%dma_start3A_460 : memref<10240x128xf32, #tpu.memory_space<vmem_shared>>) offsets(%dma_start3A_457 : memref<128xi32, #tpu.memory_space<vmem>>) semaphore(%run_scoped3A_454 : memref<!tpu.dma_semaphore, #tpu.memory_space<semaphore_mem>>) {add = true}
        %dma_wait3A_461 = arith.constant 0 : i32
        %dma_wait3A_462 = tpu.memref_slice %arg14[%add3A_439, %dma_wait3A_461] : memref<40x128xi32, #tpu.memory_space<vmem>> -> memref<1x128xi32, #tpu.memory_space<vmem>>
        %dma_wait3A_463 = tpu.memref_squeeze %dma_wait3A_462 : memref<1x128xi32, #tpu.memory_space<vmem>> -> memref<128xi32, #tpu.memory_space<vmem>>
        %dma_wait3A_464 = arith.constant 0 : i32
        %dma_wait3A_465 = arith.constant 0 : i32
        %dma_wait3A_466 = tpu.memref_slice %arg17[%dma_wait3A_464, %dma_wait3A_465] : memref<10240x128xf32, #tpu.memory_space<vmem_shared>> -> memref<10240x128xf32, #tpu.memory_space<vmem_shared>>
        tpu.wait_indirect_dma semaphore(%run_scoped3A_454 : memref<!tpu.dma_semaphore, #tpu.memory_space<semaphore_mem>>) src(%arg16 : memref<128x128xf32, #tpu.memory_space<vmem>>) dst(%dma_wait3A_466 : memref<10240x128xf32, #tpu.memory_space<vmem_shared>>)
        tpu.yield
      }) : () -> ()
      %scan3A_453 = arith.constant 0 : i32
      scf.yield %scan3A_453 : i32
    }
    %scan3A_309 = arith.constant 20 : i32
    %barrier3A_310 = arith.constant 0 : index
    tpu.barrier barrier_id(%barrier3A_310)
    %mul3A_311 = arith.constant 640 : i32
    %mul3A_312 = arith.muli %arg1, %mul3A_311 : i32
    %mul3A_313 = arith.constant 640 : i32
    %mul3A_314 = arith.muli %arg1, %mul3A_313 : i32
    %run_scoped3A_315 = arith.constant 1 : i32
    "tpu.region"() ({
      %run_scoped3A_421 = tpu.sem_alloc : memref<!tpu.dma_semaphore, #tpu.memory_space<semaphore_mem>>
      %dma_start3A_422 = arith.constant 0 : i32
      %dma_start3A_423 = tpu.memref_slice %arg12[%arg0, %run_scoped3A_315, %mul3A_314, %dma_start3A_422] : memref<2x4x10240x128xf32, #tpu.memory_space<hbm>> -> memref<1x1x640x128xf32, #tpu.memory_space<hbm>>
      %dma_start3A_424 = tpu.memref_squeeze %dma_start3A_423 : memref<1x1x640x128xf32, #tpu.memory_space<hbm>> -> memref<640x128xf32, #tpu.memory_space<hbm>>
      %dma_start3A_425 = arith.constant 0 : i32
      %dma_start3A_426 = tpu.memref_slice %arg17[%mul3A_312, %dma_start3A_425] : memref<10240x128xf32, #tpu.memory_space<vmem_shared>> -> memref<640x128xf32, #tpu.memory_space<vmem_shared>>
      tpu.enqueue_dma source(%dma_start3A_426 : memref<640x128xf32, #tpu.memory_space<vmem_shared>>) target(%dma_start3A_424 : memref<640x128xf32, #tpu.memory_space<hbm>>) target_semaphore(%run_scoped3A_421 : memref<!tpu.dma_semaphore, #tpu.memory_space<semaphore_mem>>)
      %dma_wait3A = arith.constant 0 : i32
      %dma_wait3A_427 = tpu.memref_slice %arg12[%arg0, %run_scoped3A_315, %mul3A_314, %dma_wait3A] : memref<2x4x10240x128xf32, #tpu.memory_space<hbm>> -> memref<1x1x640x128xf32, #tpu.memory_space<hbm>>
      %dma_wait3A_428 = tpu.memref_squeeze %dma_wait3A_427 : memref<1x1x640x128xf32, #tpu.memory_space<hbm>> -> memref<640x128xf32, #tpu.memory_space<hbm>>
      %dma_wait3A_429 = arith.constant 0 : i32
      %dma_wait3A_430 = tpu.memref_slice %arg17[%mul3A_312, %dma_wait3A_429] : memref<10240x128xf32, #tpu.memory_space<vmem_shared>> -> memref<640x128xf32, #tpu.memory_space<vmem_shared>>
      tpu.wait_dma2 semaphore(%run_scoped3A_421 : memref<!tpu.dma_semaphore, #tpu.memory_space<semaphore_mem>>) src(%dma_wait3A_430 : memref<640x128xf32, #tpu.memory_space<vmem_shared>>) dst(%dma_wait3A_428 : memref<640x128xf32, #tpu.memory_space<hbm>>)
      tpu.yield
    }) : () -> ()
    %barrier3A_316 = arith.constant 0 : index
    tpu.barrier barrier_id(%barrier3A_316)
    "tpu.region"() ({
      %run_scoped3A_421 = tpu.sem_alloc : memref<!tpu.dma_semaphore, #tpu.memory_space<semaphore_mem>>
      tpu.enqueue_dma source(%arg6 : memref<128x128xf32, #tpu.memory_space<hbm>>) target(%arg15 : memref<128x128xf32, #tpu.memory_space<vmem>>) target_semaphore(%run_scoped3A_421 : memref<!tpu.dma_semaphore, #tpu.memory_space<semaphore_mem>>)
      tpu.wait_dma2 semaphore(%run_scoped3A_421 : memref<!tpu.dma_semaphore, #tpu.memory_space<semaphore_mem>>) src(%arg6 : memref<128x128xf32, #tpu.memory_space<hbm>>) dst(%arg15 : memref<128x128xf32, #tpu.memory_space<vmem>>)
      tpu.yield
    }) : () -> ()
    %mul3A_317 = arith.constant 5 : i32
    %mul3A_318 = arith.muli %arg1, %mul3A_317 : i32
    %add3A_319 = arith.constant 0 : i32
    %add3A_320 = arith.addi %mul3A_318, %add3A_319 : i32
    %mul3A_321 = arith.constant 128 : i32
    %mul3A_322 = arith.muli %add3A_320, %mul3A_321 : i32
    "tpu.region"() ({
      %run_scoped3A_421 = tpu.sem_alloc : memref<!tpu.dma_semaphore, #tpu.memory_space<semaphore_mem>>
      %dma_start3A_422 = arith.constant 0 : i32
      %dma_start3A_423 = tpu.memref_slice %arg17[%mul3A_322, %dma_start3A_422] : memref<10240x128xf32, #tpu.memory_space<vmem_shared>> -> memref<128x128xf32, #tpu.memory_space<vmem_shared>>
      %dma_start3A_424 = arith.constant 0 : i32
      %dma_start3A_425 = tpu.memref_slice %arg17[%mul3A_322, %dma_start3A_424] : memref<10240x128xf32, #tpu.memory_space<vmem_shared>> -> memref<128x128xf32, #tpu.memory_space<vmem_shared>>
      tpu.enqueue_dma source(%arg15 : memref<128x128xf32, #tpu.memory_space<vmem>>) target(%dma_start3A_425 : memref<128x128xf32, #tpu.memory_space<vmem_shared>>) target_semaphore(%run_scoped3A_421 : memref<!tpu.dma_semaphore, #tpu.memory_space<semaphore_mem>>)
      %dma_wait3A = arith.constant 0 : i32
      %dma_wait3A_426 = tpu.memref_slice %arg17[%mul3A_322, %dma_wait3A] : memref<10240x128xf32, #tpu.memory_space<vmem_shared>> -> memref<128x128xf32, #tpu.memory_space<vmem_shared>>
      %dma_wait3A_427 = arith.constant 0 : i32
      %dma_wait3A_428 = tpu.memref_slice %arg17[%mul3A_322, %dma_wait3A_427] : memref<10240x128xf32, #tpu.memory_space<vmem_shared>> -> memref<128x128xf32, #tpu.memory_space<vmem_shared>>
      tpu.wait_dma2 semaphore(%run_scoped3A_421 : memref<!tpu.dma_semaphore, #tpu.memory_space<semaphore_mem>>) src(%arg15 : memref<128x128xf32, #tpu.memory_space<vmem>>) dst(%dma_wait3A_428 : memref<128x128xf32, #tpu.memory_space<vmem_shared>>)
      tpu.yield
    }) : () -> ()
    %mul3A_323 = arith.constant 5 : i32
    %mul3A_324 = arith.muli %arg1, %mul3A_323 : i32
    %add3A_325 = arith.constant 1 : i32
    %add3A_326 = arith.addi %mul3A_324, %add3A_325 : i32
    %mul3A_327 = arith.constant 128 : i32
    %mul3A_328 = arith.muli %add3A_326, %mul3A_327 : i32
    "tpu.region"() ({
      %run_scoped3A_421 = tpu.sem_alloc : memref<!tpu.dma_semaphore, #tpu.memory_space<semaphore_mem>>
      %dma_start3A_422 = arith.constant 0 : i32
      %dma_start3A_423 = tpu.memref_slice %arg17[%mul3A_328, %dma_start3A_422] : memref<10240x128xf32, #tpu.memory_space<vmem_shared>> -> memref<128x128xf32, #tpu.memory_space<vmem_shared>>
      %dma_start3A_424 = arith.constant 0 : i32
      %dma_start3A_425 = tpu.memref_slice %arg17[%mul3A_328, %dma_start3A_424] : memref<10240x128xf32, #tpu.memory_space<vmem_shared>> -> memref<128x128xf32, #tpu.memory_space<vmem_shared>>
      tpu.enqueue_dma source(%arg15 : memref<128x128xf32, #tpu.memory_space<vmem>>) target(%dma_start3A_425 : memref<128x128xf32, #tpu.memory_space<vmem_shared>>) target_semaphore(%run_scoped3A_421 : memref<!tpu.dma_semaphore, #tpu.memory_space<semaphore_mem>>)
      %dma_wait3A = arith.constant 0 : i32
      %dma_wait3A_426 = tpu.memref_slice %arg17[%mul3A_328, %dma_wait3A] : memref<10240x128xf32, #tpu.memory_space<vmem_shared>> -> memref<128x128xf32, #tpu.memory_space<vmem_shared>>
      %dma_wait3A_427 = arith.constant 0 : i32
      %dma_wait3A_428 = tpu.memref_slice %arg17[%mul3A_328, %dma_wait3A_427] : memref<10240x128xf32, #tpu.memory_space<vmem_shared>> -> memref<128x128xf32, #tpu.memory_space<vmem_shared>>
      tpu.wait_dma2 semaphore(%run_scoped3A_421 : memref<!tpu.dma_semaphore, #tpu.memory_space<semaphore_mem>>) src(%arg15 : memref<128x128xf32, #tpu.memory_space<vmem>>) dst(%dma_wait3A_428 : memref<128x128xf32, #tpu.memory_space<vmem_shared>>)
      tpu.yield
    }) : () -> ()
    %mul3A_329 = arith.constant 5 : i32
    %mul3A_330 = arith.muli %arg1, %mul3A_329 : i32
    %add3A_331 = arith.constant 2 : i32
    %add3A_332 = arith.addi %mul3A_330, %add3A_331 : i32
    %mul3A_333 = arith.constant 128 : i32
    %mul3A_334 = arith.muli %add3A_332, %mul3A_333 : i32
    "tpu.region"() ({
      %run_scoped3A_421 = tpu.sem_alloc : memref<!tpu.dma_semaphore, #tpu.memory_space<semaphore_mem>>
      %dma_start3A_422 = arith.constant 0 : i32
      %dma_start3A_423 = tpu.memref_slice %arg17[%mul3A_334, %dma_start3A_422] : memref<10240x128xf32, #tpu.memory_space<vmem_shared>> -> memref<128x128xf32, #tpu.memory_space<vmem_shared>>
      %dma_start3A_424 = arith.constant 0 : i32
      %dma_start3A_425 = tpu.memref_slice %arg17[%mul3A_334, %dma_start3A_424] : memref<10240x128xf32, #tpu.memory_space<vmem_shared>> -> memref<128x128xf32, #tpu.memory_space<vmem_shared>>
      tpu.enqueue_dma source(%arg15 : memref<128x128xf32, #tpu.memory_space<vmem>>) target(%dma_start3A_425 : memref<128x128xf32, #tpu.memory_space<vmem_shared>>) target_semaphore(%run_scoped3A_421 : memref<!tpu.dma_semaphore, #tpu.memory_space<semaphore_mem>>)
      %dma_wait3A = arith.constant 0 : i32
      %dma_wait3A_426 = tpu.memref_slice %arg17[%mul3A_334, %dma_wait3A] : memref<10240x128xf32, #tpu.memory_space<vmem_shared>> -> memref<128x128xf32, #tpu.memory_space<vmem_shared>>
      %dma_wait3A_427 = arith.constant 0 : i32
      %dma_wait3A_428 = tpu.memref_slice %arg17[%mul3A_334, %dma_wait3A_427] : memref<10240x128xf32, #tpu.memory_space<vmem_shared>> -> memref<128x128xf32, #tpu.memory_space<vmem_shared>>
      tpu.wait_dma2 semaphore(%run_scoped3A_421 : memref<!tpu.dma_semaphore, #tpu.memory_space<semaphore_mem>>) src(%arg15 : memref<128x128xf32, #tpu.memory_space<vmem>>) dst(%dma_wait3A_428 : memref<128x128xf32, #tpu.memory_space<vmem_shared>>)
      tpu.yield
    }) : () -> ()
    %mul3A_335 = arith.constant 5 : i32
    %mul3A_336 = arith.muli %arg1, %mul3A_335 : i32
    %add3A_337 = arith.constant 3 : i32
    %add3A_338 = arith.addi %mul3A_336, %add3A_337 : i32
    %mul3A_339 = arith.constant 128 : i32
    %mul3A_340 = arith.muli %add3A_338, %mul3A_339 : i32
    "tpu.region"() ({
      %run_scoped3A_421 = tpu.sem_alloc : memref<!tpu.dma_semaphore, #tpu.memory_space<semaphore_mem>>
      %dma_start3A_422 = arith.constant 0 : i32
      %dma_start3A_423 = tpu.memref_slice %arg17[%mul3A_340, %dma_start3A_422] : memref<10240x128xf32, #tpu.memory_space<vmem_shared>> -> memref<128x128xf32, #tpu.memory_space<vmem_shared>>
      %dma_start3A_424 = arith.constant 0 : i32
      %dma_start3A_425 = tpu.memref_slice %arg17[%mul3A_340, %dma_start3A_424] : memref<10240x128xf32, #tpu.memory_space<vmem_shared>> -> memref<128x128xf32, #tpu.memory_space<vmem_shared>>
      tpu.enqueue_dma source(%arg15 : memref<128x128xf32, #tpu.memory_space<vmem>>) target(%dma_start3A_425 : memref<128x128xf32, #tpu.memory_space<vmem_shared>>) target_semaphore(%run_scoped3A_421 : memref<!tpu.dma_semaphore, #tpu.memory_space<semaphore_mem>>)
      %dma_wait3A = arith.constant 0 : i32
      %dma_wait3A_426 = tpu.memref_slice %arg17[%mul3A_340, %dma_wait3A] : memref<10240x128xf32, #tpu.memory_space<vmem_shared>> -> memref<128x128xf32, #tpu.memory_space<vmem_shared>>
      %dma_wait3A_427 = arith.constant 0 : i32
      %dma_wait3A_428 = tpu.memref_slice %arg17[%mul3A_340, %dma_wait3A_427] : memref<10240x128xf32, #tpu.memory_space<vmem_shared>> -> memref<128x128xf32, #tpu.memory_space<vmem_shared>>
      tpu.wait_dma2 semaphore(%run_scoped3A_421 : memref<!tpu.dma_semaphore, #tpu.memory_space<semaphore_mem>>) src(%arg15 : memref<128x128xf32, #tpu.memory_space<vmem>>) dst(%dma_wait3A_428 : memref<128x128xf32, #tpu.memory_space<vmem_shared>>)
      tpu.yield
    }) : () -> ()
    %mul3A_341 = arith.constant 5 : i32
    %mul3A_342 = arith.muli %arg1, %mul3A_341 : i32
    %add3A_343 = arith.constant 4 : i32
    %add3A_344 = arith.addi %mul3A_342, %add3A_343 : i32
    %mul3A_345 = arith.constant 128 : i32
    %mul3A_346 = arith.muli %add3A_344, %mul3A_345 : i32
    "tpu.region"() ({
      %run_scoped3A_421 = tpu.sem_alloc : memref<!tpu.dma_semaphore, #tpu.memory_space<semaphore_mem>>
      %dma_start3A_422 = arith.constant 0 : i32
      %dma_start3A_423 = tpu.memref_slice %arg17[%mul3A_346, %dma_start3A_422] : memref<10240x128xf32, #tpu.memory_space<vmem_shared>> -> memref<128x128xf32, #tpu.memory_space<vmem_shared>>
      %dma_start3A_424 = arith.constant 0 : i32
      %dma_start3A_425 = tpu.memref_slice %arg17[%mul3A_346, %dma_start3A_424] : memref<10240x128xf32, #tpu.memory_space<vmem_shared>> -> memref<128x128xf32, #tpu.memory_space<vmem_shared>>
      tpu.enqueue_dma source(%arg15 : memref<128x128xf32, #tpu.memory_space<vmem>>) target(%dma_start3A_425 : memref<128x128xf32, #tpu.memory_space<vmem_shared>>) target_semaphore(%run_scoped3A_421 : memref<!tpu.dma_semaphore, #tpu.memory_space<semaphore_mem>>)
      %dma_wait3A = arith.constant 0 : i32
      %dma_wait3A_426 = tpu.memref_slice %arg17[%mul3A_346, %dma_wait3A] : memref<10240x128xf32, #tpu.memory_space<vmem_shared>> -> memref<128x128xf32, #tpu.memory_space<vmem_shared>>
      %dma_wait3A_427 = arith.constant 0 : i32
      %dma_wait3A_428 = tpu.memref_slice %arg17[%mul3A_346, %dma_wait3A_427] : memref<10240x128xf32, #tpu.memory_space<vmem_shared>> -> memref<128x128xf32, #tpu.memory_space<vmem_shared>>
      tpu.wait_dma2 semaphore(%run_scoped3A_421 : memref<!tpu.dma_semaphore, #tpu.memory_space<semaphore_mem>>) src(%arg15 : memref<128x128xf32, #tpu.memory_space<vmem>>) dst(%dma_wait3A_428 : memref<128x128xf32, #tpu.memory_space<vmem_shared>>)
      tpu.yield
    }) : () -> ()
    %barrier3A_347 = arith.constant 0 : index
    tpu.barrier barrier_id(%barrier3A_347)
    %dma_start3A_348 = arith.constant 0 : i32
    %dma_start3A_349 = arith.constant 0 : i32
    %dma_start3A_350 = tpu.memref_slice %arg13[%dma_start3A_348, %dma_start3A_349] : memref<40x128xi32, #tpu.memory_space<vmem>> -> memref<1x128xi32, #tpu.memory_space<vmem>>
    %dma_start3A_351 = tpu.memref_squeeze %dma_start3A_350 : memref<1x128xi32, #tpu.memory_space<vmem>> -> memref<128xi32, #tpu.memory_space<vmem>>
    %dma_start3A_352 = arith.constant 0 : i32
    %dma_start3A_353 = arith.constant 0 : i32
    %dma_start3A_354 = tpu.memref_slice %arg9[%dma_start3A_352, %dma_start3A_353] : memref<10000x128xf32, #tpu.memory_space<hbm>> -> memref<10000x128xf32, #tpu.memory_space<hbm>>
    tpu.enqueue_indirect_dma source(%dma_start3A_354 : memref<10000x128xf32, #tpu.memory_space<hbm>>) target(%arg15 : memref<128x128xf32, #tpu.memory_space<vmem>>) offsets(%dma_start3A_351 : memref<128xi32, #tpu.memory_space<vmem>>) semaphore(%arg18 : memref<!tpu.dma_semaphore, #tpu.memory_space<semaphore_mem>>)
    %scan3A_355 = arith.constant 0 : i32
    %scan3A_356 = arith.constant 0 : i32
    %scan3A_357 = arith.constant 20 : i32
    %scan3A_358 = arith.addi %scan3A_356, %scan3A_357 : i32
    %scan3A_359 = arith.constant 1 : i32
    %scan3A_360 = scf.for %scan3A_421 = %scan3A_356 to %scan3A_358 step %scan3A_359 iter_args(%scan3A_422 = %scan3A_355) -> (i32)  : i32 {
      %mul3A_423 = arith.constant 2 : i32
      %mul3A_424 = arith.muli %scan3A_421, %mul3A_423 : i32
      %add3A_425 = arith.constant 0 : i32
      %add3A_426 = arith.addi %mul3A_424, %add3A_425 : i32
      %add3A_427 = arith.constant 1 : i32
      %add3A_428 = arith.addi %add3A_426, %add3A_427 : i32
      %lt3A = arith.constant 40 : i32
      %lt3A_429 = arith.cmpi slt, %add3A_428, %lt3A : i32
      %convert_element_type3A = arith.extui %lt3A_429 : i1 to i32
      %cond3A = arith.constant 0 : i32
      %cond3A_430 = arith.cmpi ne, %convert_element_type3A, %cond3A : i32
      scf.if %cond3A_430 {
        %add3A_454 = arith.constant 1 : i32
        %add3A_455 = arith.addi %add3A_426, %add3A_454 : i32
        %dma_start3A_456 = arith.constant 0 : i32
        %dma_start3A_457 = tpu.memref_slice %arg13[%add3A_455, %dma_start3A_456] : memref<40x128xi32, #tpu.memory_space<vmem>> -> memref<1x128xi32, #tpu.memory_space<vmem>>
        %dma_start3A_458 = tpu.memref_squeeze %dma_start3A_457 : memref<1x128xi32, #tpu.memory_space<vmem>> -> memref<128xi32, #tpu.memory_space<vmem>>
        %dma_start3A_459 = arith.constant 0 : i32
        %dma_start3A_460 = arith.constant 0 : i32
        %dma_start3A_461 = tpu.memref_slice %arg9[%dma_start3A_459, %dma_start3A_460] : memref<10000x128xf32, #tpu.memory_space<hbm>> -> memref<10000x128xf32, #tpu.memory_space<hbm>>
        tpu.enqueue_indirect_dma source(%dma_start3A_461 : memref<10000x128xf32, #tpu.memory_space<hbm>>) target(%arg16 : memref<128x128xf32, #tpu.memory_space<vmem>>) offsets(%dma_start3A_458 : memref<128xi32, #tpu.memory_space<vmem>>) semaphore(%arg19 : memref<!tpu.dma_semaphore, #tpu.memory_space<semaphore_mem>>)
      } else {
      }
      %dma_wait3A = arith.constant 0 : i32
      %dma_wait3A_431 = tpu.memref_slice %arg13[%add3A_426, %dma_wait3A] : memref<40x128xi32, #tpu.memory_space<vmem>> -> memref<1x128xi32, #tpu.memory_space<vmem>>
      %dma_wait3A_432 = tpu.memref_squeeze %dma_wait3A_431 : memref<1x128xi32, #tpu.memory_space<vmem>> -> memref<128xi32, #tpu.memory_space<vmem>>
      %dma_wait3A_433 = arith.constant 0 : i32
      %dma_wait3A_434 = arith.constant 0 : i32
      %dma_wait3A_435 = tpu.memref_slice %arg9[%dma_wait3A_433, %dma_wait3A_434] : memref<10000x128xf32, #tpu.memory_space<hbm>> -> memref<10000x128xf32, #tpu.memory_space<hbm>>
      tpu.wait_indirect_dma semaphore(%arg18 : memref<!tpu.dma_semaphore, #tpu.memory_space<semaphore_mem>>) src(%dma_wait3A_435 : memref<10000x128xf32, #tpu.memory_space<hbm>>) dst(%arg15 : memref<128x128xf32, #tpu.memory_space<vmem>>)
      "tpu.region"() ({
        %run_scoped3A_454 = tpu.sem_alloc : memref<!tpu.dma_semaphore, #tpu.memory_space<semaphore_mem>>
        %dma_start3A_455 = arith.constant 0 : i32
        %dma_start3A_456 = tpu.memref_slice %arg14[%add3A_426, %dma_start3A_455] : memref<40x128xi32, #tpu.memory_space<vmem>> -> memref<1x128xi32, #tpu.memory_space<vmem>>
        %dma_start3A_457 = tpu.memref_squeeze %dma_start3A_456 : memref<1x128xi32, #tpu.memory_space<vmem>> -> memref<128xi32, #tpu.memory_space<vmem>>
        %dma_start3A_458 = arith.constant 0 : i32
        %dma_start3A_459 = arith.constant 0 : i32
        %dma_start3A_460 = tpu.memref_slice %arg17[%dma_start3A_458, %dma_start3A_459] : memref<10240x128xf32, #tpu.memory_space<vmem_shared>> -> memref<10240x128xf32, #tpu.memory_space<vmem_shared>>
        tpu.enqueue_indirect_dma source(%arg15 : memref<128x128xf32, #tpu.memory_space<vmem>>) target(%dma_start3A_460 : memref<10240x128xf32, #tpu.memory_space<vmem_shared>>) offsets(%dma_start3A_457 : memref<128xi32, #tpu.memory_space<vmem>>) semaphore(%run_scoped3A_454 : memref<!tpu.dma_semaphore, #tpu.memory_space<semaphore_mem>>) {add = true}
        %dma_wait3A_461 = arith.constant 0 : i32
        %dma_wait3A_462 = tpu.memref_slice %arg14[%add3A_426, %dma_wait3A_461] : memref<40x128xi32, #tpu.memory_space<vmem>> -> memref<1x128xi32, #tpu.memory_space<vmem>>
        %dma_wait3A_463 = tpu.memref_squeeze %dma_wait3A_462 : memref<1x128xi32, #tpu.memory_space<vmem>> -> memref<128xi32, #tpu.memory_space<vmem>>
        %dma_wait3A_464 = arith.constant 0 : i32
        %dma_wait3A_465 = arith.constant 0 : i32
        %dma_wait3A_466 = tpu.memref_slice %arg17[%dma_wait3A_464, %dma_wait3A_465] : memref<10240x128xf32, #tpu.memory_space<vmem_shared>> -> memref<10240x128xf32, #tpu.memory_space<vmem_shared>>
        tpu.wait_indirect_dma semaphore(%run_scoped3A_454 : memref<!tpu.dma_semaphore, #tpu.memory_space<semaphore_mem>>) src(%arg15 : memref<128x128xf32, #tpu.memory_space<vmem>>) dst(%dma_wait3A_466 : memref<10240x128xf32, #tpu.memory_space<vmem_shared>>)
        tpu.yield
      }) : () -> ()
      %mul3A_436 = arith.constant 2 : i32
      %mul3A_437 = arith.muli %scan3A_421, %mul3A_436 : i32
      %add3A_438 = arith.constant 1 : i32
      %add3A_439 = arith.addi %mul3A_437, %add3A_438 : i32
      %add3A_440 = arith.constant 1 : i32
      %add3A_441 = arith.addi %add3A_439, %add3A_440 : i32
      %lt3A_442 = arith.constant 40 : i32
      %lt3A_443 = arith.cmpi slt, %add3A_441, %lt3A_442 : i32
      %convert_element_type3A_444 = arith.extui %lt3A_443 : i1 to i32
      %cond3A_445 = arith.constant 0 : i32
      %cond3A_446 = arith.cmpi ne, %convert_element_type3A_444, %cond3A_445 : i32
      scf.if %cond3A_446 {
        %add3A_454 = arith.constant 1 : i32
        %add3A_455 = arith.addi %add3A_439, %add3A_454 : i32
        %dma_start3A_456 = arith.constant 0 : i32
        %dma_start3A_457 = tpu.memref_slice %arg13[%add3A_455, %dma_start3A_456] : memref<40x128xi32, #tpu.memory_space<vmem>> -> memref<1x128xi32, #tpu.memory_space<vmem>>
        %dma_start3A_458 = tpu.memref_squeeze %dma_start3A_457 : memref<1x128xi32, #tpu.memory_space<vmem>> -> memref<128xi32, #tpu.memory_space<vmem>>
        %dma_start3A_459 = arith.constant 0 : i32
        %dma_start3A_460 = arith.constant 0 : i32
        %dma_start3A_461 = tpu.memref_slice %arg9[%dma_start3A_459, %dma_start3A_460] : memref<10000x128xf32, #tpu.memory_space<hbm>> -> memref<10000x128xf32, #tpu.memory_space<hbm>>
        tpu.enqueue_indirect_dma source(%dma_start3A_461 : memref<10000x128xf32, #tpu.memory_space<hbm>>) target(%arg15 : memref<128x128xf32, #tpu.memory_space<vmem>>) offsets(%dma_start3A_458 : memref<128xi32, #tpu.memory_space<vmem>>) semaphore(%arg18 : memref<!tpu.dma_semaphore, #tpu.memory_space<semaphore_mem>>)
      } else {
      }
      %dma_wait3A_447 = arith.constant 0 : i32
      %dma_wait3A_448 = tpu.memref_slice %arg13[%add3A_439, %dma_wait3A_447] : memref<40x128xi32, #tpu.memory_space<vmem>> -> memref<1x128xi32, #tpu.memory_space<vmem>>
      %dma_wait3A_449 = tpu.memref_squeeze %dma_wait3A_448 : memref<1x128xi32, #tpu.memory_space<vmem>> -> memref<128xi32, #tpu.memory_space<vmem>>
      %dma_wait3A_450 = arith.constant 0 : i32
      %dma_wait3A_451 = arith.constant 0 : i32
      %dma_wait3A_452 = tpu.memref_slice %arg9[%dma_wait3A_450, %dma_wait3A_451] : memref<10000x128xf32, #tpu.memory_space<hbm>> -> memref<10000x128xf32, #tpu.memory_space<hbm>>
      tpu.wait_indirect_dma semaphore(%arg19 : memref<!tpu.dma_semaphore, #tpu.memory_space<semaphore_mem>>) src(%dma_wait3A_452 : memref<10000x128xf32, #tpu.memory_space<hbm>>) dst(%arg16 : memref<128x128xf32, #tpu.memory_space<vmem>>)
      "tpu.region"() ({
        %run_scoped3A_454 = tpu.sem_alloc : memref<!tpu.dma_semaphore, #tpu.memory_space<semaphore_mem>>
        %dma_start3A_455 = arith.constant 0 : i32
        %dma_start3A_456 = tpu.memref_slice %arg14[%add3A_439, %dma_start3A_455] : memref<40x128xi32, #tpu.memory_space<vmem>> -> memref<1x128xi32, #tpu.memory_space<vmem>>
        %dma_start3A_457 = tpu.memref_squeeze %dma_start3A_456 : memref<1x128xi32, #tpu.memory_space<vmem>> -> memref<128xi32, #tpu.memory_space<vmem>>
        %dma_start3A_458 = arith.constant 0 : i32
        %dma_start3A_459 = arith.constant 0 : i32
        %dma_start3A_460 = tpu.memref_slice %arg17[%dma_start3A_458, %dma_start3A_459] : memref<10240x128xf32, #tpu.memory_space<vmem_shared>> -> memref<10240x128xf32, #tpu.memory_space<vmem_shared>>
        tpu.enqueue_indirect_dma source(%arg16 : memref<128x128xf32, #tpu.memory_space<vmem>>) target(%dma_start3A_460 : memref<10240x128xf32, #tpu.memory_space<vmem_shared>>) offsets(%dma_start3A_457 : memref<128xi32, #tpu.memory_space<vmem>>) semaphore(%run_scoped3A_454 : memref<!tpu.dma_semaphore, #tpu.memory_space<semaphore_mem>>) {add = true}
        %dma_wait3A_461 = arith.constant 0 : i32
        %dma_wait3A_462 = tpu.memref_slice %arg14[%add3A_439, %dma_wait3A_461] : memref<40x128xi32, #tpu.memory_space<vmem>> -> memref<1x128xi32, #tpu.memory_space<vmem>>
        %dma_wait3A_463 = tpu.memref_squeeze %dma_wait3A_462 : memref<1x128xi32, #tpu.memory_space<vmem>> -> memref<128xi32, #tpu.memory_space<vmem>>
        %dma_wait3A_464 = arith.constant 0 : i32
        %dma_wait3A_465 = arith.constant 0 : i32
        %dma_wait3A_466 = tpu.memref_slice %arg17[%dma_wait3A_464, %dma_wait3A_465] : memref<10240x128xf32, #tpu.memory_space<vmem_shared>> -> memref<10240x128xf32, #tpu.memory_space<vmem_shared>>
        tpu.wait_indirect_dma semaphore(%run_scoped3A_454 : memref<!tpu.dma_semaphore, #tpu.memory_space<semaphore_mem>>) src(%arg16 : memref<128x128xf32, #tpu.memory_space<vmem>>) dst(%dma_wait3A_466 : memref<10240x128xf32, #tpu.memory_space<vmem_shared>>)
        tpu.yield
      }) : () -> ()
      %scan3A_453 = arith.constant 0 : i32
      scf.yield %scan3A_453 : i32
    }
    %scan3A_361 = arith.constant 20 : i32
    %barrier3A_362 = arith.constant 0 : index
    tpu.barrier barrier_id(%barrier3A_362)
    %mul3A_363 = arith.constant 640 : i32
    %mul3A_364 = arith.muli %arg1, %mul3A_363 : i32
    %mul3A_365 = arith.constant 640 : i32
    %mul3A_366 = arith.muli %arg1, %mul3A_365 : i32
    %run_scoped3A_367 = arith.constant 2 : i32
    "tpu.region"() ({
      %run_scoped3A_421 = tpu.sem_alloc : memref<!tpu.dma_semaphore, #tpu.memory_space<semaphore_mem>>
      %dma_start3A_422 = arith.constant 0 : i32
      %dma_start3A_423 = tpu.memref_slice %arg12[%arg0, %run_scoped3A_367, %mul3A_366, %dma_start3A_422] : memref<2x4x10240x128xf32, #tpu.memory_space<hbm>> -> memref<1x1x640x128xf32, #tpu.memory_space<hbm>>
      %dma_start3A_424 = tpu.memref_squeeze %dma_start3A_423 : memref<1x1x640x128xf32, #tpu.memory_space<hbm>> -> memref<640x128xf32, #tpu.memory_space<hbm>>
      %dma_start3A_425 = arith.constant 0 : i32
      %dma_start3A_426 = tpu.memref_slice %arg17[%mul3A_364, %dma_start3A_425] : memref<10240x128xf32, #tpu.memory_space<vmem_shared>> -> memref<640x128xf32, #tpu.memory_space<vmem_shared>>
      tpu.enqueue_dma source(%dma_start3A_426 : memref<640x128xf32, #tpu.memory_space<vmem_shared>>) target(%dma_start3A_424 : memref<640x128xf32, #tpu.memory_space<hbm>>) target_semaphore(%run_scoped3A_421 : memref<!tpu.dma_semaphore, #tpu.memory_space<semaphore_mem>>)
      %dma_wait3A = arith.constant 0 : i32
      %dma_wait3A_427 = tpu.memref_slice %arg12[%arg0, %run_scoped3A_367, %mul3A_366, %dma_wait3A] : memref<2x4x10240x128xf32, #tpu.memory_space<hbm>> -> memref<1x1x640x128xf32, #tpu.memory_space<hbm>>
      %dma_wait3A_428 = tpu.memref_squeeze %dma_wait3A_427 : memref<1x1x640x128xf32, #tpu.memory_space<hbm>> -> memref<640x128xf32, #tpu.memory_space<hbm>>
      %dma_wait3A_429 = arith.constant 0 : i32
      %dma_wait3A_430 = tpu.memref_slice %arg17[%mul3A_364, %dma_wait3A_429] : memref<10240x128xf32, #tpu.memory_space<vmem_shared>> -> memref<640x128xf32, #tpu.memory_space<vmem_shared>>
      tpu.wait_dma2 semaphore(%run_scoped3A_421 : memref<!tpu.dma_semaphore, #tpu.memory_space<semaphore_mem>>) src(%dma_wait3A_430 : memref<640x128xf32, #tpu.memory_space<vmem_shared>>) dst(%dma_wait3A_428 : memref<640x128xf32, #tpu.memory_space<hbm>>)
      tpu.yield
    }) : () -> ()
    %barrier3A_368 = arith.constant 0 : index
    tpu.barrier barrier_id(%barrier3A_368)
    "tpu.region"() ({
      %run_scoped3A_421 = tpu.sem_alloc : memref<!tpu.dma_semaphore, #tpu.memory_space<semaphore_mem>>
      tpu.enqueue_dma source(%arg6 : memref<128x128xf32, #tpu.memory_space<hbm>>) target(%arg15 : memref<128x128xf32, #tpu.memory_space<vmem>>) target_semaphore(%run_scoped3A_421 : memref<!tpu.dma_semaphore, #tpu.memory_space<semaphore_mem>>)
      tpu.wait_dma2 semaphore(%run_scoped3A_421 : memref<!tpu.dma_semaphore, #tpu.memory_space<semaphore_mem>>) src(%arg6 : memref<128x128xf32, #tpu.memory_space<hbm>>) dst(%arg15 : memref<128x128xf32, #tpu.memory_space<vmem>>)
      tpu.yield
    }) : () -> ()
    %mul3A_369 = arith.constant 5 : i32
    %mul3A_370 = arith.muli %arg1, %mul3A_369 : i32
    %add3A_371 = arith.constant 0 : i32
    %add3A_372 = arith.addi %mul3A_370, %add3A_371 : i32
    %mul3A_373 = arith.constant 128 : i32
    %mul3A_374 = arith.muli %add3A_372, %mul3A_373 : i32
    "tpu.region"() ({
      %run_scoped3A_421 = tpu.sem_alloc : memref<!tpu.dma_semaphore, #tpu.memory_space<semaphore_mem>>
      %dma_start3A_422 = arith.constant 0 : i32
      %dma_start3A_423 = tpu.memref_slice %arg17[%mul3A_374, %dma_start3A_422] : memref<10240x128xf32, #tpu.memory_space<vmem_shared>> -> memref<128x128xf32, #tpu.memory_space<vmem_shared>>
      %dma_start3A_424 = arith.constant 0 : i32
      %dma_start3A_425 = tpu.memref_slice %arg17[%mul3A_374, %dma_start3A_424] : memref<10240x128xf32, #tpu.memory_space<vmem_shared>> -> memref<128x128xf32, #tpu.memory_space<vmem_shared>>
      tpu.enqueue_dma source(%arg15 : memref<128x128xf32, #tpu.memory_space<vmem>>) target(%dma_start3A_425 : memref<128x128xf32, #tpu.memory_space<vmem_shared>>) target_semaphore(%run_scoped3A_421 : memref<!tpu.dma_semaphore, #tpu.memory_space<semaphore_mem>>)
      %dma_wait3A = arith.constant 0 : i32
      %dma_wait3A_426 = tpu.memref_slice %arg17[%mul3A_374, %dma_wait3A] : memref<10240x128xf32, #tpu.memory_space<vmem_shared>> -> memref<128x128xf32, #tpu.memory_space<vmem_shared>>
      %dma_wait3A_427 = arith.constant 0 : i32
      %dma_wait3A_428 = tpu.memref_slice %arg17[%mul3A_374, %dma_wait3A_427] : memref<10240x128xf32, #tpu.memory_space<vmem_shared>> -> memref<128x128xf32, #tpu.memory_space<vmem_shared>>
      tpu.wait_dma2 semaphore(%run_scoped3A_421 : memref<!tpu.dma_semaphore, #tpu.memory_space<semaphore_mem>>) src(%arg15 : memref<128x128xf32, #tpu.memory_space<vmem>>) dst(%dma_wait3A_428 : memref<128x128xf32, #tpu.memory_space<vmem_shared>>)
      tpu.yield
    }) : () -> ()
    %mul3A_375 = arith.constant 5 : i32
    %mul3A_376 = arith.muli %arg1, %mul3A_375 : i32
    %add3A_377 = arith.constant 1 : i32
    %add3A_378 = arith.addi %mul3A_376, %add3A_377 : i32
    %mul3A_379 = arith.constant 128 : i32
    %mul3A_380 = arith.muli %add3A_378, %mul3A_379 : i32
    "tpu.region"() ({
      %run_scoped3A_421 = tpu.sem_alloc : memref<!tpu.dma_semaphore, #tpu.memory_space<semaphore_mem>>
      %dma_start3A_422 = arith.constant 0 : i32
      %dma_start3A_423 = tpu.memref_slice %arg17[%mul3A_380, %dma_start3A_422] : memref<10240x128xf32, #tpu.memory_space<vmem_shared>> -> memref<128x128xf32, #tpu.memory_space<vmem_shared>>
      %dma_start3A_424 = arith.constant 0 : i32
      %dma_start3A_425 = tpu.memref_slice %arg17[%mul3A_380, %dma_start3A_424] : memref<10240x128xf32, #tpu.memory_space<vmem_shared>> -> memref<128x128xf32, #tpu.memory_space<vmem_shared>>
      tpu.enqueue_dma source(%arg15 : memref<128x128xf32, #tpu.memory_space<vmem>>) target(%dma_start3A_425 : memref<128x128xf32, #tpu.memory_space<vmem_shared>>) target_semaphore(%run_scoped3A_421 : memref<!tpu.dma_semaphore, #tpu.memory_space<semaphore_mem>>)
      %dma_wait3A = arith.constant 0 : i32
      %dma_wait3A_426 = tpu.memref_slice %arg17[%mul3A_380, %dma_wait3A] : memref<10240x128xf32, #tpu.memory_space<vmem_shared>> -> memref<128x128xf32, #tpu.memory_space<vmem_shared>>
      %dma_wait3A_427 = arith.constant 0 : i32
      %dma_wait3A_428 = tpu.memref_slice %arg17[%mul3A_380, %dma_wait3A_427] : memref<10240x128xf32, #tpu.memory_space<vmem_shared>> -> memref<128x128xf32, #tpu.memory_space<vmem_shared>>
      tpu.wait_dma2 semaphore(%run_scoped3A_421 : memref<!tpu.dma_semaphore, #tpu.memory_space<semaphore_mem>>) src(%arg15 : memref<128x128xf32, #tpu.memory_space<vmem>>) dst(%dma_wait3A_428 : memref<128x128xf32, #tpu.memory_space<vmem_shared>>)
      tpu.yield
    }) : () -> ()
    %mul3A_381 = arith.constant 5 : i32
    %mul3A_382 = arith.muli %arg1, %mul3A_381 : i32
    %add3A_383 = arith.constant 2 : i32
    %add3A_384 = arith.addi %mul3A_382, %add3A_383 : i32
    %mul3A_385 = arith.constant 128 : i32
    %mul3A_386 = arith.muli %add3A_384, %mul3A_385 : i32
    "tpu.region"() ({
      %run_scoped3A_421 = tpu.sem_alloc : memref<!tpu.dma_semaphore, #tpu.memory_space<semaphore_mem>>
      %dma_start3A_422 = arith.constant 0 : i32
      %dma_start3A_423 = tpu.memref_slice %arg17[%mul3A_386, %dma_start3A_422] : memref<10240x128xf32, #tpu.memory_space<vmem_shared>> -> memref<128x128xf32, #tpu.memory_space<vmem_shared>>
      %dma_start3A_424 = arith.constant 0 : i32
      %dma_start3A_425 = tpu.memref_slice %arg17[%mul3A_386, %dma_start3A_424] : memref<10240x128xf32, #tpu.memory_space<vmem_shared>> -> memref<128x128xf32, #tpu.memory_space<vmem_shared>>
      tpu.enqueue_dma source(%arg15 : memref<128x128xf32, #tpu.memory_space<vmem>>) target(%dma_start3A_425 : memref<128x128xf32, #tpu.memory_space<vmem_shared>>) target_semaphore(%run_scoped3A_421 : memref<!tpu.dma_semaphore, #tpu.memory_space<semaphore_mem>>)
      %dma_wait3A = arith.constant 0 : i32
      %dma_wait3A_426 = tpu.memref_slice %arg17[%mul3A_386, %dma_wait3A] : memref<10240x128xf32, #tpu.memory_space<vmem_shared>> -> memref<128x128xf32, #tpu.memory_space<vmem_shared>>
      %dma_wait3A_427 = arith.constant 0 : i32
      %dma_wait3A_428 = tpu.memref_slice %arg17[%mul3A_386, %dma_wait3A_427] : memref<10240x128xf32, #tpu.memory_space<vmem_shared>> -> memref<128x128xf32, #tpu.memory_space<vmem_shared>>
      tpu.wait_dma2 semaphore(%run_scoped3A_421 : memref<!tpu.dma_semaphore, #tpu.memory_space<semaphore_mem>>) src(%arg15 : memref<128x128xf32, #tpu.memory_space<vmem>>) dst(%dma_wait3A_428 : memref<128x128xf32, #tpu.memory_space<vmem_shared>>)
      tpu.yield
    }) : () -> ()
    %mul3A_387 = arith.constant 5 : i32
    %mul3A_388 = arith.muli %arg1, %mul3A_387 : i32
    %add3A_389 = arith.constant 3 : i32
    %add3A_390 = arith.addi %mul3A_388, %add3A_389 : i32
    %mul3A_391 = arith.constant 128 : i32
    %mul3A_392 = arith.muli %add3A_390, %mul3A_391 : i32
    "tpu.region"() ({
      %run_scoped3A_421 = tpu.sem_alloc : memref<!tpu.dma_semaphore, #tpu.memory_space<semaphore_mem>>
      %dma_start3A_422 = arith.constant 0 : i32
      %dma_start3A_423 = tpu.memref_slice %arg17[%mul3A_392, %dma_start3A_422] : memref<10240x128xf32, #tpu.memory_space<vmem_shared>> -> memref<128x128xf32, #tpu.memory_space<vmem_shared>>
      %dma_start3A_424 = arith.constant 0 : i32
      %dma_start3A_425 = tpu.memref_slice %arg17[%mul3A_392, %dma_start3A_424] : memref<10240x128xf32, #tpu.memory_space<vmem_shared>> -> memref<128x128xf32, #tpu.memory_space<vmem_shared>>
      tpu.enqueue_dma source(%arg15 : memref<128x128xf32, #tpu.memory_space<vmem>>) target(%dma_start3A_425 : memref<128x128xf32, #tpu.memory_space<vmem_shared>>) target_semaphore(%run_scoped3A_421 : memref<!tpu.dma_semaphore, #tpu.memory_space<semaphore_mem>>)
      %dma_wait3A = arith.constant 0 : i32
      %dma_wait3A_426 = tpu.memref_slice %arg17[%mul3A_392, %dma_wait3A] : memref<10240x128xf32, #tpu.memory_space<vmem_shared>> -> memref<128x128xf32, #tpu.memory_space<vmem_shared>>
      %dma_wait3A_427 = arith.constant 0 : i32
      %dma_wait3A_428 = tpu.memref_slice %arg17[%mul3A_392, %dma_wait3A_427] : memref<10240x128xf32, #tpu.memory_space<vmem_shared>> -> memref<128x128xf32, #tpu.memory_space<vmem_shared>>
      tpu.wait_dma2 semaphore(%run_scoped3A_421 : memref<!tpu.dma_semaphore, #tpu.memory_space<semaphore_mem>>) src(%arg15 : memref<128x128xf32, #tpu.memory_space<vmem>>) dst(%dma_wait3A_428 : memref<128x128xf32, #tpu.memory_space<vmem_shared>>)
      tpu.yield
    }) : () -> ()
    %mul3A_393 = arith.constant 5 : i32
    %mul3A_394 = arith.muli %arg1, %mul3A_393 : i32
    %add3A_395 = arith.constant 4 : i32
    %add3A_396 = arith.addi %mul3A_394, %add3A_395 : i32
    %mul3A_397 = arith.constant 128 : i32
    %mul3A_398 = arith.muli %add3A_396, %mul3A_397 : i32
    "tpu.region"() ({
      %run_scoped3A_421 = tpu.sem_alloc : memref<!tpu.dma_semaphore, #tpu.memory_space<semaphore_mem>>
      %dma_start3A_422 = arith.constant 0 : i32
      %dma_start3A_423 = tpu.memref_slice %arg17[%mul3A_398, %dma_start3A_422] : memref<10240x128xf32, #tpu.memory_space<vmem_shared>> -> memref<128x128xf32, #tpu.memory_space<vmem_shared>>
      %dma_start3A_424 = arith.constant 0 : i32
      %dma_start3A_425 = tpu.memref_slice %arg17[%mul3A_398, %dma_start3A_424] : memref<10240x128xf32, #tpu.memory_space<vmem_shared>> -> memref<128x128xf32, #tpu.memory_space<vmem_shared>>
      tpu.enqueue_dma source(%arg15 : memref<128x128xf32, #tpu.memory_space<vmem>>) target(%dma_start3A_425 : memref<128x128xf32, #tpu.memory_space<vmem_shared>>) target_semaphore(%run_scoped3A_421 : memref<!tpu.dma_semaphore, #tpu.memory_space<semaphore_mem>>)
      %dma_wait3A = arith.constant 0 : i32
      %dma_wait3A_426 = tpu.memref_slice %arg17[%mul3A_398, %dma_wait3A] : memref<10240x128xf32, #tpu.memory_space<vmem_shared>> -> memref<128x128xf32, #tpu.memory_space<vmem_shared>>
      %dma_wait3A_427 = arith.constant 0 : i32
      %dma_wait3A_428 = tpu.memref_slice %arg17[%mul3A_398, %dma_wait3A_427] : memref<10240x128xf32, #tpu.memory_space<vmem_shared>> -> memref<128x128xf32, #tpu.memory_space<vmem_shared>>
      tpu.wait_dma2 semaphore(%run_scoped3A_421 : memref<!tpu.dma_semaphore, #tpu.memory_space<semaphore_mem>>) src(%arg15 : memref<128x128xf32, #tpu.memory_space<vmem>>) dst(%dma_wait3A_428 : memref<128x128xf32, #tpu.memory_space<vmem_shared>>)
      tpu.yield
    }) : () -> ()
    %barrier3A_399 = arith.constant 0 : index
    tpu.barrier barrier_id(%barrier3A_399)
    %dma_start3A_400 = arith.constant 0 : i32
    %dma_start3A_401 = arith.constant 0 : i32
    %dma_start3A_402 = tpu.memref_slice %arg13[%dma_start3A_400, %dma_start3A_401] : memref<40x128xi32, #tpu.memory_space<vmem>> -> memref<1x128xi32, #tpu.memory_space<vmem>>
    %dma_start3A_403 = tpu.memref_squeeze %dma_start3A_402 : memref<1x128xi32, #tpu.memory_space<vmem>> -> memref<128xi32, #tpu.memory_space<vmem>>
    %dma_start3A_404 = arith.constant 0 : i32
    %dma_start3A_405 = arith.constant 0 : i32
    %dma_start3A_406 = tpu.memref_slice %arg10[%dma_start3A_404, %dma_start3A_405] : memref<10000x128xf32, #tpu.memory_space<hbm>> -> memref<10000x128xf32, #tpu.memory_space<hbm>>
    tpu.enqueue_indirect_dma source(%dma_start3A_406 : memref<10000x128xf32, #tpu.memory_space<hbm>>) target(%arg15 : memref<128x128xf32, #tpu.memory_space<vmem>>) offsets(%dma_start3A_403 : memref<128xi32, #tpu.memory_space<vmem>>) semaphore(%arg18 : memref<!tpu.dma_semaphore, #tpu.memory_space<semaphore_mem>>)
    %scan3A_407 = arith.constant 0 : i32
    %scan3A_408 = arith.constant 0 : i32
    %scan3A_409 = arith.constant 20 : i32
    %scan3A_410 = arith.addi %scan3A_408, %scan3A_409 : i32
    %scan3A_411 = arith.constant 1 : i32
    %scan3A_412 = scf.for %scan3A_421 = %scan3A_408 to %scan3A_410 step %scan3A_411 iter_args(%scan3A_422 = %scan3A_407) -> (i32)  : i32 {
      %mul3A_423 = arith.constant 2 : i32
      %mul3A_424 = arith.muli %scan3A_421, %mul3A_423 : i32
      %add3A_425 = arith.constant 0 : i32
      %add3A_426 = arith.addi %mul3A_424, %add3A_425 : i32
      %add3A_427 = arith.constant 1 : i32
      %add3A_428 = arith.addi %add3A_426, %add3A_427 : i32
      %lt3A = arith.constant 40 : i32
      %lt3A_429 = arith.cmpi slt, %add3A_428, %lt3A : i32
      %convert_element_type3A = arith.extui %lt3A_429 : i1 to i32
      %cond3A = arith.constant 0 : i32
      %cond3A_430 = arith.cmpi ne, %convert_element_type3A, %cond3A : i32
      scf.if %cond3A_430 {
        %add3A_454 = arith.constant 1 : i32
        %add3A_455 = arith.addi %add3A_426, %add3A_454 : i32
        %dma_start3A_456 = arith.constant 0 : i32
        %dma_start3A_457 = tpu.memref_slice %arg13[%add3A_455, %dma_start3A_456] : memref<40x128xi32, #tpu.memory_space<vmem>> -> memref<1x128xi32, #tpu.memory_space<vmem>>
        %dma_start3A_458 = tpu.memref_squeeze %dma_start3A_457 : memref<1x128xi32, #tpu.memory_space<vmem>> -> memref<128xi32, #tpu.memory_space<vmem>>
        %dma_start3A_459 = arith.constant 0 : i32
        %dma_start3A_460 = arith.constant 0 : i32
        %dma_start3A_461 = tpu.memref_slice %arg10[%dma_start3A_459, %dma_start3A_460] : memref<10000x128xf32, #tpu.memory_space<hbm>> -> memref<10000x128xf32, #tpu.memory_space<hbm>>
        tpu.enqueue_indirect_dma source(%dma_start3A_461 : memref<10000x128xf32, #tpu.memory_space<hbm>>) target(%arg16 : memref<128x128xf32, #tpu.memory_space<vmem>>) offsets(%dma_start3A_458 : memref<128xi32, #tpu.memory_space<vmem>>) semaphore(%arg19 : memref<!tpu.dma_semaphore, #tpu.memory_space<semaphore_mem>>)
      } else {
      }
      %dma_wait3A = arith.constant 0 : i32
      %dma_wait3A_431 = tpu.memref_slice %arg13[%add3A_426, %dma_wait3A] : memref<40x128xi32, #tpu.memory_space<vmem>> -> memref<1x128xi32, #tpu.memory_space<vmem>>
      %dma_wait3A_432 = tpu.memref_squeeze %dma_wait3A_431 : memref<1x128xi32, #tpu.memory_space<vmem>> -> memref<128xi32, #tpu.memory_space<vmem>>
      %dma_wait3A_433 = arith.constant 0 : i32
      %dma_wait3A_434 = arith.constant 0 : i32
      %dma_wait3A_435 = tpu.memref_slice %arg10[%dma_wait3A_433, %dma_wait3A_434] : memref<10000x128xf32, #tpu.memory_space<hbm>> -> memref<10000x128xf32, #tpu.memory_space<hbm>>
      tpu.wait_indirect_dma semaphore(%arg18 : memref<!tpu.dma_semaphore, #tpu.memory_space<semaphore_mem>>) src(%dma_wait3A_435 : memref<10000x128xf32, #tpu.memory_space<hbm>>) dst(%arg15 : memref<128x128xf32, #tpu.memory_space<vmem>>)
      "tpu.region"() ({
        %run_scoped3A_454 = tpu.sem_alloc : memref<!tpu.dma_semaphore, #tpu.memory_space<semaphore_mem>>
        %dma_start3A_455 = arith.constant 0 : i32
        %dma_start3A_456 = tpu.memref_slice %arg14[%add3A_426, %dma_start3A_455] : memref<40x128xi32, #tpu.memory_space<vmem>> -> memref<1x128xi32, #tpu.memory_space<vmem>>
        %dma_start3A_457 = tpu.memref_squeeze %dma_start3A_456 : memref<1x128xi32, #tpu.memory_space<vmem>> -> memref<128xi32, #tpu.memory_space<vmem>>
        %dma_start3A_458 = arith.constant 0 : i32
        %dma_start3A_459 = arith.constant 0 : i32
        %dma_start3A_460 = tpu.memref_slice %arg17[%dma_start3A_458, %dma_start3A_459] : memref<10240x128xf32, #tpu.memory_space<vmem_shared>> -> memref<10240x128xf32, #tpu.memory_space<vmem_shared>>
        tpu.enqueue_indirect_dma source(%arg15 : memref<128x128xf32, #tpu.memory_space<vmem>>) target(%dma_start3A_460 : memref<10240x128xf32, #tpu.memory_space<vmem_shared>>) offsets(%dma_start3A_457 : memref<128xi32, #tpu.memory_space<vmem>>) semaphore(%run_scoped3A_454 : memref<!tpu.dma_semaphore, #tpu.memory_space<semaphore_mem>>) {add = true}
        %dma_wait3A_461 = arith.constant 0 : i32
        %dma_wait3A_462 = tpu.memref_slice %arg14[%add3A_426, %dma_wait3A_461] : memref<40x128xi32, #tpu.memory_space<vmem>> -> memref<1x128xi32, #tpu.memory_space<vmem>>
        %dma_wait3A_463 = tpu.memref_squeeze %dma_wait3A_462 : memref<1x128xi32, #tpu.memory_space<vmem>> -> memref<128xi32, #tpu.memory_space<vmem>>
        %dma_wait3A_464 = arith.constant 0 : i32
        %dma_wait3A_465 = arith.constant 0 : i32
        %dma_wait3A_466 = tpu.memref_slice %arg17[%dma_wait3A_464, %dma_wait3A_465] : memref<10240x128xf32, #tpu.memory_space<vmem_shared>> -> memref<10240x128xf32, #tpu.memory_space<vmem_shared>>
        tpu.wait_indirect_dma semaphore(%run_scoped3A_454 : memref<!tpu.dma_semaphore, #tpu.memory_space<semaphore_mem>>) src(%arg15 : memref<128x128xf32, #tpu.memory_space<vmem>>) dst(%dma_wait3A_466 : memref<10240x128xf32, #tpu.memory_space<vmem_shared>>)
        tpu.yield
      }) : () -> ()
      %mul3A_436 = arith.constant 2 : i32
      %mul3A_437 = arith.muli %scan3A_421, %mul3A_436 : i32
      %add3A_438 = arith.constant 1 : i32
      %add3A_439 = arith.addi %mul3A_437, %add3A_438 : i32
      %add3A_440 = arith.constant 1 : i32
      %add3A_441 = arith.addi %add3A_439, %add3A_440 : i32
      %lt3A_442 = arith.constant 40 : i32
      %lt3A_443 = arith.cmpi slt, %add3A_441, %lt3A_442 : i32
      %convert_element_type3A_444 = arith.extui %lt3A_443 : i1 to i32
      %cond3A_445 = arith.constant 0 : i32
      %cond3A_446 = arith.cmpi ne, %convert_element_type3A_444, %cond3A_445 : i32
      scf.if %cond3A_446 {
        %add3A_454 = arith.constant 1 : i32
        %add3A_455 = arith.addi %add3A_439, %add3A_454 : i32
        %dma_start3A_456 = arith.constant 0 : i32
        %dma_start3A_457 = tpu.memref_slice %arg13[%add3A_455, %dma_start3A_456] : memref<40x128xi32, #tpu.memory_space<vmem>> -> memref<1x128xi32, #tpu.memory_space<vmem>>
        %dma_start3A_458 = tpu.memref_squeeze %dma_start3A_457 : memref<1x128xi32, #tpu.memory_space<vmem>> -> memref<128xi32, #tpu.memory_space<vmem>>
        %dma_start3A_459 = arith.constant 0 : i32
        %dma_start3A_460 = arith.constant 0 : i32
        %dma_start3A_461 = tpu.memref_slice %arg10[%dma_start3A_459, %dma_start3A_460] : memref<10000x128xf32, #tpu.memory_space<hbm>> -> memref<10000x128xf32, #tpu.memory_space<hbm>>
        tpu.enqueue_indirect_dma source(%dma_start3A_461 : memref<10000x128xf32, #tpu.memory_space<hbm>>) target(%arg15 : memref<128x128xf32, #tpu.memory_space<vmem>>) offsets(%dma_start3A_458 : memref<128xi32, #tpu.memory_space<vmem>>) semaphore(%arg18 : memref<!tpu.dma_semaphore, #tpu.memory_space<semaphore_mem>>)
      } else {
      }
      %dma_wait3A_447 = arith.constant 0 : i32
      %dma_wait3A_448 = tpu.memref_slice %arg13[%add3A_439, %dma_wait3A_447] : memref<40x128xi32, #tpu.memory_space<vmem>> -> memref<1x128xi32, #tpu.memory_space<vmem>>
      %dma_wait3A_449 = tpu.memref_squeeze %dma_wait3A_448 : memref<1x128xi32, #tpu.memory_space<vmem>> -> memref<128xi32, #tpu.memory_space<vmem>>
      %dma_wait3A_450 = arith.constant 0 : i32
      %dma_wait3A_451 = arith.constant 0 : i32
      %dma_wait3A_452 = tpu.memref_slice %arg10[%dma_wait3A_450, %dma_wait3A_451] : memref<10000x128xf32, #tpu.memory_space<hbm>> -> memref<10000x128xf32, #tpu.memory_space<hbm>>
      tpu.wait_indirect_dma semaphore(%arg19 : memref<!tpu.dma_semaphore, #tpu.memory_space<semaphore_mem>>) src(%dma_wait3A_452 : memref<10000x128xf32, #tpu.memory_space<hbm>>) dst(%arg16 : memref<128x128xf32, #tpu.memory_space<vmem>>)
      "tpu.region"() ({
        %run_scoped3A_454 = tpu.sem_alloc : memref<!tpu.dma_semaphore, #tpu.memory_space<semaphore_mem>>
        %dma_start3A_455 = arith.constant 0 : i32
        %dma_start3A_456 = tpu.memref_slice %arg14[%add3A_439, %dma_start3A_455] : memref<40x128xi32, #tpu.memory_space<vmem>> -> memref<1x128xi32, #tpu.memory_space<vmem>>
        %dma_start3A_457 = tpu.memref_squeeze %dma_start3A_456 : memref<1x128xi32, #tpu.memory_space<vmem>> -> memref<128xi32, #tpu.memory_space<vmem>>
        %dma_start3A_458 = arith.constant 0 : i32
        %dma_start3A_459 = arith.constant 0 : i32
        %dma_start3A_460 = tpu.memref_slice %arg17[%dma_start3A_458, %dma_start3A_459] : memref<10240x128xf32, #tpu.memory_space<vmem_shared>> -> memref<10240x128xf32, #tpu.memory_space<vmem_shared>>
        tpu.enqueue_indirect_dma source(%arg16 : memref<128x128xf32, #tpu.memory_space<vmem>>) target(%dma_start3A_460 : memref<10240x128xf32, #tpu.memory_space<vmem_shared>>) offsets(%dma_start3A_457 : memref<128xi32, #tpu.memory_space<vmem>>) semaphore(%run_scoped3A_454 : memref<!tpu.dma_semaphore, #tpu.memory_space<semaphore_mem>>) {add = true}
        %dma_wait3A_461 = arith.constant 0 : i32
        %dma_wait3A_462 = tpu.memref_slice %arg14[%add3A_439, %dma_wait3A_461] : memref<40x128xi32, #tpu.memory_space<vmem>> -> memref<1x128xi32, #tpu.memory_space<vmem>>
        %dma_wait3A_463 = tpu.memref_squeeze %dma_wait3A_462 : memref<1x128xi32, #tpu.memory_space<vmem>> -> memref<128xi32, #tpu.memory_space<vmem>>
        %dma_wait3A_464 = arith.constant 0 : i32
        %dma_wait3A_465 = arith.constant 0 : i32
        %dma_wait3A_466 = tpu.memref_slice %arg17[%dma_wait3A_464, %dma_wait3A_465] : memref<10240x128xf32, #tpu.memory_space<vmem_shared>> -> memref<10240x128xf32, #tpu.memory_space<vmem_shared>>
        tpu.wait_indirect_dma semaphore(%run_scoped3A_454 : memref<!tpu.dma_semaphore, #tpu.memory_space<semaphore_mem>>) src(%arg16 : memref<128x128xf32, #tpu.memory_space<vmem>>) dst(%dma_wait3A_466 : memref<10240x128xf32, #tpu.memory_space<vmem_shared>>)
        tpu.yield
      }) : () -> ()
      %scan3A_453 = arith.constant 0 : i32
      scf.yield %scan3A_453 : i32
    }
    %scan3A_413 = arith.constant 20 : i32
    %barrier3A_414 = arith.constant 0 : index
    tpu.barrier barrier_id(%barrier3A_414)
    %mul3A_415 = arith.constant 640 : i32
    %mul3A_416 = arith.muli %arg1, %mul3A_415 : i32
    %mul3A_417 = arith.constant 640 : i32
    %mul3A_418 = arith.muli %arg1, %mul3A_417 : i32
    %run_scoped3A_419 = arith.constant 3 : i32
    "tpu.region"() ({
      %run_scoped3A_421 = tpu.sem_alloc : memref<!tpu.dma_semaphore, #tpu.memory_space<semaphore_mem>>
      %dma_start3A_422 = arith.constant 0 : i32
      %dma_start3A_423 = tpu.memref_slice %arg12[%arg0, %run_scoped3A_419, %mul3A_418, %dma_start3A_422] : memref<2x4x10240x128xf32, #tpu.memory_space<hbm>> -> memref<1x1x640x128xf32, #tpu.memory_space<hbm>>
      %dma_start3A_424 = tpu.memref_squeeze %dma_start3A_423 : memref<1x1x640x128xf32, #tpu.memory_space<hbm>> -> memref<640x128xf32, #tpu.memory_space<hbm>>
      %dma_start3A_425 = arith.constant 0 : i32
      %dma_start3A_426 = tpu.memref_slice %arg17[%mul3A_416, %dma_start3A_425] : memref<10240x128xf32, #tpu.memory_space<vmem_shared>> -> memref<640x128xf32, #tpu.memory_space<vmem_shared>>
      tpu.enqueue_dma source(%dma_start3A_426 : memref<640x128xf32, #tpu.memory_space<vmem_shared>>) target(%dma_start3A_424 : memref<640x128xf32, #tpu.memory_space<hbm>>) target_semaphore(%run_scoped3A_421 : memref<!tpu.dma_semaphore, #tpu.memory_space<semaphore_mem>>)
      %dma_wait3A = arith.constant 0 : i32
      %dma_wait3A_427 = tpu.memref_slice %arg12[%arg0, %run_scoped3A_419, %mul3A_418, %dma_wait3A] : memref<2x4x10240x128xf32, #tpu.memory_space<hbm>> -> memref<1x1x640x128xf32, #tpu.memory_space<hbm>>
      %dma_wait3A_428 = tpu.memref_squeeze %dma_wait3A_427 : memref<1x1x640x128xf32, #tpu.memory_space<hbm>> -> memref<640x128xf32, #tpu.memory_space<hbm>>
      %dma_wait3A_429 = arith.constant 0 : i32
      %dma_wait3A_430 = tpu.memref_slice %arg17[%mul3A_416, %dma_wait3A_429] : memref<10240x128xf32, #tpu.memory_space<vmem_shared>> -> memref<640x128xf32, #tpu.memory_space<vmem_shared>>
      tpu.wait_dma2 semaphore(%run_scoped3A_421 : memref<!tpu.dma_semaphore, #tpu.memory_space<semaphore_mem>>) src(%dma_wait3A_430 : memref<640x128xf32, #tpu.memory_space<vmem_shared>>) dst(%dma_wait3A_428 : memref<640x128xf32, #tpu.memory_space<hbm>>)
      tpu.yield
    }) : () -> ()
    %barrier3A_420 = arith.constant 0 : index
    tpu.barrier barrier_id(%barrier3A_420)
    return
  }
}

#map = affine_map<(d0, d1) -> (0, 0)>
#map1 = affine_map<(d0, d1) -> (0, 0, 0, 0)>
module attributes {stable_mosaic.version = 14 : i64} {
  func.func @k(%arg0: i32, %arg1: i32, %arg2: memref<1280x128xi32, #tpu.memory_space<hbm>>, %arg3: memref<1280x128xi32, #tpu.memory_space<hbm>>, %arg4: memref<1280x128xi32, #tpu.memory_space<hbm>>, %arg5: memref<1280x128xi32, #tpu.memory_space<hbm>>, %arg6: memref<128x128xf32, #tpu.memory_space<hbm>>, %arg7: memref<10000x128xf32, #tpu.memory_space<hbm>>, %arg8: memref<10000x128xf32, #tpu.memory_space<hbm>>, %arg9: memref<2x2x10240x128xf32, #tpu.memory_space<hbm>>, %arg10: memref<2x2x10240x128xf32, #tpu.memory_space<hbm>>, %arg11: memref<40x128xi32, #tpu.memory_space<vmem>>, %arg12: memref<40x128xi32, #tpu.memory_space<vmem>>, %arg13: memref<128x128xf32, #tpu.memory_space<vmem>>, %arg14: memref<128x128xf32, #tpu.memory_space<vmem>>, %arg15: memref<10240x128xf32, #tpu.memory_space<vmem_shared>>, %arg16: memref<!tpu.dma_semaphore, #tpu.memory_space<semaphore_mem>>, %arg17: memref<!tpu.dma_semaphore, #tpu.memory_space<semaphore_mem>>) attributes {dimension_semantics = [#tpu.dimension_semantics<core_parallel>, #tpu.dimension_semantics<subcore_parallel>], iteration_bounds = array<i64: 2, 16>, scalar_prefetch = 0 : i64, scratch_operands = 7 : i64, tpu.core_type = #tpu.core_type<sc_vector_subcore>, window_params = [{transform_indices = #map}, {transform_indices = #map}, {transform_indices = #map}, {transform_indices = #map}, {transform_indices = #map}, {transform_indices = #map}, {transform_indices = #map}, {transform_indices = #map1}, {transform_indices = #map1}]} {
    %mul3A = arith.constant 16 : i32
    %mul3A_0 = arith.muli %arg0, %mul3A : i32
    %add3A = arith.addi %mul3A_0, %arg1 : i32
    %mul3A_1 = arith.constant 40 : i32
    %mul3A_2 = arith.muli %add3A, %mul3A_1 : i32
    "tpu.region"() ({
      %run_scoped3A_213 = tpu.sem_alloc : memref<!tpu.dma_semaphore, #tpu.memory_space<semaphore_mem>>
      %dma_start3A_214 = arith.constant 0 : i32
      %dma_start3A_215 = tpu.memref_slice %arg2[%mul3A_2, %dma_start3A_214] : memref<1280x128xi32, #tpu.memory_space<hbm>> -> memref<40x128xi32, #tpu.memory_space<hbm>>
      %dma_start3A_216 = arith.constant 0 : i32
      %dma_start3A_217 = tpu.memref_slice %arg2[%mul3A_2, %dma_start3A_216] : memref<1280x128xi32, #tpu.memory_space<hbm>> -> memref<40x128xi32, #tpu.memory_space<hbm>>
      tpu.enqueue_dma source(%dma_start3A_217 : memref<40x128xi32, #tpu.memory_space<hbm>>) target(%arg11 : memref<40x128xi32, #tpu.memory_space<vmem>>) target_semaphore(%run_scoped3A_213 : memref<!tpu.dma_semaphore, #tpu.memory_space<semaphore_mem>>)
      %dma_wait3A = arith.constant 0 : i32
      %dma_wait3A_218 = tpu.memref_slice %arg2[%mul3A_2, %dma_wait3A] : memref<1280x128xi32, #tpu.memory_space<hbm>> -> memref<40x128xi32, #tpu.memory_space<hbm>>
      %dma_wait3A_219 = arith.constant 0 : i32
      %dma_wait3A_220 = tpu.memref_slice %arg2[%mul3A_2, %dma_wait3A_219] : memref<1280x128xi32, #tpu.memory_space<hbm>> -> memref<40x128xi32, #tpu.memory_space<hbm>>
      tpu.wait_dma2 semaphore(%run_scoped3A_213 : memref<!tpu.dma_semaphore, #tpu.memory_space<semaphore_mem>>) src(%dma_wait3A_220 : memref<40x128xi32, #tpu.memory_space<hbm>>) dst(%arg11 : memref<40x128xi32, #tpu.memory_space<vmem>>)
      tpu.yield
    }) : () -> ()
    %mul3A_3 = arith.constant 40 : i32
    %mul3A_4 = arith.muli %add3A, %mul3A_3 : i32
    "tpu.region"() ({
      %run_scoped3A_213 = tpu.sem_alloc : memref<!tpu.dma_semaphore, #tpu.memory_space<semaphore_mem>>
      %dma_start3A_214 = arith.constant 0 : i32
      %dma_start3A_215 = tpu.memref_slice %arg3[%mul3A_4, %dma_start3A_214] : memref<1280x128xi32, #tpu.memory_space<hbm>> -> memref<40x128xi32, #tpu.memory_space<hbm>>
      %dma_start3A_216 = arith.constant 0 : i32
      %dma_start3A_217 = tpu.memref_slice %arg3[%mul3A_4, %dma_start3A_216] : memref<1280x128xi32, #tpu.memory_space<hbm>> -> memref<40x128xi32, #tpu.memory_space<hbm>>
      tpu.enqueue_dma source(%dma_start3A_217 : memref<40x128xi32, #tpu.memory_space<hbm>>) target(%arg12 : memref<40x128xi32, #tpu.memory_space<vmem>>) target_semaphore(%run_scoped3A_213 : memref<!tpu.dma_semaphore, #tpu.memory_space<semaphore_mem>>)
      %dma_wait3A = arith.constant 0 : i32
      %dma_wait3A_218 = tpu.memref_slice %arg3[%mul3A_4, %dma_wait3A] : memref<1280x128xi32, #tpu.memory_space<hbm>> -> memref<40x128xi32, #tpu.memory_space<hbm>>
      %dma_wait3A_219 = arith.constant 0 : i32
      %dma_wait3A_220 = tpu.memref_slice %arg3[%mul3A_4, %dma_wait3A_219] : memref<1280x128xi32, #tpu.memory_space<hbm>> -> memref<40x128xi32, #tpu.memory_space<hbm>>
      tpu.wait_dma2 semaphore(%run_scoped3A_213 : memref<!tpu.dma_semaphore, #tpu.memory_space<semaphore_mem>>) src(%dma_wait3A_220 : memref<40x128xi32, #tpu.memory_space<hbm>>) dst(%arg12 : memref<40x128xi32, #tpu.memory_space<vmem>>)
      tpu.yield
    }) : () -> ()
    "tpu.region"() ({
      %run_scoped3A_213 = tpu.sem_alloc : memref<!tpu.dma_semaphore, #tpu.memory_space<semaphore_mem>>
      tpu.enqueue_dma source(%arg6 : memref<128x128xf32, #tpu.memory_space<hbm>>) target(%arg13 : memref<128x128xf32, #tpu.memory_space<vmem>>) target_semaphore(%run_scoped3A_213 : memref<!tpu.dma_semaphore, #tpu.memory_space<semaphore_mem>>)
      tpu.wait_dma2 semaphore(%run_scoped3A_213 : memref<!tpu.dma_semaphore, #tpu.memory_space<semaphore_mem>>) src(%arg6 : memref<128x128xf32, #tpu.memory_space<hbm>>) dst(%arg13 : memref<128x128xf32, #tpu.memory_space<vmem>>)
      tpu.yield
    }) : () -> ()
    %mul3A_5 = arith.constant 5 : i32
    %mul3A_6 = arith.muli %arg1, %mul3A_5 : i32
    %add3A_7 = arith.constant 0 : i32
    %add3A_8 = arith.addi %mul3A_6, %add3A_7 : i32
    %mul3A_9 = arith.constant 128 : i32
    %mul3A_10 = arith.muli %add3A_8, %mul3A_9 : i32
    "tpu.region"() ({
      %run_scoped3A_213 = tpu.sem_alloc : memref<!tpu.dma_semaphore, #tpu.memory_space<semaphore_mem>>
      %dma_start3A_214 = arith.constant 0 : i32
      %dma_start3A_215 = tpu.memref_slice %arg15[%mul3A_10, %dma_start3A_214] : memref<10240x128xf32, #tpu.memory_space<vmem_shared>> -> memref<128x128xf32, #tpu.memory_space<vmem_shared>>
      %dma_start3A_216 = arith.constant 0 : i32
      %dma_start3A_217 = tpu.memref_slice %arg15[%mul3A_10, %dma_start3A_216] : memref<10240x128xf32, #tpu.memory_space<vmem_shared>> -> memref<128x128xf32, #tpu.memory_space<vmem_shared>>
      tpu.enqueue_dma source(%arg13 : memref<128x128xf32, #tpu.memory_space<vmem>>) target(%dma_start3A_217 : memref<128x128xf32, #tpu.memory_space<vmem_shared>>) target_semaphore(%run_scoped3A_213 : memref<!tpu.dma_semaphore, #tpu.memory_space<semaphore_mem>>)
      %dma_wait3A = arith.constant 0 : i32
      %dma_wait3A_218 = tpu.memref_slice %arg15[%mul3A_10, %dma_wait3A] : memref<10240x128xf32, #tpu.memory_space<vmem_shared>> -> memref<128x128xf32, #tpu.memory_space<vmem_shared>>
      %dma_wait3A_219 = arith.constant 0 : i32
      %dma_wait3A_220 = tpu.memref_slice %arg15[%mul3A_10, %dma_wait3A_219] : memref<10240x128xf32, #tpu.memory_space<vmem_shared>> -> memref<128x128xf32, #tpu.memory_space<vmem_shared>>
      tpu.wait_dma2 semaphore(%run_scoped3A_213 : memref<!tpu.dma_semaphore, #tpu.memory_space<semaphore_mem>>) src(%arg13 : memref<128x128xf32, #tpu.memory_space<vmem>>) dst(%dma_wait3A_220 : memref<128x128xf32, #tpu.memory_space<vmem_shared>>)
      tpu.yield
    }) : () -> ()
    %mul3A_11 = arith.constant 5 : i32
    %mul3A_12 = arith.muli %arg1, %mul3A_11 : i32
    %add3A_13 = arith.constant 1 : i32
    %add3A_14 = arith.addi %mul3A_12, %add3A_13 : i32
    %mul3A_15 = arith.constant 128 : i32
    %mul3A_16 = arith.muli %add3A_14, %mul3A_15 : i32
    "tpu.region"() ({
      %run_scoped3A_213 = tpu.sem_alloc : memref<!tpu.dma_semaphore, #tpu.memory_space<semaphore_mem>>
      %dma_start3A_214 = arith.constant 0 : i32
      %dma_start3A_215 = tpu.memref_slice %arg15[%mul3A_16, %dma_start3A_214] : memref<10240x128xf32, #tpu.memory_space<vmem_shared>> -> memref<128x128xf32, #tpu.memory_space<vmem_shared>>
      %dma_start3A_216 = arith.constant 0 : i32
      %dma_start3A_217 = tpu.memref_slice %arg15[%mul3A_16, %dma_start3A_216] : memref<10240x128xf32, #tpu.memory_space<vmem_shared>> -> memref<128x128xf32, #tpu.memory_space<vmem_shared>>
      tpu.enqueue_dma source(%arg13 : memref<128x128xf32, #tpu.memory_space<vmem>>) target(%dma_start3A_217 : memref<128x128xf32, #tpu.memory_space<vmem_shared>>) target_semaphore(%run_scoped3A_213 : memref<!tpu.dma_semaphore, #tpu.memory_space<semaphore_mem>>)
      %dma_wait3A = arith.constant 0 : i32
      %dma_wait3A_218 = tpu.memref_slice %arg15[%mul3A_16, %dma_wait3A] : memref<10240x128xf32, #tpu.memory_space<vmem_shared>> -> memref<128x128xf32, #tpu.memory_space<vmem_shared>>
      %dma_wait3A_219 = arith.constant 0 : i32
      %dma_wait3A_220 = tpu.memref_slice %arg15[%mul3A_16, %dma_wait3A_219] : memref<10240x128xf32, #tpu.memory_space<vmem_shared>> -> memref<128x128xf32, #tpu.memory_space<vmem_shared>>
      tpu.wait_dma2 semaphore(%run_scoped3A_213 : memref<!tpu.dma_semaphore, #tpu.memory_space<semaphore_mem>>) src(%arg13 : memref<128x128xf32, #tpu.memory_space<vmem>>) dst(%dma_wait3A_220 : memref<128x128xf32, #tpu.memory_space<vmem_shared>>)
      tpu.yield
    }) : () -> ()
    %mul3A_17 = arith.constant 5 : i32
    %mul3A_18 = arith.muli %arg1, %mul3A_17 : i32
    %add3A_19 = arith.constant 2 : i32
    %add3A_20 = arith.addi %mul3A_18, %add3A_19 : i32
    %mul3A_21 = arith.constant 128 : i32
    %mul3A_22 = arith.muli %add3A_20, %mul3A_21 : i32
    "tpu.region"() ({
      %run_scoped3A_213 = tpu.sem_alloc : memref<!tpu.dma_semaphore, #tpu.memory_space<semaphore_mem>>
      %dma_start3A_214 = arith.constant 0 : i32
      %dma_start3A_215 = tpu.memref_slice %arg15[%mul3A_22, %dma_start3A_214] : memref<10240x128xf32, #tpu.memory_space<vmem_shared>> -> memref<128x128xf32, #tpu.memory_space<vmem_shared>>
      %dma_start3A_216 = arith.constant 0 : i32
      %dma_start3A_217 = tpu.memref_slice %arg15[%mul3A_22, %dma_start3A_216] : memref<10240x128xf32, #tpu.memory_space<vmem_shared>> -> memref<128x128xf32, #tpu.memory_space<vmem_shared>>
      tpu.enqueue_dma source(%arg13 : memref<128x128xf32, #tpu.memory_space<vmem>>) target(%dma_start3A_217 : memref<128x128xf32, #tpu.memory_space<vmem_shared>>) target_semaphore(%run_scoped3A_213 : memref<!tpu.dma_semaphore, #tpu.memory_space<semaphore_mem>>)
      %dma_wait3A = arith.constant 0 : i32
      %dma_wait3A_218 = tpu.memref_slice %arg15[%mul3A_22, %dma_wait3A] : memref<10240x128xf32, #tpu.memory_space<vmem_shared>> -> memref<128x128xf32, #tpu.memory_space<vmem_shared>>
      %dma_wait3A_219 = arith.constant 0 : i32
      %dma_wait3A_220 = tpu.memref_slice %arg15[%mul3A_22, %dma_wait3A_219] : memref<10240x128xf32, #tpu.memory_space<vmem_shared>> -> memref<128x128xf32, #tpu.memory_space<vmem_shared>>
      tpu.wait_dma2 semaphore(%run_scoped3A_213 : memref<!tpu.dma_semaphore, #tpu.memory_space<semaphore_mem>>) src(%arg13 : memref<128x128xf32, #tpu.memory_space<vmem>>) dst(%dma_wait3A_220 : memref<128x128xf32, #tpu.memory_space<vmem_shared>>)
      tpu.yield
    }) : () -> ()
    %mul3A_23 = arith.constant 5 : i32
    %mul3A_24 = arith.muli %arg1, %mul3A_23 : i32
    %add3A_25 = arith.constant 3 : i32
    %add3A_26 = arith.addi %mul3A_24, %add3A_25 : i32
    %mul3A_27 = arith.constant 128 : i32
    %mul3A_28 = arith.muli %add3A_26, %mul3A_27 : i32
    "tpu.region"() ({
      %run_scoped3A_213 = tpu.sem_alloc : memref<!tpu.dma_semaphore, #tpu.memory_space<semaphore_mem>>
      %dma_start3A_214 = arith.constant 0 : i32
      %dma_start3A_215 = tpu.memref_slice %arg15[%mul3A_28, %dma_start3A_214] : memref<10240x128xf32, #tpu.memory_space<vmem_shared>> -> memref<128x128xf32, #tpu.memory_space<vmem_shared>>
      %dma_start3A_216 = arith.constant 0 : i32
      %dma_start3A_217 = tpu.memref_slice %arg15[%mul3A_28, %dma_start3A_216] : memref<10240x128xf32, #tpu.memory_space<vmem_shared>> -> memref<128x128xf32, #tpu.memory_space<vmem_shared>>
      tpu.enqueue_dma source(%arg13 : memref<128x128xf32, #tpu.memory_space<vmem>>) target(%dma_start3A_217 : memref<128x128xf32, #tpu.memory_space<vmem_shared>>) target_semaphore(%run_scoped3A_213 : memref<!tpu.dma_semaphore, #tpu.memory_space<semaphore_mem>>)
      %dma_wait3A = arith.constant 0 : i32
      %dma_wait3A_218 = tpu.memref_slice %arg15[%mul3A_28, %dma_wait3A] : memref<10240x128xf32, #tpu.memory_space<vmem_shared>> -> memref<128x128xf32, #tpu.memory_space<vmem_shared>>
      %dma_wait3A_219 = arith.constant 0 : i32
      %dma_wait3A_220 = tpu.memref_slice %arg15[%mul3A_28, %dma_wait3A_219] : memref<10240x128xf32, #tpu.memory_space<vmem_shared>> -> memref<128x128xf32, #tpu.memory_space<vmem_shared>>
      tpu.wait_dma2 semaphore(%run_scoped3A_213 : memref<!tpu.dma_semaphore, #tpu.memory_space<semaphore_mem>>) src(%arg13 : memref<128x128xf32, #tpu.memory_space<vmem>>) dst(%dma_wait3A_220 : memref<128x128xf32, #tpu.memory_space<vmem_shared>>)
      tpu.yield
    }) : () -> ()
    %mul3A_29 = arith.constant 5 : i32
    %mul3A_30 = arith.muli %arg1, %mul3A_29 : i32
    %add3A_31 = arith.constant 4 : i32
    %add3A_32 = arith.addi %mul3A_30, %add3A_31 : i32
    %mul3A_33 = arith.constant 128 : i32
    %mul3A_34 = arith.muli %add3A_32, %mul3A_33 : i32
    "tpu.region"() ({
      %run_scoped3A_213 = tpu.sem_alloc : memref<!tpu.dma_semaphore, #tpu.memory_space<semaphore_mem>>
      %dma_start3A_214 = arith.constant 0 : i32
      %dma_start3A_215 = tpu.memref_slice %arg15[%mul3A_34, %dma_start3A_214] : memref<10240x128xf32, #tpu.memory_space<vmem_shared>> -> memref<128x128xf32, #tpu.memory_space<vmem_shared>>
      %dma_start3A_216 = arith.constant 0 : i32
      %dma_start3A_217 = tpu.memref_slice %arg15[%mul3A_34, %dma_start3A_216] : memref<10240x128xf32, #tpu.memory_space<vmem_shared>> -> memref<128x128xf32, #tpu.memory_space<vmem_shared>>
      tpu.enqueue_dma source(%arg13 : memref<128x128xf32, #tpu.memory_space<vmem>>) target(%dma_start3A_217 : memref<128x128xf32, #tpu.memory_space<vmem_shared>>) target_semaphore(%run_scoped3A_213 : memref<!tpu.dma_semaphore, #tpu.memory_space<semaphore_mem>>)
      %dma_wait3A = arith.constant 0 : i32
      %dma_wait3A_218 = tpu.memref_slice %arg15[%mul3A_34, %dma_wait3A] : memref<10240x128xf32, #tpu.memory_space<vmem_shared>> -> memref<128x128xf32, #tpu.memory_space<vmem_shared>>
      %dma_wait3A_219 = arith.constant 0 : i32
      %dma_wait3A_220 = tpu.memref_slice %arg15[%mul3A_34, %dma_wait3A_219] : memref<10240x128xf32, #tpu.memory_space<vmem_shared>> -> memref<128x128xf32, #tpu.memory_space<vmem_shared>>
      tpu.wait_dma2 semaphore(%run_scoped3A_213 : memref<!tpu.dma_semaphore, #tpu.memory_space<semaphore_mem>>) src(%arg13 : memref<128x128xf32, #tpu.memory_space<vmem>>) dst(%dma_wait3A_220 : memref<128x128xf32, #tpu.memory_space<vmem_shared>>)
      tpu.yield
    }) : () -> ()
    %barrier3A = arith.constant 0 : index
    tpu.barrier barrier_id(%barrier3A)
    %dma_start3A = arith.constant 0 : i32
    %dma_start3A_35 = arith.constant 0 : i32
    %dma_start3A_36 = tpu.memref_slice %arg11[%dma_start3A, %dma_start3A_35] : memref<40x128xi32, #tpu.memory_space<vmem>> -> memref<1x128xi32, #tpu.memory_space<vmem>>
    %dma_start3A_37 = tpu.memref_squeeze %dma_start3A_36 : memref<1x128xi32, #tpu.memory_space<vmem>> -> memref<128xi32, #tpu.memory_space<vmem>>
    %dma_start3A_38 = arith.constant 0 : i32
    %dma_start3A_39 = arith.constant 0 : i32
    %dma_start3A_40 = tpu.memref_slice %arg7[%dma_start3A_38, %dma_start3A_39] : memref<10000x128xf32, #tpu.memory_space<hbm>> -> memref<10000x128xf32, #tpu.memory_space<hbm>>
    tpu.enqueue_indirect_dma source(%dma_start3A_40 : memref<10000x128xf32, #tpu.memory_space<hbm>>) target(%arg13 : memref<128x128xf32, #tpu.memory_space<vmem>>) offsets(%dma_start3A_37 : memref<128xi32, #tpu.memory_space<vmem>>) semaphore(%arg16 : memref<!tpu.dma_semaphore, #tpu.memory_space<semaphore_mem>>)
    %scan3A = arith.constant 0 : i32
    %scan3A_41 = arith.constant 0 : i32
    %scan3A_42 = arith.constant 20 : i32
    %scan3A_43 = arith.addi %scan3A_41, %scan3A_42 : i32
    %scan3A_44 = arith.constant 1 : i32
    %scan3A_45 = scf.for %scan3A_213 = %scan3A_41 to %scan3A_43 step %scan3A_44 iter_args(%scan3A_214 = %scan3A) -> (i32)  : i32 {
      %mul3A_215 = arith.constant 2 : i32
      %mul3A_216 = arith.muli %scan3A_213, %mul3A_215 : i32
      %add3A_217 = arith.constant 0 : i32
      %add3A_218 = arith.addi %mul3A_216, %add3A_217 : i32
      %add3A_219 = arith.constant 1 : i32
      %add3A_220 = arith.addi %add3A_218, %add3A_219 : i32
      %lt3A = arith.constant 40 : i32
      %lt3A_221 = arith.cmpi slt, %add3A_220, %lt3A : i32
      %convert_element_type3A = arith.extui %lt3A_221 : i1 to i32
      %cond3A = arith.constant 0 : i32
      %cond3A_222 = arith.cmpi ne, %convert_element_type3A, %cond3A : i32
      scf.if %cond3A_222 {
        %add3A_246 = arith.constant 1 : i32
        %add3A_247 = arith.addi %add3A_218, %add3A_246 : i32
        %dma_start3A_248 = arith.constant 0 : i32
        %dma_start3A_249 = tpu.memref_slice %arg11[%add3A_247, %dma_start3A_248] : memref<40x128xi32, #tpu.memory_space<vmem>> -> memref<1x128xi32, #tpu.memory_space<vmem>>
        %dma_start3A_250 = tpu.memref_squeeze %dma_start3A_249 : memref<1x128xi32, #tpu.memory_space<vmem>> -> memref<128xi32, #tpu.memory_space<vmem>>
        %dma_start3A_251 = arith.constant 0 : i32
        %dma_start3A_252 = arith.constant 0 : i32
        %dma_start3A_253 = tpu.memref_slice %arg7[%dma_start3A_251, %dma_start3A_252] : memref<10000x128xf32, #tpu.memory_space<hbm>> -> memref<10000x128xf32, #tpu.memory_space<hbm>>
        tpu.enqueue_indirect_dma source(%dma_start3A_253 : memref<10000x128xf32, #tpu.memory_space<hbm>>) target(%arg14 : memref<128x128xf32, #tpu.memory_space<vmem>>) offsets(%dma_start3A_250 : memref<128xi32, #tpu.memory_space<vmem>>) semaphore(%arg17 : memref<!tpu.dma_semaphore, #tpu.memory_space<semaphore_mem>>)
      } else {
      }
      %dma_wait3A = arith.constant 0 : i32
      %dma_wait3A_223 = tpu.memref_slice %arg11[%add3A_218, %dma_wait3A] : memref<40x128xi32, #tpu.memory_space<vmem>> -> memref<1x128xi32, #tpu.memory_space<vmem>>
      %dma_wait3A_224 = tpu.memref_squeeze %dma_wait3A_223 : memref<1x128xi32, #tpu.memory_space<vmem>> -> memref<128xi32, #tpu.memory_space<vmem>>
      %dma_wait3A_225 = arith.constant 0 : i32
      %dma_wait3A_226 = arith.constant 0 : i32
      %dma_wait3A_227 = tpu.memref_slice %arg7[%dma_wait3A_225, %dma_wait3A_226] : memref<10000x128xf32, #tpu.memory_space<hbm>> -> memref<10000x128xf32, #tpu.memory_space<hbm>>
      tpu.wait_indirect_dma semaphore(%arg16 : memref<!tpu.dma_semaphore, #tpu.memory_space<semaphore_mem>>) src(%dma_wait3A_227 : memref<10000x128xf32, #tpu.memory_space<hbm>>) dst(%arg13 : memref<128x128xf32, #tpu.memory_space<vmem>>)
      "tpu.region"() ({
        %run_scoped3A_246 = tpu.sem_alloc : memref<!tpu.dma_semaphore, #tpu.memory_space<semaphore_mem>>
        %dma_start3A_247 = arith.constant 0 : i32
        %dma_start3A_248 = tpu.memref_slice %arg12[%add3A_218, %dma_start3A_247] : memref<40x128xi32, #tpu.memory_space<vmem>> -> memref<1x128xi32, #tpu.memory_space<vmem>>
        %dma_start3A_249 = tpu.memref_squeeze %dma_start3A_248 : memref<1x128xi32, #tpu.memory_space<vmem>> -> memref<128xi32, #tpu.memory_space<vmem>>
        %dma_start3A_250 = arith.constant 0 : i32
        %dma_start3A_251 = arith.constant 0 : i32
        %dma_start3A_252 = tpu.memref_slice %arg15[%dma_start3A_250, %dma_start3A_251] : memref<10240x128xf32, #tpu.memory_space<vmem_shared>> -> memref<10240x128xf32, #tpu.memory_space<vmem_shared>>
        tpu.enqueue_indirect_dma source(%arg13 : memref<128x128xf32, #tpu.memory_space<vmem>>) target(%dma_start3A_252 : memref<10240x128xf32, #tpu.memory_space<vmem_shared>>) offsets(%dma_start3A_249 : memref<128xi32, #tpu.memory_space<vmem>>) semaphore(%run_scoped3A_246 : memref<!tpu.dma_semaphore, #tpu.memory_space<semaphore_mem>>) {add = true}
        %dma_wait3A_253 = arith.constant 0 : i32
        %dma_wait3A_254 = tpu.memref_slice %arg12[%add3A_218, %dma_wait3A_253] : memref<40x128xi32, #tpu.memory_space<vmem>> -> memref<1x128xi32, #tpu.memory_space<vmem>>
        %dma_wait3A_255 = tpu.memref_squeeze %dma_wait3A_254 : memref<1x128xi32, #tpu.memory_space<vmem>> -> memref<128xi32, #tpu.memory_space<vmem>>
        %dma_wait3A_256 = arith.constant 0 : i32
        %dma_wait3A_257 = arith.constant 0 : i32
        %dma_wait3A_258 = tpu.memref_slice %arg15[%dma_wait3A_256, %dma_wait3A_257] : memref<10240x128xf32, #tpu.memory_space<vmem_shared>> -> memref<10240x128xf32, #tpu.memory_space<vmem_shared>>
        tpu.wait_indirect_dma semaphore(%run_scoped3A_246 : memref<!tpu.dma_semaphore, #tpu.memory_space<semaphore_mem>>) src(%arg13 : memref<128x128xf32, #tpu.memory_space<vmem>>) dst(%dma_wait3A_258 : memref<10240x128xf32, #tpu.memory_space<vmem_shared>>)
        tpu.yield
      }) : () -> ()
      %mul3A_228 = arith.constant 2 : i32
      %mul3A_229 = arith.muli %scan3A_213, %mul3A_228 : i32
      %add3A_230 = arith.constant 1 : i32
      %add3A_231 = arith.addi %mul3A_229, %add3A_230 : i32
      %add3A_232 = arith.constant 1 : i32
      %add3A_233 = arith.addi %add3A_231, %add3A_232 : i32
      %lt3A_234 = arith.constant 40 : i32
      %lt3A_235 = arith.cmpi slt, %add3A_233, %lt3A_234 : i32
      %convert_element_type3A_236 = arith.extui %lt3A_235 : i1 to i32
      %cond3A_237 = arith.constant 0 : i32
      %cond3A_238 = arith.cmpi ne, %convert_element_type3A_236, %cond3A_237 : i32
      scf.if %cond3A_238 {
        %add3A_246 = arith.constant 1 : i32
        %add3A_247 = arith.addi %add3A_231, %add3A_246 : i32
        %dma_start3A_248 = arith.constant 0 : i32
        %dma_start3A_249 = tpu.memref_slice %arg11[%add3A_247, %dma_start3A_248] : memref<40x128xi32, #tpu.memory_space<vmem>> -> memref<1x128xi32, #tpu.memory_space<vmem>>
        %dma_start3A_250 = tpu.memref_squeeze %dma_start3A_249 : memref<1x128xi32, #tpu.memory_space<vmem>> -> memref<128xi32, #tpu.memory_space<vmem>>
        %dma_start3A_251 = arith.constant 0 : i32
        %dma_start3A_252 = arith.constant 0 : i32
        %dma_start3A_253 = tpu.memref_slice %arg7[%dma_start3A_251, %dma_start3A_252] : memref<10000x128xf32, #tpu.memory_space<hbm>> -> memref<10000x128xf32, #tpu.memory_space<hbm>>
        tpu.enqueue_indirect_dma source(%dma_start3A_253 : memref<10000x128xf32, #tpu.memory_space<hbm>>) target(%arg13 : memref<128x128xf32, #tpu.memory_space<vmem>>) offsets(%dma_start3A_250 : memref<128xi32, #tpu.memory_space<vmem>>) semaphore(%arg16 : memref<!tpu.dma_semaphore, #tpu.memory_space<semaphore_mem>>)
      } else {
      }
      %dma_wait3A_239 = arith.constant 0 : i32
      %dma_wait3A_240 = tpu.memref_slice %arg11[%add3A_231, %dma_wait3A_239] : memref<40x128xi32, #tpu.memory_space<vmem>> -> memref<1x128xi32, #tpu.memory_space<vmem>>
      %dma_wait3A_241 = tpu.memref_squeeze %dma_wait3A_240 : memref<1x128xi32, #tpu.memory_space<vmem>> -> memref<128xi32, #tpu.memory_space<vmem>>
      %dma_wait3A_242 = arith.constant 0 : i32
      %dma_wait3A_243 = arith.constant 0 : i32
      %dma_wait3A_244 = tpu.memref_slice %arg7[%dma_wait3A_242, %dma_wait3A_243] : memref<10000x128xf32, #tpu.memory_space<hbm>> -> memref<10000x128xf32, #tpu.memory_space<hbm>>
      tpu.wait_indirect_dma semaphore(%arg17 : memref<!tpu.dma_semaphore, #tpu.memory_space<semaphore_mem>>) src(%dma_wait3A_244 : memref<10000x128xf32, #tpu.memory_space<hbm>>) dst(%arg14 : memref<128x128xf32, #tpu.memory_space<vmem>>)
      "tpu.region"() ({
        %run_scoped3A_246 = tpu.sem_alloc : memref<!tpu.dma_semaphore, #tpu.memory_space<semaphore_mem>>
        %dma_start3A_247 = arith.constant 0 : i32
        %dma_start3A_248 = tpu.memref_slice %arg12[%add3A_231, %dma_start3A_247] : memref<40x128xi32, #tpu.memory_space<vmem>> -> memref<1x128xi32, #tpu.memory_space<vmem>>
        %dma_start3A_249 = tpu.memref_squeeze %dma_start3A_248 : memref<1x128xi32, #tpu.memory_space<vmem>> -> memref<128xi32, #tpu.memory_space<vmem>>
        %dma_start3A_250 = arith.constant 0 : i32
        %dma_start3A_251 = arith.constant 0 : i32
        %dma_start3A_252 = tpu.memref_slice %arg15[%dma_start3A_250, %dma_start3A_251] : memref<10240x128xf32, #tpu.memory_space<vmem_shared>> -> memref<10240x128xf32, #tpu.memory_space<vmem_shared>>
        tpu.enqueue_indirect_dma source(%arg14 : memref<128x128xf32, #tpu.memory_space<vmem>>) target(%dma_start3A_252 : memref<10240x128xf32, #tpu.memory_space<vmem_shared>>) offsets(%dma_start3A_249 : memref<128xi32, #tpu.memory_space<vmem>>) semaphore(%run_scoped3A_246 : memref<!tpu.dma_semaphore, #tpu.memory_space<semaphore_mem>>) {add = true}
        %dma_wait3A_253 = arith.constant 0 : i32
        %dma_wait3A_254 = tpu.memref_slice %arg12[%add3A_231, %dma_wait3A_253] : memref<40x128xi32, #tpu.memory_space<vmem>> -> memref<1x128xi32, #tpu.memory_space<vmem>>
        %dma_wait3A_255 = tpu.memref_squeeze %dma_wait3A_254 : memref<1x128xi32, #tpu.memory_space<vmem>> -> memref<128xi32, #tpu.memory_space<vmem>>
        %dma_wait3A_256 = arith.constant 0 : i32
        %dma_wait3A_257 = arith.constant 0 : i32
        %dma_wait3A_258 = tpu.memref_slice %arg15[%dma_wait3A_256, %dma_wait3A_257] : memref<10240x128xf32, #tpu.memory_space<vmem_shared>> -> memref<10240x128xf32, #tpu.memory_space<vmem_shared>>
        tpu.wait_indirect_dma semaphore(%run_scoped3A_246 : memref<!tpu.dma_semaphore, #tpu.memory_space<semaphore_mem>>) src(%arg14 : memref<128x128xf32, #tpu.memory_space<vmem>>) dst(%dma_wait3A_258 : memref<10240x128xf32, #tpu.memory_space<vmem_shared>>)
        tpu.yield
      }) : () -> ()
      %scan3A_245 = arith.constant 0 : i32
      scf.yield %scan3A_245 : i32
    }
    %scan3A_46 = arith.constant 20 : i32
    %barrier3A_47 = arith.constant 0 : index
    tpu.barrier barrier_id(%barrier3A_47)
    %mul3A_48 = arith.constant 640 : i32
    %mul3A_49 = arith.muli %arg1, %mul3A_48 : i32
    %mul3A_50 = arith.constant 640 : i32
    %mul3A_51 = arith.muli %arg1, %mul3A_50 : i32
    %run_scoped3A = arith.constant 0 : i32
    "tpu.region"() ({
      %run_scoped3A_213 = tpu.sem_alloc : memref<!tpu.dma_semaphore, #tpu.memory_space<semaphore_mem>>
      %dma_start3A_214 = arith.constant 0 : i32
      %dma_start3A_215 = tpu.memref_slice %arg9[%arg0, %run_scoped3A, %mul3A_51, %dma_start3A_214] : memref<2x2x10240x128xf32, #tpu.memory_space<hbm>> -> memref<1x1x640x128xf32, #tpu.memory_space<hbm>>
      %dma_start3A_216 = tpu.memref_squeeze %dma_start3A_215 : memref<1x1x640x128xf32, #tpu.memory_space<hbm>> -> memref<640x128xf32, #tpu.memory_space<hbm>>
      %dma_start3A_217 = arith.constant 0 : i32
      %dma_start3A_218 = tpu.memref_slice %arg15[%mul3A_49, %dma_start3A_217] : memref<10240x128xf32, #tpu.memory_space<vmem_shared>> -> memref<640x128xf32, #tpu.memory_space<vmem_shared>>
      tpu.enqueue_dma source(%dma_start3A_218 : memref<640x128xf32, #tpu.memory_space<vmem_shared>>) target(%dma_start3A_216 : memref<640x128xf32, #tpu.memory_space<hbm>>) target_semaphore(%run_scoped3A_213 : memref<!tpu.dma_semaphore, #tpu.memory_space<semaphore_mem>>)
      %dma_wait3A = arith.constant 0 : i32
      %dma_wait3A_219 = tpu.memref_slice %arg9[%arg0, %run_scoped3A, %mul3A_51, %dma_wait3A] : memref<2x2x10240x128xf32, #tpu.memory_space<hbm>> -> memref<1x1x640x128xf32, #tpu.memory_space<hbm>>
      %dma_wait3A_220 = tpu.memref_squeeze %dma_wait3A_219 : memref<1x1x640x128xf32, #tpu.memory_space<hbm>> -> memref<640x128xf32, #tpu.memory_space<hbm>>
      %dma_wait3A_221 = arith.constant 0 : i32
      %dma_wait3A_222 = tpu.memref_slice %arg15[%mul3A_49, %dma_wait3A_221] : memref<10240x128xf32, #tpu.memory_space<vmem_shared>> -> memref<640x128xf32, #tpu.memory_space<vmem_shared>>
      tpu.wait_dma2 semaphore(%run_scoped3A_213 : memref<!tpu.dma_semaphore, #tpu.memory_space<semaphore_mem>>) src(%dma_wait3A_222 : memref<640x128xf32, #tpu.memory_space<vmem_shared>>) dst(%dma_wait3A_220 : memref<640x128xf32, #tpu.memory_space<hbm>>)
      tpu.yield
    }) : () -> ()
    %barrier3A_52 = arith.constant 0 : index
    tpu.barrier barrier_id(%barrier3A_52)
    "tpu.region"() ({
      %run_scoped3A_213 = tpu.sem_alloc : memref<!tpu.dma_semaphore, #tpu.memory_space<semaphore_mem>>
      tpu.enqueue_dma source(%arg6 : memref<128x128xf32, #tpu.memory_space<hbm>>) target(%arg13 : memref<128x128xf32, #tpu.memory_space<vmem>>) target_semaphore(%run_scoped3A_213 : memref<!tpu.dma_semaphore, #tpu.memory_space<semaphore_mem>>)
      tpu.wait_dma2 semaphore(%run_scoped3A_213 : memref<!tpu.dma_semaphore, #tpu.memory_space<semaphore_mem>>) src(%arg6 : memref<128x128xf32, #tpu.memory_space<hbm>>) dst(%arg13 : memref<128x128xf32, #tpu.memory_space<vmem>>)
      tpu.yield
    }) : () -> ()
    %mul3A_53 = arith.constant 5 : i32
    %mul3A_54 = arith.muli %arg1, %mul3A_53 : i32
    %add3A_55 = arith.constant 0 : i32
    %add3A_56 = arith.addi %mul3A_54, %add3A_55 : i32
    %mul3A_57 = arith.constant 128 : i32
    %mul3A_58 = arith.muli %add3A_56, %mul3A_57 : i32
    "tpu.region"() ({
      %run_scoped3A_213 = tpu.sem_alloc : memref<!tpu.dma_semaphore, #tpu.memory_space<semaphore_mem>>
      %dma_start3A_214 = arith.constant 0 : i32
      %dma_start3A_215 = tpu.memref_slice %arg15[%mul3A_58, %dma_start3A_214] : memref<10240x128xf32, #tpu.memory_space<vmem_shared>> -> memref<128x128xf32, #tpu.memory_space<vmem_shared>>
      %dma_start3A_216 = arith.constant 0 : i32
      %dma_start3A_217 = tpu.memref_slice %arg15[%mul3A_58, %dma_start3A_216] : memref<10240x128xf32, #tpu.memory_space<vmem_shared>> -> memref<128x128xf32, #tpu.memory_space<vmem_shared>>
      tpu.enqueue_dma source(%arg13 : memref<128x128xf32, #tpu.memory_space<vmem>>) target(%dma_start3A_217 : memref<128x128xf32, #tpu.memory_space<vmem_shared>>) target_semaphore(%run_scoped3A_213 : memref<!tpu.dma_semaphore, #tpu.memory_space<semaphore_mem>>)
      %dma_wait3A = arith.constant 0 : i32
      %dma_wait3A_218 = tpu.memref_slice %arg15[%mul3A_58, %dma_wait3A] : memref<10240x128xf32, #tpu.memory_space<vmem_shared>> -> memref<128x128xf32, #tpu.memory_space<vmem_shared>>
      %dma_wait3A_219 = arith.constant 0 : i32
      %dma_wait3A_220 = tpu.memref_slice %arg15[%mul3A_58, %dma_wait3A_219] : memref<10240x128xf32, #tpu.memory_space<vmem_shared>> -> memref<128x128xf32, #tpu.memory_space<vmem_shared>>
      tpu.wait_dma2 semaphore(%run_scoped3A_213 : memref<!tpu.dma_semaphore, #tpu.memory_space<semaphore_mem>>) src(%arg13 : memref<128x128xf32, #tpu.memory_space<vmem>>) dst(%dma_wait3A_220 : memref<128x128xf32, #tpu.memory_space<vmem_shared>>)
      tpu.yield
    }) : () -> ()
    %mul3A_59 = arith.constant 5 : i32
    %mul3A_60 = arith.muli %arg1, %mul3A_59 : i32
    %add3A_61 = arith.constant 1 : i32
    %add3A_62 = arith.addi %mul3A_60, %add3A_61 : i32
    %mul3A_63 = arith.constant 128 : i32
    %mul3A_64 = arith.muli %add3A_62, %mul3A_63 : i32
    "tpu.region"() ({
      %run_scoped3A_213 = tpu.sem_alloc : memref<!tpu.dma_semaphore, #tpu.memory_space<semaphore_mem>>
      %dma_start3A_214 = arith.constant 0 : i32
      %dma_start3A_215 = tpu.memref_slice %arg15[%mul3A_64, %dma_start3A_214] : memref<10240x128xf32, #tpu.memory_space<vmem_shared>> -> memref<128x128xf32, #tpu.memory_space<vmem_shared>>
      %dma_start3A_216 = arith.constant 0 : i32
      %dma_start3A_217 = tpu.memref_slice %arg15[%mul3A_64, %dma_start3A_216] : memref<10240x128xf32, #tpu.memory_space<vmem_shared>> -> memref<128x128xf32, #tpu.memory_space<vmem_shared>>
      tpu.enqueue_dma source(%arg13 : memref<128x128xf32, #tpu.memory_space<vmem>>) target(%dma_start3A_217 : memref<128x128xf32, #tpu.memory_space<vmem_shared>>) target_semaphore(%run_scoped3A_213 : memref<!tpu.dma_semaphore, #tpu.memory_space<semaphore_mem>>)
      %dma_wait3A = arith.constant 0 : i32
      %dma_wait3A_218 = tpu.memref_slice %arg15[%mul3A_64, %dma_wait3A] : memref<10240x128xf32, #tpu.memory_space<vmem_shared>> -> memref<128x128xf32, #tpu.memory_space<vmem_shared>>
      %dma_wait3A_219 = arith.constant 0 : i32
      %dma_wait3A_220 = tpu.memref_slice %arg15[%mul3A_64, %dma_wait3A_219] : memref<10240x128xf32, #tpu.memory_space<vmem_shared>> -> memref<128x128xf32, #tpu.memory_space<vmem_shared>>
      tpu.wait_dma2 semaphore(%run_scoped3A_213 : memref<!tpu.dma_semaphore, #tpu.memory_space<semaphore_mem>>) src(%arg13 : memref<128x128xf32, #tpu.memory_space<vmem>>) dst(%dma_wait3A_220 : memref<128x128xf32, #tpu.memory_space<vmem_shared>>)
      tpu.yield
    }) : () -> ()
    %mul3A_65 = arith.constant 5 : i32
    %mul3A_66 = arith.muli %arg1, %mul3A_65 : i32
    %add3A_67 = arith.constant 2 : i32
    %add3A_68 = arith.addi %mul3A_66, %add3A_67 : i32
    %mul3A_69 = arith.constant 128 : i32
    %mul3A_70 = arith.muli %add3A_68, %mul3A_69 : i32
    "tpu.region"() ({
      %run_scoped3A_213 = tpu.sem_alloc : memref<!tpu.dma_semaphore, #tpu.memory_space<semaphore_mem>>
      %dma_start3A_214 = arith.constant 0 : i32
      %dma_start3A_215 = tpu.memref_slice %arg15[%mul3A_70, %dma_start3A_214] : memref<10240x128xf32, #tpu.memory_space<vmem_shared>> -> memref<128x128xf32, #tpu.memory_space<vmem_shared>>
      %dma_start3A_216 = arith.constant 0 : i32
      %dma_start3A_217 = tpu.memref_slice %arg15[%mul3A_70, %dma_start3A_216] : memref<10240x128xf32, #tpu.memory_space<vmem_shared>> -> memref<128x128xf32, #tpu.memory_space<vmem_shared>>
      tpu.enqueue_dma source(%arg13 : memref<128x128xf32, #tpu.memory_space<vmem>>) target(%dma_start3A_217 : memref<128x128xf32, #tpu.memory_space<vmem_shared>>) target_semaphore(%run_scoped3A_213 : memref<!tpu.dma_semaphore, #tpu.memory_space<semaphore_mem>>)
      %dma_wait3A = arith.constant 0 : i32
      %dma_wait3A_218 = tpu.memref_slice %arg15[%mul3A_70, %dma_wait3A] : memref<10240x128xf32, #tpu.memory_space<vmem_shared>> -> memref<128x128xf32, #tpu.memory_space<vmem_shared>>
      %dma_wait3A_219 = arith.constant 0 : i32
      %dma_wait3A_220 = tpu.memref_slice %arg15[%mul3A_70, %dma_wait3A_219] : memref<10240x128xf32, #tpu.memory_space<vmem_shared>> -> memref<128x128xf32, #tpu.memory_space<vmem_shared>>
      tpu.wait_dma2 semaphore(%run_scoped3A_213 : memref<!tpu.dma_semaphore, #tpu.memory_space<semaphore_mem>>) src(%arg13 : memref<128x128xf32, #tpu.memory_space<vmem>>) dst(%dma_wait3A_220 : memref<128x128xf32, #tpu.memory_space<vmem_shared>>)
      tpu.yield
    }) : () -> ()
    %mul3A_71 = arith.constant 5 : i32
    %mul3A_72 = arith.muli %arg1, %mul3A_71 : i32
    %add3A_73 = arith.constant 3 : i32
    %add3A_74 = arith.addi %mul3A_72, %add3A_73 : i32
    %mul3A_75 = arith.constant 128 : i32
    %mul3A_76 = arith.muli %add3A_74, %mul3A_75 : i32
    "tpu.region"() ({
      %run_scoped3A_213 = tpu.sem_alloc : memref<!tpu.dma_semaphore, #tpu.memory_space<semaphore_mem>>
      %dma_start3A_214 = arith.constant 0 : i32
      %dma_start3A_215 = tpu.memref_slice %arg15[%mul3A_76, %dma_start3A_214] : memref<10240x128xf32, #tpu.memory_space<vmem_shared>> -> memref<128x128xf32, #tpu.memory_space<vmem_shared>>
      %dma_start3A_216 = arith.constant 0 : i32
      %dma_start3A_217 = tpu.memref_slice %arg15[%mul3A_76, %dma_start3A_216] : memref<10240x128xf32, #tpu.memory_space<vmem_shared>> -> memref<128x128xf32, #tpu.memory_space<vmem_shared>>
      tpu.enqueue_dma source(%arg13 : memref<128x128xf32, #tpu.memory_space<vmem>>) target(%dma_start3A_217 : memref<128x128xf32, #tpu.memory_space<vmem_shared>>) target_semaphore(%run_scoped3A_213 : memref<!tpu.dma_semaphore, #tpu.memory_space<semaphore_mem>>)
      %dma_wait3A = arith.constant 0 : i32
      %dma_wait3A_218 = tpu.memref_slice %arg15[%mul3A_76, %dma_wait3A] : memref<10240x128xf32, #tpu.memory_space<vmem_shared>> -> memref<128x128xf32, #tpu.memory_space<vmem_shared>>
      %dma_wait3A_219 = arith.constant 0 : i32
      %dma_wait3A_220 = tpu.memref_slice %arg15[%mul3A_76, %dma_wait3A_219] : memref<10240x128xf32, #tpu.memory_space<vmem_shared>> -> memref<128x128xf32, #tpu.memory_space<vmem_shared>>
      tpu.wait_dma2 semaphore(%run_scoped3A_213 : memref<!tpu.dma_semaphore, #tpu.memory_space<semaphore_mem>>) src(%arg13 : memref<128x128xf32, #tpu.memory_space<vmem>>) dst(%dma_wait3A_220 : memref<128x128xf32, #tpu.memory_space<vmem_shared>>)
      tpu.yield
    }) : () -> ()
    %mul3A_77 = arith.constant 5 : i32
    %mul3A_78 = arith.muli %arg1, %mul3A_77 : i32
    %add3A_79 = arith.constant 4 : i32
    %add3A_80 = arith.addi %mul3A_78, %add3A_79 : i32
    %mul3A_81 = arith.constant 128 : i32
    %mul3A_82 = arith.muli %add3A_80, %mul3A_81 : i32
    "tpu.region"() ({
      %run_scoped3A_213 = tpu.sem_alloc : memref<!tpu.dma_semaphore, #tpu.memory_space<semaphore_mem>>
      %dma_start3A_214 = arith.constant 0 : i32
      %dma_start3A_215 = tpu.memref_slice %arg15[%mul3A_82, %dma_start3A_214] : memref<10240x128xf32, #tpu.memory_space<vmem_shared>> -> memref<128x128xf32, #tpu.memory_space<vmem_shared>>
      %dma_start3A_216 = arith.constant 0 : i32
      %dma_start3A_217 = tpu.memref_slice %arg15[%mul3A_82, %dma_start3A_216] : memref<10240x128xf32, #tpu.memory_space<vmem_shared>> -> memref<128x128xf32, #tpu.memory_space<vmem_shared>>
      tpu.enqueue_dma source(%arg13 : memref<128x128xf32, #tpu.memory_space<vmem>>) target(%dma_start3A_217 : memref<128x128xf32, #tpu.memory_space<vmem_shared>>) target_semaphore(%run_scoped3A_213 : memref<!tpu.dma_semaphore, #tpu.memory_space<semaphore_mem>>)
      %dma_wait3A = arith.constant 0 : i32
      %dma_wait3A_218 = tpu.memref_slice %arg15[%mul3A_82, %dma_wait3A] : memref<10240x128xf32, #tpu.memory_space<vmem_shared>> -> memref<128x128xf32, #tpu.memory_space<vmem_shared>>
      %dma_wait3A_219 = arith.constant 0 : i32
      %dma_wait3A_220 = tpu.memref_slice %arg15[%mul3A_82, %dma_wait3A_219] : memref<10240x128xf32, #tpu.memory_space<vmem_shared>> -> memref<128x128xf32, #tpu.memory_space<vmem_shared>>
      tpu.wait_dma2 semaphore(%run_scoped3A_213 : memref<!tpu.dma_semaphore, #tpu.memory_space<semaphore_mem>>) src(%arg13 : memref<128x128xf32, #tpu.memory_space<vmem>>) dst(%dma_wait3A_220 : memref<128x128xf32, #tpu.memory_space<vmem_shared>>)
      tpu.yield
    }) : () -> ()
    %barrier3A_83 = arith.constant 0 : index
    tpu.barrier barrier_id(%barrier3A_83)
    %dma_start3A_84 = arith.constant 0 : i32
    %dma_start3A_85 = arith.constant 0 : i32
    %dma_start3A_86 = tpu.memref_slice %arg11[%dma_start3A_84, %dma_start3A_85] : memref<40x128xi32, #tpu.memory_space<vmem>> -> memref<1x128xi32, #tpu.memory_space<vmem>>
    %dma_start3A_87 = tpu.memref_squeeze %dma_start3A_86 : memref<1x128xi32, #tpu.memory_space<vmem>> -> memref<128xi32, #tpu.memory_space<vmem>>
    %dma_start3A_88 = arith.constant 0 : i32
    %dma_start3A_89 = arith.constant 0 : i32
    %dma_start3A_90 = tpu.memref_slice %arg8[%dma_start3A_88, %dma_start3A_89] : memref<10000x128xf32, #tpu.memory_space<hbm>> -> memref<10000x128xf32, #tpu.memory_space<hbm>>
    tpu.enqueue_indirect_dma source(%dma_start3A_90 : memref<10000x128xf32, #tpu.memory_space<hbm>>) target(%arg13 : memref<128x128xf32, #tpu.memory_space<vmem>>) offsets(%dma_start3A_87 : memref<128xi32, #tpu.memory_space<vmem>>) semaphore(%arg16 : memref<!tpu.dma_semaphore, #tpu.memory_space<semaphore_mem>>)
    %scan3A_91 = arith.constant 0 : i32
    %scan3A_92 = arith.constant 0 : i32
    %scan3A_93 = arith.constant 20 : i32
    %scan3A_94 = arith.addi %scan3A_92, %scan3A_93 : i32
    %scan3A_95 = arith.constant 1 : i32
    %scan3A_96 = scf.for %scan3A_213 = %scan3A_92 to %scan3A_94 step %scan3A_95 iter_args(%scan3A_214 = %scan3A_91) -> (i32)  : i32 {
      %mul3A_215 = arith.constant 2 : i32
      %mul3A_216 = arith.muli %scan3A_213, %mul3A_215 : i32
      %add3A_217 = arith.constant 0 : i32
      %add3A_218 = arith.addi %mul3A_216, %add3A_217 : i32
      %add3A_219 = arith.constant 1 : i32
      %add3A_220 = arith.addi %add3A_218, %add3A_219 : i32
      %lt3A = arith.constant 40 : i32
      %lt3A_221 = arith.cmpi slt, %add3A_220, %lt3A : i32
      %convert_element_type3A = arith.extui %lt3A_221 : i1 to i32
      %cond3A = arith.constant 0 : i32
      %cond3A_222 = arith.cmpi ne, %convert_element_type3A, %cond3A : i32
      scf.if %cond3A_222 {
        %add3A_246 = arith.constant 1 : i32
        %add3A_247 = arith.addi %add3A_218, %add3A_246 : i32
        %dma_start3A_248 = arith.constant 0 : i32
        %dma_start3A_249 = tpu.memref_slice %arg11[%add3A_247, %dma_start3A_248] : memref<40x128xi32, #tpu.memory_space<vmem>> -> memref<1x128xi32, #tpu.memory_space<vmem>>
        %dma_start3A_250 = tpu.memref_squeeze %dma_start3A_249 : memref<1x128xi32, #tpu.memory_space<vmem>> -> memref<128xi32, #tpu.memory_space<vmem>>
        %dma_start3A_251 = arith.constant 0 : i32
        %dma_start3A_252 = arith.constant 0 : i32
        %dma_start3A_253 = tpu.memref_slice %arg8[%dma_start3A_251, %dma_start3A_252] : memref<10000x128xf32, #tpu.memory_space<hbm>> -> memref<10000x128xf32, #tpu.memory_space<hbm>>
        tpu.enqueue_indirect_dma source(%dma_start3A_253 : memref<10000x128xf32, #tpu.memory_space<hbm>>) target(%arg14 : memref<128x128xf32, #tpu.memory_space<vmem>>) offsets(%dma_start3A_250 : memref<128xi32, #tpu.memory_space<vmem>>) semaphore(%arg17 : memref<!tpu.dma_semaphore, #tpu.memory_space<semaphore_mem>>)
      } else {
      }
      %dma_wait3A = arith.constant 0 : i32
      %dma_wait3A_223 = tpu.memref_slice %arg11[%add3A_218, %dma_wait3A] : memref<40x128xi32, #tpu.memory_space<vmem>> -> memref<1x128xi32, #tpu.memory_space<vmem>>
      %dma_wait3A_224 = tpu.memref_squeeze %dma_wait3A_223 : memref<1x128xi32, #tpu.memory_space<vmem>> -> memref<128xi32, #tpu.memory_space<vmem>>
      %dma_wait3A_225 = arith.constant 0 : i32
      %dma_wait3A_226 = arith.constant 0 : i32
      %dma_wait3A_227 = tpu.memref_slice %arg8[%dma_wait3A_225, %dma_wait3A_226] : memref<10000x128xf32, #tpu.memory_space<hbm>> -> memref<10000x128xf32, #tpu.memory_space<hbm>>
      tpu.wait_indirect_dma semaphore(%arg16 : memref<!tpu.dma_semaphore, #tpu.memory_space<semaphore_mem>>) src(%dma_wait3A_227 : memref<10000x128xf32, #tpu.memory_space<hbm>>) dst(%arg13 : memref<128x128xf32, #tpu.memory_space<vmem>>)
      "tpu.region"() ({
        %run_scoped3A_246 = tpu.sem_alloc : memref<!tpu.dma_semaphore, #tpu.memory_space<semaphore_mem>>
        %dma_start3A_247 = arith.constant 0 : i32
        %dma_start3A_248 = tpu.memref_slice %arg12[%add3A_218, %dma_start3A_247] : memref<40x128xi32, #tpu.memory_space<vmem>> -> memref<1x128xi32, #tpu.memory_space<vmem>>
        %dma_start3A_249 = tpu.memref_squeeze %dma_start3A_248 : memref<1x128xi32, #tpu.memory_space<vmem>> -> memref<128xi32, #tpu.memory_space<vmem>>
        %dma_start3A_250 = arith.constant 0 : i32
        %dma_start3A_251 = arith.constant 0 : i32
        %dma_start3A_252 = tpu.memref_slice %arg15[%dma_start3A_250, %dma_start3A_251] : memref<10240x128xf32, #tpu.memory_space<vmem_shared>> -> memref<10240x128xf32, #tpu.memory_space<vmem_shared>>
        tpu.enqueue_indirect_dma source(%arg13 : memref<128x128xf32, #tpu.memory_space<vmem>>) target(%dma_start3A_252 : memref<10240x128xf32, #tpu.memory_space<vmem_shared>>) offsets(%dma_start3A_249 : memref<128xi32, #tpu.memory_space<vmem>>) semaphore(%run_scoped3A_246 : memref<!tpu.dma_semaphore, #tpu.memory_space<semaphore_mem>>) {add = true}
        %dma_wait3A_253 = arith.constant 0 : i32
        %dma_wait3A_254 = tpu.memref_slice %arg12[%add3A_218, %dma_wait3A_253] : memref<40x128xi32, #tpu.memory_space<vmem>> -> memref<1x128xi32, #tpu.memory_space<vmem>>
        %dma_wait3A_255 = tpu.memref_squeeze %dma_wait3A_254 : memref<1x128xi32, #tpu.memory_space<vmem>> -> memref<128xi32, #tpu.memory_space<vmem>>
        %dma_wait3A_256 = arith.constant 0 : i32
        %dma_wait3A_257 = arith.constant 0 : i32
        %dma_wait3A_258 = tpu.memref_slice %arg15[%dma_wait3A_256, %dma_wait3A_257] : memref<10240x128xf32, #tpu.memory_space<vmem_shared>> -> memref<10240x128xf32, #tpu.memory_space<vmem_shared>>
        tpu.wait_indirect_dma semaphore(%run_scoped3A_246 : memref<!tpu.dma_semaphore, #tpu.memory_space<semaphore_mem>>) src(%arg13 : memref<128x128xf32, #tpu.memory_space<vmem>>) dst(%dma_wait3A_258 : memref<10240x128xf32, #tpu.memory_space<vmem_shared>>)
        tpu.yield
      }) : () -> ()
      %mul3A_228 = arith.constant 2 : i32
      %mul3A_229 = arith.muli %scan3A_213, %mul3A_228 : i32
      %add3A_230 = arith.constant 1 : i32
      %add3A_231 = arith.addi %mul3A_229, %add3A_230 : i32
      %add3A_232 = arith.constant 1 : i32
      %add3A_233 = arith.addi %add3A_231, %add3A_232 : i32
      %lt3A_234 = arith.constant 40 : i32
      %lt3A_235 = arith.cmpi slt, %add3A_233, %lt3A_234 : i32
      %convert_element_type3A_236 = arith.extui %lt3A_235 : i1 to i32
      %cond3A_237 = arith.constant 0 : i32
      %cond3A_238 = arith.cmpi ne, %convert_element_type3A_236, %cond3A_237 : i32
      scf.if %cond3A_238 {
        %add3A_246 = arith.constant 1 : i32
        %add3A_247 = arith.addi %add3A_231, %add3A_246 : i32
        %dma_start3A_248 = arith.constant 0 : i32
        %dma_start3A_249 = tpu.memref_slice %arg11[%add3A_247, %dma_start3A_248] : memref<40x128xi32, #tpu.memory_space<vmem>> -> memref<1x128xi32, #tpu.memory_space<vmem>>
        %dma_start3A_250 = tpu.memref_squeeze %dma_start3A_249 : memref<1x128xi32, #tpu.memory_space<vmem>> -> memref<128xi32, #tpu.memory_space<vmem>>
        %dma_start3A_251 = arith.constant 0 : i32
        %dma_start3A_252 = arith.constant 0 : i32
        %dma_start3A_253 = tpu.memref_slice %arg8[%dma_start3A_251, %dma_start3A_252] : memref<10000x128xf32, #tpu.memory_space<hbm>> -> memref<10000x128xf32, #tpu.memory_space<hbm>>
        tpu.enqueue_indirect_dma source(%dma_start3A_253 : memref<10000x128xf32, #tpu.memory_space<hbm>>) target(%arg13 : memref<128x128xf32, #tpu.memory_space<vmem>>) offsets(%dma_start3A_250 : memref<128xi32, #tpu.memory_space<vmem>>) semaphore(%arg16 : memref<!tpu.dma_semaphore, #tpu.memory_space<semaphore_mem>>)
      } else {
      }
      %dma_wait3A_239 = arith.constant 0 : i32
      %dma_wait3A_240 = tpu.memref_slice %arg11[%add3A_231, %dma_wait3A_239] : memref<40x128xi32, #tpu.memory_space<vmem>> -> memref<1x128xi32, #tpu.memory_space<vmem>>
      %dma_wait3A_241 = tpu.memref_squeeze %dma_wait3A_240 : memref<1x128xi32, #tpu.memory_space<vmem>> -> memref<128xi32, #tpu.memory_space<vmem>>
      %dma_wait3A_242 = arith.constant 0 : i32
      %dma_wait3A_243 = arith.constant 0 : i32
      %dma_wait3A_244 = tpu.memref_slice %arg8[%dma_wait3A_242, %dma_wait3A_243] : memref<10000x128xf32, #tpu.memory_space<hbm>> -> memref<10000x128xf32, #tpu.memory_space<hbm>>
      tpu.wait_indirect_dma semaphore(%arg17 : memref<!tpu.dma_semaphore, #tpu.memory_space<semaphore_mem>>) src(%dma_wait3A_244 : memref<10000x128xf32, #tpu.memory_space<hbm>>) dst(%arg14 : memref<128x128xf32, #tpu.memory_space<vmem>>)
      "tpu.region"() ({
        %run_scoped3A_246 = tpu.sem_alloc : memref<!tpu.dma_semaphore, #tpu.memory_space<semaphore_mem>>
        %dma_start3A_247 = arith.constant 0 : i32
        %dma_start3A_248 = tpu.memref_slice %arg12[%add3A_231, %dma_start3A_247] : memref<40x128xi32, #tpu.memory_space<vmem>> -> memref<1x128xi32, #tpu.memory_space<vmem>>
        %dma_start3A_249 = tpu.memref_squeeze %dma_start3A_248 : memref<1x128xi32, #tpu.memory_space<vmem>> -> memref<128xi32, #tpu.memory_space<vmem>>
        %dma_start3A_250 = arith.constant 0 : i32
        %dma_start3A_251 = arith.constant 0 : i32
        %dma_start3A_252 = tpu.memref_slice %arg15[%dma_start3A_250, %dma_start3A_251] : memref<10240x128xf32, #tpu.memory_space<vmem_shared>> -> memref<10240x128xf32, #tpu.memory_space<vmem_shared>>
        tpu.enqueue_indirect_dma source(%arg14 : memref<128x128xf32, #tpu.memory_space<vmem>>) target(%dma_start3A_252 : memref<10240x128xf32, #tpu.memory_space<vmem_shared>>) offsets(%dma_start3A_249 : memref<128xi32, #tpu.memory_space<vmem>>) semaphore(%run_scoped3A_246 : memref<!tpu.dma_semaphore, #tpu.memory_space<semaphore_mem>>) {add = true}
        %dma_wait3A_253 = arith.constant 0 : i32
        %dma_wait3A_254 = tpu.memref_slice %arg12[%add3A_231, %dma_wait3A_253] : memref<40x128xi32, #tpu.memory_space<vmem>> -> memref<1x128xi32, #tpu.memory_space<vmem>>
        %dma_wait3A_255 = tpu.memref_squeeze %dma_wait3A_254 : memref<1x128xi32, #tpu.memory_space<vmem>> -> memref<128xi32, #tpu.memory_space<vmem>>
        %dma_wait3A_256 = arith.constant 0 : i32
        %dma_wait3A_257 = arith.constant 0 : i32
        %dma_wait3A_258 = tpu.memref_slice %arg15[%dma_wait3A_256, %dma_wait3A_257] : memref<10240x128xf32, #tpu.memory_space<vmem_shared>> -> memref<10240x128xf32, #tpu.memory_space<vmem_shared>>
        tpu.wait_indirect_dma semaphore(%run_scoped3A_246 : memref<!tpu.dma_semaphore, #tpu.memory_space<semaphore_mem>>) src(%arg14 : memref<128x128xf32, #tpu.memory_space<vmem>>) dst(%dma_wait3A_258 : memref<10240x128xf32, #tpu.memory_space<vmem_shared>>)
        tpu.yield
      }) : () -> ()
      %scan3A_245 = arith.constant 0 : i32
      scf.yield %scan3A_245 : i32
    }
    %scan3A_97 = arith.constant 20 : i32
    %barrier3A_98 = arith.constant 0 : index
    tpu.barrier barrier_id(%barrier3A_98)
    %mul3A_99 = arith.constant 640 : i32
    %mul3A_100 = arith.muli %arg1, %mul3A_99 : i32
    %mul3A_101 = arith.constant 640 : i32
    %mul3A_102 = arith.muli %arg1, %mul3A_101 : i32
    %run_scoped3A_103 = arith.constant 1 : i32
    "tpu.region"() ({
      %run_scoped3A_213 = tpu.sem_alloc : memref<!tpu.dma_semaphore, #tpu.memory_space<semaphore_mem>>
      %dma_start3A_214 = arith.constant 0 : i32
      %dma_start3A_215 = tpu.memref_slice %arg9[%arg0, %run_scoped3A_103, %mul3A_102, %dma_start3A_214] : memref<2x2x10240x128xf32, #tpu.memory_space<hbm>> -> memref<1x1x640x128xf32, #tpu.memory_space<hbm>>
      %dma_start3A_216 = tpu.memref_squeeze %dma_start3A_215 : memref<1x1x640x128xf32, #tpu.memory_space<hbm>> -> memref<640x128xf32, #tpu.memory_space<hbm>>
      %dma_start3A_217 = arith.constant 0 : i32
      %dma_start3A_218 = tpu.memref_slice %arg15[%mul3A_100, %dma_start3A_217] : memref<10240x128xf32, #tpu.memory_space<vmem_shared>> -> memref<640x128xf32, #tpu.memory_space<vmem_shared>>
      tpu.enqueue_dma source(%dma_start3A_218 : memref<640x128xf32, #tpu.memory_space<vmem_shared>>) target(%dma_start3A_216 : memref<640x128xf32, #tpu.memory_space<hbm>>) target_semaphore(%run_scoped3A_213 : memref<!tpu.dma_semaphore, #tpu.memory_space<semaphore_mem>>)
      %dma_wait3A = arith.constant 0 : i32
      %dma_wait3A_219 = tpu.memref_slice %arg9[%arg0, %run_scoped3A_103, %mul3A_102, %dma_wait3A] : memref<2x2x10240x128xf32, #tpu.memory_space<hbm>> -> memref<1x1x640x128xf32, #tpu.memory_space<hbm>>
      %dma_wait3A_220 = tpu.memref_squeeze %dma_wait3A_219 : memref<1x1x640x128xf32, #tpu.memory_space<hbm>> -> memref<640x128xf32, #tpu.memory_space<hbm>>
      %dma_wait3A_221 = arith.constant 0 : i32
      %dma_wait3A_222 = tpu.memref_slice %arg15[%mul3A_100, %dma_wait3A_221] : memref<10240x128xf32, #tpu.memory_space<vmem_shared>> -> memref<640x128xf32, #tpu.memory_space<vmem_shared>>
      tpu.wait_dma2 semaphore(%run_scoped3A_213 : memref<!tpu.dma_semaphore, #tpu.memory_space<semaphore_mem>>) src(%dma_wait3A_222 : memref<640x128xf32, #tpu.memory_space<vmem_shared>>) dst(%dma_wait3A_220 : memref<640x128xf32, #tpu.memory_space<hbm>>)
      tpu.yield
    }) : () -> ()
    %barrier3A_104 = arith.constant 0 : index
    tpu.barrier barrier_id(%barrier3A_104)
    %mul3A_105 = arith.constant 40 : i32
    %mul3A_106 = arith.muli %add3A, %mul3A_105 : i32
    "tpu.region"() ({
      %run_scoped3A_213 = tpu.sem_alloc : memref<!tpu.dma_semaphore, #tpu.memory_space<semaphore_mem>>
      %dma_start3A_214 = arith.constant 0 : i32
      %dma_start3A_215 = tpu.memref_slice %arg4[%mul3A_106, %dma_start3A_214] : memref<1280x128xi32, #tpu.memory_space<hbm>> -> memref<40x128xi32, #tpu.memory_space<hbm>>
      %dma_start3A_216 = arith.constant 0 : i32
      %dma_start3A_217 = tpu.memref_slice %arg4[%mul3A_106, %dma_start3A_216] : memref<1280x128xi32, #tpu.memory_space<hbm>> -> memref<40x128xi32, #tpu.memory_space<hbm>>
      tpu.enqueue_dma source(%dma_start3A_217 : memref<40x128xi32, #tpu.memory_space<hbm>>) target(%arg11 : memref<40x128xi32, #tpu.memory_space<vmem>>) target_semaphore(%run_scoped3A_213 : memref<!tpu.dma_semaphore, #tpu.memory_space<semaphore_mem>>)
      %dma_wait3A = arith.constant 0 : i32
      %dma_wait3A_218 = tpu.memref_slice %arg4[%mul3A_106, %dma_wait3A] : memref<1280x128xi32, #tpu.memory_space<hbm>> -> memref<40x128xi32, #tpu.memory_space<hbm>>
      %dma_wait3A_219 = arith.constant 0 : i32
      %dma_wait3A_220 = tpu.memref_slice %arg4[%mul3A_106, %dma_wait3A_219] : memref<1280x128xi32, #tpu.memory_space<hbm>> -> memref<40x128xi32, #tpu.memory_space<hbm>>
      tpu.wait_dma2 semaphore(%run_scoped3A_213 : memref<!tpu.dma_semaphore, #tpu.memory_space<semaphore_mem>>) src(%dma_wait3A_220 : memref<40x128xi32, #tpu.memory_space<hbm>>) dst(%arg11 : memref<40x128xi32, #tpu.memory_space<vmem>>)
      tpu.yield
    }) : () -> ()
    %mul3A_107 = arith.constant 40 : i32
    %mul3A_108 = arith.muli %add3A, %mul3A_107 : i32
    "tpu.region"() ({
      %run_scoped3A_213 = tpu.sem_alloc : memref<!tpu.dma_semaphore, #tpu.memory_space<semaphore_mem>>
      %dma_start3A_214 = arith.constant 0 : i32
      %dma_start3A_215 = tpu.memref_slice %arg5[%mul3A_108, %dma_start3A_214] : memref<1280x128xi32, #tpu.memory_space<hbm>> -> memref<40x128xi32, #tpu.memory_space<hbm>>
      %dma_start3A_216 = arith.constant 0 : i32
      %dma_start3A_217 = tpu.memref_slice %arg5[%mul3A_108, %dma_start3A_216] : memref<1280x128xi32, #tpu.memory_space<hbm>> -> memref<40x128xi32, #tpu.memory_space<hbm>>
      tpu.enqueue_dma source(%dma_start3A_217 : memref<40x128xi32, #tpu.memory_space<hbm>>) target(%arg12 : memref<40x128xi32, #tpu.memory_space<vmem>>) target_semaphore(%run_scoped3A_213 : memref<!tpu.dma_semaphore, #tpu.memory_space<semaphore_mem>>)
      %dma_wait3A = arith.constant 0 : i32
      %dma_wait3A_218 = tpu.memref_slice %arg5[%mul3A_108, %dma_wait3A] : memref<1280x128xi32, #tpu.memory_space<hbm>> -> memref<40x128xi32, #tpu.memory_space<hbm>>
      %dma_wait3A_219 = arith.constant 0 : i32
      %dma_wait3A_220 = tpu.memref_slice %arg5[%mul3A_108, %dma_wait3A_219] : memref<1280x128xi32, #tpu.memory_space<hbm>> -> memref<40x128xi32, #tpu.memory_space<hbm>>
      tpu.wait_dma2 semaphore(%run_scoped3A_213 : memref<!tpu.dma_semaphore, #tpu.memory_space<semaphore_mem>>) src(%dma_wait3A_220 : memref<40x128xi32, #tpu.memory_space<hbm>>) dst(%arg12 : memref<40x128xi32, #tpu.memory_space<vmem>>)
      tpu.yield
    }) : () -> ()
    "tpu.region"() ({
      %run_scoped3A_213 = tpu.sem_alloc : memref<!tpu.dma_semaphore, #tpu.memory_space<semaphore_mem>>
      tpu.enqueue_dma source(%arg6 : memref<128x128xf32, #tpu.memory_space<hbm>>) target(%arg13 : memref<128x128xf32, #tpu.memory_space<vmem>>) target_semaphore(%run_scoped3A_213 : memref<!tpu.dma_semaphore, #tpu.memory_space<semaphore_mem>>)
      tpu.wait_dma2 semaphore(%run_scoped3A_213 : memref<!tpu.dma_semaphore, #tpu.memory_space<semaphore_mem>>) src(%arg6 : memref<128x128xf32, #tpu.memory_space<hbm>>) dst(%arg13 : memref<128x128xf32, #tpu.memory_space<vmem>>)
      tpu.yield
    }) : () -> ()
    %mul3A_109 = arith.constant 5 : i32
    %mul3A_110 = arith.muli %arg1, %mul3A_109 : i32
    %add3A_111 = arith.constant 0 : i32
    %add3A_112 = arith.addi %mul3A_110, %add3A_111 : i32
    %mul3A_113 = arith.constant 128 : i32
    %mul3A_114 = arith.muli %add3A_112, %mul3A_113 : i32
    "tpu.region"() ({
      %run_scoped3A_213 = tpu.sem_alloc : memref<!tpu.dma_semaphore, #tpu.memory_space<semaphore_mem>>
      %dma_start3A_214 = arith.constant 0 : i32
      %dma_start3A_215 = tpu.memref_slice %arg15[%mul3A_114, %dma_start3A_214] : memref<10240x128xf32, #tpu.memory_space<vmem_shared>> -> memref<128x128xf32, #tpu.memory_space<vmem_shared>>
      %dma_start3A_216 = arith.constant 0 : i32
      %dma_start3A_217 = tpu.memref_slice %arg15[%mul3A_114, %dma_start3A_216] : memref<10240x128xf32, #tpu.memory_space<vmem_shared>> -> memref<128x128xf32, #tpu.memory_space<vmem_shared>>
      tpu.enqueue_dma source(%arg13 : memref<128x128xf32, #tpu.memory_space<vmem>>) target(%dma_start3A_217 : memref<128x128xf32, #tpu.memory_space<vmem_shared>>) target_semaphore(%run_scoped3A_213 : memref<!tpu.dma_semaphore, #tpu.memory_space<semaphore_mem>>)
      %dma_wait3A = arith.constant 0 : i32
      %dma_wait3A_218 = tpu.memref_slice %arg15[%mul3A_114, %dma_wait3A] : memref<10240x128xf32, #tpu.memory_space<vmem_shared>> -> memref<128x128xf32, #tpu.memory_space<vmem_shared>>
      %dma_wait3A_219 = arith.constant 0 : i32
      %dma_wait3A_220 = tpu.memref_slice %arg15[%mul3A_114, %dma_wait3A_219] : memref<10240x128xf32, #tpu.memory_space<vmem_shared>> -> memref<128x128xf32, #tpu.memory_space<vmem_shared>>
      tpu.wait_dma2 semaphore(%run_scoped3A_213 : memref<!tpu.dma_semaphore, #tpu.memory_space<semaphore_mem>>) src(%arg13 : memref<128x128xf32, #tpu.memory_space<vmem>>) dst(%dma_wait3A_220 : memref<128x128xf32, #tpu.memory_space<vmem_shared>>)
      tpu.yield
    }) : () -> ()
    %mul3A_115 = arith.constant 5 : i32
    %mul3A_116 = arith.muli %arg1, %mul3A_115 : i32
    %add3A_117 = arith.constant 1 : i32
    %add3A_118 = arith.addi %mul3A_116, %add3A_117 : i32
    %mul3A_119 = arith.constant 128 : i32
    %mul3A_120 = arith.muli %add3A_118, %mul3A_119 : i32
    "tpu.region"() ({
      %run_scoped3A_213 = tpu.sem_alloc : memref<!tpu.dma_semaphore, #tpu.memory_space<semaphore_mem>>
      %dma_start3A_214 = arith.constant 0 : i32
      %dma_start3A_215 = tpu.memref_slice %arg15[%mul3A_120, %dma_start3A_214] : memref<10240x128xf32, #tpu.memory_space<vmem_shared>> -> memref<128x128xf32, #tpu.memory_space<vmem_shared>>
      %dma_start3A_216 = arith.constant 0 : i32
      %dma_start3A_217 = tpu.memref_slice %arg15[%mul3A_120, %dma_start3A_216] : memref<10240x128xf32, #tpu.memory_space<vmem_shared>> -> memref<128x128xf32, #tpu.memory_space<vmem_shared>>
      tpu.enqueue_dma source(%arg13 : memref<128x128xf32, #tpu.memory_space<vmem>>) target(%dma_start3A_217 : memref<128x128xf32, #tpu.memory_space<vmem_shared>>) target_semaphore(%run_scoped3A_213 : memref<!tpu.dma_semaphore, #tpu.memory_space<semaphore_mem>>)
      %dma_wait3A = arith.constant 0 : i32
      %dma_wait3A_218 = tpu.memref_slice %arg15[%mul3A_120, %dma_wait3A] : memref<10240x128xf32, #tpu.memory_space<vmem_shared>> -> memref<128x128xf32, #tpu.memory_space<vmem_shared>>
      %dma_wait3A_219 = arith.constant 0 : i32
      %dma_wait3A_220 = tpu.memref_slice %arg15[%mul3A_120, %dma_wait3A_219] : memref<10240x128xf32, #tpu.memory_space<vmem_shared>> -> memref<128x128xf32, #tpu.memory_space<vmem_shared>>
      tpu.wait_dma2 semaphore(%run_scoped3A_213 : memref<!tpu.dma_semaphore, #tpu.memory_space<semaphore_mem>>) src(%arg13 : memref<128x128xf32, #tpu.memory_space<vmem>>) dst(%dma_wait3A_220 : memref<128x128xf32, #tpu.memory_space<vmem_shared>>)
      tpu.yield
    }) : () -> ()
    %mul3A_121 = arith.constant 5 : i32
    %mul3A_122 = arith.muli %arg1, %mul3A_121 : i32
    %add3A_123 = arith.constant 2 : i32
    %add3A_124 = arith.addi %mul3A_122, %add3A_123 : i32
    %mul3A_125 = arith.constant 128 : i32
    %mul3A_126 = arith.muli %add3A_124, %mul3A_125 : i32
    "tpu.region"() ({
      %run_scoped3A_213 = tpu.sem_alloc : memref<!tpu.dma_semaphore, #tpu.memory_space<semaphore_mem>>
      %dma_start3A_214 = arith.constant 0 : i32
      %dma_start3A_215 = tpu.memref_slice %arg15[%mul3A_126, %dma_start3A_214] : memref<10240x128xf32, #tpu.memory_space<vmem_shared>> -> memref<128x128xf32, #tpu.memory_space<vmem_shared>>
      %dma_start3A_216 = arith.constant 0 : i32
      %dma_start3A_217 = tpu.memref_slice %arg15[%mul3A_126, %dma_start3A_216] : memref<10240x128xf32, #tpu.memory_space<vmem_shared>> -> memref<128x128xf32, #tpu.memory_space<vmem_shared>>
      tpu.enqueue_dma source(%arg13 : memref<128x128xf32, #tpu.memory_space<vmem>>) target(%dma_start3A_217 : memref<128x128xf32, #tpu.memory_space<vmem_shared>>) target_semaphore(%run_scoped3A_213 : memref<!tpu.dma_semaphore, #tpu.memory_space<semaphore_mem>>)
      %dma_wait3A = arith.constant 0 : i32
      %dma_wait3A_218 = tpu.memref_slice %arg15[%mul3A_126, %dma_wait3A] : memref<10240x128xf32, #tpu.memory_space<vmem_shared>> -> memref<128x128xf32, #tpu.memory_space<vmem_shared>>
      %dma_wait3A_219 = arith.constant 0 : i32
      %dma_wait3A_220 = tpu.memref_slice %arg15[%mul3A_126, %dma_wait3A_219] : memref<10240x128xf32, #tpu.memory_space<vmem_shared>> -> memref<128x128xf32, #tpu.memory_space<vmem_shared>>
      tpu.wait_dma2 semaphore(%run_scoped3A_213 : memref<!tpu.dma_semaphore, #tpu.memory_space<semaphore_mem>>) src(%arg13 : memref<128x128xf32, #tpu.memory_space<vmem>>) dst(%dma_wait3A_220 : memref<128x128xf32, #tpu.memory_space<vmem_shared>>)
      tpu.yield
    }) : () -> ()
    %mul3A_127 = arith.constant 5 : i32
    %mul3A_128 = arith.muli %arg1, %mul3A_127 : i32
    %add3A_129 = arith.constant 3 : i32
    %add3A_130 = arith.addi %mul3A_128, %add3A_129 : i32
    %mul3A_131 = arith.constant 128 : i32
    %mul3A_132 = arith.muli %add3A_130, %mul3A_131 : i32
    "tpu.region"() ({
      %run_scoped3A_213 = tpu.sem_alloc : memref<!tpu.dma_semaphore, #tpu.memory_space<semaphore_mem>>
      %dma_start3A_214 = arith.constant 0 : i32
      %dma_start3A_215 = tpu.memref_slice %arg15[%mul3A_132, %dma_start3A_214] : memref<10240x128xf32, #tpu.memory_space<vmem_shared>> -> memref<128x128xf32, #tpu.memory_space<vmem_shared>>
      %dma_start3A_216 = arith.constant 0 : i32
      %dma_start3A_217 = tpu.memref_slice %arg15[%mul3A_132, %dma_start3A_216] : memref<10240x128xf32, #tpu.memory_space<vmem_shared>> -> memref<128x128xf32, #tpu.memory_space<vmem_shared>>
      tpu.enqueue_dma source(%arg13 : memref<128x128xf32, #tpu.memory_space<vmem>>) target(%dma_start3A_217 : memref<128x128xf32, #tpu.memory_space<vmem_shared>>) target_semaphore(%run_scoped3A_213 : memref<!tpu.dma_semaphore, #tpu.memory_space<semaphore_mem>>)
      %dma_wait3A = arith.constant 0 : i32
      %dma_wait3A_218 = tpu.memref_slice %arg15[%mul3A_132, %dma_wait3A] : memref<10240x128xf32, #tpu.memory_space<vmem_shared>> -> memref<128x128xf32, #tpu.memory_space<vmem_shared>>
      %dma_wait3A_219 = arith.constant 0 : i32
      %dma_wait3A_220 = tpu.memref_slice %arg15[%mul3A_132, %dma_wait3A_219] : memref<10240x128xf32, #tpu.memory_space<vmem_shared>> -> memref<128x128xf32, #tpu.memory_space<vmem_shared>>
      tpu.wait_dma2 semaphore(%run_scoped3A_213 : memref<!tpu.dma_semaphore, #tpu.memory_space<semaphore_mem>>) src(%arg13 : memref<128x128xf32, #tpu.memory_space<vmem>>) dst(%dma_wait3A_220 : memref<128x128xf32, #tpu.memory_space<vmem_shared>>)
      tpu.yield
    }) : () -> ()
    %mul3A_133 = arith.constant 5 : i32
    %mul3A_134 = arith.muli %arg1, %mul3A_133 : i32
    %add3A_135 = arith.constant 4 : i32
    %add3A_136 = arith.addi %mul3A_134, %add3A_135 : i32
    %mul3A_137 = arith.constant 128 : i32
    %mul3A_138 = arith.muli %add3A_136, %mul3A_137 : i32
    "tpu.region"() ({
      %run_scoped3A_213 = tpu.sem_alloc : memref<!tpu.dma_semaphore, #tpu.memory_space<semaphore_mem>>
      %dma_start3A_214 = arith.constant 0 : i32
      %dma_start3A_215 = tpu.memref_slice %arg15[%mul3A_138, %dma_start3A_214] : memref<10240x128xf32, #tpu.memory_space<vmem_shared>> -> memref<128x128xf32, #tpu.memory_space<vmem_shared>>
      %dma_start3A_216 = arith.constant 0 : i32
      %dma_start3A_217 = tpu.memref_slice %arg15[%mul3A_138, %dma_start3A_216] : memref<10240x128xf32, #tpu.memory_space<vmem_shared>> -> memref<128x128xf32, #tpu.memory_space<vmem_shared>>
      tpu.enqueue_dma source(%arg13 : memref<128x128xf32, #tpu.memory_space<vmem>>) target(%dma_start3A_217 : memref<128x128xf32, #tpu.memory_space<vmem_shared>>) target_semaphore(%run_scoped3A_213 : memref<!tpu.dma_semaphore, #tpu.memory_space<semaphore_mem>>)
      %dma_wait3A = arith.constant 0 : i32
      %dma_wait3A_218 = tpu.memref_slice %arg15[%mul3A_138, %dma_wait3A] : memref<10240x128xf32, #tpu.memory_space<vmem_shared>> -> memref<128x128xf32, #tpu.memory_space<vmem_shared>>
      %dma_wait3A_219 = arith.constant 0 : i32
      %dma_wait3A_220 = tpu.memref_slice %arg15[%mul3A_138, %dma_wait3A_219] : memref<10240x128xf32, #tpu.memory_space<vmem_shared>> -> memref<128x128xf32, #tpu.memory_space<vmem_shared>>
      tpu.wait_dma2 semaphore(%run_scoped3A_213 : memref<!tpu.dma_semaphore, #tpu.memory_space<semaphore_mem>>) src(%arg13 : memref<128x128xf32, #tpu.memory_space<vmem>>) dst(%dma_wait3A_220 : memref<128x128xf32, #tpu.memory_space<vmem_shared>>)
      tpu.yield
    }) : () -> ()
    %barrier3A_139 = arith.constant 0 : index
    tpu.barrier barrier_id(%barrier3A_139)
    %dma_start3A_140 = arith.constant 0 : i32
    %dma_start3A_141 = arith.constant 0 : i32
    %dma_start3A_142 = tpu.memref_slice %arg11[%dma_start3A_140, %dma_start3A_141] : memref<40x128xi32, #tpu.memory_space<vmem>> -> memref<1x128xi32, #tpu.memory_space<vmem>>
    %dma_start3A_143 = tpu.memref_squeeze %dma_start3A_142 : memref<1x128xi32, #tpu.memory_space<vmem>> -> memref<128xi32, #tpu.memory_space<vmem>>
    %dma_start3A_144 = arith.constant 0 : i32
    %dma_start3A_145 = arith.constant 0 : i32
    %dma_start3A_146 = tpu.memref_slice %arg7[%dma_start3A_144, %dma_start3A_145] : memref<10000x128xf32, #tpu.memory_space<hbm>> -> memref<10000x128xf32, #tpu.memory_space<hbm>>
    tpu.enqueue_indirect_dma source(%dma_start3A_146 : memref<10000x128xf32, #tpu.memory_space<hbm>>) target(%arg13 : memref<128x128xf32, #tpu.memory_space<vmem>>) offsets(%dma_start3A_143 : memref<128xi32, #tpu.memory_space<vmem>>) semaphore(%arg16 : memref<!tpu.dma_semaphore, #tpu.memory_space<semaphore_mem>>)
    %scan3A_147 = arith.constant 0 : i32
    %scan3A_148 = arith.constant 0 : i32
    %scan3A_149 = arith.constant 20 : i32
    %scan3A_150 = arith.addi %scan3A_148, %scan3A_149 : i32
    %scan3A_151 = arith.constant 1 : i32
    %scan3A_152 = scf.for %scan3A_213 = %scan3A_148 to %scan3A_150 step %scan3A_151 iter_args(%scan3A_214 = %scan3A_147) -> (i32)  : i32 {
      %mul3A_215 = arith.constant 2 : i32
      %mul3A_216 = arith.muli %scan3A_213, %mul3A_215 : i32
      %add3A_217 = arith.constant 0 : i32
      %add3A_218 = arith.addi %mul3A_216, %add3A_217 : i32
      %add3A_219 = arith.constant 1 : i32
      %add3A_220 = arith.addi %add3A_218, %add3A_219 : i32
      %lt3A = arith.constant 40 : i32
      %lt3A_221 = arith.cmpi slt, %add3A_220, %lt3A : i32
      %convert_element_type3A = arith.extui %lt3A_221 : i1 to i32
      %cond3A = arith.constant 0 : i32
      %cond3A_222 = arith.cmpi ne, %convert_element_type3A, %cond3A : i32
      scf.if %cond3A_222 {
        %add3A_246 = arith.constant 1 : i32
        %add3A_247 = arith.addi %add3A_218, %add3A_246 : i32
        %dma_start3A_248 = arith.constant 0 : i32
        %dma_start3A_249 = tpu.memref_slice %arg11[%add3A_247, %dma_start3A_248] : memref<40x128xi32, #tpu.memory_space<vmem>> -> memref<1x128xi32, #tpu.memory_space<vmem>>
        %dma_start3A_250 = tpu.memref_squeeze %dma_start3A_249 : memref<1x128xi32, #tpu.memory_space<vmem>> -> memref<128xi32, #tpu.memory_space<vmem>>
        %dma_start3A_251 = arith.constant 0 : i32
        %dma_start3A_252 = arith.constant 0 : i32
        %dma_start3A_253 = tpu.memref_slice %arg7[%dma_start3A_251, %dma_start3A_252] : memref<10000x128xf32, #tpu.memory_space<hbm>> -> memref<10000x128xf32, #tpu.memory_space<hbm>>
        tpu.enqueue_indirect_dma source(%dma_start3A_253 : memref<10000x128xf32, #tpu.memory_space<hbm>>) target(%arg14 : memref<128x128xf32, #tpu.memory_space<vmem>>) offsets(%dma_start3A_250 : memref<128xi32, #tpu.memory_space<vmem>>) semaphore(%arg17 : memref<!tpu.dma_semaphore, #tpu.memory_space<semaphore_mem>>)
      } else {
      }
      %dma_wait3A = arith.constant 0 : i32
      %dma_wait3A_223 = tpu.memref_slice %arg11[%add3A_218, %dma_wait3A] : memref<40x128xi32, #tpu.memory_space<vmem>> -> memref<1x128xi32, #tpu.memory_space<vmem>>
      %dma_wait3A_224 = tpu.memref_squeeze %dma_wait3A_223 : memref<1x128xi32, #tpu.memory_space<vmem>> -> memref<128xi32, #tpu.memory_space<vmem>>
      %dma_wait3A_225 = arith.constant 0 : i32
      %dma_wait3A_226 = arith.constant 0 : i32
      %dma_wait3A_227 = tpu.memref_slice %arg7[%dma_wait3A_225, %dma_wait3A_226] : memref<10000x128xf32, #tpu.memory_space<hbm>> -> memref<10000x128xf32, #tpu.memory_space<hbm>>
      tpu.wait_indirect_dma semaphore(%arg16 : memref<!tpu.dma_semaphore, #tpu.memory_space<semaphore_mem>>) src(%dma_wait3A_227 : memref<10000x128xf32, #tpu.memory_space<hbm>>) dst(%arg13 : memref<128x128xf32, #tpu.memory_space<vmem>>)
      "tpu.region"() ({
        %run_scoped3A_246 = tpu.sem_alloc : memref<!tpu.dma_semaphore, #tpu.memory_space<semaphore_mem>>
        %dma_start3A_247 = arith.constant 0 : i32
        %dma_start3A_248 = tpu.memref_slice %arg12[%add3A_218, %dma_start3A_247] : memref<40x128xi32, #tpu.memory_space<vmem>> -> memref<1x128xi32, #tpu.memory_space<vmem>>
        %dma_start3A_249 = tpu.memref_squeeze %dma_start3A_248 : memref<1x128xi32, #tpu.memory_space<vmem>> -> memref<128xi32, #tpu.memory_space<vmem>>
        %dma_start3A_250 = arith.constant 0 : i32
        %dma_start3A_251 = arith.constant 0 : i32
        %dma_start3A_252 = tpu.memref_slice %arg15[%dma_start3A_250, %dma_start3A_251] : memref<10240x128xf32, #tpu.memory_space<vmem_shared>> -> memref<10240x128xf32, #tpu.memory_space<vmem_shared>>
        tpu.enqueue_indirect_dma source(%arg13 : memref<128x128xf32, #tpu.memory_space<vmem>>) target(%dma_start3A_252 : memref<10240x128xf32, #tpu.memory_space<vmem_shared>>) offsets(%dma_start3A_249 : memref<128xi32, #tpu.memory_space<vmem>>) semaphore(%run_scoped3A_246 : memref<!tpu.dma_semaphore, #tpu.memory_space<semaphore_mem>>) {add = true}
        %dma_wait3A_253 = arith.constant 0 : i32
        %dma_wait3A_254 = tpu.memref_slice %arg12[%add3A_218, %dma_wait3A_253] : memref<40x128xi32, #tpu.memory_space<vmem>> -> memref<1x128xi32, #tpu.memory_space<vmem>>
        %dma_wait3A_255 = tpu.memref_squeeze %dma_wait3A_254 : memref<1x128xi32, #tpu.memory_space<vmem>> -> memref<128xi32, #tpu.memory_space<vmem>>
        %dma_wait3A_256 = arith.constant 0 : i32
        %dma_wait3A_257 = arith.constant 0 : i32
        %dma_wait3A_258 = tpu.memref_slice %arg15[%dma_wait3A_256, %dma_wait3A_257] : memref<10240x128xf32, #tpu.memory_space<vmem_shared>> -> memref<10240x128xf32, #tpu.memory_space<vmem_shared>>
        tpu.wait_indirect_dma semaphore(%run_scoped3A_246 : memref<!tpu.dma_semaphore, #tpu.memory_space<semaphore_mem>>) src(%arg13 : memref<128x128xf32, #tpu.memory_space<vmem>>) dst(%dma_wait3A_258 : memref<10240x128xf32, #tpu.memory_space<vmem_shared>>)
        tpu.yield
      }) : () -> ()
      %mul3A_228 = arith.constant 2 : i32
      %mul3A_229 = arith.muli %scan3A_213, %mul3A_228 : i32
      %add3A_230 = arith.constant 1 : i32
      %add3A_231 = arith.addi %mul3A_229, %add3A_230 : i32
      %add3A_232 = arith.constant 1 : i32
      %add3A_233 = arith.addi %add3A_231, %add3A_232 : i32
      %lt3A_234 = arith.constant 40 : i32
      %lt3A_235 = arith.cmpi slt, %add3A_233, %lt3A_234 : i32
      %convert_element_type3A_236 = arith.extui %lt3A_235 : i1 to i32
      %cond3A_237 = arith.constant 0 : i32
      %cond3A_238 = arith.cmpi ne, %convert_element_type3A_236, %cond3A_237 : i32
      scf.if %cond3A_238 {
        %add3A_246 = arith.constant 1 : i32
        %add3A_247 = arith.addi %add3A_231, %add3A_246 : i32
        %dma_start3A_248 = arith.constant 0 : i32
        %dma_start3A_249 = tpu.memref_slice %arg11[%add3A_247, %dma_start3A_248] : memref<40x128xi32, #tpu.memory_space<vmem>> -> memref<1x128xi32, #tpu.memory_space<vmem>>
        %dma_start3A_250 = tpu.memref_squeeze %dma_start3A_249 : memref<1x128xi32, #tpu.memory_space<vmem>> -> memref<128xi32, #tpu.memory_space<vmem>>
        %dma_start3A_251 = arith.constant 0 : i32
        %dma_start3A_252 = arith.constant 0 : i32
        %dma_start3A_253 = tpu.memref_slice %arg7[%dma_start3A_251, %dma_start3A_252] : memref<10000x128xf32, #tpu.memory_space<hbm>> -> memref<10000x128xf32, #tpu.memory_space<hbm>>
        tpu.enqueue_indirect_dma source(%dma_start3A_253 : memref<10000x128xf32, #tpu.memory_space<hbm>>) target(%arg13 : memref<128x128xf32, #tpu.memory_space<vmem>>) offsets(%dma_start3A_250 : memref<128xi32, #tpu.memory_space<vmem>>) semaphore(%arg16 : memref<!tpu.dma_semaphore, #tpu.memory_space<semaphore_mem>>)
      } else {
      }
      %dma_wait3A_239 = arith.constant 0 : i32
      %dma_wait3A_240 = tpu.memref_slice %arg11[%add3A_231, %dma_wait3A_239] : memref<40x128xi32, #tpu.memory_space<vmem>> -> memref<1x128xi32, #tpu.memory_space<vmem>>
      %dma_wait3A_241 = tpu.memref_squeeze %dma_wait3A_240 : memref<1x128xi32, #tpu.memory_space<vmem>> -> memref<128xi32, #tpu.memory_space<vmem>>
      %dma_wait3A_242 = arith.constant 0 : i32
      %dma_wait3A_243 = arith.constant 0 : i32
      %dma_wait3A_244 = tpu.memref_slice %arg7[%dma_wait3A_242, %dma_wait3A_243] : memref<10000x128xf32, #tpu.memory_space<hbm>> -> memref<10000x128xf32, #tpu.memory_space<hbm>>
      tpu.wait_indirect_dma semaphore(%arg17 : memref<!tpu.dma_semaphore, #tpu.memory_space<semaphore_mem>>) src(%dma_wait3A_244 : memref<10000x128xf32, #tpu.memory_space<hbm>>) dst(%arg14 : memref<128x128xf32, #tpu.memory_space<vmem>>)
      "tpu.region"() ({
        %run_scoped3A_246 = tpu.sem_alloc : memref<!tpu.dma_semaphore, #tpu.memory_space<semaphore_mem>>
        %dma_start3A_247 = arith.constant 0 : i32
        %dma_start3A_248 = tpu.memref_slice %arg12[%add3A_231, %dma_start3A_247] : memref<40x128xi32, #tpu.memory_space<vmem>> -> memref<1x128xi32, #tpu.memory_space<vmem>>
        %dma_start3A_249 = tpu.memref_squeeze %dma_start3A_248 : memref<1x128xi32, #tpu.memory_space<vmem>> -> memref<128xi32, #tpu.memory_space<vmem>>
        %dma_start3A_250 = arith.constant 0 : i32
        %dma_start3A_251 = arith.constant 0 : i32
        %dma_start3A_252 = tpu.memref_slice %arg15[%dma_start3A_250, %dma_start3A_251] : memref<10240x128xf32, #tpu.memory_space<vmem_shared>> -> memref<10240x128xf32, #tpu.memory_space<vmem_shared>>
        tpu.enqueue_indirect_dma source(%arg14 : memref<128x128xf32, #tpu.memory_space<vmem>>) target(%dma_start3A_252 : memref<10240x128xf32, #tpu.memory_space<vmem_shared>>) offsets(%dma_start3A_249 : memref<128xi32, #tpu.memory_space<vmem>>) semaphore(%run_scoped3A_246 : memref<!tpu.dma_semaphore, #tpu.memory_space<semaphore_mem>>) {add = true}
        %dma_wait3A_253 = arith.constant 0 : i32
        %dma_wait3A_254 = tpu.memref_slice %arg12[%add3A_231, %dma_wait3A_253] : memref<40x128xi32, #tpu.memory_space<vmem>> -> memref<1x128xi32, #tpu.memory_space<vmem>>
        %dma_wait3A_255 = tpu.memref_squeeze %dma_wait3A_254 : memref<1x128xi32, #tpu.memory_space<vmem>> -> memref<128xi32, #tpu.memory_space<vmem>>
        %dma_wait3A_256 = arith.constant 0 : i32
        %dma_wait3A_257 = arith.constant 0 : i32
        %dma_wait3A_258 = tpu.memref_slice %arg15[%dma_wait3A_256, %dma_wait3A_257] : memref<10240x128xf32, #tpu.memory_space<vmem_shared>> -> memref<10240x128xf32, #tpu.memory_space<vmem_shared>>
        tpu.wait_indirect_dma semaphore(%run_scoped3A_246 : memref<!tpu.dma_semaphore, #tpu.memory_space<semaphore_mem>>) src(%arg14 : memref<128x128xf32, #tpu.memory_space<vmem>>) dst(%dma_wait3A_258 : memref<10240x128xf32, #tpu.memory_space<vmem_shared>>)
        tpu.yield
      }) : () -> ()
      %scan3A_245 = arith.constant 0 : i32
      scf.yield %scan3A_245 : i32
    }
    %scan3A_153 = arith.constant 20 : i32
    %barrier3A_154 = arith.constant 0 : index
    tpu.barrier barrier_id(%barrier3A_154)
    %mul3A_155 = arith.constant 640 : i32
    %mul3A_156 = arith.muli %arg1, %mul3A_155 : i32
    %mul3A_157 = arith.constant 640 : i32
    %mul3A_158 = arith.muli %arg1, %mul3A_157 : i32
    %run_scoped3A_159 = arith.constant 0 : i32
    "tpu.region"() ({
      %run_scoped3A_213 = tpu.sem_alloc : memref<!tpu.dma_semaphore, #tpu.memory_space<semaphore_mem>>
      %dma_start3A_214 = arith.constant 0 : i32
      %dma_start3A_215 = tpu.memref_slice %arg10[%arg0, %run_scoped3A_159, %mul3A_158, %dma_start3A_214] : memref<2x2x10240x128xf32, #tpu.memory_space<hbm>> -> memref<1x1x640x128xf32, #tpu.memory_space<hbm>>
      %dma_start3A_216 = tpu.memref_squeeze %dma_start3A_215 : memref<1x1x640x128xf32, #tpu.memory_space<hbm>> -> memref<640x128xf32, #tpu.memory_space<hbm>>
      %dma_start3A_217 = arith.constant 0 : i32
      %dma_start3A_218 = tpu.memref_slice %arg15[%mul3A_156, %dma_start3A_217] : memref<10240x128xf32, #tpu.memory_space<vmem_shared>> -> memref<640x128xf32, #tpu.memory_space<vmem_shared>>
      tpu.enqueue_dma source(%dma_start3A_218 : memref<640x128xf32, #tpu.memory_space<vmem_shared>>) target(%dma_start3A_216 : memref<640x128xf32, #tpu.memory_space<hbm>>) target_semaphore(%run_scoped3A_213 : memref<!tpu.dma_semaphore, #tpu.memory_space<semaphore_mem>>)
      %dma_wait3A = arith.constant 0 : i32
      %dma_wait3A_219 = tpu.memref_slice %arg10[%arg0, %run_scoped3A_159, %mul3A_158, %dma_wait3A] : memref<2x2x10240x128xf32, #tpu.memory_space<hbm>> -> memref<1x1x640x128xf32, #tpu.memory_space<hbm>>
      %dma_wait3A_220 = tpu.memref_squeeze %dma_wait3A_219 : memref<1x1x640x128xf32, #tpu.memory_space<hbm>> -> memref<640x128xf32, #tpu.memory_space<hbm>>
      %dma_wait3A_221 = arith.constant 0 : i32
      %dma_wait3A_222 = tpu.memref_slice %arg15[%mul3A_156, %dma_wait3A_221] : memref<10240x128xf32, #tpu.memory_space<vmem_shared>> -> memref<640x128xf32, #tpu.memory_space<vmem_shared>>
      tpu.wait_dma2 semaphore(%run_scoped3A_213 : memref<!tpu.dma_semaphore, #tpu.memory_space<semaphore_mem>>) src(%dma_wait3A_222 : memref<640x128xf32, #tpu.memory_space<vmem_shared>>) dst(%dma_wait3A_220 : memref<640x128xf32, #tpu.memory_space<hbm>>)
      tpu.yield
    }) : () -> ()
    %barrier3A_160 = arith.constant 0 : index
    tpu.barrier barrier_id(%barrier3A_160)
    "tpu.region"() ({
      %run_scoped3A_213 = tpu.sem_alloc : memref<!tpu.dma_semaphore, #tpu.memory_space<semaphore_mem>>
      tpu.enqueue_dma source(%arg6 : memref<128x128xf32, #tpu.memory_space<hbm>>) target(%arg13 : memref<128x128xf32, #tpu.memory_space<vmem>>) target_semaphore(%run_scoped3A_213 : memref<!tpu.dma_semaphore, #tpu.memory_space<semaphore_mem>>)
      tpu.wait_dma2 semaphore(%run_scoped3A_213 : memref<!tpu.dma_semaphore, #tpu.memory_space<semaphore_mem>>) src(%arg6 : memref<128x128xf32, #tpu.memory_space<hbm>>) dst(%arg13 : memref<128x128xf32, #tpu.memory_space<vmem>>)
      tpu.yield
    }) : () -> ()
    %mul3A_161 = arith.constant 5 : i32
    %mul3A_162 = arith.muli %arg1, %mul3A_161 : i32
    %add3A_163 = arith.constant 0 : i32
    %add3A_164 = arith.addi %mul3A_162, %add3A_163 : i32
    %mul3A_165 = arith.constant 128 : i32
    %mul3A_166 = arith.muli %add3A_164, %mul3A_165 : i32
    "tpu.region"() ({
      %run_scoped3A_213 = tpu.sem_alloc : memref<!tpu.dma_semaphore, #tpu.memory_space<semaphore_mem>>
      %dma_start3A_214 = arith.constant 0 : i32
      %dma_start3A_215 = tpu.memref_slice %arg15[%mul3A_166, %dma_start3A_214] : memref<10240x128xf32, #tpu.memory_space<vmem_shared>> -> memref<128x128xf32, #tpu.memory_space<vmem_shared>>
      %dma_start3A_216 = arith.constant 0 : i32
      %dma_start3A_217 = tpu.memref_slice %arg15[%mul3A_166, %dma_start3A_216] : memref<10240x128xf32, #tpu.memory_space<vmem_shared>> -> memref<128x128xf32, #tpu.memory_space<vmem_shared>>
      tpu.enqueue_dma source(%arg13 : memref<128x128xf32, #tpu.memory_space<vmem>>) target(%dma_start3A_217 : memref<128x128xf32, #tpu.memory_space<vmem_shared>>) target_semaphore(%run_scoped3A_213 : memref<!tpu.dma_semaphore, #tpu.memory_space<semaphore_mem>>)
      %dma_wait3A = arith.constant 0 : i32
      %dma_wait3A_218 = tpu.memref_slice %arg15[%mul3A_166, %dma_wait3A] : memref<10240x128xf32, #tpu.memory_space<vmem_shared>> -> memref<128x128xf32, #tpu.memory_space<vmem_shared>>
      %dma_wait3A_219 = arith.constant 0 : i32
      %dma_wait3A_220 = tpu.memref_slice %arg15[%mul3A_166, %dma_wait3A_219] : memref<10240x128xf32, #tpu.memory_space<vmem_shared>> -> memref<128x128xf32, #tpu.memory_space<vmem_shared>>
      tpu.wait_dma2 semaphore(%run_scoped3A_213 : memref<!tpu.dma_semaphore, #tpu.memory_space<semaphore_mem>>) src(%arg13 : memref<128x128xf32, #tpu.memory_space<vmem>>) dst(%dma_wait3A_220 : memref<128x128xf32, #tpu.memory_space<vmem_shared>>)
      tpu.yield
    }) : () -> ()
    %mul3A_167 = arith.constant 5 : i32
    %mul3A_168 = arith.muli %arg1, %mul3A_167 : i32
    %add3A_169 = arith.constant 1 : i32
    %add3A_170 = arith.addi %mul3A_168, %add3A_169 : i32
    %mul3A_171 = arith.constant 128 : i32
    %mul3A_172 = arith.muli %add3A_170, %mul3A_171 : i32
    "tpu.region"() ({
      %run_scoped3A_213 = tpu.sem_alloc : memref<!tpu.dma_semaphore, #tpu.memory_space<semaphore_mem>>
      %dma_start3A_214 = arith.constant 0 : i32
      %dma_start3A_215 = tpu.memref_slice %arg15[%mul3A_172, %dma_start3A_214] : memref<10240x128xf32, #tpu.memory_space<vmem_shared>> -> memref<128x128xf32, #tpu.memory_space<vmem_shared>>
      %dma_start3A_216 = arith.constant 0 : i32
      %dma_start3A_217 = tpu.memref_slice %arg15[%mul3A_172, %dma_start3A_216] : memref<10240x128xf32, #tpu.memory_space<vmem_shared>> -> memref<128x128xf32, #tpu.memory_space<vmem_shared>>
      tpu.enqueue_dma source(%arg13 : memref<128x128xf32, #tpu.memory_space<vmem>>) target(%dma_start3A_217 : memref<128x128xf32, #tpu.memory_space<vmem_shared>>) target_semaphore(%run_scoped3A_213 : memref<!tpu.dma_semaphore, #tpu.memory_space<semaphore_mem>>)
      %dma_wait3A = arith.constant 0 : i32
      %dma_wait3A_218 = tpu.memref_slice %arg15[%mul3A_172, %dma_wait3A] : memref<10240x128xf32, #tpu.memory_space<vmem_shared>> -> memref<128x128xf32, #tpu.memory_space<vmem_shared>>
      %dma_wait3A_219 = arith.constant 0 : i32
      %dma_wait3A_220 = tpu.memref_slice %arg15[%mul3A_172, %dma_wait3A_219] : memref<10240x128xf32, #tpu.memory_space<vmem_shared>> -> memref<128x128xf32, #tpu.memory_space<vmem_shared>>
      tpu.wait_dma2 semaphore(%run_scoped3A_213 : memref<!tpu.dma_semaphore, #tpu.memory_space<semaphore_mem>>) src(%arg13 : memref<128x128xf32, #tpu.memory_space<vmem>>) dst(%dma_wait3A_220 : memref<128x128xf32, #tpu.memory_space<vmem_shared>>)
      tpu.yield
    }) : () -> ()
    %mul3A_173 = arith.constant 5 : i32
    %mul3A_174 = arith.muli %arg1, %mul3A_173 : i32
    %add3A_175 = arith.constant 2 : i32
    %add3A_176 = arith.addi %mul3A_174, %add3A_175 : i32
    %mul3A_177 = arith.constant 128 : i32
    %mul3A_178 = arith.muli %add3A_176, %mul3A_177 : i32
    "tpu.region"() ({
      %run_scoped3A_213 = tpu.sem_alloc : memref<!tpu.dma_semaphore, #tpu.memory_space<semaphore_mem>>
      %dma_start3A_214 = arith.constant 0 : i32
      %dma_start3A_215 = tpu.memref_slice %arg15[%mul3A_178, %dma_start3A_214] : memref<10240x128xf32, #tpu.memory_space<vmem_shared>> -> memref<128x128xf32, #tpu.memory_space<vmem_shared>>
      %dma_start3A_216 = arith.constant 0 : i32
      %dma_start3A_217 = tpu.memref_slice %arg15[%mul3A_178, %dma_start3A_216] : memref<10240x128xf32, #tpu.memory_space<vmem_shared>> -> memref<128x128xf32, #tpu.memory_space<vmem_shared>>
      tpu.enqueue_dma source(%arg13 : memref<128x128xf32, #tpu.memory_space<vmem>>) target(%dma_start3A_217 : memref<128x128xf32, #tpu.memory_space<vmem_shared>>) target_semaphore(%run_scoped3A_213 : memref<!tpu.dma_semaphore, #tpu.memory_space<semaphore_mem>>)
      %dma_wait3A = arith.constant 0 : i32
      %dma_wait3A_218 = tpu.memref_slice %arg15[%mul3A_178, %dma_wait3A] : memref<10240x128xf32, #tpu.memory_space<vmem_shared>> -> memref<128x128xf32, #tpu.memory_space<vmem_shared>>
      %dma_wait3A_219 = arith.constant 0 : i32
      %dma_wait3A_220 = tpu.memref_slice %arg15[%mul3A_178, %dma_wait3A_219] : memref<10240x128xf32, #tpu.memory_space<vmem_shared>> -> memref<128x128xf32, #tpu.memory_space<vmem_shared>>
      tpu.wait_dma2 semaphore(%run_scoped3A_213 : memref<!tpu.dma_semaphore, #tpu.memory_space<semaphore_mem>>) src(%arg13 : memref<128x128xf32, #tpu.memory_space<vmem>>) dst(%dma_wait3A_220 : memref<128x128xf32, #tpu.memory_space<vmem_shared>>)
      tpu.yield
    }) : () -> ()
    %mul3A_179 = arith.constant 5 : i32
    %mul3A_180 = arith.muli %arg1, %mul3A_179 : i32
    %add3A_181 = arith.constant 3 : i32
    %add3A_182 = arith.addi %mul3A_180, %add3A_181 : i32
    %mul3A_183 = arith.constant 128 : i32
    %mul3A_184 = arith.muli %add3A_182, %mul3A_183 : i32
    "tpu.region"() ({
      %run_scoped3A_213 = tpu.sem_alloc : memref<!tpu.dma_semaphore, #tpu.memory_space<semaphore_mem>>
      %dma_start3A_214 = arith.constant 0 : i32
      %dma_start3A_215 = tpu.memref_slice %arg15[%mul3A_184, %dma_start3A_214] : memref<10240x128xf32, #tpu.memory_space<vmem_shared>> -> memref<128x128xf32, #tpu.memory_space<vmem_shared>>
      %dma_start3A_216 = arith.constant 0 : i32
      %dma_start3A_217 = tpu.memref_slice %arg15[%mul3A_184, %dma_start3A_216] : memref<10240x128xf32, #tpu.memory_space<vmem_shared>> -> memref<128x128xf32, #tpu.memory_space<vmem_shared>>
      tpu.enqueue_dma source(%arg13 : memref<128x128xf32, #tpu.memory_space<vmem>>) target(%dma_start3A_217 : memref<128x128xf32, #tpu.memory_space<vmem_shared>>) target_semaphore(%run_scoped3A_213 : memref<!tpu.dma_semaphore, #tpu.memory_space<semaphore_mem>>)
      %dma_wait3A = arith.constant 0 : i32
      %dma_wait3A_218 = tpu.memref_slice %arg15[%mul3A_184, %dma_wait3A] : memref<10240x128xf32, #tpu.memory_space<vmem_shared>> -> memref<128x128xf32, #tpu.memory_space<vmem_shared>>
      %dma_wait3A_219 = arith.constant 0 : i32
      %dma_wait3A_220 = tpu.memref_slice %arg15[%mul3A_184, %dma_wait3A_219] : memref<10240x128xf32, #tpu.memory_space<vmem_shared>> -> memref<128x128xf32, #tpu.memory_space<vmem_shared>>
      tpu.wait_dma2 semaphore(%run_scoped3A_213 : memref<!tpu.dma_semaphore, #tpu.memory_space<semaphore_mem>>) src(%arg13 : memref<128x128xf32, #tpu.memory_space<vmem>>) dst(%dma_wait3A_220 : memref<128x128xf32, #tpu.memory_space<vmem_shared>>)
      tpu.yield
    }) : () -> ()
    %mul3A_185 = arith.constant 5 : i32
    %mul3A_186 = arith.muli %arg1, %mul3A_185 : i32
    %add3A_187 = arith.constant 4 : i32
    %add3A_188 = arith.addi %mul3A_186, %add3A_187 : i32
    %mul3A_189 = arith.constant 128 : i32
    %mul3A_190 = arith.muli %add3A_188, %mul3A_189 : i32
    "tpu.region"() ({
      %run_scoped3A_213 = tpu.sem_alloc : memref<!tpu.dma_semaphore, #tpu.memory_space<semaphore_mem>>
      %dma_start3A_214 = arith.constant 0 : i32
      %dma_start3A_215 = tpu.memref_slice %arg15[%mul3A_190, %dma_start3A_214] : memref<10240x128xf32, #tpu.memory_space<vmem_shared>> -> memref<128x128xf32, #tpu.memory_space<vmem_shared>>
      %dma_start3A_216 = arith.constant 0 : i32
      %dma_start3A_217 = tpu.memref_slice %arg15[%mul3A_190, %dma_start3A_216] : memref<10240x128xf32, #tpu.memory_space<vmem_shared>> -> memref<128x128xf32, #tpu.memory_space<vmem_shared>>
      tpu.enqueue_dma source(%arg13 : memref<128x128xf32, #tpu.memory_space<vmem>>) target(%dma_start3A_217 : memref<128x128xf32, #tpu.memory_space<vmem_shared>>) target_semaphore(%run_scoped3A_213 : memref<!tpu.dma_semaphore, #tpu.memory_space<semaphore_mem>>)
      %dma_wait3A = arith.constant 0 : i32
      %dma_wait3A_218 = tpu.memref_slice %arg15[%mul3A_190, %dma_wait3A] : memref<10240x128xf32, #tpu.memory_space<vmem_shared>> -> memref<128x128xf32, #tpu.memory_space<vmem_shared>>
      %dma_wait3A_219 = arith.constant 0 : i32
      %dma_wait3A_220 = tpu.memref_slice %arg15[%mul3A_190, %dma_wait3A_219] : memref<10240x128xf32, #tpu.memory_space<vmem_shared>> -> memref<128x128xf32, #tpu.memory_space<vmem_shared>>
      tpu.wait_dma2 semaphore(%run_scoped3A_213 : memref<!tpu.dma_semaphore, #tpu.memory_space<semaphore_mem>>) src(%arg13 : memref<128x128xf32, #tpu.memory_space<vmem>>) dst(%dma_wait3A_220 : memref<128x128xf32, #tpu.memory_space<vmem_shared>>)
      tpu.yield
    }) : () -> ()
    %barrier3A_191 = arith.constant 0 : index
    tpu.barrier barrier_id(%barrier3A_191)
    %dma_start3A_192 = arith.constant 0 : i32
    %dma_start3A_193 = arith.constant 0 : i32
    %dma_start3A_194 = tpu.memref_slice %arg11[%dma_start3A_192, %dma_start3A_193] : memref<40x128xi32, #tpu.memory_space<vmem>> -> memref<1x128xi32, #tpu.memory_space<vmem>>
    %dma_start3A_195 = tpu.memref_squeeze %dma_start3A_194 : memref<1x128xi32, #tpu.memory_space<vmem>> -> memref<128xi32, #tpu.memory_space<vmem>>
    %dma_start3A_196 = arith.constant 0 : i32
    %dma_start3A_197 = arith.constant 0 : i32
    %dma_start3A_198 = tpu.memref_slice %arg8[%dma_start3A_196, %dma_start3A_197] : memref<10000x128xf32, #tpu.memory_space<hbm>> -> memref<10000x128xf32, #tpu.memory_space<hbm>>
    tpu.enqueue_indirect_dma source(%dma_start3A_198 : memref<10000x128xf32, #tpu.memory_space<hbm>>) target(%arg13 : memref<128x128xf32, #tpu.memory_space<vmem>>) offsets(%dma_start3A_195 : memref<128xi32, #tpu.memory_space<vmem>>) semaphore(%arg16 : memref<!tpu.dma_semaphore, #tpu.memory_space<semaphore_mem>>)
    %scan3A_199 = arith.constant 0 : i32
    %scan3A_200 = arith.constant 0 : i32
    %scan3A_201 = arith.constant 20 : i32
    %scan3A_202 = arith.addi %scan3A_200, %scan3A_201 : i32
    %scan3A_203 = arith.constant 1 : i32
    %scan3A_204 = scf.for %scan3A_213 = %scan3A_200 to %scan3A_202 step %scan3A_203 iter_args(%scan3A_214 = %scan3A_199) -> (i32)  : i32 {
      %mul3A_215 = arith.constant 2 : i32
      %mul3A_216 = arith.muli %scan3A_213, %mul3A_215 : i32
      %add3A_217 = arith.constant 0 : i32
      %add3A_218 = arith.addi %mul3A_216, %add3A_217 : i32
      %add3A_219 = arith.constant 1 : i32
      %add3A_220 = arith.addi %add3A_218, %add3A_219 : i32
      %lt3A = arith.constant 40 : i32
      %lt3A_221 = arith.cmpi slt, %add3A_220, %lt3A : i32
      %convert_element_type3A = arith.extui %lt3A_221 : i1 to i32
      %cond3A = arith.constant 0 : i32
      %cond3A_222 = arith.cmpi ne, %convert_element_type3A, %cond3A : i32
      scf.if %cond3A_222 {
        %add3A_246 = arith.constant 1 : i32
        %add3A_247 = arith.addi %add3A_218, %add3A_246 : i32
        %dma_start3A_248 = arith.constant 0 : i32
        %dma_start3A_249 = tpu.memref_slice %arg11[%add3A_247, %dma_start3A_248] : memref<40x128xi32, #tpu.memory_space<vmem>> -> memref<1x128xi32, #tpu.memory_space<vmem>>
        %dma_start3A_250 = tpu.memref_squeeze %dma_start3A_249 : memref<1x128xi32, #tpu.memory_space<vmem>> -> memref<128xi32, #tpu.memory_space<vmem>>
        %dma_start3A_251 = arith.constant 0 : i32
        %dma_start3A_252 = arith.constant 0 : i32
        %dma_start3A_253 = tpu.memref_slice %arg8[%dma_start3A_251, %dma_start3A_252] : memref<10000x128xf32, #tpu.memory_space<hbm>> -> memref<10000x128xf32, #tpu.memory_space<hbm>>
        tpu.enqueue_indirect_dma source(%dma_start3A_253 : memref<10000x128xf32, #tpu.memory_space<hbm>>) target(%arg14 : memref<128x128xf32, #tpu.memory_space<vmem>>) offsets(%dma_start3A_250 : memref<128xi32, #tpu.memory_space<vmem>>) semaphore(%arg17 : memref<!tpu.dma_semaphore, #tpu.memory_space<semaphore_mem>>)
      } else {
      }
      %dma_wait3A = arith.constant 0 : i32
      %dma_wait3A_223 = tpu.memref_slice %arg11[%add3A_218, %dma_wait3A] : memref<40x128xi32, #tpu.memory_space<vmem>> -> memref<1x128xi32, #tpu.memory_space<vmem>>
      %dma_wait3A_224 = tpu.memref_squeeze %dma_wait3A_223 : memref<1x128xi32, #tpu.memory_space<vmem>> -> memref<128xi32, #tpu.memory_space<vmem>>
      %dma_wait3A_225 = arith.constant 0 : i32
      %dma_wait3A_226 = arith.constant 0 : i32
      %dma_wait3A_227 = tpu.memref_slice %arg8[%dma_wait3A_225, %dma_wait3A_226] : memref<10000x128xf32, #tpu.memory_space<hbm>> -> memref<10000x128xf32, #tpu.memory_space<hbm>>
      tpu.wait_indirect_dma semaphore(%arg16 : memref<!tpu.dma_semaphore, #tpu.memory_space<semaphore_mem>>) src(%dma_wait3A_227 : memref<10000x128xf32, #tpu.memory_space<hbm>>) dst(%arg13 : memref<128x128xf32, #tpu.memory_space<vmem>>)
      "tpu.region"() ({
        %run_scoped3A_246 = tpu.sem_alloc : memref<!tpu.dma_semaphore, #tpu.memory_space<semaphore_mem>>
        %dma_start3A_247 = arith.constant 0 : i32
        %dma_start3A_248 = tpu.memref_slice %arg12[%add3A_218, %dma_start3A_247] : memref<40x128xi32, #tpu.memory_space<vmem>> -> memref<1x128xi32, #tpu.memory_space<vmem>>
        %dma_start3A_249 = tpu.memref_squeeze %dma_start3A_248 : memref<1x128xi32, #tpu.memory_space<vmem>> -> memref<128xi32, #tpu.memory_space<vmem>>
        %dma_start3A_250 = arith.constant 0 : i32
        %dma_start3A_251 = arith.constant 0 : i32
        %dma_start3A_252 = tpu.memref_slice %arg15[%dma_start3A_250, %dma_start3A_251] : memref<10240x128xf32, #tpu.memory_space<vmem_shared>> -> memref<10240x128xf32, #tpu.memory_space<vmem_shared>>
        tpu.enqueue_indirect_dma source(%arg13 : memref<128x128xf32, #tpu.memory_space<vmem>>) target(%dma_start3A_252 : memref<10240x128xf32, #tpu.memory_space<vmem_shared>>) offsets(%dma_start3A_249 : memref<128xi32, #tpu.memory_space<vmem>>) semaphore(%run_scoped3A_246 : memref<!tpu.dma_semaphore, #tpu.memory_space<semaphore_mem>>) {add = true}
        %dma_wait3A_253 = arith.constant 0 : i32
        %dma_wait3A_254 = tpu.memref_slice %arg12[%add3A_218, %dma_wait3A_253] : memref<40x128xi32, #tpu.memory_space<vmem>> -> memref<1x128xi32, #tpu.memory_space<vmem>>
        %dma_wait3A_255 = tpu.memref_squeeze %dma_wait3A_254 : memref<1x128xi32, #tpu.memory_space<vmem>> -> memref<128xi32, #tpu.memory_space<vmem>>
        %dma_wait3A_256 = arith.constant 0 : i32
        %dma_wait3A_257 = arith.constant 0 : i32
        %dma_wait3A_258 = tpu.memref_slice %arg15[%dma_wait3A_256, %dma_wait3A_257] : memref<10240x128xf32, #tpu.memory_space<vmem_shared>> -> memref<10240x128xf32, #tpu.memory_space<vmem_shared>>
        tpu.wait_indirect_dma semaphore(%run_scoped3A_246 : memref<!tpu.dma_semaphore, #tpu.memory_space<semaphore_mem>>) src(%arg13 : memref<128x128xf32, #tpu.memory_space<vmem>>) dst(%dma_wait3A_258 : memref<10240x128xf32, #tpu.memory_space<vmem_shared>>)
        tpu.yield
      }) : () -> ()
      %mul3A_228 = arith.constant 2 : i32
      %mul3A_229 = arith.muli %scan3A_213, %mul3A_228 : i32
      %add3A_230 = arith.constant 1 : i32
      %add3A_231 = arith.addi %mul3A_229, %add3A_230 : i32
      %add3A_232 = arith.constant 1 : i32
      %add3A_233 = arith.addi %add3A_231, %add3A_232 : i32
      %lt3A_234 = arith.constant 40 : i32
      %lt3A_235 = arith.cmpi slt, %add3A_233, %lt3A_234 : i32
      %convert_element_type3A_236 = arith.extui %lt3A_235 : i1 to i32
      %cond3A_237 = arith.constant 0 : i32
      %cond3A_238 = arith.cmpi ne, %convert_element_type3A_236, %cond3A_237 : i32
      scf.if %cond3A_238 {
        %add3A_246 = arith.constant 1 : i32
        %add3A_247 = arith.addi %add3A_231, %add3A_246 : i32
        %dma_start3A_248 = arith.constant 0 : i32
        %dma_start3A_249 = tpu.memref_slice %arg11[%add3A_247, %dma_start3A_248] : memref<40x128xi32, #tpu.memory_space<vmem>> -> memref<1x128xi32, #tpu.memory_space<vmem>>
        %dma_start3A_250 = tpu.memref_squeeze %dma_start3A_249 : memref<1x128xi32, #tpu.memory_space<vmem>> -> memref<128xi32, #tpu.memory_space<vmem>>
        %dma_start3A_251 = arith.constant 0 : i32
        %dma_start3A_252 = arith.constant 0 : i32
        %dma_start3A_253 = tpu.memref_slice %arg8[%dma_start3A_251, %dma_start3A_252] : memref<10000x128xf32, #tpu.memory_space<hbm>> -> memref<10000x128xf32, #tpu.memory_space<hbm>>
        tpu.enqueue_indirect_dma source(%dma_start3A_253 : memref<10000x128xf32, #tpu.memory_space<hbm>>) target(%arg13 : memref<128x128xf32, #tpu.memory_space<vmem>>) offsets(%dma_start3A_250 : memref<128xi32, #tpu.memory_space<vmem>>) semaphore(%arg16 : memref<!tpu.dma_semaphore, #tpu.memory_space<semaphore_mem>>)
      } else {
      }
      %dma_wait3A_239 = arith.constant 0 : i32
      %dma_wait3A_240 = tpu.memref_slice %arg11[%add3A_231, %dma_wait3A_239] : memref<40x128xi32, #tpu.memory_space<vmem>> -> memref<1x128xi32, #tpu.memory_space<vmem>>
      %dma_wait3A_241 = tpu.memref_squeeze %dma_wait3A_240 : memref<1x128xi32, #tpu.memory_space<vmem>> -> memref<128xi32, #tpu.memory_space<vmem>>
      %dma_wait3A_242 = arith.constant 0 : i32
      %dma_wait3A_243 = arith.constant 0 : i32
      %dma_wait3A_244 = tpu.memref_slice %arg8[%dma_wait3A_242, %dma_wait3A_243] : memref<10000x128xf32, #tpu.memory_space<hbm>> -> memref<10000x128xf32, #tpu.memory_space<hbm>>
      tpu.wait_indirect_dma semaphore(%arg17 : memref<!tpu.dma_semaphore, #tpu.memory_space<semaphore_mem>>) src(%dma_wait3A_244 : memref<10000x128xf32, #tpu.memory_space<hbm>>) dst(%arg14 : memref<128x128xf32, #tpu.memory_space<vmem>>)
      "tpu.region"() ({
        %run_scoped3A_246 = tpu.sem_alloc : memref<!tpu.dma_semaphore, #tpu.memory_space<semaphore_mem>>
        %dma_start3A_247 = arith.constant 0 : i32
        %dma_start3A_248 = tpu.memref_slice %arg12[%add3A_231, %dma_start3A_247] : memref<40x128xi32, #tpu.memory_space<vmem>> -> memref<1x128xi32, #tpu.memory_space<vmem>>
        %dma_start3A_249 = tpu.memref_squeeze %dma_start3A_248 : memref<1x128xi32, #tpu.memory_space<vmem>> -> memref<128xi32, #tpu.memory_space<vmem>>
        %dma_start3A_250 = arith.constant 0 : i32
        %dma_start3A_251 = arith.constant 0 : i32
        %dma_start3A_252 = tpu.memref_slice %arg15[%dma_start3A_250, %dma_start3A_251] : memref<10240x128xf32, #tpu.memory_space<vmem_shared>> -> memref<10240x128xf32, #tpu.memory_space<vmem_shared>>
        tpu.enqueue_indirect_dma source(%arg14 : memref<128x128xf32, #tpu.memory_space<vmem>>) target(%dma_start3A_252 : memref<10240x128xf32, #tpu.memory_space<vmem_shared>>) offsets(%dma_start3A_249 : memref<128xi32, #tpu.memory_space<vmem>>) semaphore(%run_scoped3A_246 : memref<!tpu.dma_semaphore, #tpu.memory_space<semaphore_mem>>) {add = true}
        %dma_wait3A_253 = arith.constant 0 : i32
        %dma_wait3A_254 = tpu.memref_slice %arg12[%add3A_231, %dma_wait3A_253] : memref<40x128xi32, #tpu.memory_space<vmem>> -> memref<1x128xi32, #tpu.memory_space<vmem>>
        %dma_wait3A_255 = tpu.memref_squeeze %dma_wait3A_254 : memref<1x128xi32, #tpu.memory_space<vmem>> -> memref<128xi32, #tpu.memory_space<vmem>>
        %dma_wait3A_256 = arith.constant 0 : i32
        %dma_wait3A_257 = arith.constant 0 : i32
        %dma_wait3A_258 = tpu.memref_slice %arg15[%dma_wait3A_256, %dma_wait3A_257] : memref<10240x128xf32, #tpu.memory_space<vmem_shared>> -> memref<10240x128xf32, #tpu.memory_space<vmem_shared>>
        tpu.wait_indirect_dma semaphore(%run_scoped3A_246 : memref<!tpu.dma_semaphore, #tpu.memory_space<semaphore_mem>>) src(%arg14 : memref<128x128xf32, #tpu.memory_space<vmem>>) dst(%dma_wait3A_258 : memref<10240x128xf32, #tpu.memory_space<vmem_shared>>)
        tpu.yield
      }) : () -> ()
      %scan3A_245 = arith.constant 0 : i32
      scf.yield %scan3A_245 : i32
    }
    %scan3A_205 = arith.constant 20 : i32
    %barrier3A_206 = arith.constant 0 : index
    tpu.barrier barrier_id(%barrier3A_206)
    %mul3A_207 = arith.constant 640 : i32
    %mul3A_208 = arith.muli %arg1, %mul3A_207 : i32
    %mul3A_209 = arith.constant 640 : i32
    %mul3A_210 = arith.muli %arg1, %mul3A_209 : i32
    %run_scoped3A_211 = arith.constant 1 : i32
    "tpu.region"() ({
      %run_scoped3A_213 = tpu.sem_alloc : memref<!tpu.dma_semaphore, #tpu.memory_space<semaphore_mem>>
      %dma_start3A_214 = arith.constant 0 : i32
      %dma_start3A_215 = tpu.memref_slice %arg10[%arg0, %run_scoped3A_211, %mul3A_210, %dma_start3A_214] : memref<2x2x10240x128xf32, #tpu.memory_space<hbm>> -> memref<1x1x640x128xf32, #tpu.memory_space<hbm>>
      %dma_start3A_216 = tpu.memref_squeeze %dma_start3A_215 : memref<1x1x640x128xf32, #tpu.memory_space<hbm>> -> memref<640x128xf32, #tpu.memory_space<hbm>>
      %dma_start3A_217 = arith.constant 0 : i32
      %dma_start3A_218 = tpu.memref_slice %arg15[%mul3A_208, %dma_start3A_217] : memref<10240x128xf32, #tpu.memory_space<vmem_shared>> -> memref<640x128xf32, #tpu.memory_space<vmem_shared>>
      tpu.enqueue_dma source(%dma_start3A_218 : memref<640x128xf32, #tpu.memory_space<vmem_shared>>) target(%dma_start3A_216 : memref<640x128xf32, #tpu.memory_space<hbm>>) target_semaphore(%run_scoped3A_213 : memref<!tpu.dma_semaphore, #tpu.memory_space<semaphore_mem>>)
      %dma_wait3A = arith.constant 0 : i32
      %dma_wait3A_219 = tpu.memref_slice %arg10[%arg0, %run_scoped3A_211, %mul3A_210, %dma_wait3A] : memref<2x2x10240x128xf32, #tpu.memory_space<hbm>> -> memref<1x1x640x128xf32, #tpu.memory_space<hbm>>
      %dma_wait3A_220 = tpu.memref_squeeze %dma_wait3A_219 : memref<1x1x640x128xf32, #tpu.memory_space<hbm>> -> memref<640x128xf32, #tpu.memory_space<hbm>>
      %dma_wait3A_221 = arith.constant 0 : i32
      %dma_wait3A_222 = tpu.memref_slice %arg15[%mul3A_208, %dma_wait3A_221] : memref<10240x128xf32, #tpu.memory_space<vmem_shared>> -> memref<640x128xf32, #tpu.memory_space<vmem_shared>>
      tpu.wait_dma2 semaphore(%run_scoped3A_213 : memref<!tpu.dma_semaphore, #tpu.memory_space<semaphore_mem>>) src(%dma_wait3A_222 : memref<640x128xf32, #tpu.memory_space<vmem_shared>>) dst(%dma_wait3A_220 : memref<640x128xf32, #tpu.memory_space<hbm>>)
      tpu.yield
    }) : () -> ()
    %barrier3A_212 = arith.constant 0 : index
    tpu.barrier barrier_id(%barrier3A_212)
    return
  }
}

module attributes {stable_mosaic.version = 14 : i64} {
  func.func @body(%arg0: i32, %arg1: memref<2x2x1000x128xf32, #tpu.memory_space<vmem>>, %arg2: memref<2x2x1000x128xf32, #tpu.memory_space<vmem>>, %arg3: memref<1000x128xf32, #tpu.memory_space<vmem>>, %arg4: memref<1000x128xf32, #tpu.memory_space<vmem>>, %arg5: memref<512x256xf32, #tpu.memory_space<vmem>>, %arg6: memref<512x256xf32, #tpu.memory_space<vmem>>, %arg7: memref<1000x128xf32, #tpu.memory_space<vmem>>, %arg8: memref<1000x128xf32, #tpu.memory_space<vmem>>, %arg9: memref<1000x128xf32, #tpu.memory_space<vmem>>, %arg10: memref<1000x128xf32, #tpu.memory_space<vmem>>) attributes {dimension_semantics = [#tpu.dimension_semantics<arbitrary>], iteration_bounds = array<i64: 10>, scalar_prefetch = 0 : i64, scratch_operands = 0 : i64, tpu.core_type = #tpu.core_type<tc>, window_params = [{transform_indices = @transform_0, window_bounds = array<i64: 2, 2, 1000, 128>}, {transform_indices = @transform_1, window_bounds = array<i64: 2, 2, 1000, 128>}, {transform_indices = @transform_2, window_bounds = array<i64: 1000, 128>}, {transform_indices = @transform_3, window_bounds = array<i64: 1000, 128>}, {pipeline_mode = #tpu.pipeline_mode<synchronous>, transform_indices = @transform_4, window_bounds = array<i64: 512, 256>}, {pipeline_mode = #tpu.pipeline_mode<synchronous>, transform_indices = @transform_5, window_bounds = array<i64: 512, 256>}, {transform_indices = @transform_6, window_bounds = array<i64: 1000, 128>}, {transform_indices = @transform_7, window_bounds = array<i64: 1000, 128>}, {transform_indices = @transform_8, window_bounds = array<i64: 1000, 128>}, {transform_indices = @transform_9, window_bounds = array<i64: 1000, 128>}]} {
    %get3A = arith.constant 0 : index
    %get3A_0 = arith.constant 0 : index
    %get3A_1 = vector.load %arg3[%get3A, %get3A_0] : memref<1000x128xf32, #tpu.memory_space<vmem>>, vector<1000x128xf32>
    %get3A_2 = arith.constant 0 : index
    %get3A_3 = arith.constant 0 : index
    %get3A_4 = vector.load %arg4[%get3A_2, %get3A_3] : memref<1000x128xf32, #tpu.memory_space<vmem>>, vector<1000x128xf32>
    %concatenate3A = tpu.concatenate %get3A_1, %get3A_4 in 1 : vector<1000x128xf32>, vector<1000x128xf32> -> vector<1000x256xf32>
    %get3A_5 = arith.constant 0 : index
    %get3A_6 = arith.constant 0 : index
    %get3A_7 = arith.constant 0 : index
    %get3A_8 = arith.constant 0 : index
    %get3A_9 = vector.load %arg1[%get3A_5, %get3A_6, %get3A_7, %get3A_8] : memref<2x2x1000x128xf32, #tpu.memory_space<vmem>>, vector<1x1x1000x128xf32>
    %get3A_10 = vector.shape_cast %get3A_9 : vector<1x1x1000x128xf32> to vector<1000x128xf32>
    %get3A_11 = arith.constant 1 : index
    %get3A_12 = arith.constant 0 : index
    %get3A_13 = arith.constant 0 : index
    %get3A_14 = arith.constant 0 : index
    %get3A_15 = vector.load %arg1[%get3A_11, %get3A_12, %get3A_13, %get3A_14] : memref<2x2x1000x128xf32, #tpu.memory_space<vmem>>, vector<1x1x1000x128xf32>
    %get3A_16 = vector.shape_cast %get3A_15 : vector<1x1x1000x128xf32> to vector<1000x128xf32>
    %add3A = arith.addf %get3A_10, %get3A_16 : vector<1000x128xf32>
    %get3A_17 = arith.constant 0 : index
    %get3A_18 = arith.constant 1 : index
    %get3A_19 = arith.constant 0 : index
    %get3A_20 = arith.constant 0 : index
    %get3A_21 = vector.load %arg1[%get3A_17, %get3A_18, %get3A_19, %get3A_20] : memref<2x2x1000x128xf32, #tpu.memory_space<vmem>>, vector<1x1x1000x128xf32>
    %get3A_22 = vector.shape_cast %get3A_21 : vector<1x1x1000x128xf32> to vector<1000x128xf32>
    %get3A_23 = arith.constant 1 : index
    %get3A_24 = arith.constant 1 : index
    %get3A_25 = arith.constant 0 : index
    %get3A_26 = arith.constant 0 : index
    %get3A_27 = vector.load %arg1[%get3A_23, %get3A_24, %get3A_25, %get3A_26] : memref<2x2x1000x128xf32, #tpu.memory_space<vmem>>, vector<1x1x1000x128xf32>
    %get3A_28 = vector.shape_cast %get3A_27 : vector<1x1x1000x128xf32> to vector<1000x128xf32>
    %add3A_29 = arith.addf %get3A_22, %get3A_28 : vector<1000x128xf32>
    %concatenate3A_30 = tpu.concatenate %add3A, %add3A_29 in 1 : vector<1000x128xf32>, vector<1000x128xf32> -> vector<1000x256xf32>
    %get3A_31 = arith.constant 0 : index
    %get3A_32 = arith.constant 0 : index
    %get3A_33 = vector.load %arg5[%get3A_31, %get3A_32] : memref<512x256xf32, #tpu.memory_space<vmem>>, vector<512x256xf32>
    %slice3A = vector.extract_strided_slice %get3A_33 {offsets = [0, 0], sizes = [256, 256], strides = [1, 1]} : vector<512x256xf32> to vector<256x256xf32>
    %dot_general3A = arith.constant dense<0.000000e+00> : vector<1000x256xf32>
    %dot_general3A_34 = tpu.matmul %concatenate3A_30, %slice3A, %dot_general3A {dimension_numbers = #tpu.dot_dimension_numbers<[1], [0], [0], [1], [0, 0, 1, 1], [], []>, precision = #tpu.contract_precision<fp32>, transpose_lhs_hint = false} : vector<1000x256xf32>, vector<256x256xf32>, vector<1000x256xf32> -> vector<1000x256xf32>
    %slice3A_35 = vector.extract_strided_slice %get3A_33 {offsets = [256, 0], sizes = [256, 256], strides = [1, 1]} : vector<512x256xf32> to vector<256x256xf32>
    %dot_general3A_36 = arith.constant dense<0.000000e+00> : vector<1000x256xf32>
    %dot_general3A_37 = tpu.matmul %concatenate3A, %slice3A_35, %dot_general3A_36 {dimension_numbers = #tpu.dot_dimension_numbers<[1], [0], [0], [1], [0, 0, 1, 1], [], []>, precision = #tpu.contract_precision<fp32>, transpose_lhs_hint = false} : vector<1000x256xf32>, vector<256x256xf32>, vector<1000x256xf32> -> vector<1000x256xf32>
    %add3A_38 = arith.addf %dot_general3A_34, %dot_general3A_37 : vector<1000x256xf32>
    %max3A = arith.constant 0.000000e+00 : f32
    %max3A_39 = vector.broadcast %max3A : f32 to vector<1000x256xf32>
    %max3A_40 = arith.maximumf %add3A_38, %max3A_39 : vector<1000x256xf32>
    %slice3A_41 = vector.extract_strided_slice %max3A_40 {offsets = [0, 0], sizes = [1000, 128], strides = [1, 1]} : vector<1000x256xf32> to vector<1000x128xf32>
    %swap3A = arith.constant 0 : index
    %swap3A_42 = arith.constant 0 : index
    %swap3A_43 = vector.load %arg7[%swap3A, %swap3A_42] : memref<1000x128xf32, #tpu.memory_space<vmem>>, vector<1000x128xf32>
    tpu.vector_store %arg7[%swap3A, %swap3A_42], %slice3A_41 {strides = array<i32>} : memref<1000x128xf32, #tpu.memory_space<vmem>>, vector<1000x128xf32>,
    %slice3A_44 = vector.extract_strided_slice %max3A_40 {offsets = [0, 128], sizes = [1000, 128], strides = [1, 1]} : vector<1000x256xf32> to vector<1000x128xf32>
    %swap3A_45 = arith.constant 0 : index
    %swap3A_46 = arith.constant 0 : index
    %swap3A_47 = vector.load %arg8[%swap3A_45, %swap3A_46] : memref<1000x128xf32, #tpu.memory_space<vmem>>, vector<1000x128xf32>
    tpu.vector_store %arg8[%swap3A_45, %swap3A_46], %slice3A_44 {strides = array<i32>} : memref<1000x128xf32, #tpu.memory_space<vmem>>, vector<1000x128xf32>,
    %get3A_48 = arith.constant 0 : index
    %get3A_49 = arith.constant 0 : index
    %get3A_50 = arith.constant 0 : index
    %get3A_51 = arith.constant 0 : index
    %get3A_52 = vector.load %arg2[%get3A_48, %get3A_49, %get3A_50, %get3A_51] : memref<2x2x1000x128xf32, #tpu.memory_space<vmem>>, vector<1x1x1000x128xf32>
    %get3A_53 = vector.shape_cast %get3A_52 : vector<1x1x1000x128xf32> to vector<1000x128xf32>
    %get3A_54 = arith.constant 1 : index
    %get3A_55 = arith.constant 0 : index
    %get3A_56 = arith.constant 0 : index
    %get3A_57 = arith.constant 0 : index
    %get3A_58 = vector.load %arg2[%get3A_54, %get3A_55, %get3A_56, %get3A_57] : memref<2x2x1000x128xf32, #tpu.memory_space<vmem>>, vector<1x1x1000x128xf32>
    %get3A_59 = vector.shape_cast %get3A_58 : vector<1x1x1000x128xf32> to vector<1000x128xf32>
    %add3A_60 = arith.addf %get3A_53, %get3A_59 : vector<1000x128xf32>
    %get3A_61 = arith.constant 0 : index
    %get3A_62 = arith.constant 1 : index
    %get3A_63 = arith.constant 0 : index
    %get3A_64 = arith.constant 0 : index
    %get3A_65 = vector.load %arg2[%get3A_61, %get3A_62, %get3A_63, %get3A_64] : memref<2x2x1000x128xf32, #tpu.memory_space<vmem>>, vector<1x1x1000x128xf32>
    %get3A_66 = vector.shape_cast %get3A_65 : vector<1x1x1000x128xf32> to vector<1000x128xf32>
    %get3A_67 = arith.constant 1 : index
    %get3A_68 = arith.constant 1 : index
    %get3A_69 = arith.constant 0 : index
    %get3A_70 = arith.constant 0 : index
    %get3A_71 = vector.load %arg2[%get3A_67, %get3A_68, %get3A_69, %get3A_70] : memref<2x2x1000x128xf32, #tpu.memory_space<vmem>>, vector<1x1x1000x128xf32>
    %get3A_72 = vector.shape_cast %get3A_71 : vector<1x1x1000x128xf32> to vector<1000x128xf32>
    %add3A_73 = arith.addf %get3A_66, %get3A_72 : vector<1000x128xf32>
    %concatenate3A_74 = tpu.concatenate %add3A_60, %add3A_73 in 1 : vector<1000x128xf32>, vector<1000x128xf32> -> vector<1000x256xf32>
    %get3A_75 = arith.constant 0 : index
    %get3A_76 = arith.constant 0 : index
    %get3A_77 = vector.load %arg6[%get3A_75, %get3A_76] : memref<512x256xf32, #tpu.memory_space<vmem>>, vector<512x256xf32>
    %slice3A_78 = vector.extract_strided_slice %get3A_77 {offsets = [0, 0], sizes = [256, 256], strides = [1, 1]} : vector<512x256xf32> to vector<256x256xf32>
    %dot_general3A_79 = arith.constant dense<0.000000e+00> : vector<1000x256xf32>
    %dot_general3A_80 = tpu.matmul %concatenate3A_74, %slice3A_78, %dot_general3A_79 {dimension_numbers = #tpu.dot_dimension_numbers<[1], [0], [0], [1], [0, 0, 1, 1], [], []>, precision = #tpu.contract_precision<fp32>, transpose_lhs_hint = false} : vector<1000x256xf32>, vector<256x256xf32>, vector<1000x256xf32> -> vector<1000x256xf32>
    %slice3A_81 = vector.extract_strided_slice %get3A_77 {offsets = [256, 0], sizes = [256, 256], strides = [1, 1]} : vector<512x256xf32> to vector<256x256xf32>
    %dot_general3A_82 = arith.constant dense<0.000000e+00> : vector<1000x256xf32>
    %dot_general3A_83 = tpu.matmul %concatenate3A, %slice3A_81, %dot_general3A_82 {dimension_numbers = #tpu.dot_dimension_numbers<[1], [0], [0], [1], [0, 0, 1, 1], [], []>, precision = #tpu.contract_precision<fp32>, transpose_lhs_hint = false} : vector<1000x256xf32>, vector<256x256xf32>, vector<1000x256xf32> -> vector<1000x256xf32>
    %add3A_84 = arith.addf %dot_general3A_80, %dot_general3A_83 : vector<1000x256xf32>
    %max3A_85 = arith.constant 0.000000e+00 : f32
    %max3A_86 = vector.broadcast %max3A_85 : f32 to vector<1000x256xf32>
    %max3A_87 = arith.maximumf %add3A_84, %max3A_86 : vector<1000x256xf32>
    %slice3A_88 = vector.extract_strided_slice %max3A_87 {offsets = [0, 0], sizes = [1000, 128], strides = [1, 1]} : vector<1000x256xf32> to vector<1000x128xf32>
    %swap3A_89 = arith.constant 0 : index
    %swap3A_90 = arith.constant 0 : index
    %swap3A_91 = vector.load %arg9[%swap3A_89, %swap3A_90] : memref<1000x128xf32, #tpu.memory_space<vmem>>, vector<1000x128xf32>
    tpu.vector_store %arg9[%swap3A_89, %swap3A_90], %slice3A_88 {strides = array<i32>} : memref<1000x128xf32, #tpu.memory_space<vmem>>, vector<1000x128xf32>,
    %slice3A_92 = vector.extract_strided_slice %max3A_87 {offsets = [0, 128], sizes = [1000, 128], strides = [1, 1]} : vector<1000x256xf32> to vector<1000x128xf32>
    %swap3A_93 = arith.constant 0 : index
    %swap3A_94 = arith.constant 0 : index
    %swap3A_95 = vector.load %arg10[%swap3A_93, %swap3A_94] : memref<1000x128xf32, #tpu.memory_space<vmem>>, vector<1000x128xf32>
    tpu.vector_store %arg10[%swap3A_93, %swap3A_94], %slice3A_92 {strides = array<i32>} : memref<1000x128xf32, #tpu.memory_space<vmem>>, vector<1000x128xf32>,
    return
  }
  func.func @transform_0(%arg0: i32) -> (i32, i32, i32, i32) {
    %c0_i32 = arith.constant 0 : i32
    %c0_i32_0 = arith.constant 0 : i32
    %c0_i32_1 = arith.constant 0 : i32
    %c0_i32_2 = arith.constant 0 : i32
    return %c0_i32, %c0_i32_0, %arg0, %c0_i32_1 : i32, i32, i32, i32
  }
  func.func @transform_1(%arg0: i32) -> (i32, i32, i32, i32) {
    %c0_i32 = arith.constant 0 : i32
    %c0_i32_0 = arith.constant 0 : i32
    %c0_i32_1 = arith.constant 0 : i32
    %c0_i32_2 = arith.constant 0 : i32
    return %c0_i32, %c0_i32_0, %arg0, %c0_i32_1 : i32, i32, i32, i32
  }
  func.func @transform_2(%arg0: i32) -> (i32, i32) {
    %c0_i32 = arith.constant 0 : i32
    %c0_i32_0 = arith.constant 0 : i32
    return %arg0, %c0_i32 : i32, i32
  }
  func.func @transform_3(%arg0: i32) -> (i32, i32) {
    %c0_i32 = arith.constant 0 : i32
    %c0_i32_0 = arith.constant 0 : i32
    return %arg0, %c0_i32 : i32, i32
  }
  func.func @transform_4(%arg0: i32) -> (i32, i32) {
    %c0_i32 = arith.constant 0 : i32
    %c0_i32_0 = arith.constant 0 : i32
    %c0_i32_1 = arith.constant 0 : i32
    return %c0_i32, %c0_i32_0 : i32, i32
  }
  func.func @transform_5(%arg0: i32) -> (i32, i32) {
    %c0_i32 = arith.constant 0 : i32
    %c0_i32_0 = arith.constant 0 : i32
    %c0_i32_1 = arith.constant 0 : i32
    return %c0_i32, %c0_i32_0 : i32, i32
  }
  func.func @transform_6(%arg0: i32) -> (i32, i32) {
    %c0_i32 = arith.constant 0 : i32
    %c0_i32_0 = arith.constant 0 : i32
    return %arg0, %c0_i32 : i32, i32
  }
  func.func @transform_7(%arg0: i32) -> (i32, i32) {
    %c0_i32 = arith.constant 0 : i32
    %c0_i32_0 = arith.constant 0 : i32
    return %arg0, %c0_i32 : i32, i32
  }
  func.func @transform_8(%arg0: i32) -> (i32, i32) {
    %c0_i32 = arith.constant 0 : i32
    %c0_i32_0 = arith.constant 0 : i32
    return %arg0, %c0_i32 : i32, i32
  }
  func.func @transform_9(%arg0: i32) -> (i32, i32) {
    %c0_i32 = arith.constant 0 : i32
    %c0_i32_0 = arith.constant 0 : i32
    return %arg0, %c0_i32 : i32, i32
  }
}

module attributes {stable_mosaic.version = 14 : i64} {
  func.func @body(%arg0: i32, %arg1: memref<2x4x1000x128xf32, #tpu.memory_space<vmem>>, %arg2: memref<2x4x1000x128xf32, #tpu.memory_space<vmem>>, %arg3: memref<1000x128xf32, #tpu.memory_space<vmem>>, %arg4: memref<1000x128xf32, #tpu.memory_space<vmem>>, %arg5: memref<1000x128xf32, #tpu.memory_space<vmem>>, %arg6: memref<1000x128xf32, #tpu.memory_space<vmem>>, %arg7: memref<1024x256xf32, #tpu.memory_space<vmem>>, %arg8: memref<1024x256xf32, #tpu.memory_space<vmem>>, %arg9: memref<1000x128xf32, #tpu.memory_space<vmem>>, %arg10: memref<1000x128xf32, #tpu.memory_space<vmem>>, %arg11: memref<1000x128xf32, #tpu.memory_space<vmem>>, %arg12: memref<1000x128xf32, #tpu.memory_space<vmem>>) attributes {dimension_semantics = [#tpu.dimension_semantics<arbitrary>], iteration_bounds = array<i64: 10>, scalar_prefetch = 0 : i64, scratch_operands = 0 : i64, tpu.core_type = #tpu.core_type<tc>, window_params = [{transform_indices = @transform_0, window_bounds = array<i64: 2, 4, 1000, 128>}, {transform_indices = @transform_1, window_bounds = array<i64: 2, 4, 1000, 128>}, {transform_indices = @transform_2, window_bounds = array<i64: 1000, 128>}, {transform_indices = @transform_3, window_bounds = array<i64: 1000, 128>}, {transform_indices = @transform_4, window_bounds = array<i64: 1000, 128>}, {transform_indices = @transform_5, window_bounds = array<i64: 1000, 128>}, {pipeline_mode = #tpu.pipeline_mode<synchronous>, transform_indices = @transform_6, window_bounds = array<i64: 1024, 256>}, {pipeline_mode = #tpu.pipeline_mode<synchronous>, transform_indices = @transform_7, window_bounds = array<i64: 1024, 256>}, {transform_indices = @transform_8, window_bounds = array<i64: 1000, 128>}, {transform_indices = @transform_9, window_bounds = array<i64: 1000, 128>}, {transform_indices = @transform_10, window_bounds = array<i64: 1000, 128>}, {transform_indices = @transform_11, window_bounds = array<i64: 1000, 128>}]} {
    %get3A = arith.constant 0 : index
    %get3A_0 = arith.constant 0 : index
    %get3A_1 = vector.load %arg3[%get3A, %get3A_0] : memref<1000x128xf32, #tpu.memory_space<vmem>>, vector<1000x128xf32>
    %get3A_2 = arith.constant 0 : index
    %get3A_3 = arith.constant 0 : index
    %get3A_4 = vector.load %arg4[%get3A_2, %get3A_3] : memref<1000x128xf32, #tpu.memory_space<vmem>>, vector<1000x128xf32>
    %get3A_5 = arith.constant 0 : index
    %get3A_6 = arith.constant 0 : index
    %get3A_7 = vector.load %arg5[%get3A_5, %get3A_6] : memref<1000x128xf32, #tpu.memory_space<vmem>>, vector<1000x128xf32>
    %get3A_8 = arith.constant 0 : index
    %get3A_9 = arith.constant 0 : index
    %get3A_10 = vector.load %arg6[%get3A_8, %get3A_9] : memref<1000x128xf32, #tpu.memory_space<vmem>>, vector<1000x128xf32>
    %concatenate3A = tpu.concatenate %get3A_1, %get3A_4, %get3A_7, %get3A_10 in 1 : vector<1000x128xf32>, vector<1000x128xf32>, vector<1000x128xf32>, vector<1000x128xf32> -> vector<1000x512xf32>
    %get3A_11 = arith.constant 0 : index
    %get3A_12 = arith.constant 0 : index
    %get3A_13 = arith.constant 0 : index
    %get3A_14 = arith.constant 0 : index
    %get3A_15 = vector.load %arg1[%get3A_11, %get3A_12, %get3A_13, %get3A_14] : memref<2x4x1000x128xf32, #tpu.memory_space<vmem>>, vector<1x1x1000x128xf32>
    %get3A_16 = vector.shape_cast %get3A_15 : vector<1x1x1000x128xf32> to vector<1000x128xf32>
    %get3A_17 = arith.constant 1 : index
    %get3A_18 = arith.constant 0 : index
    %get3A_19 = arith.constant 0 : index
    %get3A_20 = arith.constant 0 : index
    %get3A_21 = vector.load %arg1[%get3A_17, %get3A_18, %get3A_19, %get3A_20] : memref<2x4x1000x128xf32, #tpu.memory_space<vmem>>, vector<1x1x1000x128xf32>
    %get3A_22 = vector.shape_cast %get3A_21 : vector<1x1x1000x128xf32> to vector<1000x128xf32>
    %add3A = arith.addf %get3A_16, %get3A_22 : vector<1000x128xf32>
    %get3A_23 = arith.constant 0 : index
    %get3A_24 = arith.constant 1 : index
    %get3A_25 = arith.constant 0 : index
    %get3A_26 = arith.constant 0 : index
    %get3A_27 = vector.load %arg1[%get3A_23, %get3A_24, %get3A_25, %get3A_26] : memref<2x4x1000x128xf32, #tpu.memory_space<vmem>>, vector<1x1x1000x128xf32>
    %get3A_28 = vector.shape_cast %get3A_27 : vector<1x1x1000x128xf32> to vector<1000x128xf32>
    %get3A_29 = arith.constant 1 : index
    %get3A_30 = arith.constant 1 : index
    %get3A_31 = arith.constant 0 : index
    %get3A_32 = arith.constant 0 : index
    %get3A_33 = vector.load %arg1[%get3A_29, %get3A_30, %get3A_31, %get3A_32] : memref<2x4x1000x128xf32, #tpu.memory_space<vmem>>, vector<1x1x1000x128xf32>
    %get3A_34 = vector.shape_cast %get3A_33 : vector<1x1x1000x128xf32> to vector<1000x128xf32>
    %add3A_35 = arith.addf %get3A_28, %get3A_34 : vector<1000x128xf32>
    %get3A_36 = arith.constant 0 : index
    %get3A_37 = arith.constant 2 : index
    %get3A_38 = arith.constant 0 : index
    %get3A_39 = arith.constant 0 : index
    %get3A_40 = vector.load %arg1[%get3A_36, %get3A_37, %get3A_38, %get3A_39] : memref<2x4x1000x128xf32, #tpu.memory_space<vmem>>, vector<1x1x1000x128xf32>
    %get3A_41 = vector.shape_cast %get3A_40 : vector<1x1x1000x128xf32> to vector<1000x128xf32>
    %get3A_42 = arith.constant 1 : index
    %get3A_43 = arith.constant 2 : index
    %get3A_44 = arith.constant 0 : index
    %get3A_45 = arith.constant 0 : index
    %get3A_46 = vector.load %arg1[%get3A_42, %get3A_43, %get3A_44, %get3A_45] : memref<2x4x1000x128xf32, #tpu.memory_space<vmem>>, vector<1x1x1000x128xf32>
    %get3A_47 = vector.shape_cast %get3A_46 : vector<1x1x1000x128xf32> to vector<1000x128xf32>
    %add3A_48 = arith.addf %get3A_41, %get3A_47 : vector<1000x128xf32>
    %get3A_49 = arith.constant 0 : index
    %get3A_50 = arith.constant 3 : index
    %get3A_51 = arith.constant 0 : index
    %get3A_52 = arith.constant 0 : index
    %get3A_53 = vector.load %arg1[%get3A_49, %get3A_50, %get3A_51, %get3A_52] : memref<2x4x1000x128xf32, #tpu.memory_space<vmem>>, vector<1x1x1000x128xf32>
    %get3A_54 = vector.shape_cast %get3A_53 : vector<1x1x1000x128xf32> to vector<1000x128xf32>
    %get3A_55 = arith.constant 1 : index
    %get3A_56 = arith.constant 3 : index
    %get3A_57 = arith.constant 0 : index
    %get3A_58 = arith.constant 0 : index
    %get3A_59 = vector.load %arg1[%get3A_55, %get3A_56, %get3A_57, %get3A_58] : memref<2x4x1000x128xf32, #tpu.memory_space<vmem>>, vector<1x1x1000x128xf32>
    %get3A_60 = vector.shape_cast %get3A_59 : vector<1x1x1000x128xf32> to vector<1000x128xf32>
    %add3A_61 = arith.addf %get3A_54, %get3A_60 : vector<1000x128xf32>
    %concatenate3A_62 = tpu.concatenate %add3A, %add3A_35, %add3A_48, %add3A_61 in 1 : vector<1000x128xf32>, vector<1000x128xf32>, vector<1000x128xf32>, vector<1000x128xf32> -> vector<1000x512xf32>
    %get3A_63 = arith.constant 0 : index
    %get3A_64 = arith.constant 0 : index
    %get3A_65 = vector.load %arg7[%get3A_63, %get3A_64] : memref<1024x256xf32, #tpu.memory_space<vmem>>, vector<1024x256xf32>
    %slice3A = vector.extract_strided_slice %get3A_65 {offsets = [0, 0], sizes = [512, 256], strides = [1, 1]} : vector<1024x256xf32> to vector<512x256xf32>
    %dot_general3A = arith.constant dense<0.000000e+00> : vector<1000x256xf32>
    %dot_general3A_66 = tpu.matmul %concatenate3A_62, %slice3A, %dot_general3A {dimension_numbers = #tpu.dot_dimension_numbers<[1], [0], [0], [1], [0, 0, 1, 1], [], []>, precision = #tpu.contract_precision<fp32>, transpose_lhs_hint = false} : vector<1000x512xf32>, vector<512x256xf32>, vector<1000x256xf32> -> vector<1000x256xf32>
    %slice3A_67 = vector.extract_strided_slice %get3A_65 {offsets = [512, 0], sizes = [512, 256], strides = [1, 1]} : vector<1024x256xf32> to vector<512x256xf32>
    %dot_general3A_68 = arith.constant dense<0.000000e+00> : vector<1000x256xf32>
    %dot_general3A_69 = tpu.matmul %concatenate3A, %slice3A_67, %dot_general3A_68 {dimension_numbers = #tpu.dot_dimension_numbers<[1], [0], [0], [1], [0, 0, 1, 1], [], []>, precision = #tpu.contract_precision<fp32>, transpose_lhs_hint = false} : vector<1000x512xf32>, vector<512x256xf32>, vector<1000x256xf32> -> vector<1000x256xf32>
    %add3A_70 = arith.addf %dot_general3A_66, %dot_general3A_69 : vector<1000x256xf32>
    %max3A = arith.constant 0.000000e+00 : f32
    %max3A_71 = vector.broadcast %max3A : f32 to vector<1000x256xf32>
    %max3A_72 = arith.maximumf %add3A_70, %max3A_71 : vector<1000x256xf32>
    %slice3A_73 = vector.extract_strided_slice %max3A_72 {offsets = [0, 0], sizes = [1000, 128], strides = [1, 1]} : vector<1000x256xf32> to vector<1000x128xf32>
    %swap3A = arith.constant 0 : index
    %swap3A_74 = arith.constant 0 : index
    %swap3A_75 = vector.load %arg9[%swap3A, %swap3A_74] : memref<1000x128xf32, #tpu.memory_space<vmem>>, vector<1000x128xf32>
    tpu.vector_store %arg9[%swap3A, %swap3A_74], %slice3A_73 {strides = array<i32>} : memref<1000x128xf32, #tpu.memory_space<vmem>>, vector<1000x128xf32>,
    %slice3A_76 = vector.extract_strided_slice %max3A_72 {offsets = [0, 128], sizes = [1000, 128], strides = [1, 1]} : vector<1000x256xf32> to vector<1000x128xf32>
    %swap3A_77 = arith.constant 0 : index
    %swap3A_78 = arith.constant 0 : index
    %swap3A_79 = vector.load %arg10[%swap3A_77, %swap3A_78] : memref<1000x128xf32, #tpu.memory_space<vmem>>, vector<1000x128xf32>
    tpu.vector_store %arg10[%swap3A_77, %swap3A_78], %slice3A_76 {strides = array<i32>} : memref<1000x128xf32, #tpu.memory_space<vmem>>, vector<1000x128xf32>,
    %get3A_80 = arith.constant 0 : index
    %get3A_81 = arith.constant 0 : index
    %get3A_82 = arith.constant 0 : index
    %get3A_83 = arith.constant 0 : index
    %get3A_84 = vector.load %arg2[%get3A_80, %get3A_81, %get3A_82, %get3A_83] : memref<2x4x1000x128xf32, #tpu.memory_space<vmem>>, vector<1x1x1000x128xf32>
    %get3A_85 = vector.shape_cast %get3A_84 : vector<1x1x1000x128xf32> to vector<1000x128xf32>
    %get3A_86 = arith.constant 1 : index
    %get3A_87 = arith.constant 0 : index
    %get3A_88 = arith.constant 0 : index
    %get3A_89 = arith.constant 0 : index
    %get3A_90 = vector.load %arg2[%get3A_86, %get3A_87, %get3A_88, %get3A_89] : memref<2x4x1000x128xf32, #tpu.memory_space<vmem>>, vector<1x1x1000x128xf32>
    %get3A_91 = vector.shape_cast %get3A_90 : vector<1x1x1000x128xf32> to vector<1000x128xf32>
    %add3A_92 = arith.addf %get3A_85, %get3A_91 : vector<1000x128xf32>
    %get3A_93 = arith.constant 0 : index
    %get3A_94 = arith.constant 1 : index
    %get3A_95 = arith.constant 0 : index
    %get3A_96 = arith.constant 0 : index
    %get3A_97 = vector.load %arg2[%get3A_93, %get3A_94, %get3A_95, %get3A_96] : memref<2x4x1000x128xf32, #tpu.memory_space<vmem>>, vector<1x1x1000x128xf32>
    %get3A_98 = vector.shape_cast %get3A_97 : vector<1x1x1000x128xf32> to vector<1000x128xf32>
    %get3A_99 = arith.constant 1 : index
    %get3A_100 = arith.constant 1 : index
    %get3A_101 = arith.constant 0 : index
    %get3A_102 = arith.constant 0 : index
    %get3A_103 = vector.load %arg2[%get3A_99, %get3A_100, %get3A_101, %get3A_102] : memref<2x4x1000x128xf32, #tpu.memory_space<vmem>>, vector<1x1x1000x128xf32>
    %get3A_104 = vector.shape_cast %get3A_103 : vector<1x1x1000x128xf32> to vector<1000x128xf32>
    %add3A_105 = arith.addf %get3A_98, %get3A_104 : vector<1000x128xf32>
    %get3A_106 = arith.constant 0 : index
    %get3A_107 = arith.constant 2 : index
    %get3A_108 = arith.constant 0 : index
    %get3A_109 = arith.constant 0 : index
    %get3A_110 = vector.load %arg2[%get3A_106, %get3A_107, %get3A_108, %get3A_109] : memref<2x4x1000x128xf32, #tpu.memory_space<vmem>>, vector<1x1x1000x128xf32>
    %get3A_111 = vector.shape_cast %get3A_110 : vector<1x1x1000x128xf32> to vector<1000x128xf32>
    %get3A_112 = arith.constant 1 : index
    %get3A_113 = arith.constant 2 : index
    %get3A_114 = arith.constant 0 : index
    %get3A_115 = arith.constant 0 : index
    %get3A_116 = vector.load %arg2[%get3A_112, %get3A_113, %get3A_114, %get3A_115] : memref<2x4x1000x128xf32, #tpu.memory_space<vmem>>, vector<1x1x1000x128xf32>
    %get3A_117 = vector.shape_cast %get3A_116 : vector<1x1x1000x128xf32> to vector<1000x128xf32>
    %add3A_118 = arith.addf %get3A_111, %get3A_117 : vector<1000x128xf32>
    %get3A_119 = arith.constant 0 : index
    %get3A_120 = arith.constant 3 : index
    %get3A_121 = arith.constant 0 : index
    %get3A_122 = arith.constant 0 : index
    %get3A_123 = vector.load %arg2[%get3A_119, %get3A_120, %get3A_121, %get3A_122] : memref<2x4x1000x128xf32, #tpu.memory_space<vmem>>, vector<1x1x1000x128xf32>
    %get3A_124 = vector.shape_cast %get3A_123 : vector<1x1x1000x128xf32> to vector<1000x128xf32>
    %get3A_125 = arith.constant 1 : index
    %get3A_126 = arith.constant 3 : index
    %get3A_127 = arith.constant 0 : index
    %get3A_128 = arith.constant 0 : index
    %get3A_129 = vector.load %arg2[%get3A_125, %get3A_126, %get3A_127, %get3A_128] : memref<2x4x1000x128xf32, #tpu.memory_space<vmem>>, vector<1x1x1000x128xf32>
    %get3A_130 = vector.shape_cast %get3A_129 : vector<1x1x1000x128xf32> to vector<1000x128xf32>
    %add3A_131 = arith.addf %get3A_124, %get3A_130 : vector<1000x128xf32>
    %concatenate3A_132 = tpu.concatenate %add3A_92, %add3A_105, %add3A_118, %add3A_131 in 1 : vector<1000x128xf32>, vector<1000x128xf32>, vector<1000x128xf32>, vector<1000x128xf32> -> vector<1000x512xf32>
    %get3A_133 = arith.constant 0 : index
    %get3A_134 = arith.constant 0 : index
    %get3A_135 = vector.load %arg8[%get3A_133, %get3A_134] : memref<1024x256xf32, #tpu.memory_space<vmem>>, vector<1024x256xf32>
    %slice3A_136 = vector.extract_strided_slice %get3A_135 {offsets = [0, 0], sizes = [512, 256], strides = [1, 1]} : vector<1024x256xf32> to vector<512x256xf32>
    %dot_general3A_137 = arith.constant dense<0.000000e+00> : vector<1000x256xf32>
    %dot_general3A_138 = tpu.matmul %concatenate3A_132, %slice3A_136, %dot_general3A_137 {dimension_numbers = #tpu.dot_dimension_numbers<[1], [0], [0], [1], [0, 0, 1, 1], [], []>, precision = #tpu.contract_precision<fp32>, transpose_lhs_hint = false} : vector<1000x512xf32>, vector<512x256xf32>, vector<1000x256xf32> -> vector<1000x256xf32>
    %slice3A_139 = vector.extract_strided_slice %get3A_135 {offsets = [512, 0], sizes = [512, 256], strides = [1, 1]} : vector<1024x256xf32> to vector<512x256xf32>
    %dot_general3A_140 = arith.constant dense<0.000000e+00> : vector<1000x256xf32>
    %dot_general3A_141 = tpu.matmul %concatenate3A, %slice3A_139, %dot_general3A_140 {dimension_numbers = #tpu.dot_dimension_numbers<[1], [0], [0], [1], [0, 0, 1, 1], [], []>, precision = #tpu.contract_precision<fp32>, transpose_lhs_hint = false} : vector<1000x512xf32>, vector<512x256xf32>, vector<1000x256xf32> -> vector<1000x256xf32>
    %add3A_142 = arith.addf %dot_general3A_138, %dot_general3A_141 : vector<1000x256xf32>
    %max3A_143 = arith.constant 0.000000e+00 : f32
    %max3A_144 = vector.broadcast %max3A_143 : f32 to vector<1000x256xf32>
    %max3A_145 = arith.maximumf %add3A_142, %max3A_144 : vector<1000x256xf32>
    %slice3A_146 = vector.extract_strided_slice %max3A_145 {offsets = [0, 0], sizes = [1000, 128], strides = [1, 1]} : vector<1000x256xf32> to vector<1000x128xf32>
    %swap3A_147 = arith.constant 0 : index
    %swap3A_148 = arith.constant 0 : index
    %swap3A_149 = vector.load %arg11[%swap3A_147, %swap3A_148] : memref<1000x128xf32, #tpu.memory_space<vmem>>, vector<1000x128xf32>
    tpu.vector_store %arg11[%swap3A_147, %swap3A_148], %slice3A_146 {strides = array<i32>} : memref<1000x128xf32, #tpu.memory_space<vmem>>, vector<1000x128xf32>,
    %slice3A_150 = vector.extract_strided_slice %max3A_145 {offsets = [0, 128], sizes = [1000, 128], strides = [1, 1]} : vector<1000x256xf32> to vector<1000x128xf32>
    %swap3A_151 = arith.constant 0 : index
    %swap3A_152 = arith.constant 0 : index
    %swap3A_153 = vector.load %arg12[%swap3A_151, %swap3A_152] : memref<1000x128xf32, #tpu.memory_space<vmem>>, vector<1000x128xf32>
    tpu.vector_store %arg12[%swap3A_151, %swap3A_152], %slice3A_150 {strides = array<i32>} : memref<1000x128xf32, #tpu.memory_space<vmem>>, vector<1000x128xf32>,
    return
  }
  func.func @transform_0(%arg0: i32) -> (i32, i32, i32, i32) {
    %c0_i32 = arith.constant 0 : i32
    %c0_i32_0 = arith.constant 0 : i32
    %c0_i32_1 = arith.constant 0 : i32
    %c0_i32_2 = arith.constant 0 : i32
    return %c0_i32, %c0_i32_0, %arg0, %c0_i32_1 : i32, i32, i32, i32
  }
  func.func @transform_1(%arg0: i32) -> (i32, i32, i32, i32) {
    %c0_i32 = arith.constant 0 : i32
    %c0_i32_0 = arith.constant 0 : i32
    %c0_i32_1 = arith.constant 0 : i32
    %c0_i32_2 = arith.constant 0 : i32
    return %c0_i32, %c0_i32_0, %arg0, %c0_i32_1 : i32, i32, i32, i32
  }
  func.func @transform_2(%arg0: i32) -> (i32, i32) {
    %c0_i32 = arith.constant 0 : i32
    %c0_i32_0 = arith.constant 0 : i32
    return %arg0, %c0_i32 : i32, i32
  }
  func.func @transform_3(%arg0: i32) -> (i32, i32) {
    %c0_i32 = arith.constant 0 : i32
    %c0_i32_0 = arith.constant 0 : i32
    return %arg0, %c0_i32 : i32, i32
  }
  func.func @transform_4(%arg0: i32) -> (i32, i32) {
    %c0_i32 = arith.constant 0 : i32
    %c0_i32_0 = arith.constant 0 : i32
    return %arg0, %c0_i32 : i32, i32
  }
  func.func @transform_5(%arg0: i32) -> (i32, i32) {
    %c0_i32 = arith.constant 0 : i32
    %c0_i32_0 = arith.constant 0 : i32
    return %arg0, %c0_i32 : i32, i32
  }
  func.func @transform_6(%arg0: i32) -> (i32, i32) {
    %c0_i32 = arith.constant 0 : i32
    %c0_i32_0 = arith.constant 0 : i32
    %c0_i32_1 = arith.constant 0 : i32
    return %c0_i32, %c0_i32_0 : i32, i32
  }
  func.func @transform_7(%arg0: i32) -> (i32, i32) {
    %c0_i32 = arith.constant 0 : i32
    %c0_i32_0 = arith.constant 0 : i32
    %c0_i32_1 = arith.constant 0 : i32
    return %c0_i32, %c0_i32_0 : i32, i32
  }
  func.func @transform_8(%arg0: i32) -> (i32, i32) {
    %c0_i32 = arith.constant 0 : i32
    %c0_i32_0 = arith.constant 0 : i32
    return %arg0, %c0_i32 : i32, i32
  }
  func.func @transform_9(%arg0: i32) -> (i32, i32) {
    %c0_i32 = arith.constant 0 : i32
    %c0_i32_0 = arith.constant 0 : i32
    return %arg0, %c0_i32 : i32, i32
  }
  func.func @transform_10(%arg0: i32) -> (i32, i32) {
    %c0_i32 = arith.constant 0 : i32
    %c0_i32_0 = arith.constant 0 : i32
    return %arg0, %c0_i32 : i32, i32
  }
  func.func @transform_11(%arg0: i32) -> (i32, i32) {
    %c0_i32 = arith.constant 0 : i32
    %c0_i32_0 = arith.constant 0 : i32
    return %arg0, %c0_i32 : i32, i32
  }
}

</mosaic_0001>

<sc_bundles>
// kernel: kernel.6.cloned.1.call-start
scs
__scs_entry_jumppad:
0x0: {  	(pc) =	sbr.rel $0x88, $3  }
0x1: {  	(tag) =	ssettag $0x0;
	lr =	simm.s32 $0x1  }
0x2: {  	[smem:$0x3F9A] =	sst lr;
	_ =	strace $0xD0000000  }
0x3: {  	_ = 	snop  }
0x4: {  	_ = 	snop  }
0x5: {  	_ = 	snop  }
0x6: {  	_ = 	snop  }
0x7: {  	_ = 	snop  }
__scs_overlays_trampoline_lowered:
0x8: {  	[smem:$0x3FA9] =	sst s0  }
0x9: {  	[smem:$0x3FAA] =	sst s1  }
0xa: {  	[smem:$0x3FAB] =	sst s2  }
0xb: {  	[smem:$0x3FAC] =	sst s3  }
0xc: {  	[smem:$0x3FAD] =	sst s4  }
0xd: {  	[smem:$0x3FAE] =	sst s5  }
0xe: {  	[smem:$0x3FAF] =	sst s6  }
0xf: {  	[smem:$0x3FB0] =	sst s7  }
0x10: {  	[smem:$0x3FB1] =	sst s8  }
0x11: {  	[smem:$0x3FB2] =	sst s9;
	s0 =	simm.s32 @!p0 $0x0  }
0x12: {  	s1 =	sld [smem:$0x3F98];
	s0 =	simm.s32 @p0 $0x1  }
0x13: {  	[smem:$0x3FB3] =	sst s0;
	s0 =	simm.s32 @!p1 $0x0  }
0x14: {  	s2 =	sld [smem:$0x3F97];
	s0 =	simm.s32 @p1 $0x1  }
0x15: {  	[smem:$0x3FB4] =	sst s0;
	s0 =	simm.s32 @!p2 $0x0  }
0x16: {  	s3 =	sld [smem:$0x3FDB];
	s0 =	simm.s32 @p2 $0x1  }
0x17: {  	s4 =	simm.s32 $0x1BF5;
	[smem:$0x3FB6] =	sst s0  }
0x18: {  	s0 =	sld [smem:$0x3F99];
	_ =	swait.ge [sflag:s4], $0x0  }
0x19: {  	s7 =	sld [smem:$0x3F9A]  }
0x1a: {  	s8 =	sadd.s32 $0xFFFFE003, lr  }
0x1b: {  	s9 =	sadd.s32 $0xFFFFFEF7, lr;
	s5 =	simm.s32 $0xFFFFFFFF;
	p2 =	slt.u32 s8, $0xFFFFF086  }
0x1c: {  	p1 =	slt.u32 s9, $0xF7A;
	s5 =	simm.s32 @!p2 $0x0  }
0x1d: {  	s5 =	simm.s32 @p1 $0x1;
	p0 =	seq.s32 s7, s2  }
0x1e: {  	s7 =	smul.u32 @!p0 $0xF7A, s2;
	p2 =	seq.s32 @!p0 s5, $0x0  }
0x1f: {  	s9 =	smul.u32 $0xF7A, s1;
	s8 =	simm.s32 @!p0 $0x1BF5;
	p2 =	por !p2, p0  }
0x20: {  	[sflag:s8] =	ssyncset.s32 @!p0 $0xFFFFF086;
	s6 =	sadd.s32 @!p0 s3, s7;
	s7 =	simm.s32 @!p0 $0x108  }
0x21: {  	s3 =	sadd.s32 s3, s9;
	s6 =	sadd.s32 @!p0 $0x88, s6;
	s7 =	simm.s32 @p2 $0x1082  }
0x22: {  	[simem:s7], [sflag:s8] =	dma.local @!p0 [hbm:s6], $0xF7A  }
0x23: {  	s9 =	sor.u32 $0xD0000000, s2;
	s6 =	simm.s32 $0x108;
	_ =	swait.ge @!p0 [sflag:s8], $0x0  }
0x24: {  	s3 =	sadd.s32 $0x88, s3;
	s6 =	simm.s32 @!p1 $0x1082;
	[sflag:s4] =	ssyncset.s32 $0xFFFFF086  }
0x25: {  	[simem:s6], [sflag:s4] =	dma.local [hbm:s3], $0xF7A  }
0x26: {  	[smem:$0x3F9A] =	sst s1;
	(tag) =	ssettag s2;
	_ =	strace s9  }
0x27: {  	s1 =	sld [smem:$0x3FAA]  }
0x28: {  	s2 =	sld [smem:$0x3FAB]  }
0x29: {  	s4 =	sld [smem:$0x3FAD]  }
0x2a: {  	p0 =	seq.s32 s5, $0x0;
	s5 =	sld [smem:$0x3FAE]  }
0x2b: {  	s6 =	sld [smem:$0x3FAF]  }
0x2c: {  	s7 =	sld [smem:$0x3FB0]  }
0x2d: {  	s3 =	simm.s32 $0x108;
	s8 =	sld [smem:$0x3FB1]  }
0x2e: {  	s3 =	simm.s32 @!p0 $0x1082;
	s9 =	sld [smem:$0x3FB2]  }
0x2f: {  	lr =	sadd.s32 s0, s3;
	s0 =	sld [smem:$0x3FA9]  }
0x30: {  	s3 =	sld [smem:$0x3FAC]  }
0x31: {  	[smem:$0x3FB5] =	sst s10  }
0x32: {  	s10 =	sld [smem:$0x3FB3];
	_ =	sdelay $0x3  }
0x33: {  	p0 =	seq.s32 s10, $0x1;
	s10 =	sld [smem:$0x3FB5];
	_ =	sdelay $0x3  }
0x34: {  	[smem:$0x3FB5] =	sst s10  }
0x35: {  	s10 =	sld [smem:$0x3FB4];
	_ =	sdelay $0x3  }
0x36: {  	p1 =	seq.s32 s10, $0x1;
	s10 =	sld [smem:$0x3FB5];
	_ =	sdelay $0x3  }
0x37: {  	[smem:$0x3FB5] =	sst s10  }
0x38: {  	s10 =	sld [smem:$0x3FB6]  }
0x39: {  	_ = 	snop;
	(pc) =	sbr.ind lr, $3  }
0x3a: {  	_ = 	snop  }
0x3b: {  	_ = 	snop  }
0x3c: {  	p2 =	seq.s32 s10, $0x1;
	s10 =	sld [smem:$0x3FB5]  }
0x3d: {  	_ =	shalt  }
0x3e: {  	_ =	shalt  }
0x3f: {  	_ =	shalt  }
0x40: {  	_ =	shalt  }
0x41: {  	_ =	shalt  }
0x42: {  	_ =	shalt  }
0x43: {  	_ =	shalt  }
0x44: {  	_ =	shalt  }
0x45: {  	_ =	shalt  }
0x46: {  	_ =	shalt  }
0x47: {  	_ =	shalt  }
0x48: {  	_ =	shalt  }
0x49: {  	_ =	shalt  }
0x4a: {  	_ =	shalt  }
0x4b: {  	_ =	shalt  }
0x4c: {  	_ =	shalt  }
0x4d: {  	_ =	shalt  }
0x4e: {  	_ =	shalt  }
0x4f: {  	_ =	shalt  }
0x50: {  	_ =	shalt  }
0x51: {  	_ =	shalt  }
0x52: {  	_ =	shalt  }
0x53: {  	_ =	shalt  }
0x54: {  	_ =	shalt  }
0x55: {  	_ =	shalt  }
0x56: {  	_ =	shalt  }
0x57: {  	_ =	shalt  }
0x58: {  	_ =	shalt  }
0x59: {  	_ =	shalt  }
0x5a: {  	_ =	shalt  }
0x5b: {  	_ =	shalt  }
0x5c: {  	_ =	shalt  }
0x5d: {  	_ =	shalt  }
0x5e: {  	_ =	shalt  }
0x5f: {  	_ =	shalt  }
0x60: {  	_ =	shalt  }
0x61: {  	_ =	shalt  }
0x62: {  	_ =	shalt  }
0x63: {  	_ =	shalt  }
0x64: {  	_ =	shalt  }
0x65: {  	_ =	shalt  }
0x66: {  	_ =	shalt  }
0x67: {  	_ =	shalt  }
0x68: {  	_ =	shalt  }
0x69: {  	_ =	shalt  }
0x6a: {  	_ =	shalt  }
0x6b: {  	_ =	shalt  }
0x6c: {  	_ =	shalt  }
0x6d: {  	_ =	shalt  }
0x6e: {  	_ =	shalt  }
0x6f: {  	_ =	shalt  }
0x70: {  	_ =	shalt  }
0x71: {  	_ =	shalt  }
0x72: {  	_ =	shalt  }
0x73: {  	_ =	shalt  }
0x74: {  	_ =	shalt  }
0x75: {  	_ =	shalt  }
0x76: {  	_ =	shalt  }
0x77: {  	_ =	shalt  }
0x78: {  	_ =	shalt  }
0x79: {  	_ =	shalt  }
0x7a: {  	_ =	shalt  }
0x7b: {  	_ =	shalt  }
0x7c: {  	_ =	shalt  }
0x7d: {  	_ =	shalt  }
0x7e: {  	_ =	shalt  }
0x7f: {  	_ =	shalt  }
0x80: {  	_ =	shalt  }
0x81: {  	_ =	shalt  }
0x82: {  	_ =	shalt  }
0x83: {  	_ =	shalt  }
0x84: {  	_ =	shalt  }
0x85: {  	_ =	shalt  }
0x86: {  	_ =	shalt  }
0x87: {  	_ =	shalt  }
.Lfunc_end0:
.L_simem_size_0:
called_computation_lowered:
.L_overlay_start_0:
0x88: {  	s2 =	sld [smem:$0x3FD9]  }
0x89: {  	s3 =	sld [smem:$0x3FFE];
	_ =	sdelay $0x1  }
0x8a: {  	s1 =	srdreg.scid  }
0x8b: {  	s0 =	sand.u32 $0x1, s1  }
0x8c: {  	s17 =	sshll.u32 s0, $0xA;
	s2 =	sadd.s32 s3, s2  }
0x8d: {  	s2 =	sadd.s32 s2, s17  }
0x8e: {  	[smem:$0x3FC1] =	sst s2  }
0x8f: {  	_ = 	snop  }
0x90: {  	s2 =	sld [smem:$0x3FD0];
	(tm) =	ssettm $0x1  }
0x91: {  	s18 =	sld [smem:$0x3FFB];
	_ =	sdelay $0x3  }
0x92: {  	_ =	strace s18  }
0x93: {  	s3 =	sld [smem:$0x3FFC];
	_ =	sdelay $0x3  }
0x94: {  	_ =	strace s3  }
0x95: {  	s3 =	sld [smem:$0x3FFD];
	_ =	sdelay $0x3  }
0x96: {  	_ =	strace s3  }
0x97: {  	_ =	strace $0x8FFFFFFF  }
0x98: {  	s19 =	sld [smem:$0x3FDB];
	_ =	sdelay $0x1  }
0x99: {  	s4 =	simm.s32 $_scs_section_size  }
0x9a: {  	s5 =	simm.s32 $_size__tile_overlayer_lowered;
	s6 =	simm.s32 $_tile_overlayer_lowered  }
0x9b: {  	s22 =	simm.s32 $0x1BFF;
	s21 =	sshll.u32 s6, $0x1;
	s3 =	sadd.s32 s4, s19  }
0x9c: {  	s7 =	simm.s32 $0x0;
	s20 =	sshll.u32 s5, $0x1;
	s5 =	sadd.s32 s21, s3  }
0x9d: {  	[timem:s7], [sflag:s22] =	dma.local [hbm:s5], s20  }
0x9e: {  	_ =	swait.ge [sflag:s22], s20  }
0x9f: {  	s4 =	ssub.s32 $0x0, s20;
	[sflag:s22] =	ssyncset.done $0x0  }
0xa0: {  	[sflag:s22] =	ssyncadd.s32 s4;
	_ =	sdelay $0x1  }
0xa1: {  	s23 =	simm.s32 $0x1B8B  }
0xa2: {  	_ =	swait.ge [sflag:s23], $0x1  }
0xa3: {  	[sflag:s23] =	ssyncset.done $0x0  }
0xa4: {  	s25 =	simm.s32 $0x1B8E;
	s24 =	sld [smem:$0x3FFE];
	[sflag:s23] =	ssyncadd.s32 $0xFFFFFFFF  }
0xa5: {  	s26 =	simm.s32 $execute0_lowered;
	[smem:$0x3FD2] =	sst s25  }
0xa6: {  	s5 =	sshll.u32 s26, $0x1;
	_ =	strace $0x80000046;
	[dreg:$0x1] =	wrdreg $0xFFFFFFFF  }
0xa7: {  	s28 =	simm.s32 $_size_execute0_lowered;
	s3 =	sadd.s32 s3, s5;
	[dreg:$0x0] =	wrdreg $0x0  }
0xa8: {  	s5 =	sshll.u32 s28, $0x1;
	[dreg:$0x2] =	wrdreg s3  }
0xa9: {  	[dreg:$0x3] =	wrdreg s5  }
0xaa: {  	[dreg:$0x4] =	wrdreg $0xC0  }
0xab: {  	_ =	task [dreg:s7], $0x5FFFF  }
0xac: {  	[dreg:$0x1] =	wrdreg $0xFFFFFFFF  }
0xad: {  	[dreg:$0x0] =	wrdreg $0x60  }
0xae: {  	[dreg:$0x2] =	wrdreg s24  }
0xaf: {  	[dreg:$0x3] =	wrdreg s2  }
0xb0: {  	[dreg:$0x4] =	wrdreg $0xA8000  }
0xb1: {  	[dreg:$0x5] =	wrdreg $0x9  }
0xb2: {  	_ =	task.clear_ibuf [dreg:s7], $0x6FFFF;
	_ =	strace $0x90000046  }
0xb3: {  	s29 =	simm.s32 $0x9;
	_ =	strace $0x80000048  }
0xb4: {  	_ =	swait.ge [sflag:s29], $0x1  }
0xb5: {  	[sflag:s29] =	ssyncadd.s32 $0xFFFFFFFF  }
0xb6: {  	_ =	strace $0x90000048  }
0xb7: {  	_ =	sfence  }
0xb8: {  	s30 =	sld [smem:$0x0];
	_ =	sdelay $0x2  }
0xb9: {  	s31 =	sshll.u32 s1, $0xD;
	s1 =	sshrl.u32 s1, $0x2  }
0xba: {  	s3 =	sand.u32 $0x4000, s31;
	s1 =	sadd.s32 s1, s30  }
0xbb: {  	s0 =	sor.u32 s3, s0;
	s1 =	sshll.u32 s1, $0x11  }
0xbc: {  	s0 =	sor.u32 s1, s0  }
0xbd: {  	s0 =	sadd.s32 $0x8F2B, s0  }
0xbe: {  	[sflag:s0] =	ssyncadd.remote.s32 $0x1  }
0xbf: {  	_ =	sfence.sel $0xFFFF  }
0xc0: {  	[dreg:$0x0] =	wrdreg $0xFFFFFFFF;
	(pc) =	sbr.abs _section_cstart, $3  }
0xc1: {  	[dreg:$0x1] =	wrdreg $0xFFFFFFFF  }
0xc2: {  	_ =	task.clear_ibuf [dreg:s7], $0x2FFFF;
	_ =	strace $0x9FFFFFFF  }
0xc3: {  	(tm) =	ssettm $0x7FFFFFFF  }
tec
execute0_lowered:
.L_overlay_start_1:
0x0: {  	(tag) =	ssettag $0x1  }
0x1: {  	s1 =	rddreg [dreg:$0x0]  }
0x2: {  	s0 =	srdreg.scid;
	s2 =	rddreg [dreg:$0x1]  }
0x3: {  	s11 =	stileid.u32;
	s3 =	rddreg [dreg:$0x2]  }
0x4: {  	s21 =	simm.s32 $0x3;
	s28 =	simm.s32 $0x2;
	s29 =	simm.s32 $0x1380  }
0x5: {  	s30 =	simm.s32 $0x2700;
	s31 =	simm.s32 $0x2780;
	s0 =	sand.u32 $0x1, s0  }
0x6: {  	s6 =	sadd.s32 $0x1800, s1;
	s8 =	smul.u32 $0x50000, s11;
	s15 =	sadd.s32 $0x3D200, s1  }
0x7: {  	s4 =	sshll.u32 s0, $0x4;
	s9 =	ssub.s32 $0x2, s0;
	s0 =	smul.u32 $0x280000, s0  }
0x8: {  	s5 =	sor.u32 s11, s4;
	s4 =	simm.s32 $0x0;
	s11 =	smul.u32 $0x14000, s11  }
0x9: {  	s10 =	sshrl.u32 s9, $0x1;
	s8 =	sshrl.u32 s8, $0x2;
	s5 =	smul.u32 $0x280, s5  }
0xa: {  	[smem:$0x7FF] =	sst s4;
	s20 =	ssub.s32 s9, s10;
	s9 =	sadd.s32 s8, s3  }
0xb: {  	_ =	strace $0x80000047;
	s0 =	sadd.s32 s11, s0;
	s10 =	sadd.s32 $0x4000, s9  }
0xc: {  	s11 =	sadd.s32 $0x8000, s9;
	s12 =	sadd.s32 $0xC000, s9;
	s13 =	sadd.s32 $0x10000, s9  }
0xd: {  	s20 =	smax.u32 s20, $0x1;
	s7 =	sadd.s32 s5, s1;
	s5 =	sadd.s32 $0x3CA00, s1  }
0xe: {  	s1 =	sadd.s32 $0xDD200, s1;
	s0 =	sshrl.u32 s0, $0x3;
	s22 =	sadd.s32 $0x2DA00, s7  }
0xf: {  	s23 =	sadd.s32 $0x28A00, s7;
	s24 =	sadd.s32 $0x28000, s0;
	[dreg:$0x4] =	wrdreg s22  }
0x10: {  	s14 =	sadd.s32 s15, s0;
	s26 =	sadd.s32 $0x37A00, s7;
	[dreg:$0x5] =	wrdreg s23  }
0x11: {  	s17 =	sadd.s32 $0x32A00, s7;
	s18 =	sadd.s32 s1, s0;
	[dreg:$0x6] =	wrdreg s14  }
0x12: {  	s25 =	sadd.s32 s15, s24;
	[dreg:$0x8] =	wrdreg s26;
	s19 =	sadd.s32 s1, s24  }
0x13: {  	s23 =	simm.s32 $0x2800;
	s24 =	simm.s32 $0x80;
	s26 =	simm.s32 $0x1  }
0x14: {  	s1 =	simm.s32 $0x0;
	[dreg:$0x7] =	wrdreg s25;
	s25 =	simm.s32 $0x6800  }
.LBB2_1:
0x15: {  	s0 =	rddreg [dreg:$0x4]  }
0x16: {  	[tilespmem:s4], [sflag:$0x3] =	stream.linear.gather [hbm4b:s0+s4], $0x1400, $0x38;
	[tilespmem:$0x1E800] =	vst v63  }
0x17: {  	_ =	swait.ge [sflag:s21], $0x1400  }
0x18: {  	[sflag:s21] =	ssyncset.done $0x0  }
0x19: {  	s7 =	simm.s32 $0x1400;
	s8 =	rddreg [dreg:$0x5];
	[sflag:s21] =	ssyncadd.s32 $0xFFFFEC00  }
0x1a: {  	[tilespmem:s7], [sflag:$0x3] =	stream.linear.gather [hbm4b:s8+s4], $0x1400, $0x38;
	[tilespmem:$0x1E800] =	vst v63  }
0x1b: {  	_ =	swait.ge [sflag:s21], $0x1400  }
0x1c: {  	[sflag:s21] =	ssyncset.done $0x0  }
0x1d: {  	[sflag:s21] =	ssyncadd.s32 $0xFFFFEC00  }
0x1e: {  	[tilespmem:s23], [sflag:$0x3] =	stream.linear.gather [hbm4b:s5+s4], $0x4000, $0x38;
	[tilespmem:$0x1E800] =	vst v63  }
0x1f: {  	_ =	swait.ge [sflag:s21], $0x4000  }
0x20: {  	[sflag:s21] =	ssyncset.done $0x0  }
0x21: {  	[sflag:s21] =	ssyncadd.s32 $0xFFFFC000  }
0x22: {  	[spmem:s9] =	stream.linear.scatter [tilespmem:s23], [sflag:$0x3], $0x4000, $0x38;
	[tilespmem:$0x1E800] =	vst v63  }
0x23: {  	_ =	swait.ge [sflag:s21], $0x4000  }
0x24: {  	[sflag:s21] =	ssyncset.done $0x0  }
0x25: {  	[sflag:s21] =	ssyncadd.s32 $0xFFFFC000  }
0x26: {  	[spmem:s10] =	stream.linear.scatter [tilespmem:s23], [sflag:$0x3], $0x4000, $0x38;
	[tilespmem:$0x1E800] =	vst v63  }
0x27: {  	_ =	swait.ge [sflag:s21], $0x4000  }
0x28: {  	[sflag:s21] =	ssyncset.done $0x0  }
0x29: {  	[sflag:s21] =	ssyncadd.s32 $0xFFFFC000  }
0x2a: {  	[spmem:s11] =	stream.linear.scatter [tilespmem:s23], [sflag:$0x3], $0x4000, $0x38;
	[tilespmem:$0x1E800] =	vst v63  }
0x2b: {  	_ =	swait.ge [sflag:s21], $0x4000  }
0x2c: {  	[sflag:s21] =	ssyncset.done $0x0  }
0x2d: {  	[sflag:s21] =	ssyncadd.s32 $0xFFFFC000  }
0x2e: {  	[spmem:s12] =	stream.linear.scatter [tilespmem:s23], [sflag:$0x3], $0x4000, $0x38;
	[tilespmem:$0x1E800] =	vst v63  }
0x2f: {  	_ =	swait.ge [sflag:s21], $0x4000  }
0x30: {  	[sflag:s21] =	ssyncset.done $0x0  }
0x31: {  	[sflag:s21] =	ssyncadd.s32 $0xFFFFC000  }
0x32: {  	[spmem:s13] =	stream.linear.scatter [tilespmem:s23], [sflag:$0x3], $0x4000, $0x38;
	[tilespmem:$0x1E800] =	vst v63  }
0x33: {  	_ =	swait.ge [sflag:s21], $0x4000  }
0x34: {  	[sflag:s21] =	ssyncset.done $0x0  }
0x35: {  	[sflag:s21] =	ssyncadd.s32 $0xFFFFC000  }
0x36: {  	[bflag:$0x0] =	sbarrier.arrive $0xFFFF  }
0x37: {  	[tilespmem:s23], [sflag:$0x1] =	stream.indirect.gather [hbm4b:s6+s24], $0x80, s4, s24, $0xb8;
	[tilespmem:$0x1E800] =	vst v63  }
0x38: {  	s14 =	simm.s32 $0x80  }
0x39: {  	[tilespmem:s25], [sflag:$0x2] =	stream.indirect.gather [hbm4b:s6+s24], $0x80, s14, s24, $0xb8;
	[tilespmem:$0x1E800] =	vst v63  }
0x3a: {  	_ =	swait.ge [sflag:s26], $0x4000  }
0x3b: {  	[sflag:s26] =	ssyncset.done $0x0  }
0x3c: {  	s15 =	simm.s32 $0x1400;
	[sflag:s26] =	ssyncadd.s32 $0xFFFFC000  }
0x3d: {  	[spmem:s3] =	stream.indirect.scatter.add.f32 [tilespmem:s23], [sflag:$0x3], $0x80, s15, s24, $0xb8;
	[tilespmem:$0x1E800] =	vst v63  }
0x3e: {  	_ =	swait.ge [sflag:s21], $0x4000  }
0x3f: {  	[sflag:s21] =	ssyncset.done $0x0  }
0x40: {  	s16 =	simm.s32 $0x100;
	[sflag:s21] =	ssyncadd.s32 $0xFFFFC000  }
0x41: {  	[tilespmem:s23], [sflag:$0x1] =	stream.indirect.gather [hbm4b:s6+s24], $0x80, s16, s24, $0xb8;
	[tilespmem:$0x1E800] =	vst v63  }
0x42: {  	_ =	swait.ge [sflag:s28], $0x4000  }
0x43: {  	[sflag:s28] =	ssyncset.done $0x0  }
0x44: {  	s22 =	simm.s32 $0x1480;
	[sflag:s28] =	ssyncadd.s32 $0xFFFFC000  }
0x45: {  	[spmem:s3] =	stream.indirect.scatter.add.f32 [tilespmem:s25], [sflag:$0x3], $0x80, s22, s24, $0xb8;
	[tilespmem:$0x1E800] =	vst v63  }
0x46: {  	_ =	swait.ge [sflag:s21], $0x4000  }
0x47: {  	s0 =	simm.s32 $0x100;
	s7 =	simm.s32 $0x800;
	[sflag:s21] =	ssyncset.done $0x0  }
.LBB2_2:
0x48: {  	s8 =	sadd.s32 $0x80, s0  }
0x49: {  	[sflag:s21] =	ssyncadd.s32 $0xFFFFC000;
	s22 =	smov.u32 s7;
	s14 =	sadd.s32 $0x400, s7  }
0x4a: {  	[tilespmem:s25], [sflag:$0x2] =	stream.indirect.gather [hbm4b:s6+s24], $0x80, s8, s24, $0xb8;
	[tilespmem:$0x1E800] =	vst v63  }
0x4b: {  	p0 =	sne.s32 s7, $0x4800;
	_ =	swait.ge [sflag:s26], $0x4000  }
0x4c: {  	[sflag:s26] =	ssyncset.done $0x0  }
0x4d: {  	s7 =	sadd.s32 $0x1400, s0;
	[sflag:s26] =	ssyncadd.s32 $0xFFFFC000  }
0x4e: {  	[spmem:s3] =	stream.indirect.scatter.add.f32 [tilespmem:s23], [sflag:$0x3], $0x80, s7, s24, $0xb8;
	[tilespmem:$0x1E800] =	vst v63  }
0x4f: {  	_ =	swait.ge [sflag:s21], $0x4000  }
0x50: {  	[sflag:s21] =	ssyncset.done $0x0  }
0x51: {  	s7 =	sadd.s32 $0x100, s0;
	[sflag:s21] =	ssyncadd.s32 $0xFFFFC000  }
0x52: {  	[tilespmem:s23], [sflag:$0x1] =	stream.indirect.gather [hbm4b:s6+s24], $0x80, s7, s24, $0xb8;
	[tilespmem:$0x1E800] =	vst v63  }
0x53: {  	_ =	swait.ge [sflag:s28], $0x4000  }
.Ltmp0:
0x54: {  	[sflag:s28] =	ssyncset.done $0x0;
	(pc) =	sbr.rel @p0 .LBB2_2-.Ltmp0, $4  }
0x55: {  	s0 =	sadd.s32 $0x1480, s0;
	[sflag:s28] =	ssyncadd.s32 $0xFFFFC000  }
0x56: {  	[spmem:s3] =	stream.indirect.scatter.add.f32 [tilespmem:s25], [sflag:$0x3], $0x80, s0, s24, $0xb8;
	[tilespmem:$0x1E800] =	vst v63  }
0x57: {  	_ =	swait.ge [sflag:s21], $0x4000  }
0x58: {  	s7 =	smov.u32 s14;
	s0 =	sshra.s32 s22, $0x2;
	[sflag:s21] =	ssyncset.done $0x0  }
0x59: {  	s7 =	sadd.s32 $0x80, s0;
	[sflag:s21] =	ssyncadd.s32 $0xFFFFC000  }
0x5a: {  	[tilespmem:s25], [sflag:$0x2] =	stream.indirect.gather [hbm4b:s6+s24], $0x80, s7, s24, $0xb8;
	[tilespmem:$0x1E800] =	vst v63  }
0x5b: {  	_ =	swait.ge [sflag:s26], $0x4000  }
0x5c: {  	[sflag:s26] =	ssyncset.done $0x0  }
0x5d: {  	s8 =	sadd.s32 $0x1400, s0;
	[sflag:s26] =	ssyncadd.s32 $0xFFFFC000  }
0x5e: {  	[spmem:s3] =	stream.indirect.scatter.add.f32 [tilespmem:s23], [sflag:$0x3], $0x80, s8, s24, $0xb8;
	[tilespmem:$0x1E800] =	vst v63  }
0x5f: {  	_ =	swait.ge [sflag:s21], $0x4000  }
0x60: {  	[sflag:s21] =	ssyncset.done $0x0  }
0x61: {  	s14 =	sadd.s32 $0x100, s0;
	[sflag:s21] =	ssyncadd.s32 $0xFFFFC000  }
0x62: {  	[tilespmem:s23], [sflag:$0x1] =	stream.indirect.gather [hbm4b:s6+s24], $0x80, s14, s24, $0xb8;
	[tilespmem:$0x1E800] =	vst v63  }
0x63: {  	_ =	swait.ge [sflag:s28], $0x4000  }
0x64: {  	[sflag:s28] =	ssyncset.done $0x0  }
0x65: {  	s15 =	sadd.s32 $0x1480, s0;
	[sflag:s28] =	ssyncadd.s32 $0xFFFFC000  }
0x66: {  	[spmem:s3] =	stream.indirect.scatter.add.f32 [tilespmem:s25], [sflag:$0x3], $0x80, s15, s24, $0xb8;
	[tilespmem:$0x1E800] =	vst v63  }
0x67: {  	_ =	swait.ge [sflag:s21], $0x4000  }
0x68: {  	[sflag:s21] =	ssyncset.done $0x0  }
0x69: {  	[sflag:s21] =	ssyncadd.s32 $0xFFFFC000  }
0x6a: {  	[tilespmem:s25], [sflag:$0x2] =	stream.indirect.gather [hbm4b:s6+s24], $0x80, s29, s24, $0xb8;
	[tilespmem:$0x1E800] =	vst v63  }
0x6b: {  	_ =	swait.ge [sflag:s26], $0x4000  }
0x6c: {  	[sflag:s26] =	ssyncset.done $0x0  }
0x6d: {  	[sflag:s26] =	ssyncadd.s32 $0xFFFFC000  }
0x6e: {  	[spmem:s3] =	stream.indirect.scatter.add.f32 [tilespmem:s23], [sflag:$0x3], $0x80, s30, s24, $0xb8;
	[tilespmem:$0x1E800] =	vst v63  }
0x6f: {  	_ =	swait.ge [sflag:s21], $0x4000  }
0x70: {  	[sflag:s21] =	ssyncset.done $0x0  }
0x71: {  	[sflag:s21] =	ssyncadd.s32 $0xFFFFC000  }
0x72: {  	_ =	swait.ge [sflag:s28], $0x4000  }
0x73: {  	[sflag:s28] =	ssyncset.done $0x0  }
0x74: {  	[sflag:s28] =	ssyncadd.s32 $0xFFFFC000  }
0x75: {  	[spmem:s3] =	stream.indirect.scatter.add.f32 [tilespmem:s25], [sflag:$0x3], $0x80, s31, s24, $0xb8;
	[tilespmem:$0x1E800] =	vst v63  }
0x76: {  	_ =	swait.ge [sflag:s21], $0x4000  }
0x77: {  	[sflag:s21] =	ssyncset.done $0x0  }
0x78: {  	s16 =	stileid.u32;
	[sflag:s21] =	ssyncadd.s32 $0xFFFFC000  }
0x79: {  	s0 =	sshll.u32 s16, $0x6;
	[bflag:$0x0] =	sbarrier.arrive $0xFFFF  }
0x7a: {  	s7 =	sshrl.u32 s9, $0x3;
	s0 =	sor.u32 $0x1C03, s0;
	s8 =	rddreg [dreg:$0x6]  }
0x7b: {  	[hbm:s8], [sflag:s0] =	dma.local [spmem:s7], $0x2800  }
0x7c: {  	_ =	swait.ge [sflag:s21], $0x2800  }
0x7d: {  	[sflag:s21] =	ssyncset.done $0x0  }
0x7e: {  	[sflag:s21] =	ssyncadd.s32 $0xFFFFD800  }
0x7f: {  	s22 =	simm.s32 $0x0;
	[bflag:$0x0] =	sbarrier.arrive $0xFFFF  }
0x80: {  	[tilespmem:s23], [sflag:$0x3] =	stream.linear.gather [hbm4b:s5+s22], $0x4000, $0x38;
	[tilespmem:$0x1E800] =	vst v63  }
0x81: {  	_ =	swait.ge [sflag:s21], $0x4000  }
0x82: {  	[sflag:s21] =	ssyncset.done $0x0  }
0x83: {  	[sflag:s21] =	ssyncadd.s32 $0xFFFFC000  }
0x84: {  	[spmem:s9] =	stream.linear.scatter [tilespmem:s23], [sflag:$0x3], $0x4000, $0x38;
	[tilespmem:$0x1E800] =	vst v63  }
0x85: {  	_ =	swait.ge [sflag:s21], $0x4000  }
0x86: {  	[sflag:s21] =	ssyncset.done $0x0  }
0x87: {  	[sflag:s21] =	ssyncadd.s32 $0xFFFFC000  }
0x88: {  	[spmem:s10] =	stream.linear.scatter [tilespmem:s23], [sflag:$0x3], $0x4000, $0x38;
	[tilespmem:$0x1E800] =	vst v63  }
0x89: {  	_ =	swait.ge [sflag:s21], $0x4000  }
0x8a: {  	[sflag:s21] =	ssyncset.done $0x0  }
0x8b: {  	[sflag:s21] =	ssyncadd.s32 $0xFFFFC000  }
0x8c: {  	[spmem:s11] =	stream.linear.scatter [tilespmem:s23], [sflag:$0x3], $0x4000, $0x38;
	[tilespmem:$0x1E800] =	vst v63  }
0x8d: {  	_ =	swait.ge [sflag:s21], $0x4000  }
0x8e: {  	[sflag:s21] =	ssyncset.done $0x0  }
0x8f: {  	[sflag:s21] =	ssyncadd.s32 $0xFFFFC000  }
0x90: {  	[spmem:s12] =	stream.linear.scatter [tilespmem:s23], [sflag:$0x3], $0x4000, $0x38;
	[tilespmem:$0x1E800] =	vst v63  }
0x91: {  	_ =	swait.ge [sflag:s21], $0x4000  }
0x92: {  	[sflag:s21] =	ssyncset.done $0x0  }
0x93: {  	[sflag:s21] =	ssyncadd.s32 $0xFFFFC000  }
0x94: {  	[spmem:s13] =	stream.linear.scatter [tilespmem:s23], [sflag:$0x3], $0x4000, $0x38;
	[tilespmem:$0x1E800] =	vst v63  }
0x95: {  	_ =	swait.ge [sflag:s21], $0x4000  }
0x96: {  	[sflag:s21] =	ssyncset.done $0x0  }
0x97: {  	[sflag:s21] =	ssyncadd.s32 $0xFFFFC000  }
0x98: {  	[bflag:$0x0] =	sbarrier.arrive $0xFFFF  }
0x99: {  	[tilespmem:s23], [sflag:$0x1] =	stream.indirect.gather [hbm4b:s2+s24], $0x80, s22, s24, $0xb8;
	[tilespmem:$0x1E800] =	vst v63  }
0x9a: {  	s14 =	simm.s32 $0x80  }
0x9b: {  	[tilespmem:s25], [sflag:$0x2] =	stream.indirect.gather [hbm4b:s2+s24], $0x80, s14, s24, $0xb8;
	[tilespmem:$0x1E800] =	vst v63  }
0x9c: {  	_ =	swait.ge [sflag:s26], $0x4000  }
0x9d: {  	[sflag:s26] =	ssyncset.done $0x0  }
0x9e: {  	s15 =	simm.s32 $0x1400;
	[sflag:s26] =	ssyncadd.s32 $0xFFFFC000  }
0x9f: {  	[spmem:s3] =	stream.indirect.scatter.add.f32 [tilespmem:s23], [sflag:$0x3], $0x80, s15, s24, $0xb8;
	[tilespmem:$0x1E800] =	vst v63  }
0xa0: {  	_ =	swait.ge [sflag:s21], $0x4000  }
0xa1: {  	[sflag:s21] =	ssyncset.done $0x0  }
0xa2: {  	s16 =	simm.s32 $0x100;
	[sflag:s21] =	ssyncadd.s32 $0xFFFFC000  }
0xa3: {  	[tilespmem:s23], [sflag:$0x1] =	stream.indirect.gather [hbm4b:s2+s24], $0x80, s16, s24, $0xb8;
	[tilespmem:$0x1E800] =	vst v63  }
0xa4: {  	_ =	swait.ge [sflag:s28], $0x4000  }
0xa5: {  	[sflag:s28] =	ssyncset.done $0x0  }
0xa6: {  	s22 =	simm.s32 $0x1480;
	[sflag:s28] =	ssyncadd.s32 $0xFFFFC000  }
0xa7: {  	[spmem:s3] =	stream.indirect.scatter.add.f32 [tilespmem:s25], [sflag:$0x3], $0x80, s22, s24, $0xb8;
	[tilespmem:$0x1E800] =	vst v63  }
0xa8: {  	_ =	swait.ge [sflag:s21], $0x4000  }
0xa9: {  	s8 =	simm.s32 $0x100;
	s22 =	simm.s32 $0x800;
	[sflag:s21] =	ssyncset.done $0x0  }
.LBB2_4:
0xaa: {  	s14 =	sadd.s32 $0x80, s8  }
0xab: {  	[sflag:s21] =	ssyncadd.s32 $0xFFFFC000;
	s15 =	smov.u32 s22;
	s16 =	sadd.s32 $0x400, s22  }
0xac: {  	[tilespmem:s25], [sflag:$0x2] =	stream.indirect.gather [hbm4b:s2+s24], $0x80, s14, s24, $0xb8;
	[tilespmem:$0x1E800] =	vst v63  }
0xad: {  	p0 =	sne.s32 s22, $0x4800;
	_ =	swait.ge [sflag:s26], $0x4000  }
0xae: {  	[sflag:s26] =	ssyncset.done $0x0  }
0xaf: {  	s14 =	sadd.s32 $0x1400, s8;
	[sflag:s26] =	ssyncadd.s32 $0xFFFFC000  }
0xb0: {  	[spmem:s3] =	stream.indirect.scatter.add.f32 [tilespmem:s23], [sflag:$0x3], $0x80, s14, s24, $0xb8;
	[tilespmem:$0x1E800] =	vst v63  }
0xb1: {  	_ =	swait.ge [sflag:s21], $0x4000  }
0xb2: {  	[sflag:s21] =	ssyncset.done $0x0  }
0xb3: {  	s14 =	sadd.s32 $0x100, s8;
	[sflag:s21] =	ssyncadd.s32 $0xFFFFC000  }
0xb4: {  	[tilespmem:s23], [sflag:$0x1] =	stream.indirect.gather [hbm4b:s2+s24], $0x80, s14, s24, $0xb8;
	[tilespmem:$0x1E800] =	vst v63  }
0xb5: {  	_ =	swait.ge [sflag:s28], $0x4000  }
.Ltmp1:
0xb6: {  	[sflag:s28] =	ssyncset.done $0x0;
	(pc) =	sbr.rel @p0 .LBB2_4-.Ltmp1, $4  }
0xb7: {  	s8 =	sadd.s32 $0x1480, s8;
	[sflag:s28] =	ssyncadd.s32 $0xFFFFC000  }
0xb8: {  	[spmem:s3] =	stream.indirect.scatter.add.f32 [tilespmem:s25], [sflag:$0x3], $0x80, s8, s24, $0xb8;
	[tilespmem:$0x1E800] =	vst v63  }
0xb9: {  	_ =	swait.ge [sflag:s21], $0x4000  }
0xba: {  	s22 =	smov.u32 s16;
	s8 =	sshra.s32 s15, $0x2;
	[sflag:s21] =	ssyncset.done $0x0  }
0xbb: {  	s14 =	sadd.s32 $0x80, s8;
	[sflag:s21] =	ssyncadd.s32 $0xFFFFC000  }
0xbc: {  	[tilespmem:s25], [sflag:$0x2] =	stream.indirect.gather [hbm4b:s2+s24], $0x80, s14, s24, $0xb8;
	[tilespmem:$0x1E800] =	vst v63  }
0xbd: {  	_ =	swait.ge [sflag:s26], $0x4000  }
0xbe: {  	[sflag:s26] =	ssyncset.done $0x0  }
0xbf: {  	s15 =	sadd.s32 $0x1400, s8;
	[sflag:s26] =	ssyncadd.s32 $0xFFFFC000  }
0xc0: {  	[spmem:s3] =	stream.indirect.scatter.add.f32 [tilespmem:s23], [sflag:$0x3], $0x80, s15, s24, $0xb8;
	[tilespmem:$0x1E800] =	vst v63  }
0xc1: {  	_ =	swait.ge [sflag:s21], $0x4000  }
0xc2: {  	[sflag:s21] =	ssyncset.done $0x0  }
0xc3: {  	s16 =	sadd.s32 $0x100, s8;
	[sflag:s21] =	ssyncadd.s32 $0xFFFFC000  }
0xc4: {  	[tilespmem:s23], [sflag:$0x1] =	stream.indirect.gather [hbm4b:s2+s24], $0x80, s16, s24, $0xb8;
	[tilespmem:$0x1E800] =	vst v63  }
0xc5: {  	_ =	swait.ge [sflag:s28], $0x4000  }
0xc6: {  	[sflag:s28] =	ssyncset.done $0x0  }
0xc7: {  	s22 =	sadd.s32 $0x1480, s8;
	[sflag:s28] =	ssyncadd.s32 $0xFFFFC000  }
0xc8: {  	[spmem:s3] =	stream.indirect.scatter.add.f32 [tilespmem:s25], [sflag:$0x3], $0x80, s22, s24, $0xb8;
	[tilespmem:$0x1E800] =	vst v63  }
0xc9: {  	_ =	swait.ge [sflag:s21], $0x4000  }
0xca: {  	[sflag:s21] =	ssyncset.done $0x0  }
0xcb: {  	[sflag:s21] =	ssyncadd.s32 $0xFFFFC000  }
0xcc: {  	[tilespmem:s25], [sflag:$0x2] =	stream.indirect.gather [hbm4b:s2+s24], $0x80, s29, s24, $0xb8;
	[tilespmem:$0x1E800] =	vst v63  }
0xcd: {  	_ =	swait.ge [sflag:s26], $0x4000  }
0xce: {  	[sflag:s26] =	ssyncset.done $0x0  }
0xcf: {  	[sflag:s26] =	ssyncadd.s32 $0xFFFFC000  }
0xd0: {  	[spmem:s3] =	stream.indirect.scatter.add.f32 [tilespmem:s23], [sflag:$0x3], $0x80, s30, s24, $0xb8;
	[tilespmem:$0x1E800] =	vst v63  }
0xd1: {  	_ =	swait.ge [sflag:s21], $0x4000  }
0xd2: {  	[sflag:s21] =	ssyncset.done $0x0  }
0xd3: {  	[sflag:s21] =	ssyncadd.s32 $0xFFFFC000  }
0xd4: {  	_ =	swait.ge [sflag:s28], $0x4000  }
0xd5: {  	[sflag:s28] =	ssyncset.done $0x0  }
0xd6: {  	[sflag:s28] =	ssyncadd.s32 $0xFFFFC000  }
0xd7: {  	[spmem:s3] =	stream.indirect.scatter.add.f32 [tilespmem:s25], [sflag:$0x3], $0x80, s31, s24, $0xb8;
	[tilespmem:$0x1E800] =	vst v63  }
0xd8: {  	_ =	swait.ge [sflag:s21], $0x4000  }
0xd9: {  	[sflag:s21] =	ssyncset.done $0x0  }
0xda: {  	[sflag:s21] =	ssyncadd.s32 $0xFFFFC000  }
0xdb: {  	[bflag:$0x0] =	sbarrier.arrive $0xFFFF  }
0xdc: {  	s14 =	rddreg [dreg:$0x7]  }
0xdd: {  	[hbm:s14], [sflag:s0] =	dma.local [spmem:s7], $0x2800  }
0xde: {  	_ =	swait.ge [sflag:s21], $0x2800  }
0xdf: {  	[sflag:s21] =	ssyncset.done $0x0  }
0xe0: {  	[sflag:s21] =	ssyncadd.s32 $0xFFFFD800  }
0xe1: {  	[bflag:$0x0] =	sbarrier.arrive $0xFFFF  }
0xe2: {  	s15 =	simm.s32 $0x0;
	s16 =	rddreg [dreg:$0x8]  }
0xe3: {  	[tilespmem:s15], [sflag:$0x3] =	stream.linear.gather [hbm4b:s16+s15], $0x1400, $0x38;
	[tilespmem:$0x1E800] =	vst v63  }
0xe4: {  	_ =	swait.ge [sflag:s21], $0x1400  }
0xe5: {  	[sflag:s21] =	ssyncset.done $0x0  }
0xe6: {  	s22 =	simm.s32 $0x1400;
	[sflag:s21] =	ssyncadd.s32 $0xFFFFEC00  }
0xe7: {  	[tilespmem:s22], [sflag:$0x3] =	stream.linear.gather [hbm4b:s17+s15], $0x1400, $0x38;
	[tilespmem:$0x1E800] =	vst v63  }
0xe8: {  	_ =	swait.ge [sflag:s21], $0x1400  }
0xe9: {  	[sflag:s21] =	ssyncset.done $0x0  }
0xea: {  	[sflag:s21] =	ssyncadd.s32 $0xFFFFEC00  }
0xeb: {  	[tilespmem:s23], [sflag:$0x3] =	stream.linear.gather [hbm4b:s5+s15], $0x4000, $0x38;
	[tilespmem:$0x1E800] =	vst v63  }
0xec: {  	_ =	swait.ge [sflag:s21], $0x4000  }
0xed: {  	[sflag:s21] =	ssyncset.done $0x0  }
0xee: {  	[sflag:s21] =	ssyncadd.s32 $0xFFFFC000  }
0xef: {  	[spmem:s9] =	stream.linear.scatter [tilespmem:s23], [sflag:$0x3], $0x4000, $0x38;
	[tilespmem:$0x1E800] =	vst v63  }
0xf0: {  	_ =	swait.ge [sflag:s21], $0x4000  }
0xf1: {  	[sflag:s21] =	ssyncset.done $0x0  }
0xf2: {  	[sflag:s21] =	ssyncadd.s32 $0xFFFFC000  }
0xf3: {  	[spmem:s10] =	stream.linear.scatter [tilespmem:s23], [sflag:$0x3], $0x4000, $0x38;
	[tilespmem:$0x1E800] =	vst v63  }
0xf4: {  	_ =	swait.ge [sflag:s21], $0x4000  }
0xf5: {  	[sflag:s21] =	ssyncset.done $0x0  }
0xf6: {  	[sflag:s21] =	ssyncadd.s32 $0xFFFFC000  }
0xf7: {  	[spmem:s11] =	stream.linear.scatter [tilespmem:s23], [sflag:$0x3], $0x4000, $0x38;
	[tilespmem:$0x1E800] =	vst v63  }
0xf8: {  	_ =	swait.ge [sflag:s21], $0x4000  }
0xf9: {  	[sflag:s21] =	ssyncset.done $0x0  }
0xfa: {  	[sflag:s21] =	ssyncadd.s32 $0xFFFFC000  }
0xfb: {  	[spmem:s12] =	stream.linear.scatter [tilespmem:s23], [sflag:$0x3], $0x4000, $0x38;
	[tilespmem:$0x1E800] =	vst v63  }
0xfc: {  	_ =	swait.ge [sflag:s21], $0x4000  }
0xfd: {  	[sflag:s21] =	ssyncset.done $0x0  }
0xfe: {  	[sflag:s21] =	ssyncadd.s32 $0xFFFFC000  }
0xff: {  	[spmem:s13] =	stream.linear.scatter [tilespmem:s23], [sflag:$0x3], $0x4000, $0x38;
	[tilespmem:$0x1E800] =	vst v63  }
0x100: {  	_ =	swait.ge [sflag:s21], $0x4000  }
0x101: {  	[sflag:s21] =	ssyncset.done $0x0  }
0x102: {  	[sflag:s21] =	ssyncadd.s32 $0xFFFFC000  }
0x103: {  	[bflag:$0x0] =	sbarrier.arrive $0xFFFF  }
0x104: {  	[tilespmem:s23], [sflag:$0x1] =	stream.indirect.gather [hbm4b:s6+s24], $0x80, s15, s24, $0xb8;
	[tilespmem:$0x1E800] =	vst v63  }
0x105: {  	s14 =	simm.s32 $0x80  }
0x106: {  	[tilespmem:s25], [sflag:$0x2] =	stream.indirect.gather [hbm4b:s6+s24], $0x80, s14, s24, $0xb8;
	[tilespmem:$0x1E800] =	vst v63  }
0x107: {  	_ =	swait.ge [sflag:s26], $0x4000  }
0x108: {  	[sflag:s26] =	ssyncset.done $0x0  }
0x109: {  	s15 =	simm.s32 $0x1400;
	[sflag:s26] =	ssyncadd.s32 $0xFFFFC000  }
0x10a: {  	[spmem:s3] =	stream.indirect.scatter.add.f32 [tilespmem:s23], [sflag:$0x3], $0x80, s15, s24, $0xb8;
	[tilespmem:$0x1E800] =	vst v63  }
0x10b: {  	_ =	swait.ge [sflag:s21], $0x4000  }
0x10c: {  	[sflag:s21] =	ssyncset.done $0x0  }
0x10d: {  	s16 =	simm.s32 $0x100;
	[sflag:s21] =	ssyncadd.s32 $0xFFFFC000  }
0x10e: {  	[tilespmem:s23], [sflag:$0x1] =	stream.indirect.gather [hbm4b:s6+s24], $0x80, s16, s24, $0xb8;
	[tilespmem:$0x1E800] =	vst v63  }
0x10f: {  	_ =	swait.ge [sflag:s28], $0x4000  }
0x110: {  	[sflag:s28] =	ssyncset.done $0x0  }
0x111: {  	s22 =	simm.s32 $0x1480;
	[sflag:s28] =	ssyncadd.s32 $0xFFFFC000  }
0x112: {  	[spmem:s3] =	stream.indirect.scatter.add.f32 [tilespmem:s25], [sflag:$0x3], $0x80, s22, s24, $0xb8;
	[tilespmem:$0x1E800] =	vst v63  }
0x113: {  	_ =	swait.ge [sflag:s21], $0x4000  }
0x114: {  	s8 =	simm.s32 $0x100;
	s22 =	simm.s32 $0x800;
	[sflag:s21] =	ssyncset.done $0x0  }
.LBB2_6:
0x115: {  	s14 =	sadd.s32 $0x80, s8  }
0x116: {  	[sflag:s21] =	ssyncadd.s32 $0xFFFFC000;
	s15 =	smov.u32 s22;
	s16 =	sadd.s32 $0x400, s22  }
0x117: {  	[tilespmem:s25], [sflag:$0x2] =	stream.indirect.gather [hbm4b:s6+s24], $0x80, s14, s24, $0xb8;
	[tilespmem:$0x1E800] =	vst v63  }
0x118: {  	p0 =	sne.s32 s22, $0x4800;
	_ =	swait.ge [sflag:s26], $0x4000  }
0x119: {  	[sflag:s26] =	ssyncset.done $0x0  }
0x11a: {  	s14 =	sadd.s32 $0x1400, s8;
	[sflag:s26] =	ssyncadd.s32 $0xFFFFC000  }
0x11b: {  	[spmem:s3] =	stream.indirect.scatter.add.f32 [tilespmem:s23], [sflag:$0x3], $0x80, s14, s24, $0xb8;
	[tilespmem:$0x1E800] =	vst v63  }
0x11c: {  	_ =	swait.ge [sflag:s21], $0x4000  }
0x11d: {  	[sflag:s21] =	ssyncset.done $0x0  }
0x11e: {  	s14 =	sadd.s32 $0x100, s8;
	[sflag:s21] =	ssyncadd.s32 $0xFFFFC000  }
0x11f: {  	[tilespmem:s23], [sflag:$0x1] =	stream.indirect.gather [hbm4b:s6+s24], $0x80, s14, s24, $0xb8;
	[tilespmem:$0x1E800] =	vst v63  }
0x120: {  	_ =	swait.ge [sflag:s28], $0x4000  }
.Ltmp2:
0x121: {  	[sflag:s28] =	ssyncset.done $0x0;
	(pc) =	sbr.rel @p0 .LBB2_6-.Ltmp2, $4  }
0x122: {  	s8 =	sadd.s32 $0x1480, s8;
	[sflag:s28] =	ssyncadd.s32 $0xFFFFC000  }
0x123: {  	[spmem:s3] =	stream.indirect.scatter.add.f32 [tilespmem:s25], [sflag:$0x3], $0x80, s8, s24, $0xb8;
	[tilespmem:$0x1E800] =	vst v63  }
0x124: {  	_ =	swait.ge [sflag:s21], $0x4000  }
0x125: {  	s22 =	smov.u32 s16;
	s8 =	sshra.s32 s15, $0x2;
	[sflag:s21] =	ssyncset.done $0x0  }
0x126: {  	s14 =	sadd.s32 $0x80, s8;
	[sflag:s21] =	ssyncadd.s32 $0xFFFFC000  }
0x127: {  	[tilespmem:s25], [sflag:$0x2] =	stream.indirect.gather [hbm4b:s6+s24], $0x80, s14, s24, $0xb8;
	[tilespmem:$0x1E800] =	vst v63  }
0x128: {  	_ =	swait.ge [sflag:s26], $0x4000  }
0x129: {  	[sflag:s26] =	ssyncset.done $0x0  }
0x12a: {  	s22 =	sadd.s32 $0x1400, s8;
	[sflag:s26] =	ssyncadd.s32 $0xFFFFC000  }
0x12b: {  	[spmem:s3] =	stream.indirect.scatter.add.f32 [tilespmem:s23], [sflag:$0x3], $0x80, s22, s24, $0xb8;
	[tilespmem:$0x1E800] =	vst v63  }
0x12c: {  	_ =	swait.ge [sflag:s21], $0x4000  }
0x12d: {  	[sflag:s21] =	ssyncset.done $0x0  }
0x12e: {  	s15 =	sadd.s32 $0x100, s8;
	[sflag:s21] =	ssyncadd.s32 $0xFFFFC000  }
0x12f: {  	[tilespmem:s23], [sflag:$0x1] =	stream.indirect.gather [hbm4b:s6+s24], $0x80, s15, s24, $0xb8;
	[tilespmem:$0x1E800] =	vst v63  }
0x130: {  	_ =	swait.ge [sflag:s28], $0x4000  }
0x131: {  	[sflag:s28] =	ssyncset.done $0x0  }
0x132: {  	s16 =	sadd.s32 $0x1480, s8;
	[sflag:s28] =	ssyncadd.s32 $0xFFFFC000  }
0x133: {  	[spmem:s3] =	stream.indirect.scatter.add.f32 [tilespmem:s25], [sflag:$0x3], $0x80, s16, s24, $0xb8;
	[tilespmem:$0x1E800] =	vst v63  }
0x134: {  	_ =	swait.ge [sflag:s21], $0x4000  }
0x135: {  	[sflag:s21] =	ssyncset.done $0x0  }
0x136: {  	[sflag:s21] =	ssyncadd.s32 $0xFFFFC000  }
0x137: {  	[tilespmem:s25], [sflag:$0x2] =	stream.indirect.gather [hbm4b:s6+s24], $0x80, s29, s24, $0xb8;
	[tilespmem:$0x1E800] =	vst v63  }
0x138: {  	_ =	swait.ge [sflag:s26], $0x4000  }
0x139: {  	[sflag:s26] =	ssyncset.done $0x0  }
0x13a: {  	[sflag:s26] =	ssyncadd.s32 $0xFFFFC000  }
0x13b: {  	[spmem:s3] =	stream.indirect.scatter.add.f32 [tilespmem:s23], [sflag:$0x3], $0x80, s30, s24, $0xb8;
	[tilespmem:$0x1E800] =	vst v63  }
0x13c: {  	_ =	swait.ge [sflag:s21], $0x4000  }
0x13d: {  	[sflag:s21] =	ssyncset.done $0x0  }
0x13e: {  	[sflag:s21] =	ssyncadd.s32 $0xFFFFC000  }
0x13f: {  	_ =	swait.ge [sflag:s28], $0x4000  }
0x140: {  	[sflag:s28] =	ssyncset.done $0x0  }
0x141: {  	[sflag:s28] =	ssyncadd.s32 $0xFFFFC000  }
0x142: {  	[spmem:s3] =	stream.indirect.scatter.add.f32 [tilespmem:s25], [sflag:$0x3], $0x80, s31, s24, $0xb8;
	[tilespmem:$0x1E800] =	vst v63  }
0x143: {  	_ =	swait.ge [sflag:s21], $0x4000  }
0x144: {  	[sflag:s21] =	ssyncset.done $0x0  }
0x145: {  	[sflag:s21] =	ssyncadd.s32 $0xFFFFC000  }
0x146: {  	[bflag:$0x0] =	sbarrier.arrive $0xFFFF  }
0x147: {  	[hbm:s18], [sflag:s0] =	dma.local [spmem:s7], $0x2800  }
0x148: {  	_ =	swait.ge [sflag:s21], $0x2800  }
0x149: {  	[sflag:s21] =	ssyncset.done $0x0  }
0x14a: {  	[sflag:s21] =	ssyncadd.s32 $0xFFFFD800  }
0x14b: {  	s22 =	simm.s32 $0x0;
	[bflag:$0x0] =	sbarrier.arrive $0xFFFF  }
0x14c: {  	[tilespmem:s23], [sflag:$0x3] =	stream.linear.gather [hbm4b:s5+s22], $0x4000, $0x38;
	[tilespmem:$0x1E800] =	vst v63  }
0x14d: {  	_ =	swait.ge [sflag:s21], $0x4000  }
0x14e: {  	[sflag:s21] =	ssyncset.done $0x0  }
0x14f: {  	[sflag:s21] =	ssyncadd.s32 $0xFFFFC000  }
0x150: {  	[spmem:s9] =	stream.linear.scatter [tilespmem:s23], [sflag:$0x3], $0x4000, $0x38;
	[tilespmem:$0x1E800] =	vst v63  }
0x151: {  	_ =	swait.ge [sflag:s21], $0x4000  }
0x152: {  	[sflag:s21] =	ssyncset.done $0x0  }
0x153: {  	[sflag:s21] =	ssyncadd.s32 $0xFFFFC000  }
0x154: {  	[spmem:s10] =	stream.linear.scatter [tilespmem:s23], [sflag:$0x3], $0x4000, $0x38;
	[tilespmem:$0x1E800] =	vst v63  }
0x155: {  	_ =	swait.ge [sflag:s21], $0x4000  }
0x156: {  	[sflag:s21] =	ssyncset.done $0x0  }
0x157: {  	[sflag:s21] =	ssyncadd.s32 $0xFFFFC000  }
0x158: {  	[spmem:s11] =	stream.linear.scatter [tilespmem:s23], [sflag:$0x3], $0x4000, $0x38;
	[tilespmem:$0x1E800] =	vst v63  }
0x159: {  	_ =	swait.ge [sflag:s21], $0x4000  }
0x15a: {  	[sflag:s21] =	ssyncset.done $0x0  }
0x15b: {  	[sflag:s21] =	ssyncadd.s32 $0xFFFFC000  }
0x15c: {  	[spmem:s12] =	stream.linear.scatter [tilespmem:s23], [sflag:$0x3], $0x4000, $0x38;
	[tilespmem:$0x1E800] =	vst v63  }
0x15d: {  	_ =	swait.ge [sflag:s21], $0x4000  }
0x15e: {  	[sflag:s21] =	ssyncset.done $0x0  }
0x15f: {  	[sflag:s21] =	ssyncadd.s32 $0xFFFFC000  }
0x160: {  	[spmem:s13] =	stream.linear.scatter [tilespmem:s23], [sflag:$0x3], $0x4000, $0x38;
	[tilespmem:$0x1E800] =	vst v63  }
0x161: {  	_ =	swait.ge [sflag:s21], $0x4000  }
0x162: {  	[sflag:s21] =	ssyncset.done $0x0  }
0x163: {  	[sflag:s21] =	ssyncadd.s32 $0xFFFFC000  }
0x164: {  	[bflag:$0x0] =	sbarrier.arrive $0xFFFF  }
0x165: {  	[tilespmem:s23], [sflag:$0x1] =	stream.indirect.gather [hbm4b:s2+s24], $0x80, s22, s24, $0xb8;
	[tilespmem:$0x1E800] =	vst v63  }
0x166: {  	s14 =	simm.s32 $0x80  }
0x167: {  	[tilespmem:s25], [sflag:$0x2] =	stream.indirect.gather [hbm4b:s2+s24], $0x80, s14, s24, $0xb8;
	[tilespmem:$0x1E800] =	vst v63  }
0x168: {  	_ =	swait.ge [sflag:s26], $0x4000  }
0x169: {  	[sflag:s26] =	ssyncset.done $0x0  }
0x16a: {  	s15 =	simm.s32 $0x1400;
	[sflag:s26] =	ssyncadd.s32 $0xFFFFC000  }
0x16b: {  	[spmem:s3] =	stream.indirect.scatter.add.f32 [tilespmem:s23], [sflag:$0x3], $0x80, s15, s24, $0xb8;
	[tilespmem:$0x1E800] =	vst v63  }
0x16c: {  	_ =	swait.ge [sflag:s21], $0x4000  }
0x16d: {  	[sflag:s21] =	ssyncset.done $0x0  }
0x16e: {  	s16 =	simm.s32 $0x100;
	[sflag:s21] =	ssyncadd.s32 $0xFFFFC000  }
0x16f: {  	[tilespmem:s23], [sflag:$0x1] =	stream.indirect.gather [hbm4b:s2+s24], $0x80, s16, s24, $0xb8;
	[tilespmem:$0x1E800] =	vst v63  }
0x170: {  	_ =	swait.ge [sflag:s28], $0x4000  }
0x171: {  	[sflag:s28] =	ssyncset.done $0x0  }
0x172: {  	s22 =	simm.s32 $0x1480;
	[sflag:s28] =	ssyncadd.s32 $0xFFFFC000  }
0x173: {  	[spmem:s3] =	stream.indirect.scatter.add.f32 [tilespmem:s25], [sflag:$0x3], $0x80, s22, s24, $0xb8;
	[tilespmem:$0x1E800] =	vst v63  }
0x174: {  	_ =	swait.ge [sflag:s21], $0x4000  }
0x175: {  	s8 =	simm.s32 $0x100;
	s22 =	simm.s32 $0x800;
	[sflag:s21] =	ssyncset.done $0x0  }
.LBB2_8:
0x176: {  	s14 =	sadd.s32 $0x80, s8  }
0x177: {  	[sflag:s21] =	ssyncadd.s32 $0xFFFFC000;
	s15 =	smov.u32 s22;
	s16 =	sadd.s32 $0x400, s22  }
0x178: {  	[tilespmem:s25], [sflag:$0x2] =	stream.indirect.gather [hbm4b:s2+s24], $0x80, s14, s24, $0xb8;
	[tilespmem:$0x1E800] =	vst v63  }
0x179: {  	p0 =	sne.s32 s22, $0x4800;
	_ =	swait.ge [sflag:s26], $0x4000  }
0x17a: {  	[sflag:s26] =	ssyncset.done $0x0  }
0x17b: {  	s14 =	sadd.s32 $0x1400, s8;
	[sflag:s26] =	ssyncadd.s32 $0xFFFFC000  }
0x17c: {  	[spmem:s3] =	stream.indirect.scatter.add.f32 [tilespmem:s23], [sflag:$0x3], $0x80, s14, s24, $0xb8;
	[tilespmem:$0x1E800] =	vst v63  }
0x17d: {  	_ =	swait.ge [sflag:s21], $0x4000  }
0x17e: {  	[sflag:s21] =	ssyncset.done $0x0  }
0x17f: {  	s14 =	sadd.s32 $0x100, s8;
	[sflag:s21] =	ssyncadd.s32 $0xFFFFC000  }
0x180: {  	[tilespmem:s23], [sflag:$0x1] =	stream.indirect.gather [hbm4b:s2+s24], $0x80, s14, s24, $0xb8;
	[tilespmem:$0x1E800] =	vst v63  }
0x181: {  	_ =	swait.ge [sflag:s28], $0x4000  }
.Ltmp3:
0x182: {  	[sflag:s28] =	ssyncset.done $0x0;
	(pc) =	sbr.rel @p0 .LBB2_8-.Ltmp3, $4  }
0x183: {  	s8 =	sadd.s32 $0x1480, s8;
	[sflag:s28] =	ssyncadd.s32 $0xFFFFC000  }
0x184: {  	[spmem:s3] =	stream.indirect.scatter.add.f32 [tilespmem:s25], [sflag:$0x3], $0x80, s8, s24, $0xb8;
	[tilespmem:$0x1E800] =	vst v63  }
0x185: {  	_ =	swait.ge [sflag:s21], $0x4000  }
0x186: {  	s22 =	smov.u32 s16;
	s8 =	sshra.s32 s15, $0x2;
	[sflag:s21] =	ssyncset.done $0x0  }
0x187: {  	s14 =	sadd.s32 $0x80, s8;
	[sflag:s21] =	ssyncadd.s32 $0xFFFFC000  }
0x188: {  	[tilespmem:s25], [sflag:$0x2] =	stream.indirect.gather [hbm4b:s2+s24], $0x80, s14, s24, $0xb8;
	[tilespmem:$0x1E800] =	vst v63  }
0x189: {  	_ =	swait.ge [sflag:s26], $0x4000  }
0x18a: {  	[sflag:s26] =	ssyncset.done $0x0  }
0x18b: {  	s15 =	sadd.s32 $0x1400, s8;
	[sflag:s26] =	ssyncadd.s32 $0xFFFFC000  }
0x18c: {  	[spmem:s3] =	stream.indirect.scatter.add.f32 [tilespmem:s23], [sflag:$0x3], $0x80, s15, s24, $0xb8;
	[tilespmem:$0x1E800] =	vst v63  }
0x18d: {  	_ =	swait.ge [sflag:s21], $0x4000  }
0x18e: {  	[sflag:s21] =	ssyncset.done $0x0  }
0x18f: {  	s16 =	sadd.s32 $0x100, s8;
	[sflag:s21] =	ssyncadd.s32 $0xFFFFC000  }
0x190: {  	[tilespmem:s23], [sflag:$0x1] =	stream.indirect.gather [hbm4b:s2+s24], $0x80, s16, s24, $0xb8;
	[tilespmem:$0x1E800] =	vst v63  }
0x191: {  	_ =	swait.ge [sflag:s28], $0x4000  }
0x192: {  	[sflag:s28] =	ssyncset.done $0x0  }
0x193: {  	s22 =	sadd.s32 $0x1480, s8;
	[sflag:s28] =	ssyncadd.s32 $0xFFFFC000  }
0x194: {  	[spmem:s3] =	stream.indirect.scatter.add.f32 [tilespmem:s25], [sflag:$0x3], $0x80, s22, s24, $0xb8;
	[tilespmem:$0x1E800] =	vst v63  }
0x195: {  	_ =	swait.ge [sflag:s21], $0x4000  }
0x196: {  	[sflag:s21] =	ssyncset.done $0x0  }
0x197: {  	[sflag:s21] =	ssyncadd.s32 $0xFFFFC000  }
0x198: {  	[tilespmem:s25], [sflag:$0x2] =	stream.indirect.gather [hbm4b:s2+s24], $0x80, s29, s24, $0xb8;
	[tilespmem:$0x1E800] =	vst v63  }
0x199: {  	_ =	swait.ge [sflag:s26], $0x4000  }
0x19a: {  	[sflag:s26] =	ssyncset.done $0x0  }
0x19b: {  	[sflag:s26] =	ssyncadd.s32 $0xFFFFC000  }
0x19c: {  	[spmem:s3] =	stream.indirect.scatter.add.f32 [tilespmem:s23], [sflag:$0x3], $0x80, s30, s24, $0xb8;
	[tilespmem:$0x1E800] =	vst v63  }
0x19d: {  	_ =	swait.ge [sflag:s21], $0x4000  }
0x19e: {  	[sflag:s21] =	ssyncset.done $0x0  }
0x19f: {  	[sflag:s21] =	ssyncadd.s32 $0xFFFFC000  }
0x1a0: {  	_ =	swait.ge [sflag:s28], $0x4000  }
0x1a1: {  	[sflag:s28] =	ssyncset.done $0x0  }
0x1a2: {  	[sflag:s28] =	ssyncadd.s32 $0xFFFFC000  }
0x1a3: {  	[spmem:s3] =	stream.indirect.scatter.add.f32 [tilespmem:s25], [sflag:$0x3], $0x80, s31, s24, $0xb8;
	[tilespmem:$0x1E800] =	vst v63  }
0x1a4: {  	_ =	swait.ge [sflag:s21], $0x4000  }
0x1a5: {  	[sflag:s21] =	ssyncset.done $0x0  }
0x1a6: {  	s1 =	sadd.s32 $0x1, s1;
	[sflag:s21] =	ssyncadd.s32 $0xFFFFC000  }
0x1a7: {  	p0 =	sne.s32 s1, s20;
	[bflag:$0x0] =	sbarrier.arrive $0xFFFF  }
0x1a8: {  	[hbm:s19], [sflag:s0] =	dma.local [spmem:s7], $0x2800  }
.Ltmp4:
0x1a9: {  	_ =	swait.ge [sflag:s21], $0x2800;
	(pc) =	sbr.rel @p0 .LBB2_1-.Ltmp4, $3  }
0x1aa: {  	[sflag:s21] =	ssyncset.done $0x0  }
0x1ab: {  	[sflag:s21] =	ssyncadd.s32 $0xFFFFD800  }
0x1ac: {  	[bflag:$0x0] =	sbarrier.arrive $0xFFFF;
	_ =	sdelay $0x1  }
0x1ad: {  	_ =	sfence.sel $0x180000  }
0x1ae: {  	[bflag:$0x0] =	sbarrier.arrive $0xFFFF  }
0x1af: {  	_ =	strace $0x90000047  }
0x1b0: {  	s0 =	stileid.u32;
	[bflag:$0x2] =	sbarrier.arrive $0xFFFF  }
0x1b1: {  	p0 =	sne.s32 s0, $0x0;
	s0 =	rddreg [dreg:$0x3]  }
0x1b2: {  	s0 =	sadd.s32 @!p0 $0x100000, s0  }
0x1b3: {  	[sflag:s0] =	ssyncadd.tile.s32 @!p0 $0x1;
	_ =	shalt  }
.Lfunc_end2:
_tile_overlayer_lowered:
.L_overlay_start_2:
0x1b4: {  	(tag) =	ssettag $0x2  }
0x1b5: {  	s0 =	rddreg [dreg:$0x0];
	s2 =	stileid.u32  }
0x1b6: {  	s1 =	rddreg [dreg:$0x1];
	p0 =	sne.s32 s2, $0x0  }
0x1b7: {  	s3 =	rddreg [dreg:$0x2];
	[bflag:$0x3] =	sbarrier.arrive $0xFFFF;
	s2 =	simm.s32 @!p0 $0x1C03  }
0x1b8: {  	[timem:s3], [sflag:s2] =	dma.local @!p0 [hbm:s0], s1  }
0x1b9: {  	s0 =	simm.s32 @!p0 $0x3  }
0x1ba: {  	_ =	swait.ge @!p0 [sflag:s0], s1  }
0x1bb: {  	s1 =	ssub.s32 @!p0 $0x0, s1;
	[sflag:s0] =	ssyncset.done @!p0 $0x0  }
0x1bc: {  	[sflag:s0] =	ssyncadd.s32 @!p0 s1  }
0x1bd: {  	[bflag:$0x3] =	sbarrier.arrive $0xFFFF  }
0x1be: {  	_ =	shalt  }

// kernel: kernel.9.cloned.1.call-start
scs
__scs_entry_jumppad:
0x0: {  	(pc) =	sbr.rel $0x88, $3  }
0x1: {  	(tag) =	ssettag $0x0;
	lr =	simm.s32 $0x1  }
0x2: {  	[smem:$0x3F9A] =	sst lr;
	_ =	strace $0xD0000000  }
0x3: {  	_ = 	snop  }
0x4: {  	_ = 	snop  }
0x5: {  	_ = 	snop  }
0x6: {  	_ = 	snop  }
0x7: {  	_ = 	snop  }
__scs_overlays_trampoline_lowered:
0x8: {  	[smem:$0x3FA9] =	sst s0  }
0x9: {  	[smem:$0x3FAA] =	sst s1  }
0xa: {  	[smem:$0x3FAB] =	sst s2  }
0xb: {  	[smem:$0x3FAC] =	sst s3  }
0xc: {  	[smem:$0x3FAD] =	sst s4  }
0xd: {  	[smem:$0x3FAE] =	sst s5  }
0xe: {  	[smem:$0x3FAF] =	sst s6  }
0xf: {  	[smem:$0x3FB0] =	sst s7  }
0x10: {  	[smem:$0x3FB1] =	sst s8  }
0x11: {  	[smem:$0x3FB2] =	sst s9;
	s0 =	simm.s32 @!p0 $0x0  }
0x12: {  	s1 =	sld [smem:$0x3F98];
	s0 =	simm.s32 @p0 $0x1  }
0x13: {  	[smem:$0x3FB3] =	sst s0;
	s0 =	simm.s32 @!p1 $0x0  }
0x14: {  	s2 =	sld [smem:$0x3F97];
	s0 =	simm.s32 @p1 $0x1  }
0x15: {  	[smem:$0x3FB4] =	sst s0;
	s0 =	simm.s32 @!p2 $0x0  }
0x16: {  	s3 =	sld [smem:$0x3FDB];
	s0 =	simm.s32 @p2 $0x1  }
0x17: {  	s4 =	simm.s32 $0x1BF5;
	[smem:$0x3FB6] =	sst s0  }
0x18: {  	s0 =	sld [smem:$0x3F99];
	_ =	swait.ge [sflag:s4], $0x0  }
0x19: {  	s7 =	sld [smem:$0x3F9A]  }
0x1a: {  	s8 =	sadd.s32 $0xFFFFE003, lr  }
0x1b: {  	s9 =	sadd.s32 $0xFFFFFEF7, lr;
	s5 =	simm.s32 $0xFFFFFFFF;
	p2 =	slt.u32 s8, $0xFFFFF086  }
0x1c: {  	p1 =	slt.u32 s9, $0xF7A;
	s5 =	simm.s32 @!p2 $0x0  }
0x1d: {  	s5 =	simm.s32 @p1 $0x1;
	p0 =	seq.s32 s7, s2  }
0x1e: {  	s7 =	smul.u32 @!p0 $0xF7A, s2;
	p2 =	seq.s32 @!p0 s5, $0x0  }
0x1f: {  	s9 =	smul.u32 $0xF7A, s1;
	s8 =	simm.s32 @!p0 $0x1BF5;
	p2 =	por !p2, p0  }
0x20: {  	[sflag:s8] =	ssyncset.s32 @!p0 $0xFFFFF086;
	s6 =	sadd.s32 @!p0 s3, s7;
	s7 =	simm.s32 @!p0 $0x108  }
0x21: {  	s3 =	sadd.s32 s3, s9;
	s6 =	sadd.s32 @!p0 $0x88, s6;
	s7 =	simm.s32 @p2 $0x1082  }
0x22: {  	[simem:s7], [sflag:s8] =	dma.local @!p0 [hbm:s6], $0xF7A  }
0x23: {  	s9 =	sor.u32 $0xD0000000, s2;
	s6 =	simm.s32 $0x108;
	_ =	swait.ge @!p0 [sflag:s8], $0x0  }
0x24: {  	s3 =	sadd.s32 $0x88, s3;
	s6 =	simm.s32 @!p1 $0x1082;
	[sflag:s4] =	ssyncset.s32 $0xFFFFF086  }
0x25: {  	[simem:s6], [sflag:s4] =	dma.local [hbm:s3], $0xF7A  }
0x26: {  	[smem:$0x3F9A] =	sst s1;
	(tag) =	ssettag s2;
	_ =	strace s9  }
0x27: {  	s1 =	sld [smem:$0x3FAA]  }
0x28: {  	s2 =	sld [smem:$0x3FAB]  }
0x29: {  	s4 =	sld [smem:$0x3FAD]  }
0x2a: {  	p0 =	seq.s32 s5, $0x0;
	s5 =	sld [smem:$0x3FAE]  }
0x2b: {  	s6 =	sld [smem:$0x3FAF]  }
0x2c: {  	s7 =	sld [smem:$0x3FB0]  }
0x2d: {  	s3 =	simm.s32 $0x108;
	s8 =	sld [smem:$0x3FB1]  }
0x2e: {  	s3 =	simm.s32 @!p0 $0x1082;
	s9 =	sld [smem:$0x3FB2]  }
0x2f: {  	lr =	sadd.s32 s0, s3;
	s0 =	sld [smem:$0x3FA9]  }
0x30: {  	s3 =	sld [smem:$0x3FAC]  }
0x31: {  	[smem:$0x3FB5] =	sst s10  }
0x32: {  	s10 =	sld [smem:$0x3FB3];
	_ =	sdelay $0x3  }
0x33: {  	p0 =	seq.s32 s10, $0x1;
	s10 =	sld [smem:$0x3FB5];
	_ =	sdelay $0x3  }
0x34: {  	[smem:$0x3FB5] =	sst s10  }
0x35: {  	s10 =	sld [smem:$0x3FB4];
	_ =	sdelay $0x3  }
0x36: {  	p1 =	seq.s32 s10, $0x1;
	s10 =	sld [smem:$0x3FB5];
	_ =	sdelay $0x3  }
0x37: {  	[smem:$0x3FB5] =	sst s10  }
0x38: {  	s10 =	sld [smem:$0x3FB6]  }
0x39: {  	_ = 	snop;
	(pc) =	sbr.ind lr, $3  }
0x3a: {  	_ = 	snop  }
0x3b: {  	_ = 	snop  }
0x3c: {  	p2 =	seq.s32 s10, $0x1;
	s10 =	sld [smem:$0x3FB5]  }
0x3d: {  	_ =	shalt  }
0x3e: {  	_ =	shalt  }
0x3f: {  	_ =	shalt  }
0x40: {  	_ =	shalt  }
0x41: {  	_ =	shalt  }
0x42: {  	_ =	shalt  }
0x43: {  	_ =	shalt  }
0x44: {  	_ =	shalt  }
0x45: {  	_ =	shalt  }
0x46: {  	_ =	shalt  }
0x47: {  	_ =	shalt  }
0x48: {  	_ =	shalt  }
0x49: {  	_ =	shalt  }
0x4a: {  	_ =	shalt  }
0x4b: {  	_ =	shalt  }
0x4c: {  	_ =	shalt  }
0x4d: {  	_ =	shalt  }
0x4e: {  	_ =	shalt  }
0x4f: {  	_ =	shalt  }
0x50: {  	_ =	shalt  }
0x51: {  	_ =	shalt  }
0x52: {  	_ =	shalt  }
0x53: {  	_ =	shalt  }
0x54: {  	_ =	shalt  }
0x55: {  	_ =	shalt  }
0x56: {  	_ =	shalt  }
0x57: {  	_ =	shalt  }
0x58: {  	_ =	shalt  }
0x59: {  	_ =	shalt  }
0x5a: {  	_ =	shalt  }
0x5b: {  	_ =	shalt  }
0x5c: {  	_ =	shalt  }
0x5d: {  	_ =	shalt  }
0x5e: {  	_ =	shalt  }
0x5f: {  	_ =	shalt  }
0x60: {  	_ =	shalt  }
0x61: {  	_ =	shalt  }
0x62: {  	_ =	shalt  }
0x63: {  	_ =	shalt  }
0x64: {  	_ =	shalt  }
0x65: {  	_ =	shalt  }
0x66: {  	_ =	shalt  }
0x67: {  	_ =	shalt  }
0x68: {  	_ =	shalt  }
0x69: {  	_ =	shalt  }
0x6a: {  	_ =	shalt  }
0x6b: {  	_ =	shalt  }
0x6c: {  	_ =	shalt  }
0x6d: {  	_ =	shalt  }
0x6e: {  	_ =	shalt  }
0x6f: {  	_ =	shalt  }
0x70: {  	_ =	shalt  }
0x71: {  	_ =	shalt  }
0x72: {  	_ =	shalt  }
0x73: {  	_ =	shalt  }
0x74: {  	_ =	shalt  }
0x75: {  	_ =	shalt  }
0x76: {  	_ =	shalt  }
0x77: {  	_ =	shalt  }
0x78: {  	_ =	shalt  }
0x79: {  	_ =	shalt  }
0x7a: {  	_ =	shalt  }
0x7b: {  	_ =	shalt  }
0x7c: {  	_ =	shalt  }
0x7d: {  	_ =	shalt  }
0x7e: {  	_ =	shalt  }
0x7f: {  	_ =	shalt  }
0x80: {  	_ =	shalt  }
0x81: {  	_ =	shalt  }
0x82: {  	_ =	shalt  }
0x83: {  	_ =	shalt  }
0x84: {  	_ =	shalt  }
0x85: {  	_ =	shalt  }
0x86: {  	_ =	shalt  }
0x87: {  	_ =	shalt  }
.Lfunc_end0:
.L_simem_size_0:
called_computation.1_lowered:
.L_overlay_start_0:
0x88: {  	s2 =	sld [smem:$0x3FD9]  }
0x89: {  	s3 =	sld [smem:$0x3FFE];
	_ =	sdelay $0x1  }
0x8a: {  	s1 =	srdreg.scid  }
0x8b: {  	s0 =	sand.u32 $0x1, s1  }
0x8c: {  	s17 =	sshll.u32 s0, $0xA;
	s2 =	sadd.s32 s3, s2  }
0x8d: {  	s2 =	sadd.s32 s2, s17  }
0x8e: {  	[smem:$0x3FC1] =	sst s2  }
0x8f: {  	_ = 	snop  }
0x90: {  	s2 =	sld [smem:$0x3FD0];
	(tm) =	ssettm $0x1  }
0x91: {  	s18 =	sld [smem:$0x3FFB];
	_ =	sdelay $0x3  }
0x92: {  	_ =	strace s18  }
0x93: {  	s3 =	sld [smem:$0x3FFC];
	_ =	sdelay $0x3  }
0x94: {  	_ =	strace s3  }
0x95: {  	s3 =	sld [smem:$0x3FFD];
	_ =	sdelay $0x3  }
0x96: {  	_ =	strace s3  }
0x97: {  	_ =	strace $0x8FFFFFFF  }
0x98: {  	s19 =	sld [smem:$0x3FDB];
	_ =	sdelay $0x1  }
0x99: {  	s4 =	simm.s32 $_scs_section_size  }
0x9a: {  	s5 =	simm.s32 $_size__tile_overlayer_lowered;
	s6 =	simm.s32 $_tile_overlayer_lowered  }
0x9b: {  	s22 =	simm.s32 $0x1BFF;
	s21 =	sshll.u32 s6, $0x1;
	s3 =	sadd.s32 s4, s19  }
0x9c: {  	s7 =	simm.s32 $0x0;
	s20 =	sshll.u32 s5, $0x1;
	s5 =	sadd.s32 s21, s3  }
0x9d: {  	[timem:s7], [sflag:s22] =	dma.local [hbm:s5], s20  }
0x9e: {  	_ =	swait.ge [sflag:s22], s20  }
0x9f: {  	s4 =	ssub.s32 $0x0, s20;
	[sflag:s22] =	ssyncset.done $0x0  }
0xa0: {  	[sflag:s22] =	ssyncadd.s32 s4;
	_ =	sdelay $0x1  }
0xa1: {  	s23 =	simm.s32 $0x1B8B  }
0xa2: {  	_ =	swait.ge [sflag:s23], $0x1  }
0xa3: {  	[sflag:s23] =	ssyncset.done $0x0  }
0xa4: {  	s25 =	simm.s32 $0x1B8E;
	s24 =	sld [smem:$0x3FFE];
	[sflag:s23] =	ssyncadd.s32 $0xFFFFFFFF  }
0xa5: {  	s26 =	simm.s32 $execute0_lowered;
	[smem:$0x3FD2] =	sst s25  }
0xa6: {  	s5 =	sshll.u32 s26, $0x1;
	_ =	strace $0x80000049;
	[dreg:$0x1] =	wrdreg $0xFFFFFFFF  }
0xa7: {  	s28 =	simm.s32 $_size_execute0_lowered;
	s3 =	sadd.s32 s3, s5;
	[dreg:$0x0] =	wrdreg $0x0  }
0xa8: {  	s5 =	sshll.u32 s28, $0x1;
	[dreg:$0x2] =	wrdreg s3  }
0xa9: {  	[dreg:$0x3] =	wrdreg s5  }
0xaa: {  	[dreg:$0x4] =	wrdreg $0xC0  }
0xab: {  	_ =	task [dreg:s7], $0x5FFFF  }
0xac: {  	[dreg:$0x1] =	wrdreg $0xFFFFFFFF  }
0xad: {  	[dreg:$0x0] =	wrdreg $0x60  }
0xae: {  	[dreg:$0x2] =	wrdreg s24  }
0xaf: {  	[dreg:$0x3] =	wrdreg s2  }
0xb0: {  	[dreg:$0x4] =	wrdreg $0xA8000  }
0xb1: {  	[dreg:$0x5] =	wrdreg $0x9  }
0xb2: {  	_ =	task.clear_ibuf [dreg:s7], $0x6FFFF;
	_ =	strace $0x90000049  }
0xb3: {  	s29 =	simm.s32 $0x9;
	_ =	strace $0x8000004B  }
0xb4: {  	_ =	swait.ge [sflag:s29], $0x1  }
0xb5: {  	[sflag:s29] =	ssyncadd.s32 $0xFFFFFFFF  }
0xb6: {  	_ =	strace $0x9000004B  }
0xb7: {  	_ =	sfence  }
0xb8: {  	s30 =	sld [smem:$0x0];
	_ =	sdelay $0x2  }
0xb9: {  	s31 =	sshll.u32 s1, $0xD;
	s1 =	sshrl.u32 s1, $0x2  }
0xba: {  	s3 =	sand.u32 $0x4000, s31;
	s1 =	sadd.s32 s1, s30  }
0xbb: {  	s0 =	sor.u32 s3, s0;
	s1 =	sshll.u32 s1, $0x11  }
0xbc: {  	s0 =	sor.u32 s1, s0  }
0xbd: {  	s0 =	sadd.s32 $0x8F2B, s0  }
0xbe: {  	[sflag:s0] =	ssyncadd.remote.s32 $0x1  }
0xbf: {  	_ =	sfence.sel $0xFFFF  }
0xc0: {  	[dreg:$0x0] =	wrdreg $0xFFFFFFFF;
	(pc) =	sbr.abs _section_cstart, $3  }
0xc1: {  	[dreg:$0x1] =	wrdreg $0xFFFFFFFF  }
0xc2: {  	_ =	task.clear_ibuf [dreg:s7], $0x2FFFF;
	_ =	strace $0x9FFFFFFF  }
0xc3: {  	(tm) =	ssettm $0x7FFFFFFF  }
tec
execute0_lowered:
.L_overlay_start_1:
0x0: {  	(tag) =	ssettag $0x1  }
0x1: {  	s0 =	rddreg [dreg:$0x0]  }
0x2: {  	s2 =	rddreg [dreg:$0x1]  }
0x3: {  	s1 =	srdreg.scid;
	s3 =	rddreg [dreg:$0x2]  }
0x4: {  	s13 =	stileid.u32;
	s4 =	simm.s32 $0x0;
	s28 =	simm.s32 $0x3  }
0x5: {  	s30 =	simm.s32 $0x2800;
	s31 =	simm.s32 $0x80;
	s29 =	simm.s32 $0x2700  }
0x6: {  	s1 =	sand.u32 $0x1, s1;
	[smem:$0x7FF] =	sst s4;
	s10 =	smul.u32 $0x50000, s13  }
0x7: {  	s5 =	sshll.u32 s1, $0x4;
	s11 =	ssub.s32 $0x2, s1;
	s1 =	smul.u32 $0x500000, s1  }
0x8: {  	s6 =	sadd.s32 $0x1800, s0;
	s5 =	sor.u32 s13, s5;
	s13 =	smul.u32 $0x14000, s13  }
0x9: {  	s7 =	sadd.s32 $0x3D200, s0;
	s8 =	sadd.s32 $0x64400, s0;
	s5 =	smul.u32 $0x280, s5  }
0xa: {  	s15 =	sadd.s32 $0x8B600, s0;
	_ =	strace $0x8000004A;
	s12 =	sshrl.u32 s11, $0x1  }
0xb: {  	s1 =	sadd.s32 s13, s1;
	s9 =	sadd.s32 s5, s0;
	s5 =	sadd.s32 $0x3CA00, s0  }
0xc: {  	s0 =	sadd.s32 $0x1CB600, s0;
	s1 =	sshrl.u32 s1, $0x3;
	s19 =	sadd.s32 $0x2DA00, s9  }
0xd: {  	s20 =	sadd.s32 $0x28A00, s9;
	s21 =	sadd.s32 s15, s1;
	[dreg:$0x4] =	wrdreg s19  }
0xe: {  	s22 =	sadd.s32 $0x28000, s1;
	s23 =	sadd.s32 $0x50000, s1;
	[dreg:$0x5] =	wrdreg s20  }
0xf: {  	s18 =	sadd.s32 $0x78000, s1;
	s1 =	sadd.s32 s0, s1;
	[dreg:$0x6] =	wrdreg s21  }
0x10: {  	s10 =	sshrl.u32 s10, $0x2;
	s26 =	sadd.s32 $0x37A00, s9;
	[dreg:$0xa] =	wrdreg s1  }
0x11: {  	s16 =	ssub.s32 s11, s12;
	s17 =	sadd.s32 s15, s22;
	[dreg:$0xe] =	wrdreg s26  }
0x12: {  	s11 =	sadd.s32 s10, s3;
	s19 =	sadd.s32 s15, s23;
	[dreg:$0x7] =	wrdreg s17  }
0x13: {  	s10 =	simm.s32 $0x1380;
	s15 =	sadd.s32 s15, s18;
	[dreg:$0x8] =	wrdreg s19  }
0x14: {  	s12 =	sadd.s32 $0x4000, s11;
	s24 =	sadd.s32 s0, s22;
	[dreg:$0x9] =	wrdreg s15  }
0x15: {  	s13 =	sadd.s32 $0x8000, s11;
	s25 =	sadd.s32 s0, s23;
	[dreg:$0xb] =	wrdreg s24  }
0x16: {  	s14 =	sadd.s32 $0xC000, s11;
	s0 =	sadd.s32 s0, s18;
	[dreg:$0xc] =	wrdreg s25  }
0x17: {  	s26 =	sadd.s32 $0x10000, s11;
	s1 =	simm.s32 $0x1;
	[dreg:$0xd] =	wrdreg s0  }
0x18: {  	s24 =	sadd.s32 $0x32A00, s9;
	s25 =	smax.u32 s16, $0x1;
	s0 =	simm.s32 $0x6800  }
0x19: {  	s9 =	simm.s32 $0x2;
	s15 =	simm.s32 $0x2780;
	s16 =	simm.s32 $0x0  }
.LBB2_1:
0x1a: {  	s17 =	rddreg [dreg:$0x4]  }
0x1b: {  	[tilespmem:s4], [sflag:$0x3] =	stream.linear.gather [hbm4b:s17+s4], $0x1400, $0x38;
	[tilespmem:$0x1E800] =	vst v63  }
0x1c: {  	_ =	swait.ge [sflag:s28], $0x1400  }
0x1d: {  	[sflag:s28] =	ssyncset.done $0x0  }
0x1e: {  	s18 =	simm.s32 $0x1400;
	s19 =	rddreg [dreg:$0x5];
	[sflag:s28] =	ssyncadd.s32 $0xFFFFEC00  }
0x1f: {  	[tilespmem:s18], [sflag:$0x3] =	stream.linear.gather [hbm4b:s19+s4], $0x1400, $0x38;
	[tilespmem:$0x1E800] =	vst v63  }
0x20: {  	_ =	swait.ge [sflag:s28], $0x1400  }
0x21: {  	[sflag:s28] =	ssyncset.done $0x0  }
0x22: {  	[sflag:s28] =	ssyncadd.s32 $0xFFFFEC00  }
0x23: {  	[tilespmem:s30], [sflag:$0x3] =	stream.linear.gather [hbm4b:s5+s4], $0x4000, $0x38;
	[tilespmem:$0x1E800] =	vst v63  }
0x24: {  	_ =	swait.ge [sflag:s28], $0x4000  }
0x25: {  	[sflag:s28] =	ssyncset.done $0x0  }
0x26: {  	[sflag:s28] =	ssyncadd.s32 $0xFFFFC000  }
0x27: {  	[spmem:s11] =	stream.linear.scatter [tilespmem:s30], [sflag:$0x3], $0x4000, $0x38;
	[tilespmem:$0x1E800] =	vst v63  }
0x28: {  	_ =	swait.ge [sflag:s28], $0x4000  }
0x29: {  	[sflag:s28] =	ssyncset.done $0x0  }
0x2a: {  	[sflag:s28] =	ssyncadd.s32 $0xFFFFC000  }
0x2b: {  	[spmem:s12] =	stream.linear.scatter [tilespmem:s30], [sflag:$0x3], $0x4000, $0x38;
	[tilespmem:$0x1E800] =	vst v63  }
0x2c: {  	_ =	swait.ge [sflag:s28], $0x4000  }
0x2d: {  	[sflag:s28] =	ssyncset.done $0x0  }
0x2e: {  	[sflag:s28] =	ssyncadd.s32 $0xFFFFC000  }
0x2f: {  	[spmem:s13] =	stream.linear.scatter [tilespmem:s30], [sflag:$0x3], $0x4000, $0x38;
	[tilespmem:$0x1E800] =	vst v63  }
0x30: {  	_ =	swait.ge [sflag:s28], $0x4000  }
0x31: {  	[sflag:s28] =	ssyncset.done $0x0  }
0x32: {  	[sflag:s28] =	ssyncadd.s32 $0xFFFFC000  }
0x33: {  	[spmem:s14] =	stream.linear.scatter [tilespmem:s30], [sflag:$0x3], $0x4000, $0x38;
	[tilespmem:$0x1E800] =	vst v63  }
0x34: {  	_ =	swait.ge [sflag:s28], $0x4000  }
0x35: {  	[sflag:s28] =	ssyncset.done $0x0  }
0x36: {  	[sflag:s28] =	ssyncadd.s32 $0xFFFFC000  }
0x37: {  	[spmem:s26] =	stream.linear.scatter [tilespmem:s30], [sflag:$0x3], $0x4000, $0x38;
	[tilespmem:$0x1E800] =	vst v63  }
0x38: {  	_ =	swait.ge [sflag:s28], $0x4000  }
0x39: {  	[sflag:s28] =	ssyncset.done $0x0  }
0x3a: {  	[sflag:s28] =	ssyncadd.s32 $0xFFFFC000  }
0x3b: {  	[bflag:$0x0] =	sbarrier.arrive $0xFFFF  }
0x3c: {  	[tilespmem:s30], [sflag:$0x1] =	stream.indirect.gather [hbm4b:s2+s31], $0x80, s4, s31, $0xb8;
	[tilespmem:$0x1E800] =	vst v63  }
0x3d: {  	s20 =	simm.s32 $0x80  }
0x3e: {  	[tilespmem:s0], [sflag:$0x2] =	stream.indirect.gather [hbm4b:s2+s31], $0x80, s20, s31, $0xb8;
	[tilespmem:$0x1E800] =	vst v63  }
0x3f: {  	_ =	swait.ge [sflag:s1], $0x4000  }
0x40: {  	[sflag:s1] =	ssyncset.done $0x0  }
0x41: {  	s21 =	simm.s32 $0x1400;
	[sflag:s1] =	ssyncadd.s32 $0xFFFFC000  }
0x42: {  	[spmem:s3] =	stream.indirect.scatter.add.f32 [tilespmem:s30], [sflag:$0x3], $0x80, s21, s31, $0xb8;
	[tilespmem:$0x1E800] =	vst v63  }
0x43: {  	_ =	swait.ge [sflag:s28], $0x4000  }
0x44: {  	[sflag:s28] =	ssyncset.done $0x0  }
0x45: {  	s22 =	simm.s32 $0x100;
	[sflag:s28] =	ssyncadd.s32 $0xFFFFC000  }
0x46: {  	[tilespmem:s30], [sflag:$0x1] =	stream.indirect.gather [hbm4b:s2+s31], $0x80, s22, s31, $0xb8;
	[tilespmem:$0x1E800] =	vst v63  }
0x47: {  	_ =	swait.ge [sflag:s9], $0x4000  }
0x48: {  	[sflag:s9] =	ssyncset.done $0x0  }
0x49: {  	s23 =	simm.s32 $0x1480;
	[sflag:s9] =	ssyncadd.s32 $0xFFFFC000  }
0x4a: {  	[spmem:s3] =	stream.indirect.scatter.add.f32 [tilespmem:s0], [sflag:$0x3], $0x80, s23, s31, $0xb8;
	[tilespmem:$0x1E800] =	vst v63  }
0x4b: {  	_ =	swait.ge [sflag:s28], $0x4000  }
0x4c: {  	s17 =	simm.s32 $0x100;
	s18 =	simm.s32 $0x800;
	[sflag:s28] =	ssyncset.done $0x0  }
.LBB2_2:
0x4d: {  	s19 =	sadd.s32 $0x80, s17  }
0x4e: {  	[sflag:s28] =	ssyncadd.s32 $0xFFFFC000;
	s20 =	smov.u32 s18;
	s21 =	sadd.s32 $0x400, s18  }
0x4f: {  	[tilespmem:s0], [sflag:$0x2] =	stream.indirect.gather [hbm4b:s2+s31], $0x80, s19, s31, $0xb8;
	[tilespmem:$0x1E800] =	vst v63  }
0x50: {  	p0 =	sne.s32 s18, $0x4800;
	_ =	swait.ge [sflag:s1], $0x4000  }
0x51: {  	[sflag:s1] =	ssyncset.done $0x0  }
0x52: {  	s18 =	sadd.s32 $0x1400, s17;
	[sflag:s1] =	ssyncadd.s32 $0xFFFFC000  }
0x53: {  	[spmem:s3] =	stream.indirect.scatter.add.f32 [tilespmem:s30], [sflag:$0x3], $0x80, s18, s31, $0xb8;
	[tilespmem:$0x1E800] =	vst v63  }
0x54: {  	_ =	swait.ge [sflag:s28], $0x4000  }
0x55: {  	[sflag:s28] =	ssyncset.done $0x0  }
0x56: {  	s18 =	sadd.s32 $0x100, s17;
	[sflag:s28] =	ssyncadd.s32 $0xFFFFC000  }
0x57: {  	[tilespmem:s30], [sflag:$0x1] =	stream.indirect.gather [hbm4b:s2+s31], $0x80, s18, s31, $0xb8;
	[tilespmem:$0x1E800] =	vst v63  }
0x58: {  	_ =	swait.ge [sflag:s9], $0x4000  }
.Ltmp0:
0x59: {  	[sflag:s9] =	ssyncset.done $0x0;
	(pc) =	sbr.rel @p0 .LBB2_2-.Ltmp0, $4  }
0x5a: {  	s17 =	sadd.s32 $0x1480, s17;
	[sflag:s9] =	ssyncadd.s32 $0xFFFFC000  }
0x5b: {  	[spmem:s3] =	stream.indirect.scatter.add.f32 [tilespmem:s0], [sflag:$0x3], $0x80, s17, s31, $0xb8;
	[tilespmem:$0x1E800] =	vst v63  }
0x5c: {  	_ =	swait.ge [sflag:s28], $0x4000  }
0x5d: {  	s18 =	smov.u32 s21;
	s17 =	sshra.s32 s20, $0x2;
	[sflag:s28] =	ssyncset.done $0x0  }
0x5e: {  	s18 =	sadd.s32 $0x80, s17;
	[sflag:s28] =	ssyncadd.s32 $0xFFFFC000  }
0x5f: {  	[tilespmem:s0], [sflag:$0x2] =	stream.indirect.gather [hbm4b:s2+s31], $0x80, s18, s31, $0xb8;
	[tilespmem:$0x1E800] =	vst v63  }
0x60: {  	_ =	swait.ge [sflag:s1], $0x4000  }
0x61: {  	[sflag:s1] =	ssyncset.done $0x0  }
0x62: {  	s19 =	sadd.s32 $0x1400, s17;
	[sflag:s1] =	ssyncadd.s32 $0xFFFFC000  }
0x63: {  	[spmem:s3] =	stream.indirect.scatter.add.f32 [tilespmem:s30], [sflag:$0x3], $0x80, s19, s31, $0xb8;
	[tilespmem:$0x1E800] =	vst v63  }
0x64: {  	_ =	swait.ge [sflag:s28], $0x4000  }
0x65: {  	[sflag:s28] =	ssyncset.done $0x0  }
0x66: {  	s20 =	sadd.s32 $0x100, s17;
	[sflag:s28] =	ssyncadd.s32 $0xFFFFC000  }
0x67: {  	[tilespmem:s30], [sflag:$0x1] =	stream.indirect.gather [hbm4b:s2+s31], $0x80, s20, s31, $0xb8;
	[tilespmem:$0x1E800] =	vst v63  }
0x68: {  	_ =	swait.ge [sflag:s9], $0x4000  }
0x69: {  	[sflag:s9] =	ssyncset.done $0x0  }
0x6a: {  	s21 =	sadd.s32 $0x1480, s17;
	[sflag:s9] =	ssyncadd.s32 $0xFFFFC000  }
0x6b: {  	[spmem:s3] =	stream.indirect.scatter.add.f32 [tilespmem:s0], [sflag:$0x3], $0x80, s21, s31, $0xb8;
	[tilespmem:$0x1E800] =	vst v63  }
0x6c: {  	_ =	swait.ge [sflag:s28], $0x4000  }
0x6d: {  	[sflag:s28] =	ssyncset.done $0x0  }
0x6e: {  	[sflag:s28] =	ssyncadd.s32 $0xFFFFC000  }
0x6f: {  	[tilespmem:s0], [sflag:$0x2] =	stream.indirect.gather [hbm4b:s2+s31], $0x80, s10, s31, $0xb8;
	[tilespmem:$0x1E800] =	vst v63  }
0x70: {  	_ =	swait.ge [sflag:s1], $0x4000  }
0x71: {  	[sflag:s1] =	ssyncset.done $0x0  }
0x72: {  	[sflag:s1] =	ssyncadd.s32 $0xFFFFC000  }
0x73: {  	[spmem:s3] =	stream.indirect.scatter.add.f32 [tilespmem:s30], [sflag:$0x3], $0x80, s29, s31, $0xb8;
	[tilespmem:$0x1E800] =	vst v63  }
0x74: {  	_ =	swait.ge [sflag:s28], $0x4000  }
0x75: {  	[sflag:s28] =	ssyncset.done $0x0  }
0x76: {  	[sflag:s28] =	ssyncadd.s32 $0xFFFFC000  }
0x77: {  	_ =	swait.ge [sflag:s9], $0x4000  }
0x78: {  	[sflag:s9] =	ssyncset.done $0x0  }
0x79: {  	[sflag:s9] =	ssyncadd.s32 $0xFFFFC000  }
0x7a: {  	[spmem:s3] =	stream.indirect.scatter.add.f32 [tilespmem:s0], [sflag:$0x3], $0x80, s15, s31, $0xb8;
	[tilespmem:$0x1E800] =	vst v63  }
0x7b: {  	_ =	swait.ge [sflag:s28], $0x4000  }
0x7c: {  	[sflag:s28] =	ssyncset.done $0x0  }
0x7d: {  	s22 =	stileid.u32;
	[sflag:s28] =	ssyncadd.s32 $0xFFFFC000  }
0x7e: {  	s17 =	sshll.u32 s22, $0x6;
	[bflag:$0x0] =	sbarrier.arrive $0xFFFF  }
0x7f: {  	s18 =	sshrl.u32 s11, $0x3;
	s17 =	sor.u32 $0x1C03, s17;
	s19 =	rddreg [dreg:$0x6]  }
0x80: {  	[hbm:s19], [sflag:s17] =	dma.local [spmem:s18], $0x2800  }
0x81: {  	_ =	swait.ge [sflag:s28], $0x2800  }
0x82: {  	[sflag:s28] =	ssyncset.done $0x0  }
0x83: {  	[sflag:s28] =	ssyncadd.s32 $0xFFFFD800  }
0x84: {  	s23 =	simm.s32 $0x0;
	[bflag:$0x0] =	sbarrier.arrive $0xFFFF  }
0x85: {  	[tilespmem:s30], [sflag:$0x3] =	stream.linear.gather [hbm4b:s5+s23], $0x4000, $0x38;
	[tilespmem:$0x1E800] =	vst v63  }
0x86: {  	_ =	swait.ge [sflag:s28], $0x4000  }
0x87: {  	[sflag:s28] =	ssyncset.done $0x0  }
0x88: {  	[sflag:s28] =	ssyncadd.s32 $0xFFFFC000  }
0x89: {  	[spmem:s11] =	stream.linear.scatter [tilespmem:s30], [sflag:$0x3], $0x4000, $0x38;
	[tilespmem:$0x1E800] =	vst v63  }
0x8a: {  	_ =	swait.ge [sflag:s28], $0x4000  }
0x8b: {  	[sflag:s28] =	ssyncset.done $0x0  }
0x8c: {  	[sflag:s28] =	ssyncadd.s32 $0xFFFFC000  }
0x8d: {  	[spmem:s12] =	stream.linear.scatter [tilespmem:s30], [sflag:$0x3], $0x4000, $0x38;
	[tilespmem:$0x1E800] =	vst v63  }
0x8e: {  	_ =	swait.ge [sflag:s28], $0x4000  }
0x8f: {  	[sflag:s28] =	ssyncset.done $0x0  }
0x90: {  	[sflag:s28] =	ssyncadd.s32 $0xFFFFC000  }
0x91: {  	[spmem:s13] =	stream.linear.scatter [tilespmem:s30], [sflag:$0x3], $0x4000, $0x38;
	[tilespmem:$0x1E800] =	vst v63  }
0x92: {  	_ =	swait.ge [sflag:s28], $0x4000  }
0x93: {  	[sflag:s28] =	ssyncset.done $0x0  }
0x94: {  	[sflag:s28] =	ssyncadd.s32 $0xFFFFC000  }
0x95: {  	[spmem:s14] =	stream.linear.scatter [tilespmem:s30], [sflag:$0x3], $0x4000, $0x38;
	[tilespmem:$0x1E800] =	vst v63  }
0x96: {  	_ =	swait.ge [sflag:s28], $0x4000  }
0x97: {  	[sflag:s28] =	ssyncset.done $0x0  }
0x98: {  	[sflag:s28] =	ssyncadd.s32 $0xFFFFC000  }
0x99: {  	[spmem:s26] =	stream.linear.scatter [tilespmem:s30], [sflag:$0x3], $0x4000, $0x38;
	[tilespmem:$0x1E800] =	vst v63  }
0x9a: {  	_ =	swait.ge [sflag:s28], $0x4000  }
0x9b: {  	[sflag:s28] =	ssyncset.done $0x0  }
0x9c: {  	[sflag:s28] =	ssyncadd.s32 $0xFFFFC000  }
0x9d: {  	[bflag:$0x0] =	sbarrier.arrive $0xFFFF  }
0x9e: {  	[tilespmem:s30], [sflag:$0x1] =	stream.indirect.gather [hbm4b:s6+s31], $0x80, s23, s31, $0xb8;
	[tilespmem:$0x1E800] =	vst v63  }
0x9f: {  	s20 =	simm.s32 $0x80  }
0xa0: {  	[tilespmem:s0], [sflag:$0x2] =	stream.indirect.gather [hbm4b:s6+s31], $0x80, s20, s31, $0xb8;
	[tilespmem:$0x1E800] =	vst v63  }
0xa1: {  	_ =	swait.ge [sflag:s1], $0x4000  }
0xa2: {  	[sflag:s1] =	ssyncset.done $0x0  }
0xa3: {  	s21 =	simm.s32 $0x1400;
	[sflag:s1] =	ssyncadd.s32 $0xFFFFC000  }
0xa4: {  	[spmem:s3] =	stream.indirect.scatter.add.f32 [tilespmem:s30], [sflag:$0x3], $0x80, s21, s31, $0xb8;
	[tilespmem:$0x1E800] =	vst v63  }
0xa5: {  	_ =	swait.ge [sflag:s28], $0x4000  }
0xa6: {  	[sflag:s28] =	ssyncset.done $0x0  }
0xa7: {  	s22 =	simm.s32 $0x100;
	[sflag:s28] =	ssyncadd.s32 $0xFFFFC000  }
0xa8: {  	[tilespmem:s30], [sflag:$0x1] =	stream.indirect.gather [hbm4b:s6+s31], $0x80, s22, s31, $0xb8;
	[tilespmem:$0x1E800] =	vst v63  }
0xa9: {  	_ =	swait.ge [sflag:s9], $0x4000  }
0xaa: {  	[sflag:s9] =	ssyncset.done $0x0  }
0xab: {  	s23 =	simm.s32 $0x1480;
	[sflag:s9] =	ssyncadd.s32 $0xFFFFC000  }
0xac: {  	[spmem:s3] =	stream.indirect.scatter.add.f32 [tilespmem:s0], [sflag:$0x3], $0x80, s23, s31, $0xb8;
	[tilespmem:$0x1E800] =	vst v63  }
0xad: {  	_ =	swait.ge [sflag:s28], $0x4000  }
0xae: {  	s19 =	simm.s32 $0x100;
	s20 =	simm.s32 $0x800;
	[sflag:s28] =	ssyncset.done $0x0  }
.LBB2_4:
0xaf: {  	s21 =	sadd.s32 $0x80, s19  }
0xb0: {  	[sflag:s28] =	ssyncadd.s32 $0xFFFFC000;
	s22 =	smov.u32 s20;
	s23 =	sadd.s32 $0x400, s20  }
0xb1: {  	[tilespmem:s0], [sflag:$0x2] =	stream.indirect.gather [hbm4b:s6+s31], $0x80, s21, s31, $0xb8;
	[tilespmem:$0x1E800] =	vst v63  }
0xb2: {  	p0 =	sne.s32 s20, $0x4800;
	_ =	swait.ge [sflag:s1], $0x4000  }
0xb3: {  	[sflag:s1] =	ssyncset.done $0x0  }
0xb4: {  	s20 =	sadd.s32 $0x1400, s19;
	[sflag:s1] =	ssyncadd.s32 $0xFFFFC000  }
0xb5: {  	[spmem:s3] =	stream.indirect.scatter.add.f32 [tilespmem:s30], [sflag:$0x3], $0x80, s20, s31, $0xb8;
	[tilespmem:$0x1E800] =	vst v63  }
0xb6: {  	_ =	swait.ge [sflag:s28], $0x4000  }
0xb7: {  	[sflag:s28] =	ssyncset.done $0x0  }
0xb8: {  	s20 =	sadd.s32 $0x100, s19;
	[sflag:s28] =	ssyncadd.s32 $0xFFFFC000  }
0xb9: {  	[tilespmem:s30], [sflag:$0x1] =	stream.indirect.gather [hbm4b:s6+s31], $0x80, s20, s31, $0xb8;
	[tilespmem:$0x1E800] =	vst v63  }
0xba: {  	_ =	swait.ge [sflag:s9], $0x4000  }
.Ltmp1:
0xbb: {  	[sflag:s9] =	ssyncset.done $0x0;
	(pc) =	sbr.rel @p0 .LBB2_4-.Ltmp1, $4  }
0xbc: {  	s19 =	sadd.s32 $0x1480, s19;
	[sflag:s9] =	ssyncadd.s32 $0xFFFFC000  }
0xbd: {  	[spmem:s3] =	stream.indirect.scatter.add.f32 [tilespmem:s0], [sflag:$0x3], $0x80, s19, s31, $0xb8;
	[tilespmem:$0x1E800] =	vst v63  }
0xbe: {  	_ =	swait.ge [sflag:s28], $0x4000  }
0xbf: {  	s20 =	smov.u32 s23;
	s19 =	sshra.s32 s22, $0x2;
	[sflag:s28] =	ssyncset.done $0x0  }
0xc0: {  	s20 =	sadd.s32 $0x80, s19;
	[sflag:s28] =	ssyncadd.s32 $0xFFFFC000  }
0xc1: {  	[tilespmem:s0], [sflag:$0x2] =	stream.indirect.gather [hbm4b:s6+s31], $0x80, s20, s31, $0xb8;
	[tilespmem:$0x1E800] =	vst v63  }
0xc2: {  	_ =	swait.ge [sflag:s1], $0x4000  }
0xc3: {  	[sflag:s1] =	ssyncset.done $0x0  }
0xc4: {  	s22 =	sadd.s32 $0x1400, s19;
	[sflag:s1] =	ssyncadd.s32 $0xFFFFC000  }
0xc5: {  	[spmem:s3] =	stream.indirect.scatter.add.f32 [tilespmem:s30], [sflag:$0x3], $0x80, s22, s31, $0xb8;
	[tilespmem:$0x1E800] =	vst v63  }
0xc6: {  	_ =	swait.ge [sflag:s28], $0x4000  }
0xc7: {  	[sflag:s28] =	ssyncset.done $0x0  }
0xc8: {  	s23 =	sadd.s32 $0x100, s19;
	[sflag:s28] =	ssyncadd.s32 $0xFFFFC000  }
0xc9: {  	[tilespmem:s30], [sflag:$0x1] =	stream.indirect.gather [hbm4b:s6+s31], $0x80, s23, s31, $0xb8;
	[tilespmem:$0x1E800] =	vst v63  }
0xca: {  	_ =	swait.ge [sflag:s9], $0x4000  }
0xcb: {  	[sflag:s9] =	ssyncset.done $0x0  }
0xcc: {  	s21 =	sadd.s32 $0x1480, s19;
	[sflag:s9] =	ssyncadd.s32 $0xFFFFC000  }
0xcd: {  	[spmem:s3] =	stream.indirect.scatter.add.f32 [tilespmem:s0], [sflag:$0x3], $0x80, s21, s31, $0xb8;
	[tilespmem:$0x1E800] =	vst v63  }
0xce: {  	_ =	swait.ge [sflag:s28], $0x4000  }
0xcf: {  	[sflag:s28] =	ssyncset.done $0x0  }
0xd0: {  	[sflag:s28] =	ssyncadd.s32 $0xFFFFC000  }
0xd1: {  	[tilespmem:s0], [sflag:$0x2] =	stream.indirect.gather [hbm4b:s6+s31], $0x80, s10, s31, $0xb8;
	[tilespmem:$0x1E800] =	vst v63  }
0xd2: {  	_ =	swait.ge [sflag:s1], $0x4000  }
0xd3: {  	[sflag:s1] =	ssyncset.done $0x0  }
0xd4: {  	[sflag:s1] =	ssyncadd.s32 $0xFFFFC000  }
0xd5: {  	[spmem:s3] =	stream.indirect.scatter.add.f32 [tilespmem:s30], [sflag:$0x3], $0x80, s29, s31, $0xb8;
	[tilespmem:$0x1E800] =	vst v63  }
0xd6: {  	_ =	swait.ge [sflag:s28], $0x4000  }
0xd7: {  	[sflag:s28] =	ssyncset.done $0x0  }
0xd8: {  	[sflag:s28] =	ssyncadd.s32 $0xFFFFC000  }
0xd9: {  	_ =	swait.ge [sflag:s9], $0x4000  }
0xda: {  	[sflag:s9] =	ssyncset.done $0x0  }
0xdb: {  	[sflag:s9] =	ssyncadd.s32 $0xFFFFC000  }
0xdc: {  	[spmem:s3] =	stream.indirect.scatter.add.f32 [tilespmem:s0], [sflag:$0x3], $0x80, s15, s31, $0xb8;
	[tilespmem:$0x1E800] =	vst v63  }
0xdd: {  	_ =	swait.ge [sflag:s28], $0x4000  }
0xde: {  	[sflag:s28] =	ssyncset.done $0x0  }
0xdf: {  	[sflag:s28] =	ssyncadd.s32 $0xFFFFC000  }
0xe0: {  	[bflag:$0x0] =	sbarrier.arrive $0xFFFF  }
0xe1: {  	s22 =	rddreg [dreg:$0x7]  }
0xe2: {  	[hbm:s22], [sflag:s17] =	dma.local [spmem:s18], $0x2800  }
0xe3: {  	_ =	swait.ge [sflag:s28], $0x2800  }
0xe4: {  	[sflag:s28] =	ssyncset.done $0x0  }
0xe5: {  	[sflag:s28] =	ssyncadd.s32 $0xFFFFD800  }
0xe6: {  	s23 =	simm.s32 $0x0;
	[bflag:$0x0] =	sbarrier.arrive $0xFFFF  }
0xe7: {  	[tilespmem:s30], [sflag:$0x3] =	stream.linear.gather [hbm4b:s5+s23], $0x4000, $0x38;
	[tilespmem:$0x1E800] =	vst v63  }
0xe8: {  	_ =	swait.ge [sflag:s28], $0x4000  }
0xe9: {  	[sflag:s28] =	ssyncset.done $0x0  }
0xea: {  	[sflag:s28] =	ssyncadd.s32 $0xFFFFC000  }
0xeb: {  	[spmem:s11] =	stream.linear.scatter [tilespmem:s30], [sflag:$0x3], $0x4000, $0x38;
	[tilespmem:$0x1E800] =	vst v63  }
0xec: {  	_ =	swait.ge [sflag:s28], $0x4000  }
0xed: {  	[sflag:s28] =	ssyncset.done $0x0  }
0xee: {  	[sflag:s28] =	ssyncadd.s32 $0xFFFFC000  }
0xef: {  	[spmem:s12] =	stream.linear.scatter [tilespmem:s30], [sflag:$0x3], $0x4000, $0x38;
	[tilespmem:$0x1E800] =	vst v63  }
0xf0: {  	_ =	swait.ge [sflag:s28], $0x4000  }
0xf1: {  	[sflag:s28] =	ssyncset.done $0x0  }
0xf2: {  	[sflag:s28] =	ssyncadd.s32 $0xFFFFC000  }
0xf3: {  	[spmem:s13] =	stream.linear.scatter [tilespmem:s30], [sflag:$0x3], $0x4000, $0x38;
	[tilespmem:$0x1E800] =	vst v63  }
0xf4: {  	_ =	swait.ge [sflag:s28], $0x4000  }
0xf5: {  	[sflag:s28] =	ssyncset.done $0x0  }
0xf6: {  	[sflag:s28] =	ssyncadd.s32 $0xFFFFC000  }
0xf7: {  	[spmem:s14] =	stream.linear.scatter [tilespmem:s30], [sflag:$0x3], $0x4000, $0x38;
	[tilespmem:$0x1E800] =	vst v63  }
0xf8: {  	_ =	swait.ge [sflag:s28], $0x4000  }
0xf9: {  	[sflag:s28] =	ssyncset.done $0x0  }
0xfa: {  	[sflag:s28] =	ssyncadd.s32 $0xFFFFC000  }
0xfb: {  	[spmem:s26] =	stream.linear.scatter [tilespmem:s30], [sflag:$0x3], $0x4000, $0x38;
	[tilespmem:$0x1E800] =	vst v63  }
0xfc: {  	_ =	swait.ge [sflag:s28], $0x4000  }
0xfd: {  	[sflag:s28] =	ssyncset.done $0x0  }
0xfe: {  	[sflag:s28] =	ssyncadd.s32 $0xFFFFC000  }
0xff: {  	[bflag:$0x0] =	sbarrier.arrive $0xFFFF  }
0x100: {  	[tilespmem:s30], [sflag:$0x1] =	stream.indirect.gather [hbm4b:s7+s31], $0x80, s23, s31, $0xb8;
	[tilespmem:$0x1E800] =	vst v63  }
0x101: {  	s20 =	simm.s32 $0x80  }
0x102: {  	[tilespmem:s0], [sflag:$0x2] =	stream.indirect.gather [hbm4b:s7+s31], $0x80, s20, s31, $0xb8;
	[tilespmem:$0x1E800] =	vst v63  }
0x103: {  	_ =	swait.ge [sflag:s1], $0x4000  }
0x104: {  	[sflag:s1] =	ssyncset.done $0x0  }
0x105: {  	s21 =	simm.s32 $0x1400;
	[sflag:s1] =	ssyncadd.s32 $0xFFFFC000  }
0x106: {  	[spmem:s3] =	stream.indirect.scatter.add.f32 [tilespmem:s30], [sflag:$0x3], $0x80, s21, s31, $0xb8;
	[tilespmem:$0x1E800] =	vst v63  }
0x107: {  	_ =	swait.ge [sflag:s28], $0x4000  }
0x108: {  	[sflag:s28] =	ssyncset.done $0x0  }
0x109: {  	s22 =	simm.s32 $0x100;
	[sflag:s28] =	ssyncadd.s32 $0xFFFFC000  }
0x10a: {  	[tilespmem:s30], [sflag:$0x1] =	stream.indirect.gather [hbm4b:s7+s31], $0x80, s22, s31, $0xb8;
	[tilespmem:$0x1E800] =	vst v63  }
0x10b: {  	_ =	swait.ge [sflag:s9], $0x4000  }
0x10c: {  	[sflag:s9] =	ssyncset.done $0x0  }
0x10d: {  	s23 =	simm.s32 $0x1480;
	[sflag:s9] =	ssyncadd.s32 $0xFFFFC000  }
0x10e: {  	[spmem:s3] =	stream.indirect.scatter.add.f32 [tilespmem:s0], [sflag:$0x3], $0x80, s23, s31, $0xb8;
	[tilespmem:$0x1E800] =	vst v63  }
0x10f: {  	_ =	swait.ge [sflag:s28], $0x4000  }
0x110: {  	s19 =	simm.s32 $0x100;
	s20 =	simm.s32 $0x800;
	[sflag:s28] =	ssyncset.done $0x0  }
.LBB2_6:
0x111: {  	s21 =	sadd.s32 $0x80, s19  }
0x112: {  	[sflag:s28] =	ssyncadd.s32 $0xFFFFC000;
	s22 =	smov.u32 s20;
	s23 =	sadd.s32 $0x400, s20  }
0x113: {  	[tilespmem:s0], [sflag:$0x2] =	stream.indirect.gather [hbm4b:s7+s31], $0x80, s21, s31, $0xb8;
	[tilespmem:$0x1E800] =	vst v63  }
0x114: {  	p0 =	sne.s32 s20, $0x4800;
	_ =	swait.ge [sflag:s1], $0x4000  }
0x115: {  	[sflag:s1] =	ssyncset.done $0x0  }
0x116: {  	s20 =	sadd.s32 $0x1400, s19;
	[sflag:s1] =	ssyncadd.s32 $0xFFFFC000  }
0x117: {  	[spmem:s3] =	stream.indirect.scatter.add.f32 [tilespmem:s30], [sflag:$0x3], $0x80, s20, s31, $0xb8;
	[tilespmem:$0x1E800] =	vst v63  }
0x118: {  	_ =	swait.ge [sflag:s28], $0x4000  }
0x119: {  	[sflag:s28] =	ssyncset.done $0x0  }
0x11a: {  	s20 =	sadd.s32 $0x100, s19;
	[sflag:s28] =	ssyncadd.s32 $0xFFFFC000  }
0x11b: {  	[tilespmem:s30], [sflag:$0x1] =	stream.indirect.gather [hbm4b:s7+s31], $0x80, s20, s31, $0xb8;
	[tilespmem:$0x1E800] =	vst v63  }
0x11c: {  	_ =	swait.ge [sflag:s9], $0x4000  }
.Ltmp2:
0x11d: {  	[sflag:s9] =	ssyncset.done $0x0;
	(pc) =	sbr.rel @p0 .LBB2_6-.Ltmp2, $4  }
0x11e: {  	s19 =	sadd.s32 $0x1480, s19;
	[sflag:s9] =	ssyncadd.s32 $0xFFFFC000  }
0x11f: {  	[spmem:s3] =	stream.indirect.scatter.add.f32 [tilespmem:s0], [sflag:$0x3], $0x80, s19, s31, $0xb8;
	[tilespmem:$0x1E800] =	vst v63  }
0x120: {  	_ =	swait.ge [sflag:s28], $0x4000  }
0x121: {  	s20 =	smov.u32 s23;
	s19 =	sshra.s32 s22, $0x2;
	[sflag:s28] =	ssyncset.done $0x0  }
0x122: {  	s20 =	sadd.s32 $0x80, s19;
	[sflag:s28] =	ssyncadd.s32 $0xFFFFC000  }
0x123: {  	[tilespmem:s0], [sflag:$0x2] =	stream.indirect.gather [hbm4b:s7+s31], $0x80, s20, s31, $0xb8;
	[tilespmem:$0x1E800] =	vst v63  }
0x124: {  	_ =	swait.ge [sflag:s1], $0x4000  }
0x125: {  	[sflag:s1] =	ssyncset.done $0x0  }
0x126: {  	s22 =	sadd.s32 $0x1400, s19;
	[sflag:s1] =	ssyncadd.s32 $0xFFFFC000  }
0x127: {  	[spmem:s3] =	stream.indirect.scatter.add.f32 [tilespmem:s30], [sflag:$0x3], $0x80, s22, s31, $0xb8;
	[tilespmem:$0x1E800] =	vst v63  }
0x128: {  	_ =	swait.ge [sflag:s28], $0x4000  }
0x129: {  	[sflag:s28] =	ssyncset.done $0x0  }
0x12a: {  	s23 =	sadd.s32 $0x100, s19;
	[sflag:s28] =	ssyncadd.s32 $0xFFFFC000  }
0x12b: {  	[tilespmem:s30], [sflag:$0x1] =	stream.indirect.gather [hbm4b:s7+s31], $0x80, s23, s31, $0xb8;
	[tilespmem:$0x1E800] =	vst v63  }
0x12c: {  	_ =	swait.ge [sflag:s9], $0x4000  }
0x12d: {  	[sflag:s9] =	ssyncset.done $0x0  }
0x12e: {  	s21 =	sadd.s32 $0x1480, s19;
	[sflag:s9] =	ssyncadd.s32 $0xFFFFC000  }
0x12f: {  	[spmem:s3] =	stream.indirect.scatter.add.f32 [tilespmem:s0], [sflag:$0x3], $0x80, s21, s31, $0xb8;
	[tilespmem:$0x1E800] =	vst v63  }
0x130: {  	_ =	swait.ge [sflag:s28], $0x4000  }
0x131: {  	[sflag:s28] =	ssyncset.done $0x0  }
0x132: {  	[sflag:s28] =	ssyncadd.s32 $0xFFFFC000  }
0x133: {  	[tilespmem:s0], [sflag:$0x2] =	stream.indirect.gather [hbm4b:s7+s31], $0x80, s10, s31, $0xb8;
	[tilespmem:$0x1E800] =	vst v63  }
0x134: {  	_ =	swait.ge [sflag:s1], $0x4000  }
0x135: {  	[sflag:s1] =	ssyncset.done $0x0  }
0x136: {  	[sflag:s1] =	ssyncadd.s32 $0xFFFFC000  }
0x137: {  	[spmem:s3] =	stream.indirect.scatter.add.f32 [tilespmem:s30], [sflag:$0x3], $0x80, s29, s31, $0xb8;
	[tilespmem:$0x1E800] =	vst v63  }
0x138: {  	_ =	swait.ge [sflag:s28], $0x4000  }
0x139: {  	[sflag:s28] =	ssyncset.done $0x0  }
0x13a: {  	[sflag:s28] =	ssyncadd.s32 $0xFFFFC000  }
0x13b: {  	_ =	swait.ge [sflag:s9], $0x4000  }
0x13c: {  	[sflag:s9] =	ssyncset.done $0x0  }
0x13d: {  	[sflag:s9] =	ssyncadd.s32 $0xFFFFC000  }
0x13e: {  	[spmem:s3] =	stream.indirect.scatter.add.f32 [tilespmem:s0], [sflag:$0x3], $0x80, s15, s31, $0xb8;
	[tilespmem:$0x1E800] =	vst v63  }
0x13f: {  	_ =	swait.ge [sflag:s28], $0x4000  }
0x140: {  	[sflag:s28] =	ssyncset.done $0x0  }
0x141: {  	[sflag:s28] =	ssyncadd.s32 $0xFFFFC000  }
0x142: {  	[bflag:$0x0] =	sbarrier.arrive $0xFFFF  }
0x143: {  	s22 =	rddreg [dreg:$0x8]  }
0x144: {  	[hbm:s22], [sflag:s17] =	dma.local [spmem:s18], $0x2800  }
0x145: {  	_ =	swait.ge [sflag:s28], $0x2800  }
0x146: {  	[sflag:s28] =	ssyncset.done $0x0  }
0x147: {  	[sflag:s28] =	ssyncadd.s32 $0xFFFFD800  }
0x148: {  	s23 =	simm.s32 $0x0;
	[bflag:$0x0] =	sbarrier.arrive $0xFFFF  }
0x149: {  	[tilespmem:s30], [sflag:$0x3] =	stream.linear.gather [hbm4b:s5+s23], $0x4000, $0x38;
	[tilespmem:$0x1E800] =	vst v63  }
0x14a: {  	_ =	swait.ge [sflag:s28], $0x4000  }
0x14b: {  	[sflag:s28] =	ssyncset.done $0x0  }
0x14c: {  	[sflag:s28] =	ssyncadd.s32 $0xFFFFC000  }
0x14d: {  	[spmem:s11] =	stream.linear.scatter [tilespmem:s30], [sflag:$0x3], $0x4000, $0x38;
	[tilespmem:$0x1E800] =	vst v63  }
0x14e: {  	_ =	swait.ge [sflag:s28], $0x4000  }
0x14f: {  	[sflag:s28] =	ssyncset.done $0x0  }
0x150: {  	[sflag:s28] =	ssyncadd.s32 $0xFFFFC000  }
0x151: {  	[spmem:s12] =	stream.linear.scatter [tilespmem:s30], [sflag:$0x3], $0x4000, $0x38;
	[tilespmem:$0x1E800] =	vst v63  }
0x152: {  	_ =	swait.ge [sflag:s28], $0x4000  }
0x153: {  	[sflag:s28] =	ssyncset.done $0x0  }
0x154: {  	[sflag:s28] =	ssyncadd.s32 $0xFFFFC000  }
0x155: {  	[spmem:s13] =	stream.linear.scatter [tilespmem:s30], [sflag:$0x3], $0x4000, $0x38;
	[tilespmem:$0x1E800] =	vst v63  }
0x156: {  	_ =	swait.ge [sflag:s28], $0x4000  }
0x157: {  	[sflag:s28] =	ssyncset.done $0x0  }
0x158: {  	[sflag:s28] =	ssyncadd.s32 $0xFFFFC000  }
0x159: {  	[spmem:s14] =	stream.linear.scatter [tilespmem:s30], [sflag:$0x3], $0x4000, $0x38;
	[tilespmem:$0x1E800] =	vst v63  }
0x15a: {  	_ =	swait.ge [sflag:s28], $0x4000  }
0x15b: {  	[sflag:s28] =	ssyncset.done $0x0  }
0x15c: {  	[sflag:s28] =	ssyncadd.s32 $0xFFFFC000  }
0x15d: {  	[spmem:s26] =	stream.linear.scatter [tilespmem:s30], [sflag:$0x3], $0x4000, $0x38;
	[tilespmem:$0x1E800] =	vst v63  }
0x15e: {  	_ =	swait.ge [sflag:s28], $0x4000  }
0x15f: {  	[sflag:s28] =	ssyncset.done $0x0  }
0x160: {  	[sflag:s28] =	ssyncadd.s32 $0xFFFFC000  }
0x161: {  	[bflag:$0x0] =	sbarrier.arrive $0xFFFF  }
0x162: {  	[tilespmem:s30], [sflag:$0x1] =	stream.indirect.gather [hbm4b:s8+s31], $0x80, s23, s31, $0xb8;
	[tilespmem:$0x1E800] =	vst v63  }
0x163: {  	s20 =	simm.s32 $0x80  }
0x164: {  	[tilespmem:s0], [sflag:$0x2] =	stream.indirect.gather [hbm4b:s8+s31], $0x80, s20, s31, $0xb8;
	[tilespmem:$0x1E800] =	vst v63  }
0x165: {  	_ =	swait.ge [sflag:s1], $0x4000  }
0x166: {  	[sflag:s1] =	ssyncset.done $0x0  }
0x167: {  	s21 =	simm.s32 $0x1400;
	[sflag:s1] =	ssyncadd.s32 $0xFFFFC000  }
0x168: {  	[spmem:s3] =	stream.indirect.scatter.add.f32 [tilespmem:s30], [sflag:$0x3], $0x80, s21, s31, $0xb8;
	[tilespmem:$0x1E800] =	vst v63  }
0x169: {  	_ =	swait.ge [sflag:s28], $0x4000  }
0x16a: {  	[sflag:s28] =	ssyncset.done $0x0  }
0x16b: {  	s22 =	simm.s32 $0x100;
	[sflag:s28] =	ssyncadd.s32 $0xFFFFC000  }
0x16c: {  	[tilespmem:s30], [sflag:$0x1] =	stream.indirect.gather [hbm4b:s8+s31], $0x80, s22, s31, $0xb8;
	[tilespmem:$0x1E800] =	vst v63  }
0x16d: {  	_ =	swait.ge [sflag:s9], $0x4000  }
0x16e: {  	[sflag:s9] =	ssyncset.done $0x0  }
0x16f: {  	s23 =	simm.s32 $0x1480;
	[sflag:s9] =	ssyncadd.s32 $0xFFFFC000  }
0x170: {  	[spmem:s3] =	stream.indirect.scatter.add.f32 [tilespmem:s0], [sflag:$0x3], $0x80, s23, s31, $0xb8;
	[tilespmem:$0x1E800] =	vst v63  }
0x171: {  	_ =	swait.ge [sflag:s28], $0x4000  }
0x172: {  	s19 =	simm.s32 $0x100;
	s20 =	simm.s32 $0x800;
	[sflag:s28] =	ssyncset.done $0x0  }
.LBB2_8:
0x173: {  	s21 =	sadd.s32 $0x80, s19  }
0x174: {  	[sflag:s28] =	ssyncadd.s32 $0xFFFFC000;
	s22 =	smov.u32 s20;
	s23 =	sadd.s32 $0x400, s20  }
0x175: {  	[tilespmem:s0], [sflag:$0x2] =	stream.indirect.gather [hbm4b:s8+s31], $0x80, s21, s31, $0xb8;
	[tilespmem:$0x1E800] =	vst v63  }
0x176: {  	p0 =	sne.s32 s20, $0x4800;
	_ =	swait.ge [sflag:s1], $0x4000  }
0x177: {  	[sflag:s1] =	ssyncset.done $0x0  }
0x178: {  	s20 =	sadd.s32 $0x1400, s19;
	[sflag:s1] =	ssyncadd.s32 $0xFFFFC000  }
0x179: {  	[spmem:s3] =	stream.indirect.scatter.add.f32 [tilespmem:s30], [sflag:$0x3], $0x80, s20, s31, $0xb8;
	[tilespmem:$0x1E800] =	vst v63  }
0x17a: {  	_ =	swait.ge [sflag:s28], $0x4000  }
0x17b: {  	[sflag:s28] =	ssyncset.done $0x0  }
0x17c: {  	s20 =	sadd.s32 $0x100, s19;
	[sflag:s28] =	ssyncadd.s32 $0xFFFFC000  }
0x17d: {  	[tilespmem:s30], [sflag:$0x1] =	stream.indirect.gather [hbm4b:s8+s31], $0x80, s20, s31, $0xb8;
	[tilespmem:$0x1E800] =	vst v63  }
0x17e: {  	_ =	swait.ge [sflag:s9], $0x4000  }
.Ltmp3:
0x17f: {  	[sflag:s9] =	ssyncset.done $0x0;
	(pc) =	sbr.rel @p0 .LBB2_8-.Ltmp3, $4  }
0x180: {  	s19 =	sadd.s32 $0x1480, s19;
	[sflag:s9] =	ssyncadd.s32 $0xFFFFC000  }
0x181: {  	[spmem:s3] =	stream.indirect.scatter.add.f32 [tilespmem:s0], [sflag:$0x3], $0x80, s19, s31, $0xb8;
	[tilespmem:$0x1E800] =	vst v63  }
0x182: {  	_ =	swait.ge [sflag:s28], $0x4000  }
0x183: {  	s20 =	smov.u32 s23;
	s19 =	sshra.s32 s22, $0x2;
	[sflag:s28] =	ssyncset.done $0x0  }
0x184: {  	s20 =	sadd.s32 $0x80, s19;
	[sflag:s28] =	ssyncadd.s32 $0xFFFFC000  }
0x185: {  	[tilespmem:s0], [sflag:$0x2] =	stream.indirect.gather [hbm4b:s8+s31], $0x80, s20, s31, $0xb8;
	[tilespmem:$0x1E800] =	vst v63  }
0x186: {  	_ =	swait.ge [sflag:s1], $0x4000  }
0x187: {  	[sflag:s1] =	ssyncset.done $0x0  }
0x188: {  	s21 =	sadd.s32 $0x1400, s19;
	[sflag:s1] =	ssyncadd.s32 $0xFFFFC000  }
0x189: {  	[spmem:s3] =	stream.indirect.scatter.add.f32 [tilespmem:s30], [sflag:$0x3], $0x80, s21, s31, $0xb8;
	[tilespmem:$0x1E800] =	vst v63  }
0x18a: {  	_ =	swait.ge [sflag:s28], $0x4000  }
0x18b: {  	[sflag:s28] =	ssyncset.done $0x0  }
0x18c: {  	s22 =	sadd.s32 $0x100, s19;
	[sflag:s28] =	ssyncadd.s32 $0xFFFFC000  }
0x18d: {  	[tilespmem:s30], [sflag:$0x1] =	stream.indirect.gather [hbm4b:s8+s31], $0x80, s22, s31, $0xb8;
	[tilespmem:$0x1E800] =	vst v63  }
0x18e: {  	_ =	swait.ge [sflag:s9], $0x4000  }
0x18f: {  	[sflag:s9] =	ssyncset.done $0x0  }
0x190: {  	s23 =	sadd.s32 $0x1480, s19;
	[sflag:s9] =	ssyncadd.s32 $0xFFFFC000  }
0x191: {  	[spmem:s3] =	stream.indirect.scatter.add.f32 [tilespmem:s0], [sflag:$0x3], $0x80, s23, s31, $0xb8;
	[tilespmem:$0x1E800] =	vst v63  }
0x192: {  	_ =	swait.ge [sflag:s28], $0x4000  }
0x193: {  	[sflag:s28] =	ssyncset.done $0x0  }
0x194: {  	[sflag:s28] =	ssyncadd.s32 $0xFFFFC000  }
0x195: {  	[tilespmem:s0], [sflag:$0x2] =	stream.indirect.gather [hbm4b:s8+s31], $0x80, s10, s31, $0xb8;
	[tilespmem:$0x1E800] =	vst v63  }
0x196: {  	_ =	swait.ge [sflag:s1], $0x4000  }
0x197: {  	[sflag:s1] =	ssyncset.done $0x0  }
0x198: {  	[sflag:s1] =	ssyncadd.s32 $0xFFFFC000  }
0x199: {  	[spmem:s3] =	stream.indirect.scatter.add.f32 [tilespmem:s30], [sflag:$0x3], $0x80, s29, s31, $0xb8;
	[tilespmem:$0x1E800] =	vst v63  }
0x19a: {  	_ =	swait.ge [sflag:s28], $0x4000  }
0x19b: {  	[sflag:s28] =	ssyncset.done $0x0  }
0x19c: {  	[sflag:s28] =	ssyncadd.s32 $0xFFFFC000  }
0x19d: {  	_ =	swait.ge [sflag:s9], $0x4000  }
0x19e: {  	[sflag:s9] =	ssyncset.done $0x0  }
0x19f: {  	[sflag:s9] =	ssyncadd.s32 $0xFFFFC000  }
0x1a0: {  	[spmem:s3] =	stream.indirect.scatter.add.f32 [tilespmem:s0], [sflag:$0x3], $0x80, s15, s31, $0xb8;
	[tilespmem:$0x1E800] =	vst v63  }
0x1a1: {  	_ =	swait.ge [sflag:s28], $0x4000  }
0x1a2: {  	[sflag:s28] =	ssyncset.done $0x0  }
0x1a3: {  	[sflag:s28] =	ssyncadd.s32 $0xFFFFC000  }
0x1a4: {  	[bflag:$0x0] =	sbarrier.arrive $0xFFFF  }
0x1a5: {  	s20 =	rddreg [dreg:$0x9]  }
0x1a6: {  	[hbm:s20], [sflag:s17] =	dma.local [spmem:s18], $0x2800  }
0x1a7: {  	_ =	swait.ge [sflag:s28], $0x2800  }
0x1a8: {  	[sflag:s28] =	ssyncset.done $0x0  }
0x1a9: {  	[sflag:s28] =	ssyncadd.s32 $0xFFFFD800  }
0x1aa: {  	[bflag:$0x0] =	sbarrier.arrive $0xFFFF  }
0x1ab: {  	s21 =	simm.s32 $0x0;
	s22 =	rddreg [dreg:$0xe]  }
0x1ac: {  	[tilespmem:s21], [sflag:$0x3] =	stream.linear.gather [hbm4b:s22+s21], $0x1400, $0x38;
	[tilespmem:$0x1E800] =	vst v63  }
0x1ad: {  	_ =	swait.ge [sflag:s28], $0x1400  }
0x1ae: {  	[sflag:s28] =	ssyncset.done $0x0  }
0x1af: {  	s23 =	simm.s32 $0x1400;
	[sflag:s28] =	ssyncadd.s32 $0xFFFFEC00  }
0x1b0: {  	[tilespmem:s23], [sflag:$0x3] =	stream.linear.gather [hbm4b:s24+s21], $0x1400, $0x38;
	[tilespmem:$0x1E800] =	vst v63  }
0x1b1: {  	_ =	swait.ge [sflag:s28], $0x1400  }
0x1b2: {  	[sflag:s28] =	ssyncset.done $0x0  }
0x1b3: {  	[sflag:s28] =	ssyncadd.s32 $0xFFFFEC00  }
0x1b4: {  	[tilespmem:s30], [sflag:$0x3] =	stream.linear.gather [hbm4b:s5+s21], $0x4000, $0x38;
	[tilespmem:$0x1E800] =	vst v63  }
0x1b5: {  	_ =	swait.ge [sflag:s28], $0x4000  }
0x1b6: {  	[sflag:s28] =	ssyncset.done $0x0  }
0x1b7: {  	[sflag:s28] =	ssyncadd.s32 $0xFFFFC000  }
0x1b8: {  	[spmem:s11] =	stream.linear.scatter [tilespmem:s30], [sflag:$0x3], $0x4000, $0x38;
	[tilespmem:$0x1E800] =	vst v63  }
0x1b9: {  	_ =	swait.ge [sflag:s28], $0x4000  }
0x1ba: {  	[sflag:s28] =	ssyncset.done $0x0  }
0x1bb: {  	[sflag:s28] =	ssyncadd.s32 $0xFFFFC000  }
0x1bc: {  	[spmem:s12] =	stream.linear.scatter [tilespmem:s30], [sflag:$0x3], $0x4000, $0x38;
	[tilespmem:$0x1E800] =	vst v63  }
0x1bd: {  	_ =	swait.ge [sflag:s28], $0x4000  }
0x1be: {  	[sflag:s28] =	ssyncset.done $0x0  }
0x1bf: {  	[sflag:s28] =	ssyncadd.s32 $0xFFFFC000  }
0x1c0: {  	[spmem:s13] =	stream.linear.scatter [tilespmem:s30], [sflag:$0x3], $0x4000, $0x38;
	[tilespmem:$0x1E800] =	vst v63  }
0x1c1: {  	_ =	swait.ge [sflag:s28], $0x4000  }
0x1c2: {  	[sflag:s28] =	ssyncset.done $0x0  }
0x1c3: {  	[sflag:s28] =	ssyncadd.s32 $0xFFFFC000  }
0x1c4: {  	[spmem:s14] =	stream.linear.scatter [tilespmem:s30], [sflag:$0x3], $0x4000, $0x38;
	[tilespmem:$0x1E800] =	vst v63  }
0x1c5: {  	_ =	swait.ge [sflag:s28], $0x4000  }
0x1c6: {  	[sflag:s28] =	ssyncset.done $0x0  }
0x1c7: {  	[sflag:s28] =	ssyncadd.s32 $0xFFFFC000  }
0x1c8: {  	[spmem:s26] =	stream.linear.scatter [tilespmem:s30], [sflag:$0x3], $0x4000, $0x38;
	[tilespmem:$0x1E800] =	vst v63  }
0x1c9: {  	_ =	swait.ge [sflag:s28], $0x4000  }
0x1ca: {  	[sflag:s28] =	ssyncset.done $0x0  }
0x1cb: {  	[sflag:s28] =	ssyncadd.s32 $0xFFFFC000  }
0x1cc: {  	[bflag:$0x0] =	sbarrier.arrive $0xFFFF  }
0x1cd: {  	[tilespmem:s30], [sflag:$0x1] =	stream.indirect.gather [hbm4b:s2+s31], $0x80, s21, s31, $0xb8;
	[tilespmem:$0x1E800] =	vst v63  }
0x1ce: {  	s20 =	simm.s32 $0x80  }
0x1cf: {  	[tilespmem:s0], [sflag:$0x2] =	stream.indirect.gather [hbm4b:s2+s31], $0x80, s20, s31, $0xb8;
	[tilespmem:$0x1E800] =	vst v63  }
0x1d0: {  	_ =	swait.ge [sflag:s1], $0x4000  }
0x1d1: {  	[sflag:s1] =	ssyncset.done $0x0  }
0x1d2: {  	s21 =	simm.s32 $0x1400;
	[sflag:s1] =	ssyncadd.s32 $0xFFFFC000  }
0x1d3: {  	[spmem:s3] =	stream.indirect.scatter.add.f32 [tilespmem:s30], [sflag:$0x3], $0x80, s21, s31, $0xb8;
	[tilespmem:$0x1E800] =	vst v63  }
0x1d4: {  	_ =	swait.ge [sflag:s28], $0x4000  }
0x1d5: {  	[sflag:s28] =	ssyncset.done $0x0  }
0x1d6: {  	s22 =	simm.s32 $0x100;
	[sflag:s28] =	ssyncadd.s32 $0xFFFFC000  }
0x1d7: {  	[tilespmem:s30], [sflag:$0x1] =	stream.indirect.gather [hbm4b:s2+s31], $0x80, s22, s31, $0xb8;
	[tilespmem:$0x1E800] =	vst v63  }
0x1d8: {  	_ =	swait.ge [sflag:s9], $0x4000  }
0x1d9: {  	[sflag:s9] =	ssyncset.done $0x0  }
0x1da: {  	s23 =	simm.s32 $0x1480;
	[sflag:s9] =	ssyncadd.s32 $0xFFFFC000  }
0x1db: {  	[spmem:s3] =	stream.indirect.scatter.add.f32 [tilespmem:s0], [sflag:$0x3], $0x80, s23, s31, $0xb8;
	[tilespmem:$0x1E800] =	vst v63  }
0x1dc: {  	_ =	swait.ge [sflag:s28], $0x4000  }
0x1dd: {  	s19 =	simm.s32 $0x100;
	s20 =	simm.s32 $0x800;
	[sflag:s28] =	ssyncset.done $0x0  }
.LBB2_10:
0x1de: {  	s21 =	sadd.s32 $0x80, s19  }
0x1df: {  	[sflag:s28] =	ssyncadd.s32 $0xFFFFC000;
	s22 =	smov.u32 s20;
	s23 =	sadd.s32 $0x400, s20  }
0x1e0: {  	[tilespmem:s0], [sflag:$0x2] =	stream.indirect.gather [hbm4b:s2+s31], $0x80, s21, s31, $0xb8;
	[tilespmem:$0x1E800] =	vst v63  }
0x1e1: {  	p0 =	sne.s32 s20, $0x4800;
	_ =	swait.ge [sflag:s1], $0x4000  }
0x1e2: {  	[sflag:s1] =	ssyncset.done $0x0  }
0x1e3: {  	s20 =	sadd.s32 $0x1400, s19;
	[sflag:s1] =	ssyncadd.s32 $0xFFFFC000  }
0x1e4: {  	[spmem:s3] =	stream.indirect.scatter.add.f32 [tilespmem:s30], [sflag:$0x3], $0x80, s20, s31, $0xb8;
	[tilespmem:$0x1E800] =	vst v63  }
0x1e5: {  	_ =	swait.ge [sflag:s28], $0x4000  }
0x1e6: {  	[sflag:s28] =	ssyncset.done $0x0  }
0x1e7: {  	s20 =	sadd.s32 $0x100, s19;
	[sflag:s28] =	ssyncadd.s32 $0xFFFFC000  }
0x1e8: {  	[tilespmem:s30], [sflag:$0x1] =	stream.indirect.gather [hbm4b:s2+s31], $0x80, s20, s31, $0xb8;
	[tilespmem:$0x1E800] =	vst v63  }
0x1e9: {  	_ =	swait.ge [sflag:s9], $0x4000  }
.Ltmp4:
0x1ea: {  	[sflag:s9] =	ssyncset.done $0x0;
	(pc) =	sbr.rel @p0 .LBB2_10-.Ltmp4, $4  }
0x1eb: {  	s19 =	sadd.s32 $0x1480, s19;
	[sflag:s9] =	ssyncadd.s32 $0xFFFFC000  }
0x1ec: {  	[spmem:s3] =	stream.indirect.scatter.add.f32 [tilespmem:s0], [sflag:$0x3], $0x80, s19, s31, $0xb8;
	[tilespmem:$0x1E800] =	vst v63  }
0x1ed: {  	_ =	swait.ge [sflag:s28], $0x4000  }
0x1ee: {  	s20 =	smov.u32 s23;
	s19 =	sshra.s32 s22, $0x2;
	[sflag:s28] =	ssyncset.done $0x0  }
0x1ef: {  	s20 =	sadd.s32 $0x80, s19;
	[sflag:s28] =	ssyncadd.s32 $0xFFFFC000  }
0x1f0: {  	[tilespmem:s0], [sflag:$0x2] =	stream.indirect.gather [hbm4b:s2+s31], $0x80, s20, s31, $0xb8;
	[tilespmem:$0x1E800] =	vst v63  }
0x1f1: {  	_ =	swait.ge [sflag:s1], $0x4000  }
0x1f2: {  	[sflag:s1] =	ssyncset.done $0x0  }
0x1f3: {  	s22 =	sadd.s32 $0x1400, s19;
	[sflag:s1] =	ssyncadd.s32 $0xFFFFC000  }
0x1f4: {  	[spmem:s3] =	stream.indirect.scatter.add.f32 [tilespmem:s30], [sflag:$0x3], $0x80, s22, s31, $0xb8;
	[tilespmem:$0x1E800] =	vst v63  }
0x1f5: {  	_ =	swait.ge [sflag:s28], $0x4000  }
0x1f6: {  	[sflag:s28] =	ssyncset.done $0x0  }
0x1f7: {  	s23 =	sadd.s32 $0x100, s19;
	[sflag:s28] =	ssyncadd.s32 $0xFFFFC000  }
0x1f8: {  	[tilespmem:s30], [sflag:$0x1] =	stream.indirect.gather [hbm4b:s2+s31], $0x80, s23, s31, $0xb8;
	[tilespmem:$0x1E800] =	vst v63  }
0x1f9: {  	_ =	swait.ge [sflag:s9], $0x4000  }
0x1fa: {  	[sflag:s9] =	ssyncset.done $0x0  }
0x1fb: {  	s21 =	sadd.s32 $0x1480, s19;
	[sflag:s9] =	ssyncadd.s32 $0xFFFFC000  }
0x1fc: {  	[spmem:s3] =	stream.indirect.scatter.add.f32 [tilespmem:s0], [sflag:$0x3], $0x80, s21, s31, $0xb8;
	[tilespmem:$0x1E800] =	vst v63  }
0x1fd: {  	_ =	swait.ge [sflag:s28], $0x4000  }
0x1fe: {  	[sflag:s28] =	ssyncset.done $0x0  }
0x1ff: {  	[sflag:s28] =	ssyncadd.s32 $0xFFFFC000  }
0x200: {  	[tilespmem:s0], [sflag:$0x2] =	stream.indirect.gather [hbm4b:s2+s31], $0x80, s10, s31, $0xb8;
	[tilespmem:$0x1E800] =	vst v63  }
0x201: {  	_ =	swait.ge [sflag:s1], $0x4000  }
0x202: {  	[sflag:s1] =	ssyncset.done $0x0  }
0x203: {  	[sflag:s1] =	ssyncadd.s32 $0xFFFFC000  }
0x204: {  	[spmem:s3] =	stream.indirect.scatter.add.f32 [tilespmem:s30], [sflag:$0x3], $0x80, s29, s31, $0xb8;
	[tilespmem:$0x1E800] =	vst v63  }
0x205: {  	_ =	swait.ge [sflag:s28], $0x4000  }
0x206: {  	[sflag:s28] =	ssyncset.done $0x0  }
0x207: {  	[sflag:s28] =	ssyncadd.s32 $0xFFFFC000  }
0x208: {  	_ =	swait.ge [sflag:s9], $0x4000  }
0x209: {  	[sflag:s9] =	ssyncset.done $0x0  }
0x20a: {  	[sflag:s9] =	ssyncadd.s32 $0xFFFFC000  }
0x20b: {  	[spmem:s3] =	stream.indirect.scatter.add.f32 [tilespmem:s0], [sflag:$0x3], $0x80, s15, s31, $0xb8;
	[tilespmem:$0x1E800] =	vst v63  }
0x20c: {  	_ =	swait.ge [sflag:s28], $0x4000  }
0x20d: {  	[sflag:s28] =	ssyncset.done $0x0  }
0x20e: {  	[sflag:s28] =	ssyncadd.s32 $0xFFFFC000  }
0x20f: {  	[bflag:$0x0] =	sbarrier.arrive $0xFFFF  }
0x210: {  	s22 =	rddreg [dreg:$0xa]  }
0x211: {  	[hbm:s22], [sflag:s17] =	dma.local [spmem:s18], $0x2800  }
0x212: {  	_ =	swait.ge [sflag:s28], $0x2800  }
0x213: {  	[sflag:s28] =	ssyncset.done $0x0  }
0x214: {  	[sflag:s28] =	ssyncadd.s32 $0xFFFFD800  }
0x215: {  	s23 =	simm.s32 $0x0;
	[bflag:$0x0] =	sbarrier.arrive $0xFFFF  }
0x216: {  	[tilespmem:s30], [sflag:$0x3] =	stream.linear.gather [hbm4b:s5+s23], $0x4000, $0x38;
	[tilespmem:$0x1E800] =	vst v63  }
0x217: {  	_ =	swait.ge [sflag:s28], $0x4000  }
0x218: {  	[sflag:s28] =	ssyncset.done $0x0  }
0x219: {  	[sflag:s28] =	ssyncadd.s32 $0xFFFFC000  }
0x21a: {  	[spmem:s11] =	stream.linear.scatter [tilespmem:s30], [sflag:$0x3], $0x4000, $0x38;
	[tilespmem:$0x1E800] =	vst v63  }
0x21b: {  	_ =	swait.ge [sflag:s28], $0x4000  }
0x21c: {  	[sflag:s28] =	ssyncset.done $0x0  }
0x21d: {  	[sflag:s28] =	ssyncadd.s32 $0xFFFFC000  }
0x21e: {  	[spmem:s12] =	stream.linear.scatter [tilespmem:s30], [sflag:$0x3], $0x4000, $0x38;
	[tilespmem:$0x1E800] =	vst v63  }
0x21f: {  	_ =	swait.ge [sflag:s28], $0x4000  }
0x220: {  	[sflag:s28] =	ssyncset.done $0x0  }
0x221: {  	[sflag:s28] =	ssyncadd.s32 $0xFFFFC000  }
0x222: {  	[spmem:s13] =	stream.linear.scatter [tilespmem:s30], [sflag:$0x3], $0x4000, $0x38;
	[tilespmem:$0x1E800] =	vst v63  }
0x223: {  	_ =	swait.ge [sflag:s28], $0x4000  }
0x224: {  	[sflag:s28] =	ssyncset.done $0x0  }
0x225: {  	[sflag:s28] =	ssyncadd.s32 $0xFFFFC000  }
0x226: {  	[spmem:s14] =	stream.linear.scatter [tilespmem:s30], [sflag:$0x3], $0x4000, $0x38;
	[tilespmem:$0x1E800] =	vst v63  }
0x227: {  	_ =	swait.ge [sflag:s28], $0x4000  }
0x228: {  	[sflag:s28] =	ssyncset.done $0x0  }
0x229: {  	[sflag:s28] =	ssyncadd.s32 $0xFFFFC000  }
0x22a: {  	[spmem:s26] =	stream.linear.scatter [tilespmem:s30], [sflag:$0x3], $0x4000, $0x38;
	[tilespmem:$0x1E800] =	vst v63  }
0x22b: {  	_ =	swait.ge [sflag:s28], $0x4000  }
0x22c: {  	[sflag:s28] =	ssyncset.done $0x0  }
0x22d: {  	[sflag:s28] =	ssyncadd.s32 $0xFFFFC000  }
0x22e: {  	[bflag:$0x0] =	sbarrier.arrive $0xFFFF  }
0x22f: {  	[tilespmem:s30], [sflag:$0x1] =	stream.indirect.gather [hbm4b:s6+s31], $0x80, s23, s31, $0xb8;
	[tilespmem:$0x1E800] =	vst v63  }
0x230: {  	s20 =	simm.s32 $0x80  }
0x231: {  	[tilespmem:s0], [sflag:$0x2] =	stream.indirect.gather [hbm4b:s6+s31], $0x80, s20, s31, $0xb8;
	[tilespmem:$0x1E800] =	vst v63  }
0x232: {  	_ =	swait.ge [sflag:s1], $0x4000  }
0x233: {  	[sflag:s1] =	ssyncset.done $0x0  }
0x234: {  	s21 =	simm.s32 $0x1400;
	[sflag:s1] =	ssyncadd.s32 $0xFFFFC000  }
0x235: {  	[spmem:s3] =	stream.indirect.scatter.add.f32 [tilespmem:s30], [sflag:$0x3], $0x80, s21, s31, $0xb8;
	[tilespmem:$0x1E800] =	vst v63  }
0x236: {  	_ =	swait.ge [sflag:s28], $0x4000  }
0x237: {  	[sflag:s28] =	ssyncset.done $0x0  }
0x238: {  	s22 =	simm.s32 $0x100;
	[sflag:s28] =	ssyncadd.s32 $0xFFFFC000  }
0x239: {  	[tilespmem:s30], [sflag:$0x1] =	stream.indirect.gather [hbm4b:s6+s31], $0x80, s22, s31, $0xb8;
	[tilespmem:$0x1E800] =	vst v63  }
0x23a: {  	_ =	swait.ge [sflag:s9], $0x4000  }
0x23b: {  	[sflag:s9] =	ssyncset.done $0x0  }
0x23c: {  	s23 =	simm.s32 $0x1480;
	[sflag:s9] =	ssyncadd.s32 $0xFFFFC000  }
0x23d: {  	[spmem:s3] =	stream.indirect.scatter.add.f32 [tilespmem:s0], [sflag:$0x3], $0x80, s23, s31, $0xb8;
	[tilespmem:$0x1E800] =	vst v63  }
0x23e: {  	_ =	swait.ge [sflag:s28], $0x4000  }
0x23f: {  	s19 =	simm.s32 $0x100;
	s20 =	simm.s32 $0x800;
	[sflag:s28] =	ssyncset.done $0x0  }
.LBB2_12:
0x240: {  	s21 =	sadd.s32 $0x80, s19  }
0x241: {  	[sflag:s28] =	ssyncadd.s32 $0xFFFFC000;
	s22 =	smov.u32 s20;
	s23 =	sadd.s32 $0x400, s20  }
0x242: {  	[tilespmem:s0], [sflag:$0x2] =	stream.indirect.gather [hbm4b:s6+s31], $0x80, s21, s31, $0xb8;
	[tilespmem:$0x1E800] =	vst v63  }
0x243: {  	p0 =	sne.s32 s20, $0x4800;
	_ =	swait.ge [sflag:s1], $0x4000  }
0x244: {  	[sflag:s1] =	ssyncset.done $0x0  }
0x245: {  	s20 =	sadd.s32 $0x1400, s19;
	[sflag:s1] =	ssyncadd.s32 $0xFFFFC000  }
0x246: {  	[spmem:s3] =	stream.indirect.scatter.add.f32 [tilespmem:s30], [sflag:$0x3], $0x80, s20, s31, $0xb8;
	[tilespmem:$0x1E800] =	vst v63  }
0x247: {  	_ =	swait.ge [sflag:s28], $0x4000  }
0x248: {  	[sflag:s28] =	ssyncset.done $0x0  }
0x249: {  	s20 =	sadd.s32 $0x100, s19;
	[sflag:s28] =	ssyncadd.s32 $0xFFFFC000  }
0x24a: {  	[tilespmem:s30], [sflag:$0x1] =	stream.indirect.gather [hbm4b:s6+s31], $0x80, s20, s31, $0xb8;
	[tilespmem:$0x1E800] =	vst v63  }
0x24b: {  	_ =	swait.ge [sflag:s9], $0x4000  }
.Ltmp5:
0x24c: {  	[sflag:s9] =	ssyncset.done $0x0;
	(pc) =	sbr.rel @p0 .LBB2_12-.Ltmp5, $4  }
0x24d: {  	s19 =	sadd.s32 $0x1480, s19;
	[sflag:s9] =	ssyncadd.s32 $0xFFFFC000  }
0x24e: {  	[spmem:s3] =	stream.indirect.scatter.add.f32 [tilespmem:s0], [sflag:$0x3], $0x80, s19, s31, $0xb8;
	[tilespmem:$0x1E800] =	vst v63  }
0x24f: {  	_ =	swait.ge [sflag:s28], $0x4000  }
0x250: {  	s20 =	smov.u32 s23;
	s19 =	sshra.s32 s22, $0x2;
	[sflag:s28] =	ssyncset.done $0x0  }
0x251: {  	s20 =	sadd.s32 $0x80, s19;
	[sflag:s28] =	ssyncadd.s32 $0xFFFFC000  }
0x252: {  	[tilespmem:s0], [sflag:$0x2] =	stream.indirect.gather [hbm4b:s6+s31], $0x80, s20, s31, $0xb8;
	[tilespmem:$0x1E800] =	vst v63  }
0x253: {  	_ =	swait.ge [sflag:s1], $0x4000  }
0x254: {  	[sflag:s1] =	ssyncset.done $0x0  }
0x255: {  	s22 =	sadd.s32 $0x1400, s19;
	[sflag:s1] =	ssyncadd.s32 $0xFFFFC000  }
0x256: {  	[spmem:s3] =	stream.indirect.scatter.add.f32 [tilespmem:s30], [sflag:$0x3], $0x80, s22, s31, $0xb8;
	[tilespmem:$0x1E800] =	vst v63  }
0x257: {  	_ =	swait.ge [sflag:s28], $0x4000  }
0x258: {  	[sflag:s28] =	ssyncset.done $0x0  }
0x259: {  	s23 =	sadd.s32 $0x100, s19;
	[sflag:s28] =	ssyncadd.s32 $0xFFFFC000  }
0x25a: {  	[tilespmem:s30], [sflag:$0x1] =	stream.indirect.gather [hbm4b:s6+s31], $0x80, s23, s31, $0xb8;
	[tilespmem:$0x1E800] =	vst v63  }
0x25b: {  	_ =	swait.ge [sflag:s9], $0x4000  }
0x25c: {  	[sflag:s9] =	ssyncset.done $0x0  }
0x25d: {  	s21 =	sadd.s32 $0x1480, s19;
	[sflag:s9] =	ssyncadd.s32 $0xFFFFC000  }
0x25e: {  	[spmem:s3] =	stream.indirect.scatter.add.f32 [tilespmem:s0], [sflag:$0x3], $0x80, s21, s31, $0xb8;
	[tilespmem:$0x1E800] =	vst v63  }
0x25f: {  	_ =	swait.ge [sflag:s28], $0x4000  }
0x260: {  	[sflag:s28] =	ssyncset.done $0x0  }
0x261: {  	[sflag:s28] =	ssyncadd.s32 $0xFFFFC000  }
0x262: {  	[tilespmem:s0], [sflag:$0x2] =	stream.indirect.gather [hbm4b:s6+s31], $0x80, s10, s31, $0xb8;
	[tilespmem:$0x1E800] =	vst v63  }
0x263: {  	_ =	swait.ge [sflag:s1], $0x4000  }
0x264: {  	[sflag:s1] =	ssyncset.done $0x0  }
0x265: {  	[sflag:s1] =	ssyncadd.s32 $0xFFFFC000  }
0x266: {  	[spmem:s3] =	stream.indirect.scatter.add.f32 [tilespmem:s30], [sflag:$0x3], $0x80, s29, s31, $0xb8;
	[tilespmem:$0x1E800] =	vst v63  }
0x267: {  	_ =	swait.ge [sflag:s28], $0x4000  }
0x268: {  	[sflag:s28] =	ssyncset.done $0x0  }
0x269: {  	[sflag:s28] =	ssyncadd.s32 $0xFFFFC000  }
0x26a: {  	_ =	swait.ge [sflag:s9], $0x4000  }
0x26b: {  	[sflag:s9] =	ssyncset.done $0x0  }
0x26c: {  	[sflag:s9] =	ssyncadd.s32 $0xFFFFC000  }
0x26d: {  	[spmem:s3] =	stream.indirect.scatter.add.f32 [tilespmem:s0], [sflag:$0x3], $0x80, s15, s31, $0xb8;
	[tilespmem:$0x1E800] =	vst v63  }
0x26e: {  	_ =	swait.ge [sflag:s28], $0x4000  }
0x26f: {  	[sflag:s28] =	ssyncset.done $0x0  }
0x270: {  	[sflag:s28] =	ssyncadd.s32 $0xFFFFC000  }
0x271: {  	[bflag:$0x0] =	sbarrier.arrive $0xFFFF  }
0x272: {  	s22 =	rddreg [dreg:$0xb]  }
0x273: {  	[hbm:s22], [sflag:s17] =	dma.local [spmem:s18], $0x2800  }
0x274: {  	_ =	swait.ge [sflag:s28], $0x2800  }
0x275: {  	[sflag:s28] =	ssyncset.done $0x0  }
0x276: {  	[sflag:s28] =	ssyncadd.s32 $0xFFFFD800  }
0x277: {  	s23 =	simm.s32 $0x0;
	[bflag:$0x0] =	sbarrier.arrive $0xFFFF  }
0x278: {  	[tilespmem:s30], [sflag:$0x3] =	stream.linear.gather [hbm4b:s5+s23], $0x4000, $0x38;
	[tilespmem:$0x1E800] =	vst v63  }
0x279: {  	_ =	swait.ge [sflag:s28], $0x4000  }
0x27a: {  	[sflag:s28] =	ssyncset.done $0x0  }
0x27b: {  	[sflag:s28] =	ssyncadd.s32 $0xFFFFC000  }
0x27c: {  	[spmem:s11] =	stream.linear.scatter [tilespmem:s30], [sflag:$0x3], $0x4000, $0x38;
	[tilespmem:$0x1E800] =	vst v63  }
0x27d: {  	_ =	swait.ge [sflag:s28], $0x4000  }
0x27e: {  	[sflag:s28] =	ssyncset.done $0x0  }
0x27f: {  	[sflag:s28] =	ssyncadd.s32 $0xFFFFC000  }
0x280: {  	[spmem:s12] =	stream.linear.scatter [tilespmem:s30], [sflag:$0x3], $0x4000, $0x38;
	[tilespmem:$0x1E800] =	vst v63  }
0x281: {  	_ =	swait.ge [sflag:s28], $0x4000  }
0x282: {  	[sflag:s28] =	ssyncset.done $0x0  }
0x283: {  	[sflag:s28] =	ssyncadd.s32 $0xFFFFC000  }
0x284: {  	[spmem:s13] =	stream.linear.scatter [tilespmem:s30], [sflag:$0x3], $0x4000, $0x38;
	[tilespmem:$0x1E800] =	vst v63  }
0x285: {  	_ =	swait.ge [sflag:s28], $0x4000  }
0x286: {  	[sflag:s28] =	ssyncset.done $0x0  }
0x287: {  	[sflag:s28] =	ssyncadd.s32 $0xFFFFC000  }
0x288: {  	[spmem:s14] =	stream.linear.scatter [tilespmem:s30], [sflag:$0x3], $0x4000, $0x38;
	[tilespmem:$0x1E800] =	vst v63  }
0x289: {  	_ =	swait.ge [sflag:s28], $0x4000  }
0x28a: {  	[sflag:s28] =	ssyncset.done $0x0  }
0x28b: {  	[sflag:s28] =	ssyncadd.s32 $0xFFFFC000  }
0x28c: {  	[spmem:s26] =	stream.linear.scatter [tilespmem:s30], [sflag:$0x3], $0x4000, $0x38;
	[tilespmem:$0x1E800] =	vst v63  }
0x28d: {  	_ =	swait.ge [sflag:s28], $0x4000  }
0x28e: {  	[sflag:s28] =	ssyncset.done $0x0  }
0x28f: {  	[sflag:s28] =	ssyncadd.s32 $0xFFFFC000  }
0x290: {  	[bflag:$0x0] =	sbarrier.arrive $0xFFFF  }
0x291: {  	[tilespmem:s30], [sflag:$0x1] =	stream.indirect.gather [hbm4b:s7+s31], $0x80, s23, s31, $0xb8;
	[tilespmem:$0x1E800] =	vst v63  }
0x292: {  	s20 =	simm.s32 $0x80  }
0x293: {  	[tilespmem:s0], [sflag:$0x2] =	stream.indirect.gather [hbm4b:s7+s31], $0x80, s20, s31, $0xb8;
	[tilespmem:$0x1E800] =	vst v63  }
0x294: {  	_ =	swait.ge [sflag:s1], $0x4000  }
0x295: {  	[sflag:s1] =	ssyncset.done $0x0  }
0x296: {  	s21 =	simm.s32 $0x1400;
	[sflag:s1] =	ssyncadd.s32 $0xFFFFC000  }
0x297: {  	[spmem:s3] =	stream.indirect.scatter.add.f32 [tilespmem:s30], [sflag:$0x3], $0x80, s21, s31, $0xb8;
	[tilespmem:$0x1E800] =	vst v63  }
0x298: {  	_ =	swait.ge [sflag:s28], $0x4000  }
0x299: {  	[sflag:s28] =	ssyncset.done $0x0  }
0x29a: {  	s22 =	simm.s32 $0x100;
	[sflag:s28] =	ssyncadd.s32 $0xFFFFC000  }
0x29b: {  	[tilespmem:s30], [sflag:$0x1] =	stream.indirect.gather [hbm4b:s7+s31], $0x80, s22, s31, $0xb8;
	[tilespmem:$0x1E800] =	vst v63  }
0x29c: {  	_ =	swait.ge [sflag:s9], $0x4000  }
0x29d: {  	[sflag:s9] =	ssyncset.done $0x0  }
0x29e: {  	s23 =	simm.s32 $0x1480;
	[sflag:s9] =	ssyncadd.s32 $0xFFFFC000  }
0x29f: {  	[spmem:s3] =	stream.indirect.scatter.add.f32 [tilespmem:s0], [sflag:$0x3], $0x80, s23, s31, $0xb8;
	[tilespmem:$0x1E800] =	vst v63  }
0x2a0: {  	_ =	swait.ge [sflag:s28], $0x4000  }
0x2a1: {  	s19 =	simm.s32 $0x100;
	s20 =	simm.s32 $0x800;
	[sflag:s28] =	ssyncset.done $0x0  }
.LBB2_14:
0x2a2: {  	s21 =	sadd.s32 $0x80, s19  }
0x2a3: {  	[sflag:s28] =	ssyncadd.s32 $0xFFFFC000;
	s22 =	smov.u32 s20;
	s23 =	sadd.s32 $0x400, s20  }
0x2a4: {  	[tilespmem:s0], [sflag:$0x2] =	stream.indirect.gather [hbm4b:s7+s31], $0x80, s21, s31, $0xb8;
	[tilespmem:$0x1E800] =	vst v63  }
0x2a5: {  	p0 =	sne.s32 s20, $0x4800;
	_ =	swait.ge [sflag:s1], $0x4000  }
0x2a6: {  	[sflag:s1] =	ssyncset.done $0x0  }
0x2a7: {  	s20 =	sadd.s32 $0x1400, s19;
	[sflag:s1] =	ssyncadd.s32 $0xFFFFC000  }
0x2a8: {  	[spmem:s3] =	stream.indirect.scatter.add.f32 [tilespmem:s30], [sflag:$0x3], $0x80, s20, s31, $0xb8;
	[tilespmem:$0x1E800] =	vst v63  }
0x2a9: {  	_ =	swait.ge [sflag:s28], $0x4000  }
0x2aa: {  	[sflag:s28] =	ssyncset.done $0x0  }
0x2ab: {  	s20 =	sadd.s32 $0x100, s19;
	[sflag:s28] =	ssyncadd.s32 $0xFFFFC000  }
0x2ac: {  	[tilespmem:s30], [sflag:$0x1] =	stream.indirect.gather [hbm4b:s7+s31], $0x80, s20, s31, $0xb8;
	[tilespmem:$0x1E800] =	vst v63  }
0x2ad: {  	_ =	swait.ge [sflag:s9], $0x4000  }
.Ltmp6:
0x2ae: {  	[sflag:s9] =	ssyncset.done $0x0;
	(pc) =	sbr.rel @p0 .LBB2_14-.Ltmp6, $4  }
0x2af: {  	s19 =	sadd.s32 $0x1480, s19;
	[sflag:s9] =	ssyncadd.s32 $0xFFFFC000  }
0x2b0: {  	[spmem:s3] =	stream.indirect.scatter.add.f32 [tilespmem:s0], [sflag:$0x3], $0x80, s19, s31, $0xb8;
	[tilespmem:$0x1E800] =	vst v63  }
0x2b1: {  	_ =	swait.ge [sflag:s28], $0x4000  }
0x2b2: {  	s20 =	smov.u32 s23;
	s19 =	sshra.s32 s22, $0x2;
	[sflag:s28] =	ssyncset.done $0x0  }
0x2b3: {  	s20 =	sadd.s32 $0x80, s19;
	[sflag:s28] =	ssyncadd.s32 $0xFFFFC000  }
0x2b4: {  	[tilespmem:s0], [sflag:$0x2] =	stream.indirect.gather [hbm4b:s7+s31], $0x80, s20, s31, $0xb8;
	[tilespmem:$0x1E800] =	vst v63  }
0x2b5: {  	_ =	swait.ge [sflag:s1], $0x4000  }
0x2b6: {  	[sflag:s1] =	ssyncset.done $0x0  }
0x2b7: {  	s22 =	sadd.s32 $0x1400, s19;
	[sflag:s1] =	ssyncadd.s32 $0xFFFFC000  }
0x2b8: {  	[spmem:s3] =	stream.indirect.scatter.add.f32 [tilespmem:s30], [sflag:$0x3], $0x80, s22, s31, $0xb8;
	[tilespmem:$0x1E800] =	vst v63  }
0x2b9: {  	_ =	swait.ge [sflag:s28], $0x4000  }
0x2ba: {  	[sflag:s28] =	ssyncset.done $0x0  }
0x2bb: {  	s23 =	sadd.s32 $0x100, s19;
	[sflag:s28] =	ssyncadd.s32 $0xFFFFC000  }
0x2bc: {  	[tilespmem:s30], [sflag:$0x1] =	stream.indirect.gather [hbm4b:s7+s31], $0x80, s23, s31, $0xb8;
	[tilespmem:$0x1E800] =	vst v63  }
0x2bd: {  	_ =	swait.ge [sflag:s9], $0x4000  }
0x2be: {  	[sflag:s9] =	ssyncset.done $0x0  }
0x2bf: {  	s21 =	sadd.s32 $0x1480, s19;
	[sflag:s9] =	ssyncadd.s32 $0xFFFFC000  }
0x2c0: {  	[spmem:s3] =	stream.indirect.scatter.add.f32 [tilespmem:s0], [sflag:$0x3], $0x80, s21, s31, $0xb8;
	[tilespmem:$0x1E800] =	vst v63  }
0x2c1: {  	_ =	swait.ge [sflag:s28], $0x4000  }
0x2c2: {  	[sflag:s28] =	ssyncset.done $0x0  }
0x2c3: {  	[sflag:s28] =	ssyncadd.s32 $0xFFFFC000  }
0x2c4: {  	[tilespmem:s0], [sflag:$0x2] =	stream.indirect.gather [hbm4b:s7+s31], $0x80, s10, s31, $0xb8;
	[tilespmem:$0x1E800] =	vst v63  }
0x2c5: {  	_ =	swait.ge [sflag:s1], $0x4000  }
0x2c6: {  	[sflag:s1] =	ssyncset.done $0x0  }
0x2c7: {  	[sflag:s1] =	ssyncadd.s32 $0xFFFFC000  }
0x2c8: {  	[spmem:s3] =	stream.indirect.scatter.add.f32 [tilespmem:s30], [sflag:$0x3], $0x80, s29, s31, $0xb8;
	[tilespmem:$0x1E800] =	vst v63  }
0x2c9: {  	_ =	swait.ge [sflag:s28], $0x4000  }
0x2ca: {  	[sflag:s28] =	ssyncset.done $0x0  }
0x2cb: {  	[sflag:s28] =	ssyncadd.s32 $0xFFFFC000  }
0x2cc: {  	_ =	swait.ge [sflag:s9], $0x4000  }
0x2cd: {  	[sflag:s9] =	ssyncset.done $0x0  }
0x2ce: {  	[sflag:s9] =	ssyncadd.s32 $0xFFFFC000  }
0x2cf: {  	[spmem:s3] =	stream.indirect.scatter.add.f32 [tilespmem:s0], [sflag:$0x3], $0x80, s15, s31, $0xb8;
	[tilespmem:$0x1E800] =	vst v63  }
0x2d0: {  	_ =	swait.ge [sflag:s28], $0x4000  }
0x2d1: {  	[sflag:s28] =	ssyncset.done $0x0  }
0x2d2: {  	[sflag:s28] =	ssyncadd.s32 $0xFFFFC000  }
0x2d3: {  	[bflag:$0x0] =	sbarrier.arrive $0xFFFF  }
0x2d4: {  	s22 =	rddreg [dreg:$0xc]  }
0x2d5: {  	[hbm:s22], [sflag:s17] =	dma.local [spmem:s18], $0x2800  }
0x2d6: {  	_ =	swait.ge [sflag:s28], $0x2800  }
0x2d7: {  	[sflag:s28] =	ssyncset.done $0x0  }
0x2d8: {  	[sflag:s28] =	ssyncadd.s32 $0xFFFFD800  }
0x2d9: {  	s23 =	simm.s32 $0x0;
	[bflag:$0x0] =	sbarrier.arrive $0xFFFF  }
0x2da: {  	[tilespmem:s30], [sflag:$0x3] =	stream.linear.gather [hbm4b:s5+s23], $0x4000, $0x38;
	[tilespmem:$0x1E800] =	vst v63  }
0x2db: {  	_ =	swait.ge [sflag:s28], $0x4000  }
0x2dc: {  	[sflag:s28] =	ssyncset.done $0x0  }
0x2dd: {  	[sflag:s28] =	ssyncadd.s32 $0xFFFFC000  }
0x2de: {  	[spmem:s11] =	stream.linear.scatter [tilespmem:s30], [sflag:$0x3], $0x4000, $0x38;
	[tilespmem:$0x1E800] =	vst v63  }
0x2df: {  	_ =	swait.ge [sflag:s28], $0x4000  }
0x2e0: {  	[sflag:s28] =	ssyncset.done $0x0  }
0x2e1: {  	[sflag:s28] =	ssyncadd.s32 $0xFFFFC000  }
0x2e2: {  	[spmem:s12] =	stream.linear.scatter [tilespmem:s30], [sflag:$0x3], $0x4000, $0x38;
	[tilespmem:$0x1E800] =	vst v63  }
0x2e3: {  	_ =	swait.ge [sflag:s28], $0x4000  }
0x2e4: {  	[sflag:s28] =	ssyncset.done $0x0  }
0x2e5: {  	[sflag:s28] =	ssyncadd.s32 $0xFFFFC000  }
0x2e6: {  	[spmem:s13] =	stream.linear.scatter [tilespmem:s30], [sflag:$0x3], $0x4000, $0x38;
	[tilespmem:$0x1E800] =	vst v63  }
0x2e7: {  	_ =	swait.ge [sflag:s28], $0x4000  }
0x2e8: {  	[sflag:s28] =	ssyncset.done $0x0  }
0x2e9: {  	[sflag:s28] =	ssyncadd.s32 $0xFFFFC000  }
0x2ea: {  	[spmem:s14] =	stream.linear.scatter [tilespmem:s30], [sflag:$0x3], $0x4000, $0x38;
	[tilespmem:$0x1E800] =	vst v63  }
0x2eb: {  	_ =	swait.ge [sflag:s28], $0x4000  }
0x2ec: {  	[sflag:s28] =	ssyncset.done $0x0  }
0x2ed: {  	[sflag:s28] =	ssyncadd.s32 $0xFFFFC000  }
0x2ee: {  	[spmem:s26] =	stream.linear.scatter [tilespmem:s30], [sflag:$0x3], $0x4000, $0x38;
	[tilespmem:$0x1E800] =	vst v63  }
0x2ef: {  	_ =	swait.ge [sflag:s28], $0x4000  }
0x2f0: {  	[sflag:s28] =	ssyncset.done $0x0  }
0x2f1: {  	[sflag:s28] =	ssyncadd.s32 $0xFFFFC000  }
0x2f2: {  	[bflag:$0x0] =	sbarrier.arrive $0xFFFF  }
0x2f3: {  	[tilespmem:s30], [sflag:$0x1] =	stream.indirect.gather [hbm4b:s8+s31], $0x80, s23, s31, $0xb8;
	[tilespmem:$0x1E800] =	vst v63  }
0x2f4: {  	s20 =	simm.s32 $0x80  }
0x2f5: {  	[tilespmem:s0], [sflag:$0x2] =	stream.indirect.gather [hbm4b:s8+s31], $0x80, s20, s31, $0xb8;
	[tilespmem:$0x1E800] =	vst v63  }
0x2f6: {  	_ =	swait.ge [sflag:s1], $0x4000  }
0x2f7: {  	[sflag:s1] =	ssyncset.done $0x0  }
0x2f8: {  	s21 =	simm.s32 $0x1400;
	[sflag:s1] =	ssyncadd.s32 $0xFFFFC000  }
0x2f9: {  	[spmem:s3] =	stream.indirect.scatter.add.f32 [tilespmem:s30], [sflag:$0x3], $0x80, s21, s31, $0xb8;
	[tilespmem:$0x1E800] =	vst v63  }
0x2fa: {  	_ =	swait.ge [sflag:s28], $0x4000  }
0x2fb: {  	[sflag:s28] =	ssyncset.done $0x0  }
0x2fc: {  	s22 =	simm.s32 $0x100;
	[sflag:s28] =	ssyncadd.s32 $0xFFFFC000  }
0x2fd: {  	[tilespmem:s30], [sflag:$0x1] =	stream.indirect.gather [hbm4b:s8+s31], $0x80, s22, s31, $0xb8;
	[tilespmem:$0x1E800] =	vst v63  }
0x2fe: {  	_ =	swait.ge [sflag:s9], $0x4000  }
0x2ff: {  	[sflag:s9] =	ssyncset.done $0x0  }
0x300: {  	s23 =	simm.s32 $0x1480;
	[sflag:s9] =	ssyncadd.s32 $0xFFFFC000  }
0x301: {  	[spmem:s3] =	stream.indirect.scatter.add.f32 [tilespmem:s0], [sflag:$0x3], $0x80, s23, s31, $0xb8;
	[tilespmem:$0x1E800] =	vst v63  }
0x302: {  	_ =	swait.ge [sflag:s28], $0x4000  }
0x303: {  	s19 =	simm.s32 $0x100;
	s20 =	simm.s32 $0x800;
	[sflag:s28] =	ssyncset.done $0x0  }
.LBB2_16:
0x304: {  	s21 =	sadd.s32 $0x80, s19  }
0x305: {  	[sflag:s28] =	ssyncadd.s32 $0xFFFFC000;
	s22 =	smov.u32 s20;
	s23 =	sadd.s32 $0x400, s20  }
0x306: {  	[tilespmem:s0], [sflag:$0x2] =	stream.indirect.gather [hbm4b:s8+s31], $0x80, s21, s31, $0xb8;
	[tilespmem:$0x1E800] =	vst v63  }
0x307: {  	p0 =	sne.s32 s20, $0x4800;
	_ =	swait.ge [sflag:s1], $0x4000  }
0x308: {  	[sflag:s1] =	ssyncset.done $0x0  }
0x309: {  	s20 =	sadd.s32 $0x1400, s19;
	[sflag:s1] =	ssyncadd.s32 $0xFFFFC000  }
0x30a: {  	[spmem:s3] =	stream.indirect.scatter.add.f32 [tilespmem:s30], [sflag:$0x3], $0x80, s20, s31, $0xb8;
	[tilespmem:$0x1E800] =	vst v63  }
0x30b: {  	_ =	swait.ge [sflag:s28], $0x4000  }
0x30c: {  	[sflag:s28] =	ssyncset.done $0x0  }
0x30d: {  	s20 =	sadd.s32 $0x100, s19;
	[sflag:s28] =	ssyncadd.s32 $0xFFFFC000  }
0x30e: {  	[tilespmem:s30], [sflag:$0x1] =	stream.indirect.gather [hbm4b:s8+s31], $0x80, s20, s31, $0xb8;
	[tilespmem:$0x1E800] =	vst v63  }
0x30f: {  	_ =	swait.ge [sflag:s9], $0x4000  }
.Ltmp7:
0x310: {  	[sflag:s9] =	ssyncset.done $0x0;
	(pc) =	sbr.rel @p0 .LBB2_16-.Ltmp7, $4  }
0x311: {  	s19 =	sadd.s32 $0x1480, s19;
	[sflag:s9] =	ssyncadd.s32 $0xFFFFC000  }
0x312: {  	[spmem:s3] =	stream.indirect.scatter.add.f32 [tilespmem:s0], [sflag:$0x3], $0x80, s19, s31, $0xb8;
	[tilespmem:$0x1E800] =	vst v63  }
0x313: {  	_ =	swait.ge [sflag:s28], $0x4000  }
0x314: {  	s20 =	smov.u32 s23;
	s19 =	sshra.s32 s22, $0x2;
	[sflag:s28] =	ssyncset.done $0x0  }
0x315: {  	s20 =	sadd.s32 $0x80, s19;
	[sflag:s28] =	ssyncadd.s32 $0xFFFFC000  }
0x316: {  	[tilespmem:s0], [sflag:$0x2] =	stream.indirect.gather [hbm4b:s8+s31], $0x80, s20, s31, $0xb8;
	[tilespmem:$0x1E800] =	vst v63  }
0x317: {  	_ =	swait.ge [sflag:s1], $0x4000  }
0x318: {  	[sflag:s1] =	ssyncset.done $0x0  }
0x319: {  	s23 =	sadd.s32 $0x1400, s19;
	[sflag:s1] =	ssyncadd.s32 $0xFFFFC000  }
0x31a: {  	[spmem:s3] =	stream.indirect.scatter.add.f32 [tilespmem:s30], [sflag:$0x3], $0x80, s23, s31, $0xb8;
	[tilespmem:$0x1E800] =	vst v63  }
0x31b: {  	_ =	swait.ge [sflag:s28], $0x4000  }
0x31c: {  	[sflag:s28] =	ssyncset.done $0x0  }
0x31d: {  	s21 =	sadd.s32 $0x100, s19;
	[sflag:s28] =	ssyncadd.s32 $0xFFFFC000  }
0x31e: {  	[tilespmem:s30], [sflag:$0x1] =	stream.indirect.gather [hbm4b:s8+s31], $0x80, s21, s31, $0xb8;
	[tilespmem:$0x1E800] =	vst v63  }
0x31f: {  	_ =	swait.ge [sflag:s9], $0x4000  }
0x320: {  	[sflag:s9] =	ssyncset.done $0x0  }
0x321: {  	s22 =	sadd.s32 $0x1480, s19;
	[sflag:s9] =	ssyncadd.s32 $0xFFFFC000  }
0x322: {  	[spmem:s3] =	stream.indirect.scatter.add.f32 [tilespmem:s0], [sflag:$0x3], $0x80, s22, s31, $0xb8;
	[tilespmem:$0x1E800] =	vst v63  }
0x323: {  	_ =	swait.ge [sflag:s28], $0x4000  }
0x324: {  	[sflag:s28] =	ssyncset.done $0x0  }
0x325: {  	[sflag:s28] =	ssyncadd.s32 $0xFFFFC000  }
0x326: {  	[tilespmem:s0], [sflag:$0x2] =	stream.indirect.gather [hbm4b:s8+s31], $0x80, s10, s31, $0xb8;
	[tilespmem:$0x1E800] =	vst v63  }
0x327: {  	_ =	swait.ge [sflag:s1], $0x4000  }
0x328: {  	[sflag:s1] =	ssyncset.done $0x0  }
0x329: {  	[sflag:s1] =	ssyncadd.s32 $0xFFFFC000  }
0x32a: {  	[spmem:s3] =	stream.indirect.scatter.add.f32 [tilespmem:s30], [sflag:$0x3], $0x80, s29, s31, $0xb8;
	[tilespmem:$0x1E800] =	vst v63  }
0x32b: {  	_ =	swait.ge [sflag:s28], $0x4000  }
0x32c: {  	[sflag:s28] =	ssyncset.done $0x0  }
0x32d: {  	[sflag:s28] =	ssyncadd.s32 $0xFFFFC000  }
0x32e: {  	_ =	swait.ge [sflag:s9], $0x4000  }
0x32f: {  	[sflag:s9] =	ssyncset.done $0x0  }
0x330: {  	[sflag:s9] =	ssyncadd.s32 $0xFFFFC000  }
0x331: {  	[spmem:s3] =	stream.indirect.scatter.add.f32 [tilespmem:s0], [sflag:$0x3], $0x80, s15, s31, $0xb8;
	[tilespmem:$0x1E800] =	vst v63  }
0x332: {  	_ =	swait.ge [sflag:s28], $0x4000  }
0x333: {  	[sflag:s28] =	ssyncset.done $0x0  }
0x334: {  	[sflag:s28] =	ssyncadd.s32 $0xFFFFC000  }
0x335: {  	s16 =	sadd.s32 $0x1, s16;
	[bflag:$0x0] =	sbarrier.arrive $0xFFFF  }
0x336: {  	p0 =	sne.s32 s16, s25;
	s23 =	rddreg [dreg:$0xd]  }
0x337: {  	[hbm:s23], [sflag:s17] =	dma.local [spmem:s18], $0x2800  }
.Ltmp8:
0x338: {  	_ =	swait.ge [sflag:s28], $0x2800;
	(pc) =	sbr.rel @p0 .LBB2_1-.Ltmp8, $3  }
0x339: {  	[sflag:s28] =	ssyncset.done $0x0  }
0x33a: {  	[sflag:s28] =	ssyncadd.s32 $0xFFFFD800  }
0x33b: {  	[bflag:$0x0] =	sbarrier.arrive $0xFFFF;
	_ =	sdelay $0x1  }
0x33c: {  	_ =	sfence.sel $0x180000  }
0x33d: {  	[bflag:$0x0] =	sbarrier.arrive $0xFFFF  }
0x33e: {  	_ =	strace $0x9000004A  }
0x33f: {  	s0 =	stileid.u32;
	[bflag:$0x2] =	sbarrier.arrive $0xFFFF  }
0x340: {  	p0 =	sne.s32 s0, $0x0;
	s0 =	rddreg [dreg:$0x3]  }
0x341: {  	s0 =	sadd.s32 @!p0 $0x100000, s0  }
0x342: {  	[sflag:s0] =	ssyncadd.tile.s32 @!p0 $0x1;
	_ =	shalt  }
.Lfunc_end2:
_tile_overlayer_lowered:
.L_overlay_start_2:
0x343: {  	(tag) =	ssettag $0x2  }
0x344: {  	s0 =	rddreg [dreg:$0x0];
	s2 =	stileid.u32  }
0x345: {  	s1 =	rddreg [dreg:$0x1];
	p0 =	sne.s32 s2, $0x0  }
0x346: {  	s3 =	rddreg [dreg:$0x2];
	[bflag:$0x3] =	sbarrier.arrive $0xFFFF;
	s2 =	simm.s32 @!p0 $0x1C03  }
0x347: {  	[timem:s3], [sflag:s2] =	dma.local @!p0 [hbm:s0], s1  }
0x348: {  	s0 =	simm.s32 @!p0 $0x3  }
0x349: {  	_ =	swait.ge @!p0 [sflag:s0], s1  }
0x34a: {  	s1 =	ssub.s32 @!p0 $0x0, s1;
	[sflag:s0] =	ssyncset.done @!p0 $0x0  }
0x34b: {  	[sflag:s0] =	ssyncadd.s32 @!p0 s1  }
0x34c: {  	[bflag:$0x3] =	sbarrier.arrive $0xFFFF  }
0x34d: {  	_ =	shalt  }

</sc_bundles>
